<compile_context>
chip_gen: v7x
topology: tpu7x:2x2x1
jax: 0.10.2.dev20260603
libtpu: 0.0.44.dev20260713+nightly
codegen_flags: <defaults>
</compile_context>

<pallas_src>
import functools

import jax
import jax.numpy as jnp
from jax import lax
from jax.experimental import pallas as pl
from jax.experimental.pallas import tpu as pltpu
from jax.experimental.pallas import tpu_sc as plsc

N_NODES = 10000
N_EDGES = 320000
HID = 128
OUT_CH = 40
ALPHA = 0.5
GW = 0.8
EPS = 1e-5
IBN = 1.0 / (1.0 + EPS) ** 0.5

BLK = 2000
GRID = N_NODES // BLK
NC, NS = 2, 16
NW = NC * NS
EPT = N_EDGES // NW
KC = 128
NCHM = EPT // KC
TAIL = EPT - NCHM * KC


def _a_body(x_ref, wt_ref, bt_ref, g0g_ref, g0b_ref, wq_ref, bq_ref,
            wk_ref, bk_ref, wv_ref, bv_ref, wg_ref, bg_ref,
            layer0_ref, q_ref, v_ref, g0_ref, kv_ref, ksum_ref, sq_ref,
            sk_ref):
    i = pl.program_id(0)
    x = x_ref[...]
    h = jnp.dot(x, wt_ref[...], preferred_element_type=jnp.float32) + bt_ref[...]
    mu = jnp.mean(h, axis=1, keepdims=True)
    var = jnp.mean((h - mu) ** 2, axis=1, keepdims=True)
    h = g0g_ref[...] * (h - mu) * lax.rsqrt(var + EPS) + g0b_ref[...]
    h = jnp.maximum(h, 0.0)
    layer0_ref[...] = h
    q = jnp.dot(h, wq_ref[...], preferred_element_type=jnp.float32) + bq_ref[...]
    k = jnp.dot(h, wk_ref[...], preferred_element_type=jnp.float32) + bk_ref[...]
    v = jnp.dot(h, wv_ref[...], preferred_element_type=jnp.float32) + bv_ref[...]
    q_ref[...] = q
    v_ref[...] = v
    g = jnp.dot(x, wg_ref[...], preferred_element_type=jnp.float32) + bg_ref[...]
    g0_ref[...] = jnp.maximum(g * IBN, 0.0)
    kv = lax.dot_general(k, v, (((0,), (0,)), ((), ())),
                         preferred_element_type=jnp.float32)
    ks = jnp.sum(k, axis=0, keepdims=True)
    sq = jnp.sum(q * q)
    sk = jnp.sum(k * k)

    @pl.when(i == 0)
    def _():
        kv_ref[...] = kv
        ksum_ref[...] = ks
        sq_ref[...] = jnp.full((1, HID), sq, jnp.float32)
        sk_ref[...] = jnp.full((1, HID), sk, jnp.float32)

    @pl.when(i != 0)
    def _():
        kv_ref[...] += kv
        ksum_ref[...] += ks
        sq_ref[...] += sq
        sk_ref[...] += sk


def _stage_a(x, p):
    row = lambda i: (i, 0)
    acc = lambda i: (0, 0)
    outs = jax.ShapeDtypeStruct((N_NODES, HID), jnp.float32)
    return pl.pallas_call(
        _a_body,
        grid=(GRID,),
        in_specs=[pl.BlockSpec((BLK, HID), row)] + [pl.BlockSpec(w.shape, acc)
                                                   for w in p],
        out_specs=[pl.BlockSpec((BLK, HID), row)] * 4 + [
            pl.BlockSpec((HID, HID), acc),
            pl.BlockSpec((1, HID), acc),
            pl.BlockSpec((1, HID), acc),
            pl.BlockSpec((1, HID), acc),
        ],
        out_shape=[outs, outs, outs, outs,
                   jax.ShapeDtypeStruct((HID, HID), jnp.float32),
                   jax.ShapeDtypeStruct((1, HID), jnp.float32),
                   jax.ShapeDtypeStruct((1, HID), jnp.float32),
                   jax.ShapeDtypeStruct((1, HID), jnp.float32)],
    )(x, *p)


RS = 640
RSL = N_NODES - 15 * RS
CH2 = 64
CH2L = 40


def _sc_deg(col):
    mesh = plsc.VectorSubcoreMesh(core_axis_name="c", subcore_axis_name="s")

    @functools.partial(
        pl.kernel, mesh=mesh,
        out_type=jax.ShapeDtypeStruct((NC * N_NODES,), jnp.float32),
        scratch_types=[
            pltpu.VMEM((2, KC), jnp.int32),
            pltpu.VMEM((TAIL,), jnp.int32),
            pltpu.VMEM((KC,), jnp.float32),
            pltpu.VMEM((RS,), jnp.float32),
            pltpu.VMEM_SHARED((N_NODES,), jnp.float32),
            pltpu.SemaphoreType.DMA,
            pltpu.SemaphoreType.DMA,
        ],
    )
    def k(col_hbm, out_hbm, idx2, idxt, ones_v, zbuf, deg_sh, sd0, sd1):
        c = lax.axis_index("c")
        s = lax.axis_index("s")
        sems = (sd0, sd1)

        def fill(j, _):
            ones_v[pl.ds(j * 16, 16)] = jnp.full((16,), 1.0, jnp.float32)
            return 0
        lax.fori_loop(0, KC // 16, fill, 0)

        def zfill(j, _):
            zbuf[pl.ds(j * 16, 16)] = jnp.zeros((16,), jnp.float32)
            return 0
        lax.fori_loop(0, RS // 16, zfill, 0)

        @pl.when(s < 15)
        def _():
            pltpu.sync_copy(zbuf, deg_sh.at[pl.ds(s * RS, RS)])

        @pl.when(s == 15)
        def _():
            pltpu.sync_copy(zbuf.at[pl.ds(0, RSL)],
                            deg_sh.at[pl.ds(15 * RS, RSL)])
        plsc.subcore_barrier()

        ebase = (c * NS + s) * EPT

        toff = pl.multiple_of(ebase + NCHM * KC, 8)
        pltpu.sync_copy(col_hbm.at[pl.ds(toff, TAIL)], idxt)
        pltpu.sync_copy(ones_v.at[pl.ds(0, TAIL)], deg_sh.at[idxt], add=True)

        def load_idx(ch, b):
            off = pl.multiple_of(ebase + ch * KC, 8)
            pltpu.async_copy(col_hbm.at[pl.ds(off, KC)], idx2.at[b], sems[b])

        def wait_idx(b):
            pltpu.make_async_copy(col_hbm.at[pl.ds(0, KC)], idx2.at[b],
                                  sems[b]).wait()

        load_idx(0, 0)

        def pair(j, _):
            wait_idx(0)
            load_idx(2 * j + 1, 1)
            pltpu.sync_copy(ones_v, deg_sh.at[idx2.at[0]], add=True)
            wait_idx(1)

            @pl.when(j != NCHM // 2 - 1)
            def _():
                load_idx(2 * j + 2, 0)
            pltpu.sync_copy(ones_v, deg_sh.at[idx2.at[1]], add=True)
            return 0
        lax.fori_loop(0, NCHM // 2, pair, 0)
        plsc.subcore_barrier()

        obase = c * N_NODES

        @pl.when(s < 15)
        def _():
            pltpu.sync_copy(deg_sh.at[pl.ds(s * RS, RS)], zbuf)
            pltpu.sync_copy(zbuf, out_hbm.at[pl.ds(obase + s * RS, RS)])

        @pl.when(s == 15)
        def _():
            pltpu.sync_copy(deg_sh.at[pl.ds(15 * RS, RSL)],
                            zbuf.at[pl.ds(0, RSL)])
            pltpu.sync_copy(zbuf.at[pl.ds(0, RSL)],
                            out_hbm.at[pl.ds(obase + 15 * RS, RSL)])

    return k(col)


def _sc_agg(row, col, gp, zeros2d):
    mesh = plsc.VectorSubcoreMesh(core_axis_name="c", subcore_axis_name="s")

    @functools.partial(
        pl.kernel, mesh=mesh,
        out_type=jax.ShapeDtypeStruct((NC, N_NODES, HID), jnp.float32),
        scratch_types=[
            pltpu.VMEM((2, KC), jnp.int32),
            pltpu.VMEM((2, KC), jnp.int32),
            pltpu.VMEM((2, KC, HID), jnp.float32),
            pltpu.VMEM((TAIL,), jnp.int32),
            pltpu.VMEM((TAIL,), jnp.int32),
            pltpu.VMEM((TAIL, HID), jnp.float32),
            pltpu.VMEM((CH2, HID), jnp.float32),
            pltpu.VMEM_SHARED((N_NODES, HID), jnp.float32),
            pltpu.SemaphoreType.DMA,
            pltpu.SemaphoreType.DMA,
            pltpu.SemaphoreType.DMA,
            pltpu.SemaphoreType.DMA,
        ],
    )
    def k(row_hbm, col_hbm, gp_hbm, z_hbm, out_hbm, idxr, idxc, rows,
          idxrt, idxct, rowst, stage, agg_sh, sg0, sg1, si0, si1):
        c = lax.axis_index("c")
        s = lax.axis_index("s")
        sems = (sg0, sg1)
        isems = (si0, si1)
        pltpu.sync_copy(z_hbm, stage)

        @pl.when(s < 15)
        def _():
            for j in range(RS // CH2):
                pltpu.sync_copy(stage,
                                agg_sh.at[pl.ds(s * RS + j * CH2, CH2)])

        @pl.when(s == 15)
        def _():
            for j in range(RSL // CH2L):
                pltpu.sync_copy(stage.at[pl.ds(0, CH2L)],
                                agg_sh.at[pl.ds(15 * RS + j * CH2L, CH2L)])
        plsc.subcore_barrier()

        ebase = (c * NS + s) * EPT

        toff = pl.multiple_of(ebase + NCHM * KC, 8)
        pltpu.sync_copy(row_hbm.at[pl.ds(toff, TAIL)], idxrt)
        pltpu.sync_copy(col_hbm.at[pl.ds(toff, TAIL)], idxct)
        pltpu.async_copy(gp_hbm.at[idxrt], rowst, sg0).wait()
        pltpu.sync_copy(rowst, agg_sh.at[idxct], add=True)

        def load_idx(ch, b):
            off = pl.multiple_of(ebase + ch * KC, 8)
            pltpu.async_copy(row_hbm.at[pl.ds(off, KC)], idxr.at[b], isems[b])
            pltpu.async_copy(col_hbm.at[pl.ds(off, KC)], idxc.at[b], isems[b])

        def wait_idx(b):
            pltpu.make_async_copy(row_hbm.at[pl.ds(0, KC)], idxr.at[b],
                                  isems[b]).wait()
            pltpu.make_async_copy(col_hbm.at[pl.ds(0, KC)], idxc.at[b],
                                  isems[b]).wait()

        def start_gather(b):
            pltpu.async_copy(gp_hbm.at[idxr.at[b]], rows.at[b], sems[b])

        def wait_gather(b):
            pltpu.make_async_copy(gp_hbm.at[idxr.at[b]], rows.at[b],
                                  sems[b]).wait()

        load_idx(0, 0)
        wait_idx(0)
        start_gather(0)

        def pair(j, _):
            load_idx(2 * j + 1, 1)
            wait_gather(0)
            wait_idx(1)
            start_gather(1)
            pltpu.sync_copy(rows.at[0], agg_sh.at[idxc.at[0]], add=True)
            last = j == NCHM // 2 - 1

            @pl.when(jnp.logical_not(last))
            def _():
                load_idx(2 * j + 2, 0)
            wait_gather(1)

            @pl.when(jnp.logical_not(last))
            def _():
                wait_idx(0)
                start_gather(0)
            pltpu.sync_copy(rows.at[1], agg_sh.at[idxc.at[1]], add=True)
            return 0
        lax.fori_loop(0, NCHM // 2, pair, 0)
        plsc.subcore_barrier()

        @pl.when(s < 15)
        def _():
            for j in range(RS // CH2):
                pltpu.sync_copy(agg_sh.at[pl.ds(s * RS + j * CH2, CH2)],
                                stage)
                pltpu.sync_copy(stage,
                                out_hbm.at[c, pl.ds(s * RS + j * CH2, CH2)])

        @pl.when(s == 15)
        def _():
            for j in range(RSL // CH2L):
                pltpu.sync_copy(agg_sh.at[pl.ds(15 * RS + j * CH2L, CH2L)],
                                stage.at[pl.ds(0, CH2L)])
                pltpu.sync_copy(stage.at[pl.ds(0, CH2L)],
                                out_hbm.at[c, pl.ds(15 * RS + j * CH2L, CH2L)])

    return k(row, col, gp, zeros2d)


def _b_body(degt_ref, g0_ref, s_ref, gp_ref):
    d = jnp.sum(degt_ref[...], axis=1, keepdims=True)
    s = jnp.where(d > 0.0, lax.rsqrt(jnp.maximum(d, 1e-30)), 0.0)
    s_ref[...] = s
    gp_ref[...] = s * g0_ref[...]


def _stage_b(degt, g0):
    row = lambda i: (i, 0)
    return pl.pallas_call(
        _b_body,
        grid=(GRID,),
        in_specs=[pl.BlockSpec((BLK, NC), row), pl.BlockSpec((BLK, HID), row)],
        out_specs=[pl.BlockSpec((BLK, 1), row), pl.BlockSpec((BLK, HID), row)],
        out_shape=[jax.ShapeDtypeStruct((N_NODES, 1), jnp.float32),
                   jax.ShapeDtypeStruct((N_NODES, HID), jnp.float32)],
    )(degt, g0)


def _c_body(pa_ref, pb_ref, s_ref, g0_ref, q_ref, v_ref, l0_ref, kv_ref,
            ksum_ref, sq_ref, sk_ref, g1g_ref, g1b_ref, wc_ref, bc_ref,
            wf_ref, bf_ref, out_ref):
    den = jnp.sqrt(sq_ref[0, 0]) * jnp.sqrt(sk_ref[0, 0])
    q = q_ref[...]
    v = v_ref[...]
    num = jnp.dot(q, kv_ref[...], preferred_element_type=jnp.float32) / den \
        + N_NODES * v
    nrm = lax.dot_general(q, ksum_ref[...], (((1,), (1,)), ((), ())),
                          preferred_element_type=jnp.float32) / den + N_NODES
    h = ALPHA * (num / nrm) + (1.0 - ALPHA) * l0_ref[...]
    mu = jnp.mean(h, axis=1, keepdims=True)
    var = jnp.mean((h - mu) ** 2, axis=1, keepdims=True)
    h = g1g_ref[...] * (h - mu) * lax.rsqrt(var + EPS) + g1b_ref[...]
    x1 = jnp.maximum(h, 0.0)
    agg = s_ref[...] * (pa_ref[0] + pb_ref[0])
    g2 = jnp.dot(agg, wc_ref[...], preferred_element_type=jnp.float32) \
        + bc_ref[...]
    g2 = jnp.maximum(g2 * IBN, 0.0)
    x2 = g2 + g0_ref[...]
    comb = GW * x2 + (1.0 - GW) * x1
    out_ref[...] = jnp.dot(comb, wf_ref[...],
                           preferred_element_type=jnp.float32) + bf_ref[...]


def _stage_c(pa, pb, s, g0, q, v, l0, kv, ksum, sq, sk, g1g, g1b,
             wc, bc, wf, bf):
    row = lambda i: (i, 0)
    acc = lambda i: (0, 0)
    return pl.pallas_call(
        _c_body,
        grid=(GRID,),
        in_specs=[pl.BlockSpec((1, BLK, HID), lambda i: (0, i, 0)),
                  pl.BlockSpec((1, BLK, HID), lambda i: (1, i, 0)),
                  pl.BlockSpec((BLK, 1), row), pl.BlockSpec((BLK, HID), row),
                  pl.BlockSpec((BLK, HID), row), pl.BlockSpec((BLK, HID), row),
                  pl.BlockSpec((BLK, HID), row),
                  pl.BlockSpec((HID, HID), acc),
                  pl.BlockSpec((1, HID), acc), pl.BlockSpec((1, HID), acc),
                  pl.BlockSpec((1, HID), acc), pl.BlockSpec((1, HID), acc),
                  pl.BlockSpec((1, HID), acc),
                  pl.BlockSpec((HID, HID), acc), pl.BlockSpec((1, HID), acc),
                  pl.BlockSpec((HID, OUT_CH), acc),
                  pl.BlockSpec((1, OUT_CH), acc)],
        out_specs=pl.BlockSpec((BLK, OUT_CH), row),
        out_shape=jax.ShapeDtypeStruct((N_NODES, OUT_CH), jnp.float32),
    )(pa, pb, s, g0, q, v, l0, kv, ksum, sq, sk, g1g, g1b, wc, bc, wf, bf)


def kernel(x, edge_index, params):
    p = params
    wts = [p['t_fc_W'].T, p['t_fc_b'][None, :],
           p['t_ln0_g'][None, :], p['t_ln0_b'][None, :],
           p['Wq'].T, p['bq'][None, :], p['Wk'].T, p['bk'][None, :],
           p['Wv'].T, p['bv'][None, :], p['g_fc_W'].T, p['g_fc_b'][None, :]]
    layer0, q, v, g0, kv, ksum, sq, sk = _stage_a(x, wts)

    erow = edge_index[0]
    ecol = edge_index[1]
    degp = _sc_deg(ecol)
    degt = degp.reshape(NC, N_NODES).T
    s, gp = _stage_b(degt, g0)

    zeros2d = jnp.zeros((CH2, HID), jnp.float32)
    aggp = _sc_agg(erow, ecol, gp, zeros2d)

    return _stage_c(aggp, aggp, s, g0, q, v, layer0, kv, ksum, sq, sk,
                    p['t_ln1_g'][None, :], p['t_ln1_b'][None, :],
                    p['g_conv_W'].T, p['g_conv_b'][None, :],
                    p['fc_W'].T, p['fc_b'][None, :])

# --- scband reference (transcript-rebuilt; emitter-appended) ---
"""Pipeline reference for scband-sgformer-75144747811220 (READ-ONLY COPY).

The authoritative reference and input builder live on the scoring server;
editing this copy changes nothing except your own understanding.
"""

import jax, jax.numpy as jnp
import numpy as np

N_NODES = 10000
N_EDGES = 320000
IN_CH = 128
HID = 128
OUT_CH = 40
HEADS = 1
ALPHA = 0.5
GW = 0.8
EPS = 1e-5


def _lin_init(key, out_f, in_f):
    k1, k2 = jax.random.split(key)
    lim = 1.0 / np.sqrt(in_f)
    W = jax.random.uniform(k1, (out_f, in_f), jnp.float32, -lim, lim)
    b = jax.random.uniform(k2, (out_f,), jnp.float32, -lim, lim)
    return W, b


def setup_inputs(seed: int = 0):
    key = jax.random.key(seed)
    ks = jax.random.split(key, 12)
    x = jax.random.normal(ks[0], (N_NODES, IN_CH), jnp.float32)
    edge_index = jax.random.randint(ks[1], (2, N_EDGES), 0, N_NODES, dtype=jnp.int32)
    p = {}
    p['t_fc_W'], p['t_fc_b'] = _lin_init(ks[2], HID, IN_CH)
    p['t_ln0_g'] = jnp.ones((HID,), jnp.float32)
    p['t_ln0_b'] = jnp.zeros((HID,), jnp.float32)
    p['Wq'], p['bq'] = _lin_init(ks[3], HID * HEADS, HID)
    p['Wk'], p['bk'] = _lin_init(ks[4], HID * HEADS, HID)
    p['Wv'], p['bv'] = _lin_init(ks[5], HID * HEADS, HID)
    p['t_ln1_g'] = jnp.ones((HID,), jnp.float32)
    p['t_ln1_b'] = jnp.zeros((HID,), jnp.float32)
    p['g_fc_W'], p['g_fc_b'] = _lin_init(ks[6], HID, IN_CH)
    p['g_conv_W'], p['g_conv_b'] = _lin_init(ks[7], HID, HID)
    p['fc_W'], p['fc_b'] = _lin_init(ks[8], OUT_CH, HID)
    return {'x': x, 'edge_index': edge_index, 'params': p}


def _layer_norm(x, g, b):
    mu = x.mean(-1, keepdims=True)
    var = ((x - mu) ** 2).mean(-1, keepdims=True)
    return g * (x - mu) / jnp.sqrt(var + EPS) + b


def _bn(x):
    # BatchNorm1d in eval mode with default running stats (mean=0, var=1)
    return x / jnp.sqrt(1.0 + EPS)


def _full_attention(qs, ks, vs):
    # qs: [N,H,M], ks: [L,H,M], vs: [L,H,D]
    qs = qs / jnp.linalg.norm(qs)
    ks = ks / jnp.linalg.norm(ks)
    N = qs.shape[0]
    kvs = jnp.einsum('lhm,lhd->hmd', ks, vs)
    attention_num = jnp.einsum('nhm,hmd->nhd', qs, kvs) + N * vs
    ks_sum = ks.sum(axis=0)  # [h, m]
    attention_normalizer = jnp.einsum('nhm,hm->nh', qs, ks_sum)[..., None] + N
    return attention_num / attention_normalizer


def _forward(x, edge_index, p):
    # --- TransConv branch (eval mode: dropout off) ---
    h = x @ p['t_fc_W'].T + p['t_fc_b']
    h = _layer_norm(h, p['t_ln0_g'], p['t_ln0_b'])
    h = jax.nn.relu(h)
    layer0 = h
    q = (h @ p['Wq'].T + p['bq']).reshape(-1, HEADS, HID)
    k = (h @ p['Wk'].T + p['bk']).reshape(-1, HEADS, HID)
    v = (h @ p['Wv'].T + p['bv']).reshape(-1, HEADS, HID)
    attn = _full_attention(q, k, v).mean(axis=1)
    h = ALPHA * attn + (1.0 - ALPHA) * layer0
    h = _layer_norm(h, p['t_ln1_g'], p['t_ln1_b'])
    x1 = jax.nn.relu(h)
    # --- GraphConv branch ---
    g = x @ p['g_fc_W'].T + p['g_fc_b']
    g = _bn(g)
    g = jax.nn.relu(g)
    g0 = g
    row = edge_index[0]
    col = edge_index[1]
    deg = jnp.zeros((N_NODES,), jnp.float32).at[col].add(1.0)
    d_norm_in = jnp.sqrt(1.0 / deg[col])
    d_norm_out = jnp.sqrt(1.0 / deg[row])
    val = jnp.nan_to_num(d_norm_in * d_norm_out, nan=0.0, posinf=0.0, neginf=0.0)
    agg = jnp.zeros((N_NODES, HID), jnp.float32).at[col].add(val[:, None] * g[row])
    g = agg @ p['g_conv_W'].T + p['g_conv_b']
    g = _bn(g)
    g = jax.nn.relu(g)
    x2 = g + g0
    # --- combine (aggregate='add') ---
    out = GW * x2 + (1.0 - GW) * x1
    return out @ p['fc_W'].T + p['fc_b']


def reference(x, edge_index, params):
    return _forward(x, edge_index, params)

if __name__ == "__main__":
    import jax
    _d = setup_inputs()
    print(jax.jit(kernel)(*tuple(_d.values())))

</pallas_src>

<mosaic_0001>
#map = affine_map<(d0, d1) -> (0)>
#map1 = affine_map<(d0, d1) -> (0, 0)>
#map2 = affine_map<(d0, d1) -> (0, 0, 0)>
module attributes {stable_mosaic.version = 14 : i64} {
  func.func @k(%arg0: i32, %arg1: i32, %arg2: memref<320000xi32, #tpu.memory_space<hbm>>, %arg3: memref<320000xi32, #tpu.memory_space<hbm>>, %arg4: memref<10000x128xf32, #tpu.memory_space<hbm>>, %arg5: memref<64x128xf32, #tpu.memory_space<hbm>>, %arg6: memref<2x10000x128xf32, #tpu.memory_space<hbm>>, %arg7: memref<2x128xi32, #tpu.memory_space<vmem>>, %arg8: memref<2x128xi32, #tpu.memory_space<vmem>>, %arg9: memref<2x128x128xf32, #tpu.memory_space<vmem>>, %arg10: memref<16xi32, #tpu.memory_space<vmem>>, %arg11: memref<16xi32, #tpu.memory_space<vmem>>, %arg12: memref<16x128xf32, #tpu.memory_space<vmem>>, %arg13: memref<64x128xf32, #tpu.memory_space<vmem>>, %arg14: memref<10000x128xf32, #tpu.memory_space<vmem_shared>>, %arg15: memref<!tpu.dma_semaphore, #tpu.memory_space<semaphore_mem>>, %arg16: memref<!tpu.dma_semaphore, #tpu.memory_space<semaphore_mem>>, %arg17: memref<!tpu.dma_semaphore, #tpu.memory_space<semaphore_mem>>, %arg18: memref<!tpu.dma_semaphore, #tpu.memory_space<semaphore_mem>>) attributes {dimension_semantics = [#tpu.dimension_semantics<core_parallel>, #tpu.dimension_semantics<subcore_parallel>], iteration_bounds = array<i64: 2, 16>, scalar_prefetch = 0 : i64, scratch_operands = 12 : i64, tpu.core_type = #tpu.core_type<sc_vector_subcore>, window_params = [{transform_indices = #map}, {transform_indices = #map}, {transform_indices = #map1}, {transform_indices = #map1}, {transform_indices = #map2}]} {
    "tpu.region"() ({
      %run_scoped3A = tpu.sem_alloc : memref<!tpu.dma_semaphore, #tpu.memory_space<semaphore_mem>>
      tpu.enqueue_dma source(%arg5 : memref<64x128xf32, #tpu.memory_space<hbm>>) target(%arg13 : memref<64x128xf32, #tpu.memory_space<vmem>>) target_semaphore(%run_scoped3A : memref<!tpu.dma_semaphore, #tpu.memory_space<semaphore_mem>>)
      tpu.wait_dma2 semaphore(%run_scoped3A : memref<!tpu.dma_semaphore, #tpu.memory_space<semaphore_mem>>) src(%arg5 : memref<64x128xf32, #tpu.memory_space<hbm>>) dst(%arg13 : memref<64x128xf32, #tpu.memory_space<vmem>>)
      tpu.yield
    }) : () -> ()
    %lt3A = arith.constant 15 : i32
    %lt3A_0 = arith.cmpi slt, %arg1, %lt3A : i32
    %convert_element_type3A = arith.extui %lt3A_0 : i1 to i32
    %cond3A = arith.constant 0 : i32
    %cond3A_1 = arith.cmpi ne, %convert_element_type3A, %cond3A : i32
    scf.if %cond3A_1 {
      %mul3A_87 = arith.constant 640 : i32
      %mul3A_88 = arith.muli %arg1, %mul3A_87 : i32
      %add3A_89 = arith.constant 0 : i32
      %add3A_90 = arith.addi %mul3A_88, %add3A_89 : i32
      "tpu.region"() ({
        %run_scoped3A = tpu.sem_alloc : memref<!tpu.dma_semaphore, #tpu.memory_space<semaphore_mem>>
        %dma_start3A_127 = arith.constant 0 : i32
        %dma_start3A_128 = tpu.memref_slice %arg14[%add3A_90, %dma_start3A_127] : memref<10000x128xf32, #tpu.memory_space<vmem_shared>> -> memref<64x128xf32, #tpu.memory_space<vmem_shared>>
        %dma_start3A_129 = arith.constant 0 : i32
        %dma_start3A_130 = tpu.memref_slice %arg14[%add3A_90, %dma_start3A_129] : memref<10000x128xf32, #tpu.memory_space<vmem_shared>> -> memref<64x128xf32, #tpu.memory_space<vmem_shared>>
        tpu.enqueue_dma source(%arg13 : memref<64x128xf32, #tpu.memory_space<vmem>>) target(%dma_start3A_130 : memref<64x128xf32, #tpu.memory_space<vmem_shared>>) target_semaphore(%run_scoped3A : memref<!tpu.dma_semaphore, #tpu.memory_space<semaphore_mem>>)
        %dma_wait3A_131 = arith.constant 0 : i32
        %dma_wait3A_132 = tpu.memref_slice %arg14[%add3A_90, %dma_wait3A_131] : memref<10000x128xf32, #tpu.memory_space<vmem_shared>> -> memref<64x128xf32, #tpu.memory_space<vmem_shared>>
        %dma_wait3A_133 = arith.constant 0 : i32
        %dma_wait3A_134 = tpu.memref_slice %arg14[%add3A_90, %dma_wait3A_133] : memref<10000x128xf32, #tpu.memory_space<vmem_shared>> -> memref<64x128xf32, #tpu.memory_space<vmem_shared>>
        tpu.wait_dma2 semaphore(%run_scoped3A : memref<!tpu.dma_semaphore, #tpu.memory_space<semaphore_mem>>) src(%arg13 : memref<64x128xf32, #tpu.memory_space<vmem>>) dst(%dma_wait3A_134 : memref<64x128xf32, #tpu.memory_space<vmem_shared>>)
        tpu.yield
      }) : () -> ()
      %mul3A_91 = arith.constant 640 : i32
      %mul3A_92 = arith.muli %arg1, %mul3A_91 : i32
      %add3A_93 = arith.constant 64 : i32
      %add3A_94 = arith.addi %mul3A_92, %add3A_93 : i32
      "tpu.region"() ({
        %run_scoped3A = tpu.sem_alloc : memref<!tpu.dma_semaphore, #tpu.memory_space<semaphore_mem>>
        %dma_start3A_127 = arith.constant 0 : i32
        %dma_start3A_128 = tpu.memref_slice %arg14[%add3A_94, %dma_start3A_127] : memref<10000x128xf32, #tpu.memory_space<vmem_shared>> -> memref<64x128xf32, #tpu.memory_space<vmem_shared>>
        %dma_start3A_129 = arith.constant 0 : i32
        %dma_start3A_130 = tpu.memref_slice %arg14[%add3A_94, %dma_start3A_129] : memref<10000x128xf32, #tpu.memory_space<vmem_shared>> -> memref<64x128xf32, #tpu.memory_space<vmem_shared>>
        tpu.enqueue_dma source(%arg13 : memref<64x128xf32, #tpu.memory_space<vmem>>) target(%dma_start3A_130 : memref<64x128xf32, #tpu.memory_space<vmem_shared>>) target_semaphore(%run_scoped3A : memref<!tpu.dma_semaphore, #tpu.memory_space<semaphore_mem>>)
        %dma_wait3A_131 = arith.constant 0 : i32
        %dma_wait3A_132 = tpu.memref_slice %arg14[%add3A_94, %dma_wait3A_131] : memref<10000x128xf32, #tpu.memory_space<vmem_shared>> -> memref<64x128xf32, #tpu.memory_space<vmem_shared>>
        %dma_wait3A_133 = arith.constant 0 : i32
        %dma_wait3A_134 = tpu.memref_slice %arg14[%add3A_94, %dma_wait3A_133] : memref<10000x128xf32, #tpu.memory_space<vmem_shared>> -> memref<64x128xf32, #tpu.memory_space<vmem_shared>>
        tpu.wait_dma2 semaphore(%run_scoped3A : memref<!tpu.dma_semaphore, #tpu.memory_space<semaphore_mem>>) src(%arg13 : memref<64x128xf32, #tpu.memory_space<vmem>>) dst(%dma_wait3A_134 : memref<64x128xf32, #tpu.memory_space<vmem_shared>>)
        tpu.yield
      }) : () -> ()
      %mul3A_95 = arith.constant 640 : i32
      %mul3A_96 = arith.muli %arg1, %mul3A_95 : i32
      %add3A_97 = arith.constant 128 : i32
      %add3A_98 = arith.addi %mul3A_96, %add3A_97 : i32
      "tpu.region"() ({
        %run_scoped3A = tpu.sem_alloc : memref<!tpu.dma_semaphore, #tpu.memory_space<semaphore_mem>>
        %dma_start3A_127 = arith.constant 0 : i32
        %dma_start3A_128 = tpu.memref_slice %arg14[%add3A_98, %dma_start3A_127] : memref<10000x128xf32, #tpu.memory_space<vmem_shared>> -> memref<64x128xf32, #tpu.memory_space<vmem_shared>>
        %dma_start3A_129 = arith.constant 0 : i32
        %dma_start3A_130 = tpu.memref_slice %arg14[%add3A_98, %dma_start3A_129] : memref<10000x128xf32, #tpu.memory_space<vmem_shared>> -> memref<64x128xf32, #tpu.memory_space<vmem_shared>>
        tpu.enqueue_dma source(%arg13 : memref<64x128xf32, #tpu.memory_space<vmem>>) target(%dma_start3A_130 : memref<64x128xf32, #tpu.memory_space<vmem_shared>>) target_semaphore(%run_scoped3A : memref<!tpu.dma_semaphore, #tpu.memory_space<semaphore_mem>>)
        %dma_wait3A_131 = arith.constant 0 : i32
        %dma_wait3A_132 = tpu.memref_slice %arg14[%add3A_98, %dma_wait3A_131] : memref<10000x128xf32, #tpu.memory_space<vmem_shared>> -> memref<64x128xf32, #tpu.memory_space<vmem_shared>>
        %dma_wait3A_133 = arith.constant 0 : i32
        %dma_wait3A_134 = tpu.memref_slice %arg14[%add3A_98, %dma_wait3A_133] : memref<10000x128xf32, #tpu.memory_space<vmem_shared>> -> memref<64x128xf32, #tpu.memory_space<vmem_shared>>
        tpu.wait_dma2 semaphore(%run_scoped3A : memref<!tpu.dma_semaphore, #tpu.memory_space<semaphore_mem>>) src(%arg13 : memref<64x128xf32, #tpu.memory_space<vmem>>) dst(%dma_wait3A_134 : memref<64x128xf32, #tpu.memory_space<vmem_shared>>)
        tpu.yield
      }) : () -> ()
      %mul3A_99 = arith.constant 640 : i32
      %mul3A_100 = arith.muli %arg1, %mul3A_99 : i32
      %add3A_101 = arith.constant 192 : i32
      %add3A_102 = arith.addi %mul3A_100, %add3A_101 : i32
      "tpu.region"() ({
        %run_scoped3A = tpu.sem_alloc : memref<!tpu.dma_semaphore, #tpu.memory_space<semaphore_mem>>
        %dma_start3A_127 = arith.constant 0 : i32
        %dma_start3A_128 = tpu.memref_slice %arg14[%add3A_102, %dma_start3A_127] : memref<10000x128xf32, #tpu.memory_space<vmem_shared>> -> memref<64x128xf32, #tpu.memory_space<vmem_shared>>
        %dma_start3A_129 = arith.constant 0 : i32
        %dma_start3A_130 = tpu.memref_slice %arg14[%add3A_102, %dma_start3A_129] : memref<10000x128xf32, #tpu.memory_space<vmem_shared>> -> memref<64x128xf32, #tpu.memory_space<vmem_shared>>
        tpu.enqueue_dma source(%arg13 : memref<64x128xf32, #tpu.memory_space<vmem>>) target(%dma_start3A_130 : memref<64x128xf32, #tpu.memory_space<vmem_shared>>) target_semaphore(%run_scoped3A : memref<!tpu.dma_semaphore, #tpu.memory_space<semaphore_mem>>)
        %dma_wait3A_131 = arith.constant 0 : i32
        %dma_wait3A_132 = tpu.memref_slice %arg14[%add3A_102, %dma_wait3A_131] : memref<10000x128xf32, #tpu.memory_space<vmem_shared>> -> memref<64x128xf32, #tpu.memory_space<vmem_shared>>
        %dma_wait3A_133 = arith.constant 0 : i32
        %dma_wait3A_134 = tpu.memref_slice %arg14[%add3A_102, %dma_wait3A_133] : memref<10000x128xf32, #tpu.memory_space<vmem_shared>> -> memref<64x128xf32, #tpu.memory_space<vmem_shared>>
        tpu.wait_dma2 semaphore(%run_scoped3A : memref<!tpu.dma_semaphore, #tpu.memory_space<semaphore_mem>>) src(%arg13 : memref<64x128xf32, #tpu.memory_space<vmem>>) dst(%dma_wait3A_134 : memref<64x128xf32, #tpu.memory_space<vmem_shared>>)
        tpu.yield
      }) : () -> ()
      %mul3A_103 = arith.constant 640 : i32
      %mul3A_104 = arith.muli %arg1, %mul3A_103 : i32
      %add3A_105 = arith.constant 256 : i32
      %add3A_106 = arith.addi %mul3A_104, %add3A_105 : i32
      "tpu.region"() ({
        %run_scoped3A = tpu.sem_alloc : memref<!tpu.dma_semaphore, #tpu.memory_space<semaphore_mem>>
        %dma_start3A_127 = arith.constant 0 : i32
        %dma_start3A_128 = tpu.memref_slice %arg14[%add3A_106, %dma_start3A_127] : memref<10000x128xf32, #tpu.memory_space<vmem_shared>> -> memref<64x128xf32, #tpu.memory_space<vmem_shared>>
        %dma_start3A_129 = arith.constant 0 : i32
        %dma_start3A_130 = tpu.memref_slice %arg14[%add3A_106, %dma_start3A_129] : memref<10000x128xf32, #tpu.memory_space<vmem_shared>> -> memref<64x128xf32, #tpu.memory_space<vmem_shared>>
        tpu.enqueue_dma source(%arg13 : memref<64x128xf32, #tpu.memory_space<vmem>>) target(%dma_start3A_130 : memref<64x128xf32, #tpu.memory_space<vmem_shared>>) target_semaphore(%run_scoped3A : memref<!tpu.dma_semaphore, #tpu.memory_space<semaphore_mem>>)
        %dma_wait3A_131 = arith.constant 0 : i32
        %dma_wait3A_132 = tpu.memref_slice %arg14[%add3A_106, %dma_wait3A_131] : memref<10000x128xf32, #tpu.memory_space<vmem_shared>> -> memref<64x128xf32, #tpu.memory_space<vmem_shared>>
        %dma_wait3A_133 = arith.constant 0 : i32
        %dma_wait3A_134 = tpu.memref_slice %arg14[%add3A_106, %dma_wait3A_133] : memref<10000x128xf32, #tpu.memory_space<vmem_shared>> -> memref<64x128xf32, #tpu.memory_space<vmem_shared>>
        tpu.wait_dma2 semaphore(%run_scoped3A : memref<!tpu.dma_semaphore, #tpu.memory_space<semaphore_mem>>) src(%arg13 : memref<64x128xf32, #tpu.memory_space<vmem>>) dst(%dma_wait3A_134 : memref<64x128xf32, #tpu.memory_space<vmem_shared>>)
        tpu.yield
      }) : () -> ()
      %mul3A_107 = arith.constant 640 : i32
      %mul3A_108 = arith.muli %arg1, %mul3A_107 : i32
      %add3A_109 = arith.constant 320 : i32
      %add3A_110 = arith.addi %mul3A_108, %add3A_109 : i32
      "tpu.region"() ({
        %run_scoped3A = tpu.sem_alloc : memref<!tpu.dma_semaphore, #tpu.memory_space<semaphore_mem>>
        %dma_start3A_127 = arith.constant 0 : i32
        %dma_start3A_128 = tpu.memref_slice %arg14[%add3A_110, %dma_start3A_127] : memref<10000x128xf32, #tpu.memory_space<vmem_shared>> -> memref<64x128xf32, #tpu.memory_space<vmem_shared>>
        %dma_start3A_129 = arith.constant 0 : i32
        %dma_start3A_130 = tpu.memref_slice %arg14[%add3A_110, %dma_start3A_129] : memref<10000x128xf32, #tpu.memory_space<vmem_shared>> -> memref<64x128xf32, #tpu.memory_space<vmem_shared>>
        tpu.enqueue_dma source(%arg13 : memref<64x128xf32, #tpu.memory_space<vmem>>) target(%dma_start3A_130 : memref<64x128xf32, #tpu.memory_space<vmem_shared>>) target_semaphore(%run_scoped3A : memref<!tpu.dma_semaphore, #tpu.memory_space<semaphore_mem>>)
        %dma_wait3A_131 = arith.constant 0 : i32
        %dma_wait3A_132 = tpu.memref_slice %arg14[%add3A_110, %dma_wait3A_131] : memref<10000x128xf32, #tpu.memory_space<vmem_shared>> -> memref<64x128xf32, #tpu.memory_space<vmem_shared>>
        %dma_wait3A_133 = arith.constant 0 : i32
        %dma_wait3A_134 = tpu.memref_slice %arg14[%add3A_110, %dma_wait3A_133] : memref<10000x128xf32, #tpu.memory_space<vmem_shared>> -> memref<64x128xf32, #tpu.memory_space<vmem_shared>>
        tpu.wait_dma2 semaphore(%run_scoped3A : memref<!tpu.dma_semaphore, #tpu.memory_space<semaphore_mem>>) src(%arg13 : memref<64x128xf32, #tpu.memory_space<vmem>>) dst(%dma_wait3A_134 : memref<64x128xf32, #tpu.memory_space<vmem_shared>>)
        tpu.yield
      }) : () -> ()
      %mul3A_111 = arith.constant 640 : i32
      %mul3A_112 = arith.muli %arg1, %mul3A_111 : i32
      %add3A_113 = arith.constant 384 : i32
      %add3A_114 = arith.addi %mul3A_112, %add3A_113 : i32
      "tpu.region"() ({
        %run_scoped3A = tpu.sem_alloc : memref<!tpu.dma_semaphore, #tpu.memory_space<semaphore_mem>>
        %dma_start3A_127 = arith.constant 0 : i32
        %dma_start3A_128 = tpu.memref_slice %arg14[%add3A_114, %dma_start3A_127] : memref<10000x128xf32, #tpu.memory_space<vmem_shared>> -> memref<64x128xf32, #tpu.memory_space<vmem_shared>>
        %dma_start3A_129 = arith.constant 0 : i32
        %dma_start3A_130 = tpu.memref_slice %arg14[%add3A_114, %dma_start3A_129] : memref<10000x128xf32, #tpu.memory_space<vmem_shared>> -> memref<64x128xf32, #tpu.memory_space<vmem_shared>>
        tpu.enqueue_dma source(%arg13 : memref<64x128xf32, #tpu.memory_space<vmem>>) target(%dma_start3A_130 : memref<64x128xf32, #tpu.memory_space<vmem_shared>>) target_semaphore(%run_scoped3A : memref<!tpu.dma_semaphore, #tpu.memory_space<semaphore_mem>>)
        %dma_wait3A_131 = arith.constant 0 : i32
        %dma_wait3A_132 = tpu.memref_slice %arg14[%add3A_114, %dma_wait3A_131] : memref<10000x128xf32, #tpu.memory_space<vmem_shared>> -> memref<64x128xf32, #tpu.memory_space<vmem_shared>>
        %dma_wait3A_133 = arith.constant 0 : i32
        %dma_wait3A_134 = tpu.memref_slice %arg14[%add3A_114, %dma_wait3A_133] : memref<10000x128xf32, #tpu.memory_space<vmem_shared>> -> memref<64x128xf32, #tpu.memory_space<vmem_shared>>
        tpu.wait_dma2 semaphore(%run_scoped3A : memref<!tpu.dma_semaphore, #tpu.memory_space<semaphore_mem>>) src(%arg13 : memref<64x128xf32, #tpu.memory_space<vmem>>) dst(%dma_wait3A_134 : memref<64x128xf32, #tpu.memory_space<vmem_shared>>)
        tpu.yield
      }) : () -> ()
      %mul3A_115 = arith.constant 640 : i32
      %mul3A_116 = arith.muli %arg1, %mul3A_115 : i32
      %add3A_117 = arith.constant 448 : i32
      %add3A_118 = arith.addi %mul3A_116, %add3A_117 : i32
      "tpu.region"() ({
        %run_scoped3A = tpu.sem_alloc : memref<!tpu.dma_semaphore, #tpu.memory_space<semaphore_mem>>
        %dma_start3A_127 = arith.constant 0 : i32
        %dma_start3A_128 = tpu.memref_slice %arg14[%add3A_118, %dma_start3A_127] : memref<10000x128xf32, #tpu.memory_space<vmem_shared>> -> memref<64x128xf32, #tpu.memory_space<vmem_shared>>
        %dma_start3A_129 = arith.constant 0 : i32
        %dma_start3A_130 = tpu.memref_slice %arg14[%add3A_118, %dma_start3A_129] : memref<10000x128xf32, #tpu.memory_space<vmem_shared>> -> memref<64x128xf32, #tpu.memory_space<vmem_shared>>
        tpu.enqueue_dma source(%arg13 : memref<64x128xf32, #tpu.memory_space<vmem>>) target(%dma_start3A_130 : memref<64x128xf32, #tpu.memory_space<vmem_shared>>) target_semaphore(%run_scoped3A : memref<!tpu.dma_semaphore, #tpu.memory_space<semaphore_mem>>)
        %dma_wait3A_131 = arith.constant 0 : i32
        %dma_wait3A_132 = tpu.memref_slice %arg14[%add3A_118, %dma_wait3A_131] : memref<10000x128xf32, #tpu.memory_space<vmem_shared>> -> memref<64x128xf32, #tpu.memory_space<vmem_shared>>
        %dma_wait3A_133 = arith.constant 0 : i32
        %dma_wait3A_134 = tpu.memref_slice %arg14[%add3A_118, %dma_wait3A_133] : memref<10000x128xf32, #tpu.memory_space<vmem_shared>> -> memref<64x128xf32, #tpu.memory_space<vmem_shared>>
        tpu.wait_dma2 semaphore(%run_scoped3A : memref<!tpu.dma_semaphore, #tpu.memory_space<semaphore_mem>>) src(%arg13 : memref<64x128xf32, #tpu.memory_space<vmem>>) dst(%dma_wait3A_134 : memref<64x128xf32, #tpu.memory_space<vmem_shared>>)
        tpu.yield
      }) : () -> ()
      %mul3A_119 = arith.constant 640 : i32
      %mul3A_120 = arith.muli %arg1, %mul3A_119 : i32
      %add3A_121 = arith.constant 512 : i32
      %add3A_122 = arith.addi %mul3A_120, %add3A_121 : i32
      "tpu.region"() ({
        %run_scoped3A = tpu.sem_alloc : memref<!tpu.dma_semaphore, #tpu.memory_space<semaphore_mem>>
        %dma_start3A_127 = arith.constant 0 : i32
        %dma_start3A_128 = tpu.memref_slice %arg14[%add3A_122, %dma_start3A_127] : memref<10000x128xf32, #tpu.memory_space<vmem_shared>> -> memref<64x128xf32, #tpu.memory_space<vmem_shared>>
        %dma_start3A_129 = arith.constant 0 : i32
        %dma_start3A_130 = tpu.memref_slice %arg14[%add3A_122, %dma_start3A_129] : memref<10000x128xf32, #tpu.memory_space<vmem_shared>> -> memref<64x128xf32, #tpu.memory_space<vmem_shared>>
        tpu.enqueue_dma source(%arg13 : memref<64x128xf32, #tpu.memory_space<vmem>>) target(%dma_start3A_130 : memref<64x128xf32, #tpu.memory_space<vmem_shared>>) target_semaphore(%run_scoped3A : memref<!tpu.dma_semaphore, #tpu.memory_space<semaphore_mem>>)
        %dma_wait3A_131 = arith.constant 0 : i32
        %dma_wait3A_132 = tpu.memref_slice %arg14[%add3A_122, %dma_wait3A_131] : memref<10000x128xf32, #tpu.memory_space<vmem_shared>> -> memref<64x128xf32, #tpu.memory_space<vmem_shared>>
        %dma_wait3A_133 = arith.constant 0 : i32
        %dma_wait3A_134 = tpu.memref_slice %arg14[%add3A_122, %dma_wait3A_133] : memref<10000x128xf32, #tpu.memory_space<vmem_shared>> -> memref<64x128xf32, #tpu.memory_space<vmem_shared>>
        tpu.wait_dma2 semaphore(%run_scoped3A : memref<!tpu.dma_semaphore, #tpu.memory_space<semaphore_mem>>) src(%arg13 : memref<64x128xf32, #tpu.memory_space<vmem>>) dst(%dma_wait3A_134 : memref<64x128xf32, #tpu.memory_space<vmem_shared>>)
        tpu.yield
      }) : () -> ()
      %mul3A_123 = arith.constant 640 : i32
      %mul3A_124 = arith.muli %arg1, %mul3A_123 : i32
      %add3A_125 = arith.constant 576 : i32
      %add3A_126 = arith.addi %mul3A_124, %add3A_125 : i32
      "tpu.region"() ({
        %run_scoped3A = tpu.sem_alloc : memref<!tpu.dma_semaphore, #tpu.memory_space<semaphore_mem>>
        %dma_start3A_127 = arith.constant 0 : i32
        %dma_start3A_128 = tpu.memref_slice %arg14[%add3A_126, %dma_start3A_127] : memref<10000x128xf32, #tpu.memory_space<vmem_shared>> -> memref<64x128xf32, #tpu.memory_space<vmem_shared>>
        %dma_start3A_129 = arith.constant 0 : i32
        %dma_start3A_130 = tpu.memref_slice %arg14[%add3A_126, %dma_start3A_129] : memref<10000x128xf32, #tpu.memory_space<vmem_shared>> -> memref<64x128xf32, #tpu.memory_space<vmem_shared>>
        tpu.enqueue_dma source(%arg13 : memref<64x128xf32, #tpu.memory_space<vmem>>) target(%dma_start3A_130 : memref<64x128xf32, #tpu.memory_space<vmem_shared>>) target_semaphore(%run_scoped3A : memref<!tpu.dma_semaphore, #tpu.memory_space<semaphore_mem>>)
        %dma_wait3A_131 = arith.constant 0 : i32
        %dma_wait3A_132 = tpu.memref_slice %arg14[%add3A_126, %dma_wait3A_131] : memref<10000x128xf32, #tpu.memory_space<vmem_shared>> -> memref<64x128xf32, #tpu.memory_space<vmem_shared>>
        %dma_wait3A_133 = arith.constant 0 : i32
        %dma_wait3A_134 = tpu.memref_slice %arg14[%add3A_126, %dma_wait3A_133] : memref<10000x128xf32, #tpu.memory_space<vmem_shared>> -> memref<64x128xf32, #tpu.memory_space<vmem_shared>>
        tpu.wait_dma2 semaphore(%run_scoped3A : memref<!tpu.dma_semaphore, #tpu.memory_space<semaphore_mem>>) src(%arg13 : memref<64x128xf32, #tpu.memory_space<vmem>>) dst(%dma_wait3A_134 : memref<64x128xf32, #tpu.memory_space<vmem_shared>>)
        tpu.yield
      }) : () -> ()
    } else {
    }
    %eq3A = arith.constant 15 : i32
    %eq3A_2 = arith.cmpi eq, %arg1, %eq3A : i32
    %convert_element_type3A_3 = arith.extui %eq3A_2 : i1 to i32
    %cond3A_4 = arith.constant 0 : i32
    %cond3A_5 = arith.cmpi ne, %convert_element_type3A_3, %cond3A_4 : i32
    scf.if %cond3A_5 {
      "tpu.region"() ({
        %run_scoped3A = tpu.sem_alloc : memref<!tpu.dma_semaphore, #tpu.memory_space<semaphore_mem>>
        %dma_start3A_87 = arith.constant 0 : i32
        %dma_start3A_88 = arith.constant 0 : i32
        %dma_start3A_89 = tpu.memref_slice %arg13[%dma_start3A_87, %dma_start3A_88] : memref<64x128xf32, #tpu.memory_space<vmem>> -> memref<40x128xf32, #tpu.memory_space<vmem>>
        %dma_start3A_90 = arith.constant 9600 : i32
        %dma_start3A_91 = arith.constant 0 : i32
        %dma_start3A_92 = tpu.memref_slice %arg14[%dma_start3A_90, %dma_start3A_91] : memref<10000x128xf32, #tpu.memory_space<vmem_shared>> -> memref<40x128xf32, #tpu.memory_space<vmem_shared>>
        %dma_start3A_93 = arith.constant 9600 : i32
        %dma_start3A_94 = arith.constant 0 : i32
        %dma_start3A_95 = tpu.memref_slice %arg14[%dma_start3A_93, %dma_start3A_94] : memref<10000x128xf32, #tpu.memory_space<vmem_shared>> -> memref<40x128xf32, #tpu.memory_space<vmem_shared>>
        %dma_start3A_96 = arith.constant 0 : i32
        %dma_start3A_97 = arith.constant 0 : i32
        %dma_start3A_98 = tpu.memref_slice %arg13[%dma_start3A_96, %dma_start3A_97] : memref<64x128xf32, #tpu.memory_space<vmem>> -> memref<40x128xf32, #tpu.memory_space<vmem>>
        tpu.enqueue_dma source(%dma_start3A_98 : memref<40x128xf32, #tpu.memory_space<vmem>>) target(%dma_start3A_95 : memref<40x128xf32, #tpu.memory_space<vmem_shared>>) target_semaphore(%run_scoped3A : memref<!tpu.dma_semaphore, #tpu.memory_space<semaphore_mem>>)
        %dma_wait3A_99 = arith.constant 0 : i32
        %dma_wait3A_100 = arith.constant 0 : i32
        %dma_wait3A_101 = tpu.memref_slice %arg13[%dma_wait3A_99, %dma_wait3A_100] : memref<64x128xf32, #tpu.memory_space<vmem>> -> memref<40x128xf32, #tpu.memory_space<vmem>>
        %dma_wait3A_102 = arith.constant 9600 : i32
        %dma_wait3A_103 = arith.constant 0 : i32
        %dma_wait3A_104 = tpu.memref_slice %arg14[%dma_wait3A_102, %dma_wait3A_103] : memref<10000x128xf32, #tpu.memory_space<vmem_shared>> -> memref<40x128xf32, #tpu.memory_space<vmem_shared>>
        %dma_wait3A_105 = arith.constant 9600 : i32
        %dma_wait3A_106 = arith.constant 0 : i32
        %dma_wait3A_107 = tpu.memref_slice %arg14[%dma_wait3A_105, %dma_wait3A_106] : memref<10000x128xf32, #tpu.memory_space<vmem_shared>> -> memref<40x128xf32, #tpu.memory_space<vmem_shared>>
        %dma_wait3A_108 = arith.constant 0 : i32
        %dma_wait3A_109 = arith.constant 0 : i32
        %dma_wait3A_110 = tpu.memref_slice %arg13[%dma_wait3A_108, %dma_wait3A_109] : memref<64x128xf32, #tpu.memory_space<vmem>> -> memref<40x128xf32, #tpu.memory_space<vmem>>
        tpu.wait_dma2 semaphore(%run_scoped3A : memref<!tpu.dma_semaphore, #tpu.memory_space<semaphore_mem>>) src(%dma_wait3A_110 : memref<40x128xf32, #tpu.memory_space<vmem>>) dst(%dma_wait3A_107 : memref<40x128xf32, #tpu.memory_space<vmem_shared>>)
        tpu.yield
      }) : () -> ()
      "tpu.region"() ({
        %run_scoped3A = tpu.sem_alloc : memref<!tpu.dma_semaphore, #tpu.memory_space<semaphore_mem>>
        %dma_start3A_87 = arith.constant 0 : i32
        %dma_start3A_88 = arith.constant 0 : i32
        %dma_start3A_89 = tpu.memref_slice %arg13[%dma_start3A_87, %dma_start3A_88] : memref<64x128xf32, #tpu.memory_space<vmem>> -> memref<40x128xf32, #tpu.memory_space<vmem>>
        %dma_start3A_90 = arith.constant 9640 : i32
        %dma_start3A_91 = arith.constant 0 : i32
        %dma_start3A_92 = tpu.memref_slice %arg14[%dma_start3A_90, %dma_start3A_91] : memref<10000x128xf32, #tpu.memory_space<vmem_shared>> -> memref<40x128xf32, #tpu.memory_space<vmem_shared>>
        %dma_start3A_93 = arith.constant 9640 : i32
        %dma_start3A_94 = arith.constant 0 : i32
        %dma_start3A_95 = tpu.memref_slice %arg14[%dma_start3A_93, %dma_start3A_94] : memref<10000x128xf32, #tpu.memory_space<vmem_shared>> -> memref<40x128xf32, #tpu.memory_space<vmem_shared>>
        %dma_start3A_96 = arith.constant 0 : i32
        %dma_start3A_97 = arith.constant 0 : i32
        %dma_start3A_98 = tpu.memref_slice %arg13[%dma_start3A_96, %dma_start3A_97] : memref<64x128xf32, #tpu.memory_space<vmem>> -> memref<40x128xf32, #tpu.memory_space<vmem>>
        tpu.enqueue_dma source(%dma_start3A_98 : memref<40x128xf32, #tpu.memory_space<vmem>>) target(%dma_start3A_95 : memref<40x128xf32, #tpu.memory_space<vmem_shared>>) target_semaphore(%run_scoped3A : memref<!tpu.dma_semaphore, #tpu.memory_space<semaphore_mem>>)
        %dma_wait3A_99 = arith.constant 0 : i32
        %dma_wait3A_100 = arith.constant 0 : i32
        %dma_wait3A_101 = tpu.memref_slice %arg13[%dma_wait3A_99, %dma_wait3A_100] : memref<64x128xf32, #tpu.memory_space<vmem>> -> memref<40x128xf32, #tpu.memory_space<vmem>>
        %dma_wait3A_102 = arith.constant 9640 : i32
        %dma_wait3A_103 = arith.constant 0 : i32
        %dma_wait3A_104 = tpu.memref_slice %arg14[%dma_wait3A_102, %dma_wait3A_103] : memref<10000x128xf32, #tpu.memory_space<vmem_shared>> -> memref<40x128xf32, #tpu.memory_space<vmem_shared>>
        %dma_wait3A_105 = arith.constant 9640 : i32
        %dma_wait3A_106 = arith.constant 0 : i32
        %dma_wait3A_107 = tpu.memref_slice %arg14[%dma_wait3A_105, %dma_wait3A_106] : memref<10000x128xf32, #tpu.memory_space<vmem_shared>> -> memref<40x128xf32, #tpu.memory_space<vmem_shared>>
        %dma_wait3A_108 = arith.constant 0 : i32
        %dma_wait3A_109 = arith.constant 0 : i32
        %dma_wait3A_110 = tpu.memref_slice %arg13[%dma_wait3A_108, %dma_wait3A_109] : memref<64x128xf32, #tpu.memory_space<vmem>> -> memref<40x128xf32, #tpu.memory_space<vmem>>
        tpu.wait_dma2 semaphore(%run_scoped3A : memref<!tpu.dma_semaphore, #tpu.memory_space<semaphore_mem>>) src(%dma_wait3A_110 : memref<40x128xf32, #tpu.memory_space<vmem>>) dst(%dma_wait3A_107 : memref<40x128xf32, #tpu.memory_space<vmem_shared>>)
        tpu.yield
      }) : () -> ()
      "tpu.region"() ({
        %run_scoped3A = tpu.sem_alloc : memref<!tpu.dma_semaphore, #tpu.memory_space<semaphore_mem>>
        %dma_start3A_87 = arith.constant 0 : i32
        %dma_start3A_88 = arith.constant 0 : i32
        %dma_start3A_89 = tpu.memref_slice %arg13[%dma_start3A_87, %dma_start3A_88] : memref<64x128xf32, #tpu.memory_space<vmem>> -> memref<40x128xf32, #tpu.memory_space<vmem>>
        %dma_start3A_90 = arith.constant 9680 : i32
        %dma_start3A_91 = arith.constant 0 : i32
        %dma_start3A_92 = tpu.memref_slice %arg14[%dma_start3A_90, %dma_start3A_91] : memref<10000x128xf32, #tpu.memory_space<vmem_shared>> -> memref<40x128xf32, #tpu.memory_space<vmem_shared>>
        %dma_start3A_93 = arith.constant 9680 : i32
        %dma_start3A_94 = arith.constant 0 : i32
        %dma_start3A_95 = tpu.memref_slice %arg14[%dma_start3A_93, %dma_start3A_94] : memref<10000x128xf32, #tpu.memory_space<vmem_shared>> -> memref<40x128xf32, #tpu.memory_space<vmem_shared>>
        %dma_start3A_96 = arith.constant 0 : i32
        %dma_start3A_97 = arith.constant 0 : i32
        %dma_start3A_98 = tpu.memref_slice %arg13[%dma_start3A_96, %dma_start3A_97] : memref<64x128xf32, #tpu.memory_space<vmem>> -> memref<40x128xf32, #tpu.memory_space<vmem>>
        tpu.enqueue_dma source(%dma_start3A_98 : memref<40x128xf32, #tpu.memory_space<vmem>>) target(%dma_start3A_95 : memref<40x128xf32, #tpu.memory_space<vmem_shared>>) target_semaphore(%run_scoped3A : memref<!tpu.dma_semaphore, #tpu.memory_space<semaphore_mem>>)
        %dma_wait3A_99 = arith.constant 0 : i32
        %dma_wait3A_100 = arith.constant 0 : i32
        %dma_wait3A_101 = tpu.memref_slice %arg13[%dma_wait3A_99, %dma_wait3A_100] : memref<64x128xf32, #tpu.memory_space<vmem>> -> memref<40x128xf32, #tpu.memory_space<vmem>>
        %dma_wait3A_102 = arith.constant 9680 : i32
        %dma_wait3A_103 = arith.constant 0 : i32
        %dma_wait3A_104 = tpu.memref_slice %arg14[%dma_wait3A_102, %dma_wait3A_103] : memref<10000x128xf32, #tpu.memory_space<vmem_shared>> -> memref<40x128xf32, #tpu.memory_space<vmem_shared>>
        %dma_wait3A_105 = arith.constant 9680 : i32
        %dma_wait3A_106 = arith.constant 0 : i32
        %dma_wait3A_107 = tpu.memref_slice %arg14[%dma_wait3A_105, %dma_wait3A_106] : memref<10000x128xf32, #tpu.memory_space<vmem_shared>> -> memref<40x128xf32, #tpu.memory_space<vmem_shared>>
        %dma_wait3A_108 = arith.constant 0 : i32
        %dma_wait3A_109 = arith.constant 0 : i32
        %dma_wait3A_110 = tpu.memref_slice %arg13[%dma_wait3A_108, %dma_wait3A_109] : memref<64x128xf32, #tpu.memory_space<vmem>> -> memref<40x128xf32, #tpu.memory_space<vmem>>
        tpu.wait_dma2 semaphore(%run_scoped3A : memref<!tpu.dma_semaphore, #tpu.memory_space<semaphore_mem>>) src(%dma_wait3A_110 : memref<40x128xf32, #tpu.memory_space<vmem>>) dst(%dma_wait3A_107 : memref<40x128xf32, #tpu.memory_space<vmem_shared>>)
        tpu.yield
      }) : () -> ()
      "tpu.region"() ({
        %run_scoped3A = tpu.sem_alloc : memref<!tpu.dma_semaphore, #tpu.memory_space<semaphore_mem>>
        %dma_start3A_87 = arith.constant 0 : i32
        %dma_start3A_88 = arith.constant 0 : i32
        %dma_start3A_89 = tpu.memref_slice %arg13[%dma_start3A_87, %dma_start3A_88] : memref<64x128xf32, #tpu.memory_space<vmem>> -> memref<40x128xf32, #tpu.memory_space<vmem>>
        %dma_start3A_90 = arith.constant 9720 : i32
        %dma_start3A_91 = arith.constant 0 : i32
        %dma_start3A_92 = tpu.memref_slice %arg14[%dma_start3A_90, %dma_start3A_91] : memref<10000x128xf32, #tpu.memory_space<vmem_shared>> -> memref<40x128xf32, #tpu.memory_space<vmem_shared>>
        %dma_start3A_93 = arith.constant 9720 : i32
        %dma_start3A_94 = arith.constant 0 : i32
        %dma_start3A_95 = tpu.memref_slice %arg14[%dma_start3A_93, %dma_start3A_94] : memref<10000x128xf32, #tpu.memory_space<vmem_shared>> -> memref<40x128xf32, #tpu.memory_space<vmem_shared>>
        %dma_start3A_96 = arith.constant 0 : i32
        %dma_start3A_97 = arith.constant 0 : i32
        %dma_start3A_98 = tpu.memref_slice %arg13[%dma_start3A_96, %dma_start3A_97] : memref<64x128xf32, #tpu.memory_space<vmem>> -> memref<40x128xf32, #tpu.memory_space<vmem>>
        tpu.enqueue_dma source(%dma_start3A_98 : memref<40x128xf32, #tpu.memory_space<vmem>>) target(%dma_start3A_95 : memref<40x128xf32, #tpu.memory_space<vmem_shared>>) target_semaphore(%run_scoped3A : memref<!tpu.dma_semaphore, #tpu.memory_space<semaphore_mem>>)
        %dma_wait3A_99 = arith.constant 0 : i32
        %dma_wait3A_100 = arith.constant 0 : i32
        %dma_wait3A_101 = tpu.memref_slice %arg13[%dma_wait3A_99, %dma_wait3A_100] : memref<64x128xf32, #tpu.memory_space<vmem>> -> memref<40x128xf32, #tpu.memory_space<vmem>>
        %dma_wait3A_102 = arith.constant 9720 : i32
        %dma_wait3A_103 = arith.constant 0 : i32
        %dma_wait3A_104 = tpu.memref_slice %arg14[%dma_wait3A_102, %dma_wait3A_103] : memref<10000x128xf32, #tpu.memory_space<vmem_shared>> -> memref<40x128xf32, #tpu.memory_space<vmem_shared>>
        %dma_wait3A_105 = arith.constant 9720 : i32
        %dma_wait3A_106 = arith.constant 0 : i32
        %dma_wait3A_107 = tpu.memref_slice %arg14[%dma_wait3A_105, %dma_wait3A_106] : memref<10000x128xf32, #tpu.memory_space<vmem_shared>> -> memref<40x128xf32, #tpu.memory_space<vmem_shared>>
        %dma_wait3A_108 = arith.constant 0 : i32
        %dma_wait3A_109 = arith.constant 0 : i32
        %dma_wait3A_110 = tpu.memref_slice %arg13[%dma_wait3A_108, %dma_wait3A_109] : memref<64x128xf32, #tpu.memory_space<vmem>> -> memref<40x128xf32, #tpu.memory_space<vmem>>
        tpu.wait_dma2 semaphore(%run_scoped3A : memref<!tpu.dma_semaphore, #tpu.memory_space<semaphore_mem>>) src(%dma_wait3A_110 : memref<40x128xf32, #tpu.memory_space<vmem>>) dst(%dma_wait3A_107 : memref<40x128xf32, #tpu.memory_space<vmem_shared>>)
        tpu.yield
      }) : () -> ()
      "tpu.region"() ({
        %run_scoped3A = tpu.sem_alloc : memref<!tpu.dma_semaphore, #tpu.memory_space<semaphore_mem>>
        %dma_start3A_87 = arith.constant 0 : i32
        %dma_start3A_88 = arith.constant 0 : i32
        %dma_start3A_89 = tpu.memref_slice %arg13[%dma_start3A_87, %dma_start3A_88] : memref<64x128xf32, #tpu.memory_space<vmem>> -> memref<40x128xf32, #tpu.memory_space<vmem>>
        %dma_start3A_90 = arith.constant 9760 : i32
        %dma_start3A_91 = arith.constant 0 : i32
        %dma_start3A_92 = tpu.memref_slice %arg14[%dma_start3A_90, %dma_start3A_91] : memref<10000x128xf32, #tpu.memory_space<vmem_shared>> -> memref<40x128xf32, #tpu.memory_space<vmem_shared>>
        %dma_start3A_93 = arith.constant 9760 : i32
        %dma_start3A_94 = arith.constant 0 : i32
        %dma_start3A_95 = tpu.memref_slice %arg14[%dma_start3A_93, %dma_start3A_94] : memref<10000x128xf32, #tpu.memory_space<vmem_shared>> -> memref<40x128xf32, #tpu.memory_space<vmem_shared>>
        %dma_start3A_96 = arith.constant 0 : i32
        %dma_start3A_97 = arith.constant 0 : i32
        %dma_start3A_98 = tpu.memref_slice %arg13[%dma_start3A_96, %dma_start3A_97] : memref<64x128xf32, #tpu.memory_space<vmem>> -> memref<40x128xf32, #tpu.memory_space<vmem>>
        tpu.enqueue_dma source(%dma_start3A_98 : memref<40x128xf32, #tpu.memory_space<vmem>>) target(%dma_start3A_95 : memref<40x128xf32, #tpu.memory_space<vmem_shared>>) target_semaphore(%run_scoped3A : memref<!tpu.dma_semaphore, #tpu.memory_space<semaphore_mem>>)
        %dma_wait3A_99 = arith.constant 0 : i32
        %dma_wait3A_100 = arith.constant 0 : i32
        %dma_wait3A_101 = tpu.memref_slice %arg13[%dma_wait3A_99, %dma_wait3A_100] : memref<64x128xf32, #tpu.memory_space<vmem>> -> memref<40x128xf32, #tpu.memory_space<vmem>>
        %dma_wait3A_102 = arith.constant 9760 : i32
        %dma_wait3A_103 = arith.constant 0 : i32
        %dma_wait3A_104 = tpu.memref_slice %arg14[%dma_wait3A_102, %dma_wait3A_103] : memref<10000x128xf32, #tpu.memory_space<vmem_shared>> -> memref<40x128xf32, #tpu.memory_space<vmem_shared>>
        %dma_wait3A_105 = arith.constant 9760 : i32
        %dma_wait3A_106 = arith.constant 0 : i32
        %dma_wait3A_107 = tpu.memref_slice %arg14[%dma_wait3A_105, %dma_wait3A_106] : memref<10000x128xf32, #tpu.memory_space<vmem_shared>> -> memref<40x128xf32, #tpu.memory_space<vmem_shared>>
        %dma_wait3A_108 = arith.constant 0 : i32
        %dma_wait3A_109 = arith.constant 0 : i32
        %dma_wait3A_110 = tpu.memref_slice %arg13[%dma_wait3A_108, %dma_wait3A_109] : memref<64x128xf32, #tpu.memory_space<vmem>> -> memref<40x128xf32, #tpu.memory_space<vmem>>
        tpu.wait_dma2 semaphore(%run_scoped3A : memref<!tpu.dma_semaphore, #tpu.memory_space<semaphore_mem>>) src(%dma_wait3A_110 : memref<40x128xf32, #tpu.memory_space<vmem>>) dst(%dma_wait3A_107 : memref<40x128xf32, #tpu.memory_space<vmem_shared>>)
        tpu.yield
      }) : () -> ()
      "tpu.region"() ({
        %run_scoped3A = tpu.sem_alloc : memref<!tpu.dma_semaphore, #tpu.memory_space<semaphore_mem>>
        %dma_start3A_87 = arith.constant 0 : i32
        %dma_start3A_88 = arith.constant 0 : i32
        %dma_start3A_89 = tpu.memref_slice %arg13[%dma_start3A_87, %dma_start3A_88] : memref<64x128xf32, #tpu.memory_space<vmem>> -> memref<40x128xf32, #tpu.memory_space<vmem>>
        %dma_start3A_90 = arith.constant 9800 : i32
        %dma_start3A_91 = arith.constant 0 : i32
        %dma_start3A_92 = tpu.memref_slice %arg14[%dma_start3A_90, %dma_start3A_91] : memref<10000x128xf32, #tpu.memory_space<vmem_shared>> -> memref<40x128xf32, #tpu.memory_space<vmem_shared>>
        %dma_start3A_93 = arith.constant 9800 : i32
        %dma_start3A_94 = arith.constant 0 : i32
        %dma_start3A_95 = tpu.memref_slice %arg14[%dma_start3A_93, %dma_start3A_94] : memref<10000x128xf32, #tpu.memory_space<vmem_shared>> -> memref<40x128xf32, #tpu.memory_space<vmem_shared>>
        %dma_start3A_96 = arith.constant 0 : i32
        %dma_start3A_97 = arith.constant 0 : i32
        %dma_start3A_98 = tpu.memref_slice %arg13[%dma_start3A_96, %dma_start3A_97] : memref<64x128xf32, #tpu.memory_space<vmem>> -> memref<40x128xf32, #tpu.memory_space<vmem>>
        tpu.enqueue_dma source(%dma_start3A_98 : memref<40x128xf32, #tpu.memory_space<vmem>>) target(%dma_start3A_95 : memref<40x128xf32, #tpu.memory_space<vmem_shared>>) target_semaphore(%run_scoped3A : memref<!tpu.dma_semaphore, #tpu.memory_space<semaphore_mem>>)
        %dma_wait3A_99 = arith.constant 0 : i32
        %dma_wait3A_100 = arith.constant 0 : i32
        %dma_wait3A_101 = tpu.memref_slice %arg13[%dma_wait3A_99, %dma_wait3A_100] : memref<64x128xf32, #tpu.memory_space<vmem>> -> memref<40x128xf32, #tpu.memory_space<vmem>>
        %dma_wait3A_102 = arith.constant 9800 : i32
        %dma_wait3A_103 = arith.constant 0 : i32
        %dma_wait3A_104 = tpu.memref_slice %arg14[%dma_wait3A_102, %dma_wait3A_103] : memref<10000x128xf32, #tpu.memory_space<vmem_shared>> -> memref<40x128xf32, #tpu.memory_space<vmem_shared>>
        %dma_wait3A_105 = arith.constant 9800 : i32
        %dma_wait3A_106 = arith.constant 0 : i32
        %dma_wait3A_107 = tpu.memref_slice %arg14[%dma_wait3A_105, %dma_wait3A_106] : memref<10000x128xf32, #tpu.memory_space<vmem_shared>> -> memref<40x128xf32, #tpu.memory_space<vmem_shared>>
        %dma_wait3A_108 = arith.constant 0 : i32
        %dma_wait3A_109 = arith.constant 0 : i32
        %dma_wait3A_110 = tpu.memref_slice %arg13[%dma_wait3A_108, %dma_wait3A_109] : memref<64x128xf32, #tpu.memory_space<vmem>> -> memref<40x128xf32, #tpu.memory_space<vmem>>
        tpu.wait_dma2 semaphore(%run_scoped3A : memref<!tpu.dma_semaphore, #tpu.memory_space<semaphore_mem>>) src(%dma_wait3A_110 : memref<40x128xf32, #tpu.memory_space<vmem>>) dst(%dma_wait3A_107 : memref<40x128xf32, #tpu.memory_space<vmem_shared>>)
        tpu.yield
      }) : () -> ()
      "tpu.region"() ({
        %run_scoped3A = tpu.sem_alloc : memref<!tpu.dma_semaphore, #tpu.memory_space<semaphore_mem>>
        %dma_start3A_87 = arith.constant 0 : i32
        %dma_start3A_88 = arith.constant 0 : i32
        %dma_start3A_89 = tpu.memref_slice %arg13[%dma_start3A_87, %dma_start3A_88] : memref<64x128xf32, #tpu.memory_space<vmem>> -> memref<40x128xf32, #tpu.memory_space<vmem>>
        %dma_start3A_90 = arith.constant 9840 : i32
        %dma_start3A_91 = arith.constant 0 : i32
        %dma_start3A_92 = tpu.memref_slice %arg14[%dma_start3A_90, %dma_start3A_91] : memref<10000x128xf32, #tpu.memory_space<vmem_shared>> -> memref<40x128xf32, #tpu.memory_space<vmem_shared>>
        %dma_start3A_93 = arith.constant 9840 : i32
        %dma_start3A_94 = arith.constant 0 : i32
        %dma_start3A_95 = tpu.memref_slice %arg14[%dma_start3A_93, %dma_start3A_94] : memref<10000x128xf32, #tpu.memory_space<vmem_shared>> -> memref<40x128xf32, #tpu.memory_space<vmem_shared>>
        %dma_start3A_96 = arith.constant 0 : i32
        %dma_start3A_97 = arith.constant 0 : i32
        %dma_start3A_98 = tpu.memref_slice %arg13[%dma_start3A_96, %dma_start3A_97] : memref<64x128xf32, #tpu.memory_space<vmem>> -> memref<40x128xf32, #tpu.memory_space<vmem>>
        tpu.enqueue_dma source(%dma_start3A_98 : memref<40x128xf32, #tpu.memory_space<vmem>>) target(%dma_start3A_95 : memref<40x128xf32, #tpu.memory_space<vmem_shared>>) target_semaphore(%run_scoped3A : memref<!tpu.dma_semaphore, #tpu.memory_space<semaphore_mem>>)
        %dma_wait3A_99 = arith.constant 0 : i32
        %dma_wait3A_100 = arith.constant 0 : i32
        %dma_wait3A_101 = tpu.memref_slice %arg13[%dma_wait3A_99, %dma_wait3A_100] : memref<64x128xf32, #tpu.memory_space<vmem>> -> memref<40x128xf32, #tpu.memory_space<vmem>>
        %dma_wait3A_102 = arith.constant 9840 : i32
        %dma_wait3A_103 = arith.constant 0 : i32
        %dma_wait3A_104 = tpu.memref_slice %arg14[%dma_wait3A_102, %dma_wait3A_103] : memref<10000x128xf32, #tpu.memory_space<vmem_shared>> -> memref<40x128xf32, #tpu.memory_space<vmem_shared>>
        %dma_wait3A_105 = arith.constant 9840 : i32
        %dma_wait3A_106 = arith.constant 0 : i32
        %dma_wait3A_107 = tpu.memref_slice %arg14[%dma_wait3A_105, %dma_wait3A_106] : memref<10000x128xf32, #tpu.memory_space<vmem_shared>> -> memref<40x128xf32, #tpu.memory_space<vmem_shared>>
        %dma_wait3A_108 = arith.constant 0 : i32
        %dma_wait3A_109 = arith.constant 0 : i32
        %dma_wait3A_110 = tpu.memref_slice %arg13[%dma_wait3A_108, %dma_wait3A_109] : memref<64x128xf32, #tpu.memory_space<vmem>> -> memref<40x128xf32, #tpu.memory_space<vmem>>
        tpu.wait_dma2 semaphore(%run_scoped3A : memref<!tpu.dma_semaphore, #tpu.memory_space<semaphore_mem>>) src(%dma_wait3A_110 : memref<40x128xf32, #tpu.memory_space<vmem>>) dst(%dma_wait3A_107 : memref<40x128xf32, #tpu.memory_space<vmem_shared>>)
        tpu.yield
      }) : () -> ()
      "tpu.region"() ({
        %run_scoped3A = tpu.sem_alloc : memref<!tpu.dma_semaphore, #tpu.memory_space<semaphore_mem>>
        %dma_start3A_87 = arith.constant 0 : i32
        %dma_start3A_88 = arith.constant 0 : i32
        %dma_start3A_89 = tpu.memref_slice %arg13[%dma_start3A_87, %dma_start3A_88] : memref<64x128xf32, #tpu.memory_space<vmem>> -> memref<40x128xf32, #tpu.memory_space<vmem>>
        %dma_start3A_90 = arith.constant 9880 : i32
        %dma_start3A_91 = arith.constant 0 : i32
        %dma_start3A_92 = tpu.memref_slice %arg14[%dma_start3A_90, %dma_start3A_91] : memref<10000x128xf32, #tpu.memory_space<vmem_shared>> -> memref<40x128xf32, #tpu.memory_space<vmem_shared>>
        %dma_start3A_93 = arith.constant 9880 : i32
        %dma_start3A_94 = arith.constant 0 : i32
        %dma_start3A_95 = tpu.memref_slice %arg14[%dma_start3A_93, %dma_start3A_94] : memref<10000x128xf32, #tpu.memory_space<vmem_shared>> -> memref<40x128xf32, #tpu.memory_space<vmem_shared>>
        %dma_start3A_96 = arith.constant 0 : i32
        %dma_start3A_97 = arith.constant 0 : i32
        %dma_start3A_98 = tpu.memref_slice %arg13[%dma_start3A_96, %dma_start3A_97] : memref<64x128xf32, #tpu.memory_space<vmem>> -> memref<40x128xf32, #tpu.memory_space<vmem>>
        tpu.enqueue_dma source(%dma_start3A_98 : memref<40x128xf32, #tpu.memory_space<vmem>>) target(%dma_start3A_95 : memref<40x128xf32, #tpu.memory_space<vmem_shared>>) target_semaphore(%run_scoped3A : memref<!tpu.dma_semaphore, #tpu.memory_space<semaphore_mem>>)
        %dma_wait3A_99 = arith.constant 0 : i32
        %dma_wait3A_100 = arith.constant 0 : i32
        %dma_wait3A_101 = tpu.memref_slice %arg13[%dma_wait3A_99, %dma_wait3A_100] : memref<64x128xf32, #tpu.memory_space<vmem>> -> memref<40x128xf32, #tpu.memory_space<vmem>>
        %dma_wait3A_102 = arith.constant 9880 : i32
        %dma_wait3A_103 = arith.constant 0 : i32
        %dma_wait3A_104 = tpu.memref_slice %arg14[%dma_wait3A_102, %dma_wait3A_103] : memref<10000x128xf32, #tpu.memory_space<vmem_shared>> -> memref<40x128xf32, #tpu.memory_space<vmem_shared>>
        %dma_wait3A_105 = arith.constant 9880 : i32
        %dma_wait3A_106 = arith.constant 0 : i32
        %dma_wait3A_107 = tpu.memref_slice %arg14[%dma_wait3A_105, %dma_wait3A_106] : memref<10000x128xf32, #tpu.memory_space<vmem_shared>> -> memref<40x128xf32, #tpu.memory_space<vmem_shared>>
        %dma_wait3A_108 = arith.constant 0 : i32
        %dma_wait3A_109 = arith.constant 0 : i32
        %dma_wait3A_110 = tpu.memref_slice %arg13[%dma_wait3A_108, %dma_wait3A_109] : memref<64x128xf32, #tpu.memory_space<vmem>> -> memref<40x128xf32, #tpu.memory_space<vmem>>
        tpu.wait_dma2 semaphore(%run_scoped3A : memref<!tpu.dma_semaphore, #tpu.memory_space<semaphore_mem>>) src(%dma_wait3A_110 : memref<40x128xf32, #tpu.memory_space<vmem>>) dst(%dma_wait3A_107 : memref<40x128xf32, #tpu.memory_space<vmem_shared>>)
        tpu.yield
      }) : () -> ()
      "tpu.region"() ({
        %run_scoped3A = tpu.sem_alloc : memref<!tpu.dma_semaphore, #tpu.memory_space<semaphore_mem>>
        %dma_start3A_87 = arith.constant 0 : i32
        %dma_start3A_88 = arith.constant 0 : i32
        %dma_start3A_89 = tpu.memref_slice %arg13[%dma_start3A_87, %dma_start3A_88] : memref<64x128xf32, #tpu.memory_space<vmem>> -> memref<40x128xf32, #tpu.memory_space<vmem>>
        %dma_start3A_90 = arith.constant 9920 : i32
        %dma_start3A_91 = arith.constant 0 : i32
        %dma_start3A_92 = tpu.memref_slice %arg14[%dma_start3A_90, %dma_start3A_91] : memref<10000x128xf32, #tpu.memory_space<vmem_shared>> -> memref<40x128xf32, #tpu.memory_space<vmem_shared>>
        %dma_start3A_93 = arith.constant 9920 : i32
        %dma_start3A_94 = arith.constant 0 : i32
        %dma_start3A_95 = tpu.memref_slice %arg14[%dma_start3A_93, %dma_start3A_94] : memref<10000x128xf32, #tpu.memory_space<vmem_shared>> -> memref<40x128xf32, #tpu.memory_space<vmem_shared>>
        %dma_start3A_96 = arith.constant 0 : i32
        %dma_start3A_97 = arith.constant 0 : i32
        %dma_start3A_98 = tpu.memref_slice %arg13[%dma_start3A_96, %dma_start3A_97] : memref<64x128xf32, #tpu.memory_space<vmem>> -> memref<40x128xf32, #tpu.memory_space<vmem>>
        tpu.enqueue_dma source(%dma_start3A_98 : memref<40x128xf32, #tpu.memory_space<vmem>>) target(%dma_start3A_95 : memref<40x128xf32, #tpu.memory_space<vmem_shared>>) target_semaphore(%run_scoped3A : memref<!tpu.dma_semaphore, #tpu.memory_space<semaphore_mem>>)
        %dma_wait3A_99 = arith.constant 0 : i32
        %dma_wait3A_100 = arith.constant 0 : i32
        %dma_wait3A_101 = tpu.memref_slice %arg13[%dma_wait3A_99, %dma_wait3A_100] : memref<64x128xf32, #tpu.memory_space<vmem>> -> memref<40x128xf32, #tpu.memory_space<vmem>>
        %dma_wait3A_102 = arith.constant 9920 : i32
        %dma_wait3A_103 = arith.constant 0 : i32
        %dma_wait3A_104 = tpu.memref_slice %arg14[%dma_wait3A_102, %dma_wait3A_103] : memref<10000x128xf32, #tpu.memory_space<vmem_shared>> -> memref<40x128xf32, #tpu.memory_space<vmem_shared>>
        %dma_wait3A_105 = arith.constant 9920 : i32
        %dma_wait3A_106 = arith.constant 0 : i32
        %dma_wait3A_107 = tpu.memref_slice %arg14[%dma_wait3A_105, %dma_wait3A_106] : memref<10000x128xf32, #tpu.memory_space<vmem_shared>> -> memref<40x128xf32, #tpu.memory_space<vmem_shared>>
        %dma_wait3A_108 = arith.constant 0 : i32
        %dma_wait3A_109 = arith.constant 0 : i32
        %dma_wait3A_110 = tpu.memref_slice %arg13[%dma_wait3A_108, %dma_wait3A_109] : memref<64x128xf32, #tpu.memory_space<vmem>> -> memref<40x128xf32, #tpu.memory_space<vmem>>
        tpu.wait_dma2 semaphore(%run_scoped3A : memref<!tpu.dma_semaphore, #tpu.memory_space<semaphore_mem>>) src(%dma_wait3A_110 : memref<40x128xf32, #tpu.memory_space<vmem>>) dst(%dma_wait3A_107 : memref<40x128xf32, #tpu.memory_space<vmem_shared>>)
        tpu.yield
      }) : () -> ()
      "tpu.region"() ({
        %run_scoped3A = tpu.sem_alloc : memref<!tpu.dma_semaphore, #tpu.memory_space<semaphore_mem>>
        %dma_start3A_87 = arith.constant 0 : i32
        %dma_start3A_88 = arith.constant 0 : i32
        %dma_start3A_89 = tpu.memref_slice %arg13[%dma_start3A_87, %dma_start3A_88] : memref<64x128xf32, #tpu.memory_space<vmem>> -> memref<40x128xf32, #tpu.memory_space<vmem>>
        %dma_start3A_90 = arith.constant 9960 : i32
        %dma_start3A_91 = arith.constant 0 : i32
        %dma_start3A_92 = tpu.memref_slice %arg14[%dma_start3A_90, %dma_start3A_91] : memref<10000x128xf32, #tpu.memory_space<vmem_shared>> -> memref<40x128xf32, #tpu.memory_space<vmem_shared>>
        %dma_start3A_93 = arith.constant 9960 : i32
        %dma_start3A_94 = arith.constant 0 : i32
        %dma_start3A_95 = tpu.memref_slice %arg14[%dma_start3A_93, %dma_start3A_94] : memref<10000x128xf32, #tpu.memory_space<vmem_shared>> -> memref<40x128xf32, #tpu.memory_space<vmem_shared>>
        %dma_start3A_96 = arith.constant 0 : i32
        %dma_start3A_97 = arith.constant 0 : i32
        %dma_start3A_98 = tpu.memref_slice %arg13[%dma_start3A_96, %dma_start3A_97] : memref<64x128xf32, #tpu.memory_space<vmem>> -> memref<40x128xf32, #tpu.memory_space<vmem>>
        tpu.enqueue_dma source(%dma_start3A_98 : memref<40x128xf32, #tpu.memory_space<vmem>>) target(%dma_start3A_95 : memref<40x128xf32, #tpu.memory_space<vmem_shared>>) target_semaphore(%run_scoped3A : memref<!tpu.dma_semaphore, #tpu.memory_space<semaphore_mem>>)
        %dma_wait3A_99 = arith.constant 0 : i32
        %dma_wait3A_100 = arith.constant 0 : i32
        %dma_wait3A_101 = tpu.memref_slice %arg13[%dma_wait3A_99, %dma_wait3A_100] : memref<64x128xf32, #tpu.memory_space<vmem>> -> memref<40x128xf32, #tpu.memory_space<vmem>>
        %dma_wait3A_102 = arith.constant 9960 : i32
        %dma_wait3A_103 = arith.constant 0 : i32
        %dma_wait3A_104 = tpu.memref_slice %arg14[%dma_wait3A_102, %dma_wait3A_103] : memref<10000x128xf32, #tpu.memory_space<vmem_shared>> -> memref<40x128xf32, #tpu.memory_space<vmem_shared>>
        %dma_wait3A_105 = arith.constant 9960 : i32
        %dma_wait3A_106 = arith.constant 0 : i32
        %dma_wait3A_107 = tpu.memref_slice %arg14[%dma_wait3A_105, %dma_wait3A_106] : memref<10000x128xf32, #tpu.memory_space<vmem_shared>> -> memref<40x128xf32, #tpu.memory_space<vmem_shared>>
        %dma_wait3A_108 = arith.constant 0 : i32
        %dma_wait3A_109 = arith.constant 0 : i32
        %dma_wait3A_110 = tpu.memref_slice %arg13[%dma_wait3A_108, %dma_wait3A_109] : memref<64x128xf32, #tpu.memory_space<vmem>> -> memref<40x128xf32, #tpu.memory_space<vmem>>
        tpu.wait_dma2 semaphore(%run_scoped3A : memref<!tpu.dma_semaphore, #tpu.memory_space<semaphore_mem>>) src(%dma_wait3A_110 : memref<40x128xf32, #tpu.memory_space<vmem>>) dst(%dma_wait3A_107 : memref<40x128xf32, #tpu.memory_space<vmem_shared>>)
        tpu.yield
      }) : () -> ()
    } else {
    }
    %barrier3A = arith.constant 0 : index
    tpu.barrier barrier_id(%barrier3A)
    %mul3A = arith.constant 16 : i32
    %mul3A_6 = arith.muli %arg0, %mul3A : i32
    %add3A = arith.addi %mul3A_6, %arg1 : i32
    %mul3A_7 = arith.constant 10000 : i32
    %mul3A_8 = arith.muli %add3A, %mul3A_7 : i32
    %add3A_9 = arith.constant 9984 : i32
    %add3A_10 = arith.addi %mul3A_8, %add3A_9 : i32
    %multiple_of3A = tpu.assume_multiple %add3A_10, 8 : i32
    "tpu.region"() ({
      %run_scoped3A = tpu.sem_alloc : memref<!tpu.dma_semaphore, #tpu.memory_space<semaphore_mem>>
      %dma_start3A_87 = tpu.memref_slice %arg2[%multiple_of3A] : memref<320000xi32, #tpu.memory_space<hbm>> -> memref<16xi32, #tpu.memory_space<hbm>>
      %dma_start3A_88 = tpu.memref_slice %arg2[%multiple_of3A] : memref<320000xi32, #tpu.memory_space<hbm>> -> memref<16xi32, #tpu.memory_space<hbm>>
      tpu.enqueue_dma source(%dma_start3A_88 : memref<16xi32, #tpu.memory_space<hbm>>) target(%arg10 : memref<16xi32, #tpu.memory_space<vmem>>) target_semaphore(%run_scoped3A : memref<!tpu.dma_semaphore, #tpu.memory_space<semaphore_mem>>)
      %dma_wait3A_89 = tpu.memref_slice %arg2[%multiple_of3A] : memref<320000xi32, #tpu.memory_space<hbm>> -> memref<16xi32, #tpu.memory_space<hbm>>
      %dma_wait3A_90 = tpu.memref_slice %arg2[%multiple_of3A] : memref<320000xi32, #tpu.memory_space<hbm>> -> memref<16xi32, #tpu.memory_space<hbm>>
      tpu.wait_dma2 semaphore(%run_scoped3A : memref<!tpu.dma_semaphore, #tpu.memory_space<semaphore_mem>>) src(%dma_wait3A_90 : memref<16xi32, #tpu.memory_space<hbm>>) dst(%arg10 : memref<16xi32, #tpu.memory_space<vmem>>)
      tpu.yield
    }) : () -> ()
    "tpu.region"() ({
      %run_scoped3A = tpu.sem_alloc : memref<!tpu.dma_semaphore, #tpu.memory_space<semaphore_mem>>
      %dma_start3A_87 = tpu.memref_slice %arg3[%multiple_of3A] : memref<320000xi32, #tpu.memory_space<hbm>> -> memref<16xi32, #tpu.memory_space<hbm>>
      %dma_start3A_88 = tpu.memref_slice %arg3[%multiple_of3A] : memref<320000xi32, #tpu.memory_space<hbm>> -> memref<16xi32, #tpu.memory_space<hbm>>
      tpu.enqueue_dma source(%dma_start3A_88 : memref<16xi32, #tpu.memory_space<hbm>>) target(%arg11 : memref<16xi32, #tpu.memory_space<vmem>>) target_semaphore(%run_scoped3A : memref<!tpu.dma_semaphore, #tpu.memory_space<semaphore_mem>>)
      %dma_wait3A_89 = tpu.memref_slice %arg3[%multiple_of3A] : memref<320000xi32, #tpu.memory_space<hbm>> -> memref<16xi32, #tpu.memory_space<hbm>>
      %dma_wait3A_90 = tpu.memref_slice %arg3[%multiple_of3A] : memref<320000xi32, #tpu.memory_space<hbm>> -> memref<16xi32, #tpu.memory_space<hbm>>
      tpu.wait_dma2 semaphore(%run_scoped3A : memref<!tpu.dma_semaphore, #tpu.memory_space<semaphore_mem>>) src(%dma_wait3A_90 : memref<16xi32, #tpu.memory_space<hbm>>) dst(%arg11 : memref<16xi32, #tpu.memory_space<vmem>>)
      tpu.yield
    }) : () -> ()
    %dma_start3A = arith.constant 0 : i32
    %dma_start3A_11 = arith.constant 0 : i32
    %dma_start3A_12 = tpu.memref_slice %arg4[%dma_start3A, %dma_start3A_11] : memref<10000x128xf32, #tpu.memory_space<hbm>> -> memref<10000x128xf32, #tpu.memory_space<hbm>>
    tpu.enqueue_indirect_dma source(%dma_start3A_12 : memref<10000x128xf32, #tpu.memory_space<hbm>>) target(%arg12 : memref<16x128xf32, #tpu.memory_space<vmem>>) offsets(%arg10 : memref<16xi32, #tpu.memory_space<vmem>>) semaphore(%arg15 : memref<!tpu.dma_semaphore, #tpu.memory_space<semaphore_mem>>)
    %dma_wait3A = arith.constant 0 : i32
    %dma_wait3A_13 = arith.constant 0 : i32
    %dma_wait3A_14 = tpu.memref_slice %arg4[%dma_wait3A, %dma_wait3A_13] : memref<10000x128xf32, #tpu.memory_space<hbm>> -> memref<10000x128xf32, #tpu.memory_space<hbm>>
    tpu.wait_indirect_dma semaphore(%arg15 : memref<!tpu.dma_semaphore, #tpu.memory_space<semaphore_mem>>) src(%dma_wait3A_14 : memref<10000x128xf32, #tpu.memory_space<hbm>>) dst(%arg12 : memref<16x128xf32, #tpu.memory_space<vmem>>)
    "tpu.region"() ({
      %run_scoped3A = tpu.sem_alloc : memref<!tpu.dma_semaphore, #tpu.memory_space<semaphore_mem>>
      %dma_start3A_87 = arith.constant 0 : i32
      %dma_start3A_88 = arith.constant 0 : i32
      %dma_start3A_89 = tpu.memref_slice %arg14[%dma_start3A_87, %dma_start3A_88] : memref<10000x128xf32, #tpu.memory_space<vmem_shared>> -> memref<10000x128xf32, #tpu.memory_space<vmem_shared>>
      tpu.enqueue_indirect_dma source(%arg12 : memref<16x128xf32, #tpu.memory_space<vmem>>) target(%dma_start3A_89 : memref<10000x128xf32, #tpu.memory_space<vmem_shared>>) offsets(%arg11 : memref<16xi32, #tpu.memory_space<vmem>>) semaphore(%run_scoped3A : memref<!tpu.dma_semaphore, #tpu.memory_space<semaphore_mem>>) {add = true}
      %dma_wait3A_90 = arith.constant 0 : i32
      %dma_wait3A_91 = arith.constant 0 : i32
      %dma_wait3A_92 = tpu.memref_slice %arg14[%dma_wait3A_90, %dma_wait3A_91] : memref<10000x128xf32, #tpu.memory_space<vmem_shared>> -> memref<10000x128xf32, #tpu.memory_space<vmem_shared>>
      tpu.wait_indirect_dma semaphore(%run_scoped3A : memref<!tpu.dma_semaphore, #tpu.memory_space<semaphore_mem>>) src(%arg12 : memref<16x128xf32, #tpu.memory_space<vmem>>) dst(%dma_wait3A_92 : memref<10000x128xf32, #tpu.memory_space<vmem_shared>>)
      tpu.yield
    }) : () -> ()
    %add3A_15 = arith.constant 0 : i32
    %add3A_16 = arith.addi %mul3A_8, %add3A_15 : i32
    %multiple_of3A_17 = tpu.assume_multiple %add3A_16, 8 : i32
    %dma_start3A_18 = arith.constant 0 : i32
    %dma_start3A_19 = arith.constant 0 : i32
    %dma_start3A_20 = tpu.memref_slice %arg7[%dma_start3A_18, %dma_start3A_19] : memref<2x128xi32, #tpu.memory_space<vmem>> -> memref<1x128xi32, #tpu.memory_space<vmem>>
    %dma_start3A_21 = tpu.memref_squeeze %dma_start3A_20 : memref<1x128xi32, #tpu.memory_space<vmem>> -> memref<128xi32, #tpu.memory_space<vmem>>
    %dma_start3A_22 = tpu.memref_slice %arg2[%multiple_of3A_17] : memref<320000xi32, #tpu.memory_space<hbm>> -> memref<128xi32, #tpu.memory_space<hbm>>
    %dma_start3A_23 = arith.constant 0 : i32
    %dma_start3A_24 = tpu.memref_slice %arg7[%dma_start3A_18, %dma_start3A_23] : memref<2x128xi32, #tpu.memory_space<vmem>> -> memref<1x128xi32, #tpu.memory_space<vmem>>
    %dma_start3A_25 = tpu.memref_squeeze %dma_start3A_24 : memref<1x128xi32, #tpu.memory_space<vmem>> -> memref<128xi32, #tpu.memory_space<vmem>>
    %dma_start3A_26 = tpu.memref_slice %arg2[%multiple_of3A_17] : memref<320000xi32, #tpu.memory_space<hbm>> -> memref<128xi32, #tpu.memory_space<hbm>>
    tpu.enqueue_dma source(%dma_start3A_26 : memref<128xi32, #tpu.memory_space<hbm>>) target(%dma_start3A_25 : memref<128xi32, #tpu.memory_space<vmem>>) target_semaphore(%arg17 : memref<!tpu.dma_semaphore, #tpu.memory_space<semaphore_mem>>)
    %dma_start3A_27 = arith.constant 0 : i32
    %dma_start3A_28 = arith.constant 0 : i32
    %dma_start3A_29 = tpu.memref_slice %arg8[%dma_start3A_27, %dma_start3A_28] : memref<2x128xi32, #tpu.memory_space<vmem>> -> memref<1x128xi32, #tpu.memory_space<vmem>>
    %dma_start3A_30 = tpu.memref_squeeze %dma_start3A_29 : memref<1x128xi32, #tpu.memory_space<vmem>> -> memref<128xi32, #tpu.memory_space<vmem>>
    %dma_start3A_31 = tpu.memref_slice %arg3[%multiple_of3A_17] : memref<320000xi32, #tpu.memory_space<hbm>> -> memref<128xi32, #tpu.memory_space<hbm>>
    %dma_start3A_32 = arith.constant 0 : i32
    %dma_start3A_33 = tpu.memref_slice %arg8[%dma_start3A_27, %dma_start3A_32] : memref<2x128xi32, #tpu.memory_space<vmem>> -> memref<1x128xi32, #tpu.memory_space<vmem>>
    %dma_start3A_34 = tpu.memref_squeeze %dma_start3A_33 : memref<1x128xi32, #tpu.memory_space<vmem>> -> memref<128xi32, #tpu.memory_space<vmem>>
    %dma_start3A_35 = tpu.memref_slice %arg3[%multiple_of3A_17] : memref<320000xi32, #tpu.memory_space<hbm>> -> memref<128xi32, #tpu.memory_space<hbm>>
    tpu.enqueue_dma source(%dma_start3A_35 : memref<128xi32, #tpu.memory_space<hbm>>) target(%dma_start3A_34 : memref<128xi32, #tpu.memory_space<vmem>>) target_semaphore(%arg17 : memref<!tpu.dma_semaphore, #tpu.memory_space<semaphore_mem>>)
    %dma_wait3A_36 = arith.constant 0 : i32
    %dma_wait3A_37 = arith.constant 0 : i32
    %dma_wait3A_38 = tpu.memref_slice %arg7[%dma_wait3A_36, %dma_wait3A_37] : memref<2x128xi32, #tpu.memory_space<vmem>> -> memref<1x128xi32, #tpu.memory_space<vmem>>
    %dma_wait3A_39 = tpu.memref_squeeze %dma_wait3A_38 : memref<1x128xi32, #tpu.memory_space<vmem>> -> memref<128xi32, #tpu.memory_space<vmem>>
    %dma_wait3A_40 = arith.constant 0 : i32
    %dma_wait3A_41 = tpu.memref_slice %arg2[%dma_wait3A_40] : memref<320000xi32, #tpu.memory_space<hbm>> -> memref<128xi32, #tpu.memory_space<hbm>>
    %dma_wait3A_42 = arith.constant 0 : i32
    %dma_wait3A_43 = tpu.memref_slice %arg7[%dma_wait3A_36, %dma_wait3A_42] : memref<2x128xi32, #tpu.memory_space<vmem>> -> memref<1x128xi32, #tpu.memory_space<vmem>>
    %dma_wait3A_44 = tpu.memref_squeeze %dma_wait3A_43 : memref<1x128xi32, #tpu.memory_space<vmem>> -> memref<128xi32, #tpu.memory_space<vmem>>
    %dma_wait3A_45 = arith.constant 0 : i32
    %dma_wait3A_46 = tpu.memref_slice %arg2[%dma_wait3A_45] : memref<320000xi32, #tpu.memory_space<hbm>> -> memref<128xi32, #tpu.memory_space<hbm>>
    tpu.wait_dma2 semaphore(%arg17 : memref<!tpu.dma_semaphore, #tpu.memory_space<semaphore_mem>>) src(%dma_wait3A_46 : memref<128xi32, #tpu.memory_space<hbm>>) dst(%dma_wait3A_44 : memref<128xi32, #tpu.memory_space<vmem>>)
    %dma_wait3A_47 = arith.constant 0 : i32
    %dma_wait3A_48 = arith.constant 0 : i32
    %dma_wait3A_49 = tpu.memref_slice %arg8[%dma_wait3A_47, %dma_wait3A_48] : memref<2x128xi32, #tpu.memory_space<vmem>> -> memref<1x128xi32, #tpu.memory_space<vmem>>
    %dma_wait3A_50 = tpu.memref_squeeze %dma_wait3A_49 : memref<1x128xi32, #tpu.memory_space<vmem>> -> memref<128xi32, #tpu.memory_space<vmem>>
    %dma_wait3A_51 = arith.constant 0 : i32
    %dma_wait3A_52 = tpu.memref_slice %arg3[%dma_wait3A_51] : memref<320000xi32, #tpu.memory_space<hbm>> -> memref<128xi32, #tpu.memory_space<hbm>>
    %dma_wait3A_53 = arith.constant 0 : i32
    %dma_wait3A_54 = tpu.memref_slice %arg8[%dma_wait3A_47, %dma_wait3A_53] : memref<2x128xi32, #tpu.memory_space<vmem>> -> memref<1x128xi32, #tpu.memory_space<vmem>>
    %dma_wait3A_55 = tpu.memref_squeeze %dma_wait3A_54 : memref<1x128xi32, #tpu.memory_space<vmem>> -> memref<128xi32, #tpu.memory_space<vmem>>
    %dma_wait3A_56 = arith.constant 0 : i32
    %dma_wait3A_57 = tpu.memref_slice %arg3[%dma_wait3A_56] : memref<320000xi32, #tpu.memory_space<hbm>> -> memref<128xi32, #tpu.memory_space<hbm>>
    tpu.wait_dma2 semaphore(%arg17 : memref<!tpu.dma_semaphore, #tpu.memory_space<semaphore_mem>>) src(%dma_wait3A_57 : memref<128xi32, #tpu.memory_space<hbm>>) dst(%dma_wait3A_55 : memref<128xi32, #tpu.memory_space<vmem>>)
    %dma_start3A_58 = arith.constant 0 : i32
    %dma_start3A_59 = arith.constant 0 : i32
    %dma_start3A_60 = arith.constant 0 : i32
    %dma_start3A_61 = arith.constant 0 : i32
    %dma_start3A_62 = tpu.memref_slice %arg9[%dma_start3A_59, %dma_start3A_60, %dma_start3A_61] : memref<2x128x128xf32, #tpu.memory_space<vmem>> -> memref<1x128x128xf32, #tpu.memory_space<vmem>>
    %dma_start3A_63 = tpu.memref_squeeze %dma_start3A_62 : memref<1x128x128xf32, #tpu.memory_space<vmem>> -> memref<128x128xf32, #tpu.memory_space<vmem>>
    %dma_start3A_64 = arith.constant 0 : i32
    %dma_start3A_65 = tpu.memref_slice %arg7[%dma_start3A_58, %dma_start3A_64] : memref<2x128xi32, #tpu.memory_space<vmem>> -> memref<1x128xi32, #tpu.memory_space<vmem>>
    %dma_start3A_66 = tpu.memref_squeeze %dma_start3A_65 : memref<1x128xi32, #tpu.memory_space<vmem>> -> memref<128xi32, #tpu.memory_space<vmem>>
    %dma_start3A_67 = arith.constant 0 : i32
    %dma_start3A_68 = arith.constant 0 : i32
    %dma_start3A_69 = tpu.memref_slice %arg4[%dma_start3A_67, %dma_start3A_68] : memref<10000x128xf32, #tpu.memory_space<hbm>> -> memref<10000x128xf32, #tpu.memory_space<hbm>>
    tpu.enqueue_indirect_dma source(%dma_start3A_69 : memref<10000x128xf32, #tpu.memory_space<hbm>>) target(%dma_start3A_63 : memref<128x128xf32, #tpu.memory_space<vmem>>) offsets(%dma_start3A_66 : memref<128xi32, #tpu.memory_space<vmem>>) semaphore(%arg15 : memref<!tpu.dma_semaphore, #tpu.memory_space<semaphore_mem>>)
    %scan3A = arith.constant 0 : i32
    %scan3A_70 = arith.constant 0 : i32
    %scan3A_71 = arith.constant 39 : i32
    %scan3A_72 = arith.addi %scan3A_70, %scan3A_71 : i32
    %scan3A_73 = arith.constant 1 : i32
    %scan3A_74 = scf.for %scan3A_87 = %scan3A_70 to %scan3A_72 step %scan3A_73 iter_args(%scan3A_88 = %scan3A) -> (i32)  : i32 {
      %mul3A_89 = arith.constant 2 : i32
      %mul3A_90 = arith.muli %mul3A_89, %scan3A_87 : i32
      %add3A_91 = arith.constant 1 : i32
      %add3A_92 = arith.addi %mul3A_90, %add3A_91 : i32
      %mul3A_93 = arith.constant 128 : i32
      %mul3A_94 = arith.muli %add3A_92, %mul3A_93 : i32
      %add3A_95 = arith.addi %mul3A_8, %mul3A_94 : i32
      %multiple_of3A_96 = tpu.assume_multiple %add3A_95, 8 : i32
      %dma_start3A_97 = arith.constant 1 : i32
      %dma_start3A_98 = arith.constant 0 : i32
      %dma_start3A_99 = tpu.memref_slice %arg7[%dma_start3A_97, %dma_start3A_98] : memref<2x128xi32, #tpu.memory_space<vmem>> -> memref<1x128xi32, #tpu.memory_space<vmem>>
      %dma_start3A_100 = tpu.memref_squeeze %dma_start3A_99 : memref<1x128xi32, #tpu.memory_space<vmem>> -> memref<128xi32, #tpu.memory_space<vmem>>
      %dma_start3A_101 = tpu.memref_slice %arg2[%multiple_of3A_96] : memref<320000xi32, #tpu.memory_space<hbm>> -> memref<128xi32, #tpu.memory_space<hbm>>
      %dma_start3A_102 = arith.constant 0 : i32
      %dma_start3A_103 = tpu.memref_slice %arg7[%dma_start3A_97, %dma_start3A_102] : memref<2x128xi32, #tpu.memory_space<vmem>> -> memref<1x128xi32, #tpu.memory_space<vmem>>
      %dma_start3A_104 = tpu.memref_squeeze %dma_start3A_103 : memref<1x128xi32, #tpu.memory_space<vmem>> -> memref<128xi32, #tpu.memory_space<vmem>>
      %dma_start3A_105 = tpu.memref_slice %arg2[%multiple_of3A_96] : memref<320000xi32, #tpu.memory_space<hbm>> -> memref<128xi32, #tpu.memory_space<hbm>>
      tpu.enqueue_dma source(%dma_start3A_105 : memref<128xi32, #tpu.memory_space<hbm>>) target(%dma_start3A_104 : memref<128xi32, #tpu.memory_space<vmem>>) target_semaphore(%arg18 : memref<!tpu.dma_semaphore, #tpu.memory_space<semaphore_mem>>)
      %dma_start3A_106 = arith.constant 1 : i32
      %dma_start3A_107 = arith.constant 0 : i32
      %dma_start3A_108 = tpu.memref_slice %arg8[%dma_start3A_106, %dma_start3A_107] : memref<2x128xi32, #tpu.memory_space<vmem>> -> memref<1x128xi32, #tpu.memory_space<vmem>>
      %dma_start3A_109 = tpu.memref_squeeze %dma_start3A_108 : memref<1x128xi32, #tpu.memory_space<vmem>> -> memref<128xi32, #tpu.memory_space<vmem>>
      %dma_start3A_110 = tpu.memref_slice %arg3[%multiple_of3A_96] : memref<320000xi32, #tpu.memory_space<hbm>> -> memref<128xi32, #tpu.memory_space<hbm>>
      %dma_start3A_111 = arith.constant 0 : i32
      %dma_start3A_112 = tpu.memref_slice %arg8[%dma_start3A_106, %dma_start3A_111] : memref<2x128xi32, #tpu.memory_space<vmem>> -> memref<1x128xi32, #tpu.memory_space<vmem>>
      %dma_start3A_113 = tpu.memref_squeeze %dma_start3A_112 : memref<1x128xi32, #tpu.memory_space<vmem>> -> memref<128xi32, #tpu.memory_space<vmem>>
      %dma_start3A_114 = tpu.memref_slice %arg3[%multiple_of3A_96] : memref<320000xi32, #tpu.memory_space<hbm>> -> memref<128xi32, #tpu.memory_space<hbm>>
      tpu.enqueue_dma source(%dma_start3A_114 : memref<128xi32, #tpu.memory_space<hbm>>) target(%dma_start3A_113 : memref<128xi32, #tpu.memory_space<vmem>>) target_semaphore(%arg18 : memref<!tpu.dma_semaphore, #tpu.memory_space<semaphore_mem>>)
      %dma_wait3A_115 = arith.constant 0 : i32
      %dma_wait3A_116 = arith.constant 0 : i32
      %dma_wait3A_117 = arith.constant 0 : i32
      %dma_wait3A_118 = arith.constant 0 : i32
      %dma_wait3A_119 = tpu.memref_slice %arg9[%dma_wait3A_116, %dma_wait3A_117, %dma_wait3A_118] : memref<2x128x128xf32, #tpu.memory_space<vmem>> -> memref<1x128x128xf32, #tpu.memory_space<vmem>>
      %dma_wait3A_120 = tpu.memref_squeeze %dma_wait3A_119 : memref<1x128x128xf32, #tpu.memory_space<vmem>> -> memref<128x128xf32, #tpu.memory_space<vmem>>
      %dma_wait3A_121 = arith.constant 0 : i32
      %dma_wait3A_122 = tpu.memref_slice %arg7[%dma_wait3A_115, %dma_wait3A_121] : memref<2x128xi32, #tpu.memory_space<vmem>> -> memref<1x128xi32, #tpu.memory_space<vmem>>
      %dma_wait3A_123 = tpu.memref_squeeze %dma_wait3A_122 : memref<1x128xi32, #tpu.memory_space<vmem>> -> memref<128xi32, #tpu.memory_space<vmem>>
      %dma_wait3A_124 = arith.constant 0 : i32
      %dma_wait3A_125 = arith.constant 0 : i32
      %dma_wait3A_126 = tpu.memref_slice %arg4[%dma_wait3A_124, %dma_wait3A_125] : memref<10000x128xf32, #tpu.memory_space<hbm>> -> memref<10000x128xf32, #tpu.memory_space<hbm>>
      tpu.wait_indirect_dma semaphore(%arg15 : memref<!tpu.dma_semaphore, #tpu.memory_space<semaphore_mem>>) src(%dma_wait3A_126 : memref<10000x128xf32, #tpu.memory_space<hbm>>) dst(%dma_wait3A_120 : memref<128x128xf32, #tpu.memory_space<vmem>>)
      %dma_wait3A_127 = arith.constant 1 : i32
      %dma_wait3A_128 = arith.constant 0 : i32
      %dma_wait3A_129 = tpu.memref_slice %arg7[%dma_wait3A_127, %dma_wait3A_128] : memref<2x128xi32, #tpu.memory_space<vmem>> -> memref<1x128xi32, #tpu.memory_space<vmem>>
      %dma_wait3A_130 = tpu.memref_squeeze %dma_wait3A_129 : memref<1x128xi32, #tpu.memory_space<vmem>> -> memref<128xi32, #tpu.memory_space<vmem>>
      %dma_wait3A_131 = arith.constant 0 : i32
      %dma_wait3A_132 = tpu.memref_slice %arg2[%dma_wait3A_131] : memref<320000xi32, #tpu.memory_space<hbm>> -> memref<128xi32, #tpu.memory_space<hbm>>
      %dma_wait3A_133 = arith.constant 0 : i32
      %dma_wait3A_134 = tpu.memref_slice %arg7[%dma_wait3A_127, %dma_wait3A_133] : memref<2x128xi32, #tpu.memory_space<vmem>> -> memref<1x128xi32, #tpu.memory_space<vmem>>
      %dma_wait3A_135 = tpu.memref_squeeze %dma_wait3A_134 : memref<1x128xi32, #tpu.memory_space<vmem>> -> memref<128xi32, #tpu.memory_space<vmem>>
      %dma_wait3A_136 = arith.constant 0 : i32
      %dma_wait3A_137 = tpu.memref_slice %arg2[%dma_wait3A_136] : memref<320000xi32, #tpu.memory_space<hbm>> -> memref<128xi32, #tpu.memory_space<hbm>>
      tpu.wait_dma2 semaphore(%arg18 : memref<!tpu.dma_semaphore, #tpu.memory_space<semaphore_mem>>) src(%dma_wait3A_137 : memref<128xi32, #tpu.memory_space<hbm>>) dst(%dma_wait3A_135 : memref<128xi32, #tpu.memory_space<vmem>>)
      %dma_wait3A_138 = arith.constant 1 : i32
      %dma_wait3A_139 = arith.constant 0 : i32
      %dma_wait3A_140 = tpu.memref_slice %arg8[%dma_wait3A_138, %dma_wait3A_139] : memref<2x128xi32, #tpu.memory_space<vmem>> -> memref<1x128xi32, #tpu.memory_space<vmem>>
      %dma_wait3A_141 = tpu.memref_squeeze %dma_wait3A_140 : memref<1x128xi32, #tpu.memory_space<vmem>> -> memref<128xi32, #tpu.memory_space<vmem>>
      %dma_wait3A_142 = arith.constant 0 : i32
      %dma_wait3A_143 = tpu.memref_slice %arg3[%dma_wait3A_142] : memref<320000xi32, #tpu.memory_space<hbm>> -> memref<128xi32, #tpu.memory_space<hbm>>
      %dma_wait3A_144 = arith.constant 0 : i32
      %dma_wait3A_145 = tpu.memref_slice %arg8[%dma_wait3A_138, %dma_wait3A_144] : memref<2x128xi32, #tpu.memory_space<vmem>> -> memref<1x128xi32, #tpu.memory_space<vmem>>
      %dma_wait3A_146 = tpu.memref_squeeze %dma_wait3A_145 : memref<1x128xi32, #tpu.memory_space<vmem>> -> memref<128xi32, #tpu.memory_space<vmem>>
      %dma_wait3A_147 = arith.constant 0 : i32
      %dma_wait3A_148 = tpu.memref_slice %arg3[%dma_wait3A_147] : memref<320000xi32, #tpu.memory_space<hbm>> -> memref<128xi32, #tpu.memory_space<hbm>>
      tpu.wait_dma2 semaphore(%arg18 : memref<!tpu.dma_semaphore, #tpu.memory_space<semaphore_mem>>) src(%dma_wait3A_148 : memref<128xi32, #tpu.memory_space<hbm>>) dst(%dma_wait3A_146 : memref<128xi32, #tpu.memory_space<vmem>>)
      %dma_start3A_149 = arith.constant 1 : i32
      %dma_start3A_150 = arith.constant 1 : i32
      %dma_start3A_151 = arith.constant 0 : i32
      %dma_start3A_152 = arith.constant 0 : i32
      %dma_start3A_153 = tpu.memref_slice %arg9[%dma_start3A_150, %dma_start3A_151, %dma_start3A_152] : memref<2x128x128xf32, #tpu.memory_space<vmem>> -> memref<1x128x128xf32, #tpu.memory_space<vmem>>
      %dma_start3A_154 = tpu.memref_squeeze %dma_start3A_153 : memref<1x128x128xf32, #tpu.memory_space<vmem>> -> memref<128x128xf32, #tpu.memory_space<vmem>>
      %dma_start3A_155 = arith.constant 0 : i32
      %dma_start3A_156 = tpu.memref_slice %arg7[%dma_start3A_149, %dma_start3A_155] : memref<2x128xi32, #tpu.memory_space<vmem>> -> memref<1x128xi32, #tpu.memory_space<vmem>>
      %dma_start3A_157 = tpu.memref_squeeze %dma_start3A_156 : memref<1x128xi32, #tpu.memory_space<vmem>> -> memref<128xi32, #tpu.memory_space<vmem>>
      %dma_start3A_158 = arith.constant 0 : i32
      %dma_start3A_159 = arith.constant 0 : i32
      %dma_start3A_160 = tpu.memref_slice %arg4[%dma_start3A_158, %dma_start3A_159] : memref<10000x128xf32, #tpu.memory_space<hbm>> -> memref<10000x128xf32, #tpu.memory_space<hbm>>
      tpu.enqueue_indirect_dma source(%dma_start3A_160 : memref<10000x128xf32, #tpu.memory_space<hbm>>) target(%dma_start3A_154 : memref<128x128xf32, #tpu.memory_space<vmem>>) offsets(%dma_start3A_157 : memref<128xi32, #tpu.memory_space<vmem>>) semaphore(%arg16 : memref<!tpu.dma_semaphore, #tpu.memory_space<semaphore_mem>>)
      %run_scoped3A = arith.constant 0 : i32
      %run_scoped3A_161 = arith.constant 0 : i32
      "tpu.region"() ({
        %run_scoped3A_188 = tpu.sem_alloc : memref<!tpu.dma_semaphore, #tpu.memory_space<semaphore_mem>>
        %dma_start3A_189 = arith.constant 0 : i32
        %dma_start3A_190 = arith.constant 0 : i32
        %dma_start3A_191 = tpu.memref_slice %arg9[%run_scoped3A, %dma_start3A_189, %dma_start3A_190] : memref<2x128x128xf32, #tpu.memory_space<vmem>> -> memref<1x128x128xf32, #tpu.memory_space<vmem>>
        %dma_start3A_192 = tpu.memref_squeeze %dma_start3A_191 : memref<1x128x128xf32, #tpu.memory_space<vmem>> -> memref<128x128xf32, #tpu.memory_space<vmem>>
        %dma_start3A_193 = arith.constant 0 : i32
        %dma_start3A_194 = tpu.memref_slice %arg8[%run_scoped3A_161, %dma_start3A_193] : memref<2x128xi32, #tpu.memory_space<vmem>> -> memref<1x128xi32, #tpu.memory_space<vmem>>
        %dma_start3A_195 = tpu.memref_squeeze %dma_start3A_194 : memref<1x128xi32, #tpu.memory_space<vmem>> -> memref<128xi32, #tpu.memory_space<vmem>>
        %dma_start3A_196 = arith.constant 0 : i32
        %dma_start3A_197 = arith.constant 0 : i32
        %dma_start3A_198 = tpu.memref_slice %arg14[%dma_start3A_196, %dma_start3A_197] : memref<10000x128xf32, #tpu.memory_space<vmem_shared>> -> memref<10000x128xf32, #tpu.memory_space<vmem_shared>>
        tpu.enqueue_indirect_dma source(%dma_start3A_192 : memref<128x128xf32, #tpu.memory_space<vmem>>) target(%dma_start3A_198 : memref<10000x128xf32, #tpu.memory_space<vmem_shared>>) offsets(%dma_start3A_195 : memref<128xi32, #tpu.memory_space<vmem>>) semaphore(%run_scoped3A_188 : memref<!tpu.dma_semaphore, #tpu.memory_space<semaphore_mem>>) {add = true}
        %dma_wait3A_199 = arith.constant 0 : i32
        %dma_wait3A_200 = arith.constant 0 : i32
        %dma_wait3A_201 = tpu.memref_slice %arg9[%run_scoped3A, %dma_wait3A_199, %dma_wait3A_200] : memref<2x128x128xf32, #tpu.memory_space<vmem>> -> memref<1x128x128xf32, #tpu.memory_space<vmem>>
        %dma_wait3A_202 = tpu.memref_squeeze %dma_wait3A_201 : memref<1x128x128xf32, #tpu.memory_space<vmem>> -> memref<128x128xf32, #tpu.memory_space<vmem>>
        %dma_wait3A_203 = arith.constant 0 : i32
        %dma_wait3A_204 = tpu.memref_slice %arg8[%run_scoped3A_161, %dma_wait3A_203] : memref<2x128xi32, #tpu.memory_space<vmem>> -> memref<1x128xi32, #tpu.memory_space<vmem>>
        %dma_wait3A_205 = tpu.memref_squeeze %dma_wait3A_204 : memref<1x128xi32, #tpu.memory_space<vmem>> -> memref<128xi32, #tpu.memory_space<vmem>>
        %dma_wait3A_206 = arith.constant 0 : i32
        %dma_wait3A_207 = arith.constant 0 : i32
        %dma_wait3A_208 = tpu.memref_slice %arg14[%dma_wait3A_206, %dma_wait3A_207] : memref<10000x128xf32, #tpu.memory_space<vmem_shared>> -> memref<10000x128xf32, #tpu.memory_space<vmem_shared>>
        tpu.wait_indirect_dma semaphore(%run_scoped3A_188 : memref<!tpu.dma_semaphore, #tpu.memory_space<semaphore_mem>>) src(%dma_wait3A_202 : memref<128x128xf32, #tpu.memory_space<vmem>>) dst(%dma_wait3A_208 : memref<10000x128xf32, #tpu.memory_space<vmem_shared>>)
        tpu.yield
      }) : () -> ()
      %eq3A_162 = arith.constant 38 : i32
      %eq3A_163 = arith.cmpi eq, %scan3A_87, %eq3A_162 : i32
      %not3A = arith.constant true
      %not3A_164 = arith.xori %eq3A_163, %not3A : i1
      %convert_element_type3A_165 = arith.extui %not3A_164 : i1 to i32
      %cond3A_166 = arith.constant 0 : i32
      %cond3A_167 = arith.cmpi ne, %convert_element_type3A_165, %cond3A_166 : i32
      scf.if %cond3A_167 {
        %mul3A_188 = arith.constant 2 : i32
        %mul3A_189 = arith.muli %mul3A_188, %scan3A_87 : i32
        %add3A_190 = arith.constant 2 : i32
        %add3A_191 = arith.addi %mul3A_189, %add3A_190 : i32
        %mul3A_192 = arith.constant 128 : i32
        %mul3A_193 = arith.muli %add3A_191, %mul3A_192 : i32
        %add3A_194 = arith.addi %mul3A_8, %mul3A_193 : i32
        %multiple_of3A_195 = tpu.assume_multiple %add3A_194, 8 : i32
        %dma_start3A_196 = arith.constant 0 : i32
        %dma_start3A_197 = arith.constant 0 : i32
        %dma_start3A_198 = tpu.memref_slice %arg7[%dma_start3A_196, %dma_start3A_197] : memref<2x128xi32, #tpu.memory_space<vmem>> -> memref<1x128xi32, #tpu.memory_space<vmem>>
        %dma_start3A_199 = tpu.memref_squeeze %dma_start3A_198 : memref<1x128xi32, #tpu.memory_space<vmem>> -> memref<128xi32, #tpu.memory_space<vmem>>
        %dma_start3A_200 = tpu.memref_slice %arg2[%multiple_of3A_195] : memref<320000xi32, #tpu.memory_space<hbm>> -> memref<128xi32, #tpu.memory_space<hbm>>
        %dma_start3A_201 = arith.constant 0 : i32
        %dma_start3A_202 = tpu.memref_slice %arg7[%dma_start3A_196, %dma_start3A_201] : memref<2x128xi32, #tpu.memory_space<vmem>> -> memref<1x128xi32, #tpu.memory_space<vmem>>
        %dma_start3A_203 = tpu.memref_squeeze %dma_start3A_202 : memref<1x128xi32, #tpu.memory_space<vmem>> -> memref<128xi32, #tpu.memory_space<vmem>>
        %dma_start3A_204 = tpu.memref_slice %arg2[%multiple_of3A_195] : memref<320000xi32, #tpu.memory_space<hbm>> -> memref<128xi32, #tpu.memory_space<hbm>>
        tpu.enqueue_dma source(%dma_start3A_204 : memref<128xi32, #tpu.memory_space<hbm>>) target(%dma_start3A_203 : memref<128xi32, #tpu.memory_space<vmem>>) target_semaphore(%arg17 : memref<!tpu.dma_semaphore, #tpu.memory_space<semaphore_mem>>)
        %dma_start3A_205 = arith.constant 0 : i32
        %dma_start3A_206 = arith.constant 0 : i32
        %dma_start3A_207 = tpu.memref_slice %arg8[%dma_start3A_205, %dma_start3A_206] : memref<2x128xi32, #tpu.memory_space<vmem>> -> memref<1x128xi32, #tpu.memory_space<vmem>>
        %dma_start3A_208 = tpu.memref_squeeze %dma_start3A_207 : memref<1x128xi32, #tpu.memory_space<vmem>> -> memref<128xi32, #tpu.memory_space<vmem>>
        %dma_start3A_209 = tpu.memref_slice %arg3[%multiple_of3A_195] : memref<320000xi32, #tpu.memory_space<hbm>> -> memref<128xi32, #tpu.memory_space<hbm>>
        %dma_start3A_210 = arith.constant 0 : i32
        %dma_start3A_211 = tpu.memref_slice %arg8[%dma_start3A_205, %dma_start3A_210] : memref<2x128xi32, #tpu.memory_space<vmem>> -> memref<1x128xi32, #tpu.memory_space<vmem>>
        %dma_start3A_212 = tpu.memref_squeeze %dma_start3A_211 : memref<1x128xi32, #tpu.memory_space<vmem>> -> memref<128xi32, #tpu.memory_space<vmem>>
        %dma_start3A_213 = tpu.memref_slice %arg3[%multiple_of3A_195] : memref<320000xi32, #tpu.memory_space<hbm>> -> memref<128xi32, #tpu.memory_space<hbm>>
        tpu.enqueue_dma source(%dma_start3A_213 : memref<128xi32, #tpu.memory_space<hbm>>) target(%dma_start3A_212 : memref<128xi32, #tpu.memory_space<vmem>>) target_semaphore(%arg17 : memref<!tpu.dma_semaphore, #tpu.memory_space<semaphore_mem>>)
      } else {
      }
      %dma_wait3A_168 = arith.constant 1 : i32
      %dma_wait3A_169 = arith.constant 1 : i32
      %dma_wait3A_170 = arith.constant 0 : i32
      %dma_wait3A_171 = arith.constant 0 : i32
      %dma_wait3A_172 = tpu.memref_slice %arg9[%dma_wait3A_169, %dma_wait3A_170, %dma_wait3A_171] : memref<2x128x128xf32, #tpu.memory_space<vmem>> -> memref<1x128x128xf32, #tpu.memory_space<vmem>>
      %dma_wait3A_173 = tpu.memref_squeeze %dma_wait3A_172 : memref<1x128x128xf32, #tpu.memory_space<vmem>> -> memref<128x128xf32, #tpu.memory_space<vmem>>
      %dma_wait3A_174 = arith.constant 0 : i32
      %dma_wait3A_175 = tpu.memref_slice %arg7[%dma_wait3A_168, %dma_wait3A_174] : memref<2x128xi32, #tpu.memory_space<vmem>> -> memref<1x128xi32, #tpu.memory_space<vmem>>
      %dma_wait3A_176 = tpu.memref_squeeze %dma_wait3A_175 : memref<1x128xi32, #tpu.memory_space<vmem>> -> memref<128xi32, #tpu.memory_space<vmem>>
      %dma_wait3A_177 = arith.constant 0 : i32
      %dma_wait3A_178 = arith.constant 0 : i32
      %dma_wait3A_179 = tpu.memref_slice %arg4[%dma_wait3A_177, %dma_wait3A_178] : memref<10000x128xf32, #tpu.memory_space<hbm>> -> memref<10000x128xf32, #tpu.memory_space<hbm>>
      tpu.wait_indirect_dma semaphore(%arg16 : memref<!tpu.dma_semaphore, #tpu.memory_space<semaphore_mem>>) src(%dma_wait3A_179 : memref<10000x128xf32, #tpu.memory_space<hbm>>) dst(%dma_wait3A_173 : memref<128x128xf32, #tpu.memory_space<vmem>>)
      %not3A_180 = arith.constant true
      %not3A_181 = arith.xori %eq3A_163, %not3A_180 : i1
      %convert_element_type3A_182 = arith.extui %not3A_181 : i1 to i32
      %cond3A_183 = arith.constant 0 : i32
      %cond3A_184 = arith.cmpi ne, %convert_element_type3A_182, %cond3A_183 : i32
      scf.if %cond3A_184 {
        %dma_wait3A_188 = arith.constant 0 : i32
        %dma_wait3A_189 = arith.constant 0 : i32
        %dma_wait3A_190 = tpu.memref_slice %arg7[%dma_wait3A_188, %dma_wait3A_189] : memref<2x128xi32, #tpu.memory_space<vmem>> -> memref<1x128xi32, #tpu.memory_space<vmem>>
        %dma_wait3A_191 = tpu.memref_squeeze %dma_wait3A_190 : memref<1x128xi32, #tpu.memory_space<vmem>> -> memref<128xi32, #tpu.memory_space<vmem>>
        %dma_wait3A_192 = arith.constant 0 : i32
        %dma_wait3A_193 = tpu.memref_slice %arg2[%dma_wait3A_192] : memref<320000xi32, #tpu.memory_space<hbm>> -> memref<128xi32, #tpu.memory_space<hbm>>
        %dma_wait3A_194 = arith.constant 0 : i32
        %dma_wait3A_195 = tpu.memref_slice %arg7[%dma_wait3A_188, %dma_wait3A_194] : memref<2x128xi32, #tpu.memory_space<vmem>> -> memref<1x128xi32, #tpu.memory_space<vmem>>
        %dma_wait3A_196 = tpu.memref_squeeze %dma_wait3A_195 : memref<1x128xi32, #tpu.memory_space<vmem>> -> memref<128xi32, #tpu.memory_space<vmem>>
        %dma_wait3A_197 = arith.constant 0 : i32
        %dma_wait3A_198 = tpu.memref_slice %arg2[%dma_wait3A_197] : memref<320000xi32, #tpu.memory_space<hbm>> -> memref<128xi32, #tpu.memory_space<hbm>>
        tpu.wait_dma2 semaphore(%arg17 : memref<!tpu.dma_semaphore, #tpu.memory_space<semaphore_mem>>) src(%dma_wait3A_198 : memref<128xi32, #tpu.memory_space<hbm>>) dst(%dma_wait3A_196 : memref<128xi32, #tpu.memory_space<vmem>>)
        %dma_wait3A_199 = arith.constant 0 : i32
        %dma_wait3A_200 = arith.constant 0 : i32
        %dma_wait3A_201 = tpu.memref_slice %arg8[%dma_wait3A_199, %dma_wait3A_200] : memref<2x128xi32, #tpu.memory_space<vmem>> -> memref<1x128xi32, #tpu.memory_space<vmem>>
        %dma_wait3A_202 = tpu.memref_squeeze %dma_wait3A_201 : memref<1x128xi32, #tpu.memory_space<vmem>> -> memref<128xi32, #tpu.memory_space<vmem>>
        %dma_wait3A_203 = arith.constant 0 : i32
        %dma_wait3A_204 = tpu.memref_slice %arg3[%dma_wait3A_203] : memref<320000xi32, #tpu.memory_space<hbm>> -> memref<128xi32, #tpu.memory_space<hbm>>
        %dma_wait3A_205 = arith.constant 0 : i32
        %dma_wait3A_206 = tpu.memref_slice %arg8[%dma_wait3A_199, %dma_wait3A_205] : memref<2x128xi32, #tpu.memory_space<vmem>> -> memref<1x128xi32, #tpu.memory_space<vmem>>
        %dma_wait3A_207 = tpu.memref_squeeze %dma_wait3A_206 : memref<1x128xi32, #tpu.memory_space<vmem>> -> memref<128xi32, #tpu.memory_space<vmem>>
        %dma_wait3A_208 = arith.constant 0 : i32
        %dma_wait3A_209 = tpu.memref_slice %arg3[%dma_wait3A_208] : memref<320000xi32, #tpu.memory_space<hbm>> -> memref<128xi32, #tpu.memory_space<hbm>>
        tpu.wait_dma2 semaphore(%arg17 : memref<!tpu.dma_semaphore, #tpu.memory_space<semaphore_mem>>) src(%dma_wait3A_209 : memref<128xi32, #tpu.memory_space<hbm>>) dst(%dma_wait3A_207 : memref<128xi32, #tpu.memory_space<vmem>>)
        %dma_start3A_210 = arith.constant 0 : i32
        %dma_start3A_211 = arith.constant 0 : i32
        %dma_start3A_212 = arith.constant 0 : i32
        %dma_start3A_213 = arith.constant 0 : i32
        %dma_start3A_214 = tpu.memref_slice %arg9[%dma_start3A_211, %dma_start3A_212, %dma_start3A_213] : memref<2x128x128xf32, #tpu.memory_space<vmem>> -> memref<1x128x128xf32, #tpu.memory_space<vmem>>
        %dma_start3A_215 = tpu.memref_squeeze %dma_start3A_214 : memref<1x128x128xf32, #tpu.memory_space<vmem>> -> memref<128x128xf32, #tpu.memory_space<vmem>>
        %dma_start3A_216 = arith.constant 0 : i32
        %dma_start3A_217 = tpu.memref_slice %arg7[%dma_start3A_210, %dma_start3A_216] : memref<2x128xi32, #tpu.memory_space<vmem>> -> memref<1x128xi32, #tpu.memory_space<vmem>>
        %dma_start3A_218 = tpu.memref_squeeze %dma_start3A_217 : memref<1x128xi32, #tpu.memory_space<vmem>> -> memref<128xi32, #tpu.memory_space<vmem>>
        %dma_start3A_219 = arith.constant 0 : i32
        %dma_start3A_220 = arith.constant 0 : i32
        %dma_start3A_221 = tpu.memref_slice %arg4[%dma_start3A_219, %dma_start3A_220] : memref<10000x128xf32, #tpu.memory_space<hbm>> -> memref<10000x128xf32, #tpu.memory_space<hbm>>
        tpu.enqueue_indirect_dma source(%dma_start3A_221 : memref<10000x128xf32, #tpu.memory_space<hbm>>) target(%dma_start3A_215 : memref<128x128xf32, #tpu.memory_space<vmem>>) offsets(%dma_start3A_218 : memref<128xi32, #tpu.memory_space<vmem>>) semaphore(%arg15 : memref<!tpu.dma_semaphore, #tpu.memory_space<semaphore_mem>>)
      } else {
      }
      %run_scoped3A_185 = arith.constant 1 : i32
      %run_scoped3A_186 = arith.constant 1 : i32
      "tpu.region"() ({
        %run_scoped3A_188 = tpu.sem_alloc : memref<!tpu.dma_semaphore, #tpu.memory_space<semaphore_mem>>
        %dma_start3A_189 = arith.constant 0 : i32
        %dma_start3A_190 = arith.constant 0 : i32
        %dma_start3A_191 = tpu.memref_slice %arg9[%run_scoped3A_185, %dma_start3A_189, %dma_start3A_190] : memref<2x128x128xf32, #tpu.memory_space<vmem>> -> memref<1x128x128xf32, #tpu.memory_space<vmem>>
        %dma_start3A_192 = tpu.memref_squeeze %dma_start3A_191 : memref<1x128x128xf32, #tpu.memory_space<vmem>> -> memref<128x128xf32, #tpu.memory_space<vmem>>
        %dma_start3A_193 = arith.constant 0 : i32
        %dma_start3A_194 = tpu.memref_slice %arg8[%run_scoped3A_186, %dma_start3A_193] : memref<2x128xi32, #tpu.memory_space<vmem>> -> memref<1x128xi32, #tpu.memory_space<vmem>>
        %dma_start3A_195 = tpu.memref_squeeze %dma_start3A_194 : memref<1x128xi32, #tpu.memory_space<vmem>> -> memref<128xi32, #tpu.memory_space<vmem>>
        %dma_start3A_196 = arith.constant 0 : i32
        %dma_start3A_197 = arith.constant 0 : i32
        %dma_start3A_198 = tpu.memref_slice %arg14[%dma_start3A_196, %dma_start3A_197] : memref<10000x128xf32, #tpu.memory_space<vmem_shared>> -> memref<10000x128xf32, #tpu.memory_space<vmem_shared>>
        tpu.enqueue_indirect_dma source(%dma_start3A_192 : memref<128x128xf32, #tpu.memory_space<vmem>>) target(%dma_start3A_198 : memref<10000x128xf32, #tpu.memory_space<vmem_shared>>) offsets(%dma_start3A_195 : memref<128xi32, #tpu.memory_space<vmem>>) semaphore(%run_scoped3A_188 : memref<!tpu.dma_semaphore, #tpu.memory_space<semaphore_mem>>) {add = true}
        %dma_wait3A_199 = arith.constant 0 : i32
        %dma_wait3A_200 = arith.constant 0 : i32
        %dma_wait3A_201 = tpu.memref_slice %arg9[%run_scoped3A_185, %dma_wait3A_199, %dma_wait3A_200] : memref<2x128x128xf32, #tpu.memory_space<vmem>> -> memref<1x128x128xf32, #tpu.memory_space<vmem>>
        %dma_wait3A_202 = tpu.memref_squeeze %dma_wait3A_201 : memref<1x128x128xf32, #tpu.memory_space<vmem>> -> memref<128x128xf32, #tpu.memory_space<vmem>>
        %dma_wait3A_203 = arith.constant 0 : i32
        %dma_wait3A_204 = tpu.memref_slice %arg8[%run_scoped3A_186, %dma_wait3A_203] : memref<2x128xi32, #tpu.memory_space<vmem>> -> memref<1x128xi32, #tpu.memory_space<vmem>>
        %dma_wait3A_205 = tpu.memref_squeeze %dma_wait3A_204 : memref<1x128xi32, #tpu.memory_space<vmem>> -> memref<128xi32, #tpu.memory_space<vmem>>
        %dma_wait3A_206 = arith.constant 0 : i32
        %dma_wait3A_207 = arith.constant 0 : i32
        %dma_wait3A_208 = tpu.memref_slice %arg14[%dma_wait3A_206, %dma_wait3A_207] : memref<10000x128xf32, #tpu.memory_space<vmem_shared>> -> memref<10000x128xf32, #tpu.memory_space<vmem_shared>>
        tpu.wait_indirect_dma semaphore(%run_scoped3A_188 : memref<!tpu.dma_semaphore, #tpu.memory_space<semaphore_mem>>) src(%dma_wait3A_202 : memref<128x128xf32, #tpu.memory_space<vmem>>) dst(%dma_wait3A_208 : memref<10000x128xf32, #tpu.memory_space<vmem_shared>>)
        tpu.yield
      }) : () -> ()
      %scan3A_187 = arith.constant 0 : i32
      scf.yield %scan3A_187 : i32
    }
    %scan3A_75 = arith.constant 39 : i32
    %barrier3A_76 = arith.constant 0 : index
    tpu.barrier barrier_id(%barrier3A_76)
    %lt3A_77 = arith.constant 15 : i32
    %lt3A_78 = arith.cmpi slt, %arg1, %lt3A_77 : i32
    %convert_element_type3A_79 = arith.extui %lt3A_78 : i1 to i32
    %cond3A_80 = arith.constant 0 : i32
    %cond3A_81 = arith.cmpi ne, %convert_element_type3A_79, %cond3A_80 : i32
    scf.if %cond3A_81 {
      %mul3A_87 = arith.constant 640 : i32
      %mul3A_88 = arith.muli %arg1, %mul3A_87 : i32
      %add3A_89 = arith.constant 0 : i32
      %add3A_90 = arith.addi %mul3A_88, %add3A_89 : i32
      "tpu.region"() ({
        %run_scoped3A = tpu.sem_alloc : memref<!tpu.dma_semaphore, #tpu.memory_space<semaphore_mem>>
        %dma_start3A_167 = arith.constant 0 : i32
        %dma_start3A_168 = tpu.memref_slice %arg14[%add3A_90, %dma_start3A_167] : memref<10000x128xf32, #tpu.memory_space<vmem_shared>> -> memref<64x128xf32, #tpu.memory_space<vmem_shared>>
        %dma_start3A_169 = arith.constant 0 : i32
        %dma_start3A_170 = tpu.memref_slice %arg14[%add3A_90, %dma_start3A_169] : memref<10000x128xf32, #tpu.memory_space<vmem_shared>> -> memref<64x128xf32, #tpu.memory_space<vmem_shared>>
        tpu.enqueue_dma source(%dma_start3A_170 : memref<64x128xf32, #tpu.memory_space<vmem_shared>>) target(%arg13 : memref<64x128xf32, #tpu.memory_space<vmem>>) target_semaphore(%run_scoped3A : memref<!tpu.dma_semaphore, #tpu.memory_space<semaphore_mem>>)
        %dma_wait3A_171 = arith.constant 0 : i32
        %dma_wait3A_172 = tpu.memref_slice %arg14[%add3A_90, %dma_wait3A_171] : memref<10000x128xf32, #tpu.memory_space<vmem_shared>> -> memref<64x128xf32, #tpu.memory_space<vmem_shared>>
        %dma_wait3A_173 = arith.constant 0 : i32
        %dma_wait3A_174 = tpu.memref_slice %arg14[%add3A_90, %dma_wait3A_173] : memref<10000x128xf32, #tpu.memory_space<vmem_shared>> -> memref<64x128xf32, #tpu.memory_space<vmem_shared>>
        tpu.wait_dma2 semaphore(%run_scoped3A : memref<!tpu.dma_semaphore, #tpu.memory_space<semaphore_mem>>) src(%dma_wait3A_174 : memref<64x128xf32, #tpu.memory_space<vmem_shared>>) dst(%arg13 : memref<64x128xf32, #tpu.memory_space<vmem>>)
        tpu.yield
      }) : () -> ()
      %mul3A_91 = arith.constant 640 : i32
      %mul3A_92 = arith.muli %arg1, %mul3A_91 : i32
      %add3A_93 = arith.constant 0 : i32
      %add3A_94 = arith.addi %mul3A_92, %add3A_93 : i32
      "tpu.region"() ({
        %run_scoped3A = tpu.sem_alloc : memref<!tpu.dma_semaphore, #tpu.memory_space<semaphore_mem>>
        %dma_start3A_167 = arith.constant 0 : i32
        %dma_start3A_168 = tpu.memref_slice %arg6[%arg0, %add3A_94, %dma_start3A_167] : memref<2x10000x128xf32, #tpu.memory_space<hbm>> -> memref<1x64x128xf32, #tpu.memory_space<hbm>>
        %dma_start3A_169 = tpu.memref_squeeze %dma_start3A_168 : memref<1x64x128xf32, #tpu.memory_space<hbm>> -> memref<64x128xf32, #tpu.memory_space<hbm>>
        %dma_start3A_170 = arith.constant 0 : i32
        %dma_start3A_171 = tpu.memref_slice %arg6[%arg0, %add3A_94, %dma_start3A_170] : memref<2x10000x128xf32, #tpu.memory_space<hbm>> -> memref<1x64x128xf32, #tpu.memory_space<hbm>>
        %dma_start3A_172 = tpu.memref_squeeze %dma_start3A_171 : memref<1x64x128xf32, #tpu.memory_space<hbm>> -> memref<64x128xf32, #tpu.memory_space<hbm>>
        tpu.enqueue_dma source(%arg13 : memref<64x128xf32, #tpu.memory_space<vmem>>) target(%dma_start3A_172 : memref<64x128xf32, #tpu.memory_space<hbm>>) target_semaphore(%run_scoped3A : memref<!tpu.dma_semaphore, #tpu.memory_space<semaphore_mem>>)
        %dma_wait3A_173 = arith.constant 0 : i32
        %dma_wait3A_174 = tpu.memref_slice %arg6[%arg0, %add3A_94, %dma_wait3A_173] : memref<2x10000x128xf32, #tpu.memory_space<hbm>> -> memref<1x64x128xf32, #tpu.memory_space<hbm>>
        %dma_wait3A_175 = tpu.memref_squeeze %dma_wait3A_174 : memref<1x64x128xf32, #tpu.memory_space<hbm>> -> memref<64x128xf32, #tpu.memory_space<hbm>>
        %dma_wait3A_176 = arith.constant 0 : i32
        %dma_wait3A_177 = tpu.memref_slice %arg6[%arg0, %add3A_94, %dma_wait3A_176] : memref<2x10000x128xf32, #tpu.memory_space<hbm>> -> memref<1x64x128xf32, #tpu.memory_space<hbm>>
        %dma_wait3A_178 = tpu.memref_squeeze %dma_wait3A_177 : memref<1x64x128xf32, #tpu.memory_space<hbm>> -> memref<64x128xf32, #tpu.memory_space<hbm>>
        tpu.wait_dma2 semaphore(%run_scoped3A : memref<!tpu.dma_semaphore, #tpu.memory_space<semaphore_mem>>) src(%arg13 : memref<64x128xf32, #tpu.memory_space<vmem>>) dst(%dma_wait3A_178 : memref<64x128xf32, #tpu.memory_space<hbm>>)
        tpu.yield
      }) : () -> ()
      %mul3A_95 = arith.constant 640 : i32
      %mul3A_96 = arith.muli %arg1, %mul3A_95 : i32
      %add3A_97 = arith.constant 64 : i32
      %add3A_98 = arith.addi %mul3A_96, %add3A_97 : i32
      "tpu.region"() ({
        %run_scoped3A = tpu.sem_alloc : memref<!tpu.dma_semaphore, #tpu.memory_space<semaphore_mem>>
        %dma_start3A_167 = arith.constant 0 : i32
        %dma_start3A_168 = tpu.memref_slice %arg14[%add3A_98, %dma_start3A_167] : memref<10000x128xf32, #tpu.memory_space<vmem_shared>> -> memref<64x128xf32, #tpu.memory_space<vmem_shared>>
        %dma_start3A_169 = arith.constant 0 : i32
        %dma_start3A_170 = tpu.memref_slice %arg14[%add3A_98, %dma_start3A_169] : memref<10000x128xf32, #tpu.memory_space<vmem_shared>> -> memref<64x128xf32, #tpu.memory_space<vmem_shared>>
        tpu.enqueue_dma source(%dma_start3A_170 : memref<64x128xf32, #tpu.memory_space<vmem_shared>>) target(%arg13 : memref<64x128xf32, #tpu.memory_space<vmem>>) target_semaphore(%run_scoped3A : memref<!tpu.dma_semaphore, #tpu.memory_space<semaphore_mem>>)
        %dma_wait3A_171 = arith.constant 0 : i32
        %dma_wait3A_172 = tpu.memref_slice %arg14[%add3A_98, %dma_wait3A_171] : memref<10000x128xf32, #tpu.memory_space<vmem_shared>> -> memref<64x128xf32, #tpu.memory_space<vmem_shared>>
        %dma_wait3A_173 = arith.constant 0 : i32
        %dma_wait3A_174 = tpu.memref_slice %arg14[%add3A_98, %dma_wait3A_173] : memref<10000x128xf32, #tpu.memory_space<vmem_shared>> -> memref<64x128xf32, #tpu.memory_space<vmem_shared>>
        tpu.wait_dma2 semaphore(%run_scoped3A : memref<!tpu.dma_semaphore, #tpu.memory_space<semaphore_mem>>) src(%dma_wait3A_174 : memref<64x128xf32, #tpu.memory_space<vmem_shared>>) dst(%arg13 : memref<64x128xf32, #tpu.memory_space<vmem>>)
        tpu.yield
      }) : () -> ()
      %mul3A_99 = arith.constant 640 : i32
      %mul3A_100 = arith.muli %arg1, %mul3A_99 : i32
      %add3A_101 = arith.constant 64 : i32
      %add3A_102 = arith.addi %mul3A_100, %add3A_101 : i32
      "tpu.region"() ({
        %run_scoped3A = tpu.sem_alloc : memref<!tpu.dma_semaphore, #tpu.memory_space<semaphore_mem>>
        %dma_start3A_167 = arith.constant 0 : i32
        %dma_start3A_168 = tpu.memref_slice %arg6[%arg0, %add3A_102, %dma_start3A_167] : memref<2x10000x128xf32, #tpu.memory_space<hbm>> -> memref<1x64x128xf32, #tpu.memory_space<hbm>>
        %dma_start3A_169 = tpu.memref_squeeze %dma_start3A_168 : memref<1x64x128xf32, #tpu.memory_space<hbm>> -> memref<64x128xf32, #tpu.memory_space<hbm>>
        %dma_start3A_170 = arith.constant 0 : i32
        %dma_start3A_171 = tpu.memref_slice %arg6[%arg0, %add3A_102, %dma_start3A_170] : memref<2x10000x128xf32, #tpu.memory_space<hbm>> -> memref<1x64x128xf32, #tpu.memory_space<hbm>>
        %dma_start3A_172 = tpu.memref_squeeze %dma_start3A_171 : memref<1x64x128xf32, #tpu.memory_space<hbm>> -> memref<64x128xf32, #tpu.memory_space<hbm>>
        tpu.enqueue_dma source(%arg13 : memref<64x128xf32, #tpu.memory_space<vmem>>) target(%dma_start3A_172 : memref<64x128xf32, #tpu.memory_space<hbm>>) target_semaphore(%run_scoped3A : memref<!tpu.dma_semaphore, #tpu.memory_space<semaphore_mem>>)
        %dma_wait3A_173 = arith.constant 0 : i32
        %dma_wait3A_174 = tpu.memref_slice %arg6[%arg0, %add3A_102, %dma_wait3A_173] : memref<2x10000x128xf32, #tpu.memory_space<hbm>> -> memref<1x64x128xf32, #tpu.memory_space<hbm>>
        %dma_wait3A_175 = tpu.memref_squeeze %dma_wait3A_174 : memref<1x64x128xf32, #tpu.memory_space<hbm>> -> memref<64x128xf32, #tpu.memory_space<hbm>>
        %dma_wait3A_176 = arith.constant 0 : i32
        %dma_wait3A_177 = tpu.memref_slice %arg6[%arg0, %add3A_102, %dma_wait3A_176] : memref<2x10000x128xf32, #tpu.memory_space<hbm>> -> memref<1x64x128xf32, #tpu.memory_space<hbm>>
        %dma_wait3A_178 = tpu.memref_squeeze %dma_wait3A_177 : memref<1x64x128xf32, #tpu.memory_space<hbm>> -> memref<64x128xf32, #tpu.memory_space<hbm>>
        tpu.wait_dma2 semaphore(%run_scoped3A : memref<!tpu.dma_semaphore, #tpu.memory_space<semaphore_mem>>) src(%arg13 : memref<64x128xf32, #tpu.memory_space<vmem>>) dst(%dma_wait3A_178 : memref<64x128xf32, #tpu.memory_space<hbm>>)
        tpu.yield
      }) : () -> ()
      %mul3A_103 = arith.constant 640 : i32
      %mul3A_104 = arith.muli %arg1, %mul3A_103 : i32
      %add3A_105 = arith.constant 128 : i32
      %add3A_106 = arith.addi %mul3A_104, %add3A_105 : i32
      "tpu.region"() ({
        %run_scoped3A = tpu.sem_alloc : memref<!tpu.dma_semaphore, #tpu.memory_space<semaphore_mem>>
        %dma_start3A_167 = arith.constant 0 : i32
        %dma_start3A_168 = tpu.memref_slice %arg14[%add3A_106, %dma_start3A_167] : memref<10000x128xf32, #tpu.memory_space<vmem_shared>> -> memref<64x128xf32, #tpu.memory_space<vmem_shared>>
        %dma_start3A_169 = arith.constant 0 : i32
        %dma_start3A_170 = tpu.memref_slice %arg14[%add3A_106, %dma_start3A_169] : memref<10000x128xf32, #tpu.memory_space<vmem_shared>> -> memref<64x128xf32, #tpu.memory_space<vmem_shared>>
        tpu.enqueue_dma source(%dma_start3A_170 : memref<64x128xf32, #tpu.memory_space<vmem_shared>>) target(%arg13 : memref<64x128xf32, #tpu.memory_space<vmem>>) target_semaphore(%run_scoped3A : memref<!tpu.dma_semaphore, #tpu.memory_space<semaphore_mem>>)
        %dma_wait3A_171 = arith.constant 0 : i32
        %dma_wait3A_172 = tpu.memref_slice %arg14[%add3A_106, %dma_wait3A_171] : memref<10000x128xf32, #tpu.memory_space<vmem_shared>> -> memref<64x128xf32, #tpu.memory_space<vmem_shared>>
        %dma_wait3A_173 = arith.constant 0 : i32
        %dma_wait3A_174 = tpu.memref_slice %arg14[%add3A_106, %dma_wait3A_173] : memref<10000x128xf32, #tpu.memory_space<vmem_shared>> -> memref<64x128xf32, #tpu.memory_space<vmem_shared>>
        tpu.wait_dma2 semaphore(%run_scoped3A : memref<!tpu.dma_semaphore, #tpu.memory_space<semaphore_mem>>) src(%dma_wait3A_174 : memref<64x128xf32, #tpu.memory_space<vmem_shared>>) dst(%arg13 : memref<64x128xf32, #tpu.memory_space<vmem>>)
        tpu.yield
      }) : () -> ()
      %mul3A_107 = arith.constant 640 : i32
      %mul3A_108 = arith.muli %arg1, %mul3A_107 : i32
      %add3A_109 = arith.constant 128 : i32
      %add3A_110 = arith.addi %mul3A_108, %add3A_109 : i32
      "tpu.region"() ({
        %run_scoped3A = tpu.sem_alloc : memref<!tpu.dma_semaphore, #tpu.memory_space<semaphore_mem>>
        %dma_start3A_167 = arith.constant 0 : i32
        %dma_start3A_168 = tpu.memref_slice %arg6[%arg0, %add3A_110, %dma_start3A_167] : memref<2x10000x128xf32, #tpu.memory_space<hbm>> -> memref<1x64x128xf32, #tpu.memory_space<hbm>>
        %dma_start3A_169 = tpu.memref_squeeze %dma_start3A_168 : memref<1x64x128xf32, #tpu.memory_space<hbm>> -> memref<64x128xf32, #tpu.memory_space<hbm>>
        %dma_start3A_170 = arith.constant 0 : i32
        %dma_start3A_171 = tpu.memref_slice %arg6[%arg0, %add3A_110, %dma_start3A_170] : memref<2x10000x128xf32, #tpu.memory_space<hbm>> -> memref<1x64x128xf32, #tpu.memory_space<hbm>>
        %dma_start3A_172 = tpu.memref_squeeze %dma_start3A_171 : memref<1x64x128xf32, #tpu.memory_space<hbm>> -> memref<64x128xf32, #tpu.memory_space<hbm>>
        tpu.enqueue_dma source(%arg13 : memref<64x128xf32, #tpu.memory_space<vmem>>) target(%dma_start3A_172 : memref<64x128xf32, #tpu.memory_space<hbm>>) target_semaphore(%run_scoped3A : memref<!tpu.dma_semaphore, #tpu.memory_space<semaphore_mem>>)
        %dma_wait3A_173 = arith.constant 0 : i32
        %dma_wait3A_174 = tpu.memref_slice %arg6[%arg0, %add3A_110, %dma_wait3A_173] : memref<2x10000x128xf32, #tpu.memory_space<hbm>> -> memref<1x64x128xf32, #tpu.memory_space<hbm>>
        %dma_wait3A_175 = tpu.memref_squeeze %dma_wait3A_174 : memref<1x64x128xf32, #tpu.memory_space<hbm>> -> memref<64x128xf32, #tpu.memory_space<hbm>>
        %dma_wait3A_176 = arith.constant 0 : i32
        %dma_wait3A_177 = tpu.memref_slice %arg6[%arg0, %add3A_110, %dma_wait3A_176] : memref<2x10000x128xf32, #tpu.memory_space<hbm>> -> memref<1x64x128xf32, #tpu.memory_space<hbm>>
        %dma_wait3A_178 = tpu.memref_squeeze %dma_wait3A_177 : memref<1x64x128xf32, #tpu.memory_space<hbm>> -> memref<64x128xf32, #tpu.memory_space<hbm>>
        tpu.wait_dma2 semaphore(%run_scoped3A : memref<!tpu.dma_semaphore, #tpu.memory_space<semaphore_mem>>) src(%arg13 : memref<64x128xf32, #tpu.memory_space<vmem>>) dst(%dma_wait3A_178 : memref<64x128xf32, #tpu.memory_space<hbm>>)
        tpu.yield
      }) : () -> ()
      %mul3A_111 = arith.constant 640 : i32
      %mul3A_112 = arith.muli %arg1, %mul3A_111 : i32
      %add3A_113 = arith.constant 192 : i32
      %add3A_114 = arith.addi %mul3A_112, %add3A_113 : i32
      "tpu.region"() ({
        %run_scoped3A = tpu.sem_alloc : memref<!tpu.dma_semaphore, #tpu.memory_space<semaphore_mem>>
        %dma_start3A_167 = arith.constant 0 : i32
        %dma_start3A_168 = tpu.memref_slice %arg14[%add3A_114, %dma_start3A_167] : memref<10000x128xf32, #tpu.memory_space<vmem_shared>> -> memref<64x128xf32, #tpu.memory_space<vmem_shared>>
        %dma_start3A_169 = arith.constant 0 : i32
        %dma_start3A_170 = tpu.memref_slice %arg14[%add3A_114, %dma_start3A_169] : memref<10000x128xf32, #tpu.memory_space<vmem_shared>> -> memref<64x128xf32, #tpu.memory_space<vmem_shared>>
        tpu.enqueue_dma source(%dma_start3A_170 : memref<64x128xf32, #tpu.memory_space<vmem_shared>>) target(%arg13 : memref<64x128xf32, #tpu.memory_space<vmem>>) target_semaphore(%run_scoped3A : memref<!tpu.dma_semaphore, #tpu.memory_space<semaphore_mem>>)
        %dma_wait3A_171 = arith.constant 0 : i32
        %dma_wait3A_172 = tpu.memref_slice %arg14[%add3A_114, %dma_wait3A_171] : memref<10000x128xf32, #tpu.memory_space<vmem_shared>> -> memref<64x128xf32, #tpu.memory_space<vmem_shared>>
        %dma_wait3A_173 = arith.constant 0 : i32
        %dma_wait3A_174 = tpu.memref_slice %arg14[%add3A_114, %dma_wait3A_173] : memref<10000x128xf32, #tpu.memory_space<vmem_shared>> -> memref<64x128xf32, #tpu.memory_space<vmem_shared>>
        tpu.wait_dma2 semaphore(%run_scoped3A : memref<!tpu.dma_semaphore, #tpu.memory_space<semaphore_mem>>) src(%dma_wait3A_174 : memref<64x128xf32, #tpu.memory_space<vmem_shared>>) dst(%arg13 : memref<64x128xf32, #tpu.memory_space<vmem>>)
        tpu.yield
      }) : () -> ()
      %mul3A_115 = arith.constant 640 : i32
      %mul3A_116 = arith.muli %arg1, %mul3A_115 : i32
      %add3A_117 = arith.constant 192 : i32
      %add3A_118 = arith.addi %mul3A_116, %add3A_117 : i32
      "tpu.region"() ({
        %run_scoped3A = tpu.sem_alloc : memref<!tpu.dma_semaphore, #tpu.memory_space<semaphore_mem>>
        %dma_start3A_167 = arith.constant 0 : i32
        %dma_start3A_168 = tpu.memref_slice %arg6[%arg0, %add3A_118, %dma_start3A_167] : memref<2x10000x128xf32, #tpu.memory_space<hbm>> -> memref<1x64x128xf32, #tpu.memory_space<hbm>>
        %dma_start3A_169 = tpu.memref_squeeze %dma_start3A_168 : memref<1x64x128xf32, #tpu.memory_space<hbm>> -> memref<64x128xf32, #tpu.memory_space<hbm>>
        %dma_start3A_170 = arith.constant 0 : i32
        %dma_start3A_171 = tpu.memref_slice %arg6[%arg0, %add3A_118, %dma_start3A_170] : memref<2x10000x128xf32, #tpu.memory_space<hbm>> -> memref<1x64x128xf32, #tpu.memory_space<hbm>>
        %dma_start3A_172 = tpu.memref_squeeze %dma_start3A_171 : memref<1x64x128xf32, #tpu.memory_space<hbm>> -> memref<64x128xf32, #tpu.memory_space<hbm>>
        tpu.enqueue_dma source(%arg13 : memref<64x128xf32, #tpu.memory_space<vmem>>) target(%dma_start3A_172 : memref<64x128xf32, #tpu.memory_space<hbm>>) target_semaphore(%run_scoped3A : memref<!tpu.dma_semaphore, #tpu.memory_space<semaphore_mem>>)
        %dma_wait3A_173 = arith.constant 0 : i32
        %dma_wait3A_174 = tpu.memref_slice %arg6[%arg0, %add3A_118, %dma_wait3A_173] : memref<2x10000x128xf32, #tpu.memory_space<hbm>> -> memref<1x64x128xf32, #tpu.memory_space<hbm>>
        %dma_wait3A_175 = tpu.memref_squeeze %dma_wait3A_174 : memref<1x64x128xf32, #tpu.memory_space<hbm>> -> memref<64x128xf32, #tpu.memory_space<hbm>>
        %dma_wait3A_176 = arith.constant 0 : i32
        %dma_wait3A_177 = tpu.memref_slice %arg6[%arg0, %add3A_118, %dma_wait3A_176] : memref<2x10000x128xf32, #tpu.memory_space<hbm>> -> memref<1x64x128xf32, #tpu.memory_space<hbm>>
        %dma_wait3A_178 = tpu.memref_squeeze %dma_wait3A_177 : memref<1x64x128xf32, #tpu.memory_space<hbm>> -> memref<64x128xf32, #tpu.memory_space<hbm>>
        tpu.wait_dma2 semaphore(%run_scoped3A : memref<!tpu.dma_semaphore, #tpu.memory_space<semaphore_mem>>) src(%arg13 : memref<64x128xf32, #tpu.memory_space<vmem>>) dst(%dma_wait3A_178 : memref<64x128xf32, #tpu.memory_space<hbm>>)
        tpu.yield
      }) : () -> ()
      %mul3A_119 = arith.constant 640 : i32
      %mul3A_120 = arith.muli %arg1, %mul3A_119 : i32
      %add3A_121 = arith.constant 256 : i32
      %add3A_122 = arith.addi %mul3A_120, %add3A_121 : i32
      "tpu.region"() ({
        %run_scoped3A = tpu.sem_alloc : memref<!tpu.dma_semaphore, #tpu.memory_space<semaphore_mem>>
        %dma_start3A_167 = arith.constant 0 : i32
        %dma_start3A_168 = tpu.memref_slice %arg14[%add3A_122, %dma_start3A_167] : memref<10000x128xf32, #tpu.memory_space<vmem_shared>> -> memref<64x128xf32, #tpu.memory_space<vmem_shared>>
        %dma_start3A_169 = arith.constant 0 : i32
        %dma_start3A_170 = tpu.memref_slice %arg14[%add3A_122, %dma_start3A_169] : memref<10000x128xf32, #tpu.memory_space<vmem_shared>> -> memref<64x128xf32, #tpu.memory_space<vmem_shared>>
        tpu.enqueue_dma source(%dma_start3A_170 : memref<64x128xf32, #tpu.memory_space<vmem_shared>>) target(%arg13 : memref<64x128xf32, #tpu.memory_space<vmem>>) target_semaphore(%run_scoped3A : memref<!tpu.dma_semaphore, #tpu.memory_space<semaphore_mem>>)
        %dma_wait3A_171 = arith.constant 0 : i32
        %dma_wait3A_172 = tpu.memref_slice %arg14[%add3A_122, %dma_wait3A_171] : memref<10000x128xf32, #tpu.memory_space<vmem_shared>> -> memref<64x128xf32, #tpu.memory_space<vmem_shared>>
        %dma_wait3A_173 = arith.constant 0 : i32
        %dma_wait3A_174 = tpu.memref_slice %arg14[%add3A_122, %dma_wait3A_173] : memref<10000x128xf32, #tpu.memory_space<vmem_shared>> -> memref<64x128xf32, #tpu.memory_space<vmem_shared>>
        tpu.wait_dma2 semaphore(%run_scoped3A : memref<!tpu.dma_semaphore, #tpu.memory_space<semaphore_mem>>) src(%dma_wait3A_174 : memref<64x128xf32, #tpu.memory_space<vmem_shared>>) dst(%arg13 : memref<64x128xf32, #tpu.memory_space<vmem>>)
        tpu.yield
      }) : () -> ()
      %mul3A_123 = arith.constant 640 : i32
      %mul3A_124 = arith.muli %arg1, %mul3A_123 : i32
      %add3A_125 = arith.constant 256 : i32
      %add3A_126 = arith.addi %mul3A_124, %add3A_125 : i32
      "tpu.region"() ({
        %run_scoped3A = tpu.sem_alloc : memref<!tpu.dma_semaphore, #tpu.memory_space<semaphore_mem>>
        %dma_start3A_167 = arith.constant 0 : i32
        %dma_start3A_168 = tpu.memref_slice %arg6[%arg0, %add3A_126, %dma_start3A_167] : memref<2x10000x128xf32, #tpu.memory_space<hbm>> -> memref<1x64x128xf32, #tpu.memory_space<hbm>>
        %dma_start3A_169 = tpu.memref_squeeze %dma_start3A_168 : memref<1x64x128xf32, #tpu.memory_space<hbm>> -> memref<64x128xf32, #tpu.memory_space<hbm>>
        %dma_start3A_170 = arith.constant 0 : i32
        %dma_start3A_171 = tpu.memref_slice %arg6[%arg0, %add3A_126, %dma_start3A_170] : memref<2x10000x128xf32, #tpu.memory_space<hbm>> -> memref<1x64x128xf32, #tpu.memory_space<hbm>>
        %dma_start3A_172 = tpu.memref_squeeze %dma_start3A_171 : memref<1x64x128xf32, #tpu.memory_space<hbm>> -> memref<64x128xf32, #tpu.memory_space<hbm>>
        tpu.enqueue_dma source(%arg13 : memref<64x128xf32, #tpu.memory_space<vmem>>) target(%dma_start3A_172 : memref<64x128xf32, #tpu.memory_space<hbm>>) target_semaphore(%run_scoped3A : memref<!tpu.dma_semaphore, #tpu.memory_space<semaphore_mem>>)
        %dma_wait3A_173 = arith.constant 0 : i32
        %dma_wait3A_174 = tpu.memref_slice %arg6[%arg0, %add3A_126, %dma_wait3A_173] : memref<2x10000x128xf32, #tpu.memory_space<hbm>> -> memref<1x64x128xf32, #tpu.memory_space<hbm>>
        %dma_wait3A_175 = tpu.memref_squeeze %dma_wait3A_174 : memref<1x64x128xf32, #tpu.memory_space<hbm>> -> memref<64x128xf32, #tpu.memory_space<hbm>>
        %dma_wait3A_176 = arith.constant 0 : i32
        %dma_wait3A_177 = tpu.memref_slice %arg6[%arg0, %add3A_126, %dma_wait3A_176] : memref<2x10000x128xf32, #tpu.memory_space<hbm>> -> memref<1x64x128xf32, #tpu.memory_space<hbm>>
        %dma_wait3A_178 = tpu.memref_squeeze %dma_wait3A_177 : memref<1x64x128xf32, #tpu.memory_space<hbm>> -> memref<64x128xf32, #tpu.memory_space<hbm>>
        tpu.wait_dma2 semaphore(%run_scoped3A : memref<!tpu.dma_semaphore, #tpu.memory_space<semaphore_mem>>) src(%arg13 : memref<64x128xf32, #tpu.memory_space<vmem>>) dst(%dma_wait3A_178 : memref<64x128xf32, #tpu.memory_space<hbm>>)
        tpu.yield
      }) : () -> ()
      %mul3A_127 = arith.constant 640 : i32
      %mul3A_128 = arith.muli %arg1, %mul3A_127 : i32
      %add3A_129 = arith.constant 320 : i32
      %add3A_130 = arith.addi %mul3A_128, %add3A_129 : i32
      "tpu.region"() ({
        %run_scoped3A = tpu.sem_alloc : memref<!tpu.dma_semaphore, #tpu.memory_space<semaphore_mem>>
        %dma_start3A_167 = arith.constant 0 : i32
        %dma_start3A_168 = tpu.memref_slice %arg14[%add3A_130, %dma_start3A_167] : memref<10000x128xf32, #tpu.memory_space<vmem_shared>> -> memref<64x128xf32, #tpu.memory_space<vmem_shared>>
        %dma_start3A_169 = arith.constant 0 : i32
        %dma_start3A_170 = tpu.memref_slice %arg14[%add3A_130, %dma_start3A_169] : memref<10000x128xf32, #tpu.memory_space<vmem_shared>> -> memref<64x128xf32, #tpu.memory_space<vmem_shared>>
        tpu.enqueue_dma source(%dma_start3A_170 : memref<64x128xf32, #tpu.memory_space<vmem_shared>>) target(%arg13 : memref<64x128xf32, #tpu.memory_space<vmem>>) target_semaphore(%run_scoped3A : memref<!tpu.dma_semaphore, #tpu.memory_space<semaphore_mem>>)
        %dma_wait3A_171 = arith.constant 0 : i32
        %dma_wait3A_172 = tpu.memref_slice %arg14[%add3A_130, %dma_wait3A_171] : memref<10000x128xf32, #tpu.memory_space<vmem_shared>> -> memref<64x128xf32, #tpu.memory_space<vmem_shared>>
        %dma_wait3A_173 = arith.constant 0 : i32
        %dma_wait3A_174 = tpu.memref_slice %arg14[%add3A_130, %dma_wait3A_173] : memref<10000x128xf32, #tpu.memory_space<vmem_shared>> -> memref<64x128xf32, #tpu.memory_space<vmem_shared>>
        tpu.wait_dma2 semaphore(%run_scoped3A : memref<!tpu.dma_semaphore, #tpu.memory_space<semaphore_mem>>) src(%dma_wait3A_174 : memref<64x128xf32, #tpu.memory_space<vmem_shared>>) dst(%arg13 : memref<64x128xf32, #tpu.memory_space<vmem>>)
        tpu.yield
      }) : () -> ()
      %mul3A_131 = arith.constant 640 : i32
      %mul3A_132 = arith.muli %arg1, %mul3A_131 : i32
      %add3A_133 = arith.constant 320 : i32
      %add3A_134 = arith.addi %mul3A_132, %add3A_133 : i32
      "tpu.region"() ({
        %run_scoped3A = tpu.sem_alloc : memref<!tpu.dma_semaphore, #tpu.memory_space<semaphore_mem>>
        %dma_start3A_167 = arith.constant 0 : i32
        %dma_start3A_168 = tpu.memref_slice %arg6[%arg0, %add3A_134, %dma_start3A_167] : memref<2x10000x128xf32, #tpu.memory_space<hbm>> -> memref<1x64x128xf32, #tpu.memory_space<hbm>>
        %dma_start3A_169 = tpu.memref_squeeze %dma_start3A_168 : memref<1x64x128xf32, #tpu.memory_space<hbm>> -> memref<64x128xf32, #tpu.memory_space<hbm>>
        %dma_start3A_170 = arith.constant 0 : i32
        %dma_start3A_171 = tpu.memref_slice %arg6[%arg0, %add3A_134, %dma_start3A_170] : memref<2x10000x128xf32, #tpu.memory_space<hbm>> -> memref<1x64x128xf32, #tpu.memory_space<hbm>>
        %dma_start3A_172 = tpu.memref_squeeze %dma_start3A_171 : memref<1x64x128xf32, #tpu.memory_space<hbm>> -> memref<64x128xf32, #tpu.memory_space<hbm>>
        tpu.enqueue_dma source(%arg13 : memref<64x128xf32, #tpu.memory_space<vmem>>) target(%dma_start3A_172 : memref<64x128xf32, #tpu.memory_space<hbm>>) target_semaphore(%run_scoped3A : memref<!tpu.dma_semaphore, #tpu.memory_space<semaphore_mem>>)
        %dma_wait3A_173 = arith.constant 0 : i32
        %dma_wait3A_174 = tpu.memref_slice %arg6[%arg0, %add3A_134, %dma_wait3A_173] : memref<2x10000x128xf32, #tpu.memory_space<hbm>> -> memref<1x64x128xf32, #tpu.memory_space<hbm>>
        %dma_wait3A_175 = tpu.memref_squeeze %dma_wait3A_174 : memref<1x64x128xf32, #tpu.memory_space<hbm>> -> memref<64x128xf32, #tpu.memory_space<hbm>>
        %dma_wait3A_176 = arith.constant 0 : i32
        %dma_wait3A_177 = tpu.memref_slice %arg6[%arg0, %add3A_134, %dma_wait3A_176] : memref<2x10000x128xf32, #tpu.memory_space<hbm>> -> memref<1x64x128xf32, #tpu.memory_space<hbm>>
        %dma_wait3A_178 = tpu.memref_squeeze %dma_wait3A_177 : memref<1x64x128xf32, #tpu.memory_space<hbm>> -> memref<64x128xf32, #tpu.memory_space<hbm>>
        tpu.wait_dma2 semaphore(%run_scoped3A : memref<!tpu.dma_semaphore, #tpu.memory_space<semaphore_mem>>) src(%arg13 : memref<64x128xf32, #tpu.memory_space<vmem>>) dst(%dma_wait3A_178 : memref<64x128xf32, #tpu.memory_space<hbm>>)
        tpu.yield
      }) : () -> ()
      %mul3A_135 = arith.constant 640 : i32
      %mul3A_136 = arith.muli %arg1, %mul3A_135 : i32
      %add3A_137 = arith.constant 384 : i32
      %add3A_138 = arith.addi %mul3A_136, %add3A_137 : i32
      "tpu.region"() ({
        %run_scoped3A = tpu.sem_alloc : memref<!tpu.dma_semaphore, #tpu.memory_space<semaphore_mem>>
        %dma_start3A_167 = arith.constant 0 : i32
        %dma_start3A_168 = tpu.memref_slice %arg14[%add3A_138, %dma_start3A_167] : memref<10000x128xf32, #tpu.memory_space<vmem_shared>> -> memref<64x128xf32, #tpu.memory_space<vmem_shared>>
        %dma_start3A_169 = arith.constant 0 : i32
        %dma_start3A_170 = tpu.memref_slice %arg14[%add3A_138, %dma_start3A_169] : memref<10000x128xf32, #tpu.memory_space<vmem_shared>> -> memref<64x128xf32, #tpu.memory_space<vmem_shared>>
        tpu.enqueue_dma source(%dma_start3A_170 : memref<64x128xf32, #tpu.memory_space<vmem_shared>>) target(%arg13 : memref<64x128xf32, #tpu.memory_space<vmem>>) target_semaphore(%run_scoped3A : memref<!tpu.dma_semaphore, #tpu.memory_space<semaphore_mem>>)
        %dma_wait3A_171 = arith.constant 0 : i32
        %dma_wait3A_172 = tpu.memref_slice %arg14[%add3A_138, %dma_wait3A_171] : memref<10000x128xf32, #tpu.memory_space<vmem_shared>> -> memref<64x128xf32, #tpu.memory_space<vmem_shared>>
        %dma_wait3A_173 = arith.constant 0 : i32
        %dma_wait3A_174 = tpu.memref_slice %arg14[%add3A_138, %dma_wait3A_173] : memref<10000x128xf32, #tpu.memory_space<vmem_shared>> -> memref<64x128xf32, #tpu.memory_space<vmem_shared>>
        tpu.wait_dma2 semaphore(%run_scoped3A : memref<!tpu.dma_semaphore, #tpu.memory_space<semaphore_mem>>) src(%dma_wait3A_174 : memref<64x128xf32, #tpu.memory_space<vmem_shared>>) dst(%arg13 : memref<64x128xf32, #tpu.memory_space<vmem>>)
        tpu.yield
      }) : () -> ()
      %mul3A_139 = arith.constant 640 : i32
      %mul3A_140 = arith.muli %arg1, %mul3A_139 : i32
      %add3A_141 = arith.constant 384 : i32
      %add3A_142 = arith.addi %mul3A_140, %add3A_141 : i32
      "tpu.region"() ({
        %run_scoped3A = tpu.sem_alloc : memref<!tpu.dma_semaphore, #tpu.memory_space<semaphore_mem>>
        %dma_start3A_167 = arith.constant 0 : i32
        %dma_start3A_168 = tpu.memref_slice %arg6[%arg0, %add3A_142, %dma_start3A_167] : memref<2x10000x128xf32, #tpu.memory_space<hbm>> -> memref<1x64x128xf32, #tpu.memory_space<hbm>>
        %dma_start3A_169 = tpu.memref_squeeze %dma_start3A_168 : memref<1x64x128xf32, #tpu.memory_space<hbm>> -> memref<64x128xf32, #tpu.memory_space<hbm>>
        %dma_start3A_170 = arith.constant 0 : i32
        %dma_start3A_171 = tpu.memref_slice %arg6[%arg0, %add3A_142, %dma_start3A_170] : memref<2x10000x128xf32, #tpu.memory_space<hbm>> -> memref<1x64x128xf32, #tpu.memory_space<hbm>>
        %dma_start3A_172 = tpu.memref_squeeze %dma_start3A_171 : memref<1x64x128xf32, #tpu.memory_space<hbm>> -> memref<64x128xf32, #tpu.memory_space<hbm>>
        tpu.enqueue_dma source(%arg13 : memref<64x128xf32, #tpu.memory_space<vmem>>) target(%dma_start3A_172 : memref<64x128xf32, #tpu.memory_space<hbm>>) target_semaphore(%run_scoped3A : memref<!tpu.dma_semaphore, #tpu.memory_space<semaphore_mem>>)
        %dma_wait3A_173 = arith.constant 0 : i32
        %dma_wait3A_174 = tpu.memref_slice %arg6[%arg0, %add3A_142, %dma_wait3A_173] : memref<2x10000x128xf32, #tpu.memory_space<hbm>> -> memref<1x64x128xf32, #tpu.memory_space<hbm>>
        %dma_wait3A_175 = tpu.memref_squeeze %dma_wait3A_174 : memref<1x64x128xf32, #tpu.memory_space<hbm>> -> memref<64x128xf32, #tpu.memory_space<hbm>>
        %dma_wait3A_176 = arith.constant 0 : i32
        %dma_wait3A_177 = tpu.memref_slice %arg6[%arg0, %add3A_142, %dma_wait3A_176] : memref<2x10000x128xf32, #tpu.memory_space<hbm>> -> memref<1x64x128xf32, #tpu.memory_space<hbm>>
        %dma_wait3A_178 = tpu.memref_squeeze %dma_wait3A_177 : memref<1x64x128xf32, #tpu.memory_space<hbm>> -> memref<64x128xf32, #tpu.memory_space<hbm>>
        tpu.wait_dma2 semaphore(%run_scoped3A : memref<!tpu.dma_semaphore, #tpu.memory_space<semaphore_mem>>) src(%arg13 : memref<64x128xf32, #tpu.memory_space<vmem>>) dst(%dma_wait3A_178 : memref<64x128xf32, #tpu.memory_space<hbm>>)
        tpu.yield
      }) : () -> ()
      %mul3A_143 = arith.constant 640 : i32
      %mul3A_144 = arith.muli %arg1, %mul3A_143 : i32
      %add3A_145 = arith.constant 448 : i32
      %add3A_146 = arith.addi %mul3A_144, %add3A_145 : i32
      "tpu.region"() ({
        %run_scoped3A = tpu.sem_alloc : memref<!tpu.dma_semaphore, #tpu.memory_space<semaphore_mem>>
        %dma_start3A_167 = arith.constant 0 : i32
        %dma_start3A_168 = tpu.memref_slice %arg14[%add3A_146, %dma_start3A_167] : memref<10000x128xf32, #tpu.memory_space<vmem_shared>> -> memref<64x128xf32, #tpu.memory_space<vmem_shared>>
        %dma_start3A_169 = arith.constant 0 : i32
        %dma_start3A_170 = tpu.memref_slice %arg14[%add3A_146, %dma_start3A_169] : memref<10000x128xf32, #tpu.memory_space<vmem_shared>> -> memref<64x128xf32, #tpu.memory_space<vmem_shared>>
        tpu.enqueue_dma source(%dma_start3A_170 : memref<64x128xf32, #tpu.memory_space<vmem_shared>>) target(%arg13 : memref<64x128xf32, #tpu.memory_space<vmem>>) target_semaphore(%run_scoped3A : memref<!tpu.dma_semaphore, #tpu.memory_space<semaphore_mem>>)
        %dma_wait3A_171 = arith.constant 0 : i32
        %dma_wait3A_172 = tpu.memref_slice %arg14[%add3A_146, %dma_wait3A_171] : memref<10000x128xf32, #tpu.memory_space<vmem_shared>> -> memref<64x128xf32, #tpu.memory_space<vmem_shared>>
        %dma_wait3A_173 = arith.constant 0 : i32
        %dma_wait3A_174 = tpu.memref_slice %arg14[%add3A_146, %dma_wait3A_173] : memref<10000x128xf32, #tpu.memory_space<vmem_shared>> -> memref<64x128xf32, #tpu.memory_space<vmem_shared>>
        tpu.wait_dma2 semaphore(%run_scoped3A : memref<!tpu.dma_semaphore, #tpu.memory_space<semaphore_mem>>) src(%dma_wait3A_174 : memref<64x128xf32, #tpu.memory_space<vmem_shared>>) dst(%arg13 : memref<64x128xf32, #tpu.memory_space<vmem>>)
        tpu.yield
      }) : () -> ()
      %mul3A_147 = arith.constant 640 : i32
      %mul3A_148 = arith.muli %arg1, %mul3A_147 : i32
      %add3A_149 = arith.constant 448 : i32
      %add3A_150 = arith.addi %mul3A_148, %add3A_149 : i32
      "tpu.region"() ({
        %run_scoped3A = tpu.sem_alloc : memref<!tpu.dma_semaphore, #tpu.memory_space<semaphore_mem>>
        %dma_start3A_167 = arith.constant 0 : i32
        %dma_start3A_168 = tpu.memref_slice %arg6[%arg0, %add3A_150, %dma_start3A_167] : memref<2x10000x128xf32, #tpu.memory_space<hbm>> -> memref<1x64x128xf32, #tpu.memory_space<hbm>>
        %dma_start3A_169 = tpu.memref_squeeze %dma_start3A_168 : memref<1x64x128xf32, #tpu.memory_space<hbm>> -> memref<64x128xf32, #tpu.memory_space<hbm>>
        %dma_start3A_170 = arith.constant 0 : i32
        %dma_start3A_171 = tpu.memref_slice %arg6[%arg0, %add3A_150, %dma_start3A_170] : memref<2x10000x128xf32, #tpu.memory_space<hbm>> -> memref<1x64x128xf32, #tpu.memory_space<hbm>>
        %dma_start3A_172 = tpu.memref_squeeze %dma_start3A_171 : memref<1x64x128xf32, #tpu.memory_space<hbm>> -> memref<64x128xf32, #tpu.memory_space<hbm>>
        tpu.enqueue_dma source(%arg13 : memref<64x128xf32, #tpu.memory_space<vmem>>) target(%dma_start3A_172 : memref<64x128xf32, #tpu.memory_space<hbm>>) target_semaphore(%run_scoped3A : memref<!tpu.dma_semaphore, #tpu.memory_space<semaphore_mem>>)
        %dma_wait3A_173 = arith.constant 0 : i32
        %dma_wait3A_174 = tpu.memref_slice %arg6[%arg0, %add3A_150, %dma_wait3A_173] : memref<2x10000x128xf32, #tpu.memory_space<hbm>> -> memref<1x64x128xf32, #tpu.memory_space<hbm>>
        %dma_wait3A_175 = tpu.memref_squeeze %dma_wait3A_174 : memref<1x64x128xf32, #tpu.memory_space<hbm>> -> memref<64x128xf32, #tpu.memory_space<hbm>>
        %dma_wait3A_176 = arith.constant 0 : i32
        %dma_wait3A_177 = tpu.memref_slice %arg6[%arg0, %add3A_150, %dma_wait3A_176] : memref<2x10000x128xf32, #tpu.memory_space<hbm>> -> memref<1x64x128xf32, #tpu.memory_space<hbm>>
        %dma_wait3A_178 = tpu.memref_squeeze %dma_wait3A_177 : memref<1x64x128xf32, #tpu.memory_space<hbm>> -> memref<64x128xf32, #tpu.memory_space<hbm>>
        tpu.wait_dma2 semaphore(%run_scoped3A : memref<!tpu.dma_semaphore, #tpu.memory_space<semaphore_mem>>) src(%arg13 : memref<64x128xf32, #tpu.memory_space<vmem>>) dst(%dma_wait3A_178 : memref<64x128xf32, #tpu.memory_space<hbm>>)
        tpu.yield
      }) : () -> ()
      %mul3A_151 = arith.constant 640 : i32
      %mul3A_152 = arith.muli %arg1, %mul3A_151 : i32
      %add3A_153 = arith.constant 512 : i32
      %add3A_154 = arith.addi %mul3A_152, %add3A_153 : i32
      "tpu.region"() ({
        %run_scoped3A = tpu.sem_alloc : memref<!tpu.dma_semaphore, #tpu.memory_space<semaphore_mem>>
        %dma_start3A_167 = arith.constant 0 : i32
        %dma_start3A_168 = tpu.memref_slice %arg14[%add3A_154, %dma_start3A_167] : memref<10000x128xf32, #tpu.memory_space<vmem_shared>> -> memref<64x128xf32, #tpu.memory_space<vmem_shared>>
        %dma_start3A_169 = arith.constant 0 : i32
        %dma_start3A_170 = tpu.memref_slice %arg14[%add3A_154, %dma_start3A_169] : memref<10000x128xf32, #tpu.memory_space<vmem_shared>> -> memref<64x128xf32, #tpu.memory_space<vmem_shared>>
        tpu.enqueue_dma source(%dma_start3A_170 : memref<64x128xf32, #tpu.memory_space<vmem_shared>>) target(%arg13 : memref<64x128xf32, #tpu.memory_space<vmem>>) target_semaphore(%run_scoped3A : memref<!tpu.dma_semaphore, #tpu.memory_space<semaphore_mem>>)
        %dma_wait3A_171 = arith.constant 0 : i32
        %dma_wait3A_172 = tpu.memref_slice %arg14[%add3A_154, %dma_wait3A_171] : memref<10000x128xf32, #tpu.memory_space<vmem_shared>> -> memref<64x128xf32, #tpu.memory_space<vmem_shared>>
        %dma_wait3A_173 = arith.constant 0 : i32
        %dma_wait3A_174 = tpu.memref_slice %arg14[%add3A_154, %dma_wait3A_173] : memref<10000x128xf32, #tpu.memory_space<vmem_shared>> -> memref<64x128xf32, #tpu.memory_space<vmem_shared>>
        tpu.wait_dma2 semaphore(%run_scoped3A : memref<!tpu.dma_semaphore, #tpu.memory_space<semaphore_mem>>) src(%dma_wait3A_174 : memref<64x128xf32, #tpu.memory_space<vmem_shared>>) dst(%arg13 : memref<64x128xf32, #tpu.memory_space<vmem>>)
        tpu.yield
      }) : () -> ()
      %mul3A_155 = arith.constant 640 : i32
      %mul3A_156 = arith.muli %arg1, %mul3A_155 : i32
      %add3A_157 = arith.constant 512 : i32
      %add3A_158 = arith.addi %mul3A_156, %add3A_157 : i32
      "tpu.region"() ({
        %run_scoped3A = tpu.sem_alloc : memref<!tpu.dma_semaphore, #tpu.memory_space<semaphore_mem>>
        %dma_start3A_167 = arith.constant 0 : i32
        %dma_start3A_168 = tpu.memref_slice %arg6[%arg0, %add3A_158, %dma_start3A_167] : memref<2x10000x128xf32, #tpu.memory_space<hbm>> -> memref<1x64x128xf32, #tpu.memory_space<hbm>>
        %dma_start3A_169 = tpu.memref_squeeze %dma_start3A_168 : memref<1x64x128xf32, #tpu.memory_space<hbm>> -> memref<64x128xf32, #tpu.memory_space<hbm>>
        %dma_start3A_170 = arith.constant 0 : i32
        %dma_start3A_171 = tpu.memref_slice %arg6[%arg0, %add3A_158, %dma_start3A_170] : memref<2x10000x128xf32, #tpu.memory_space<hbm>> -> memref<1x64x128xf32, #tpu.memory_space<hbm>>
        %dma_start3A_172 = tpu.memref_squeeze %dma_start3A_171 : memref<1x64x128xf32, #tpu.memory_space<hbm>> -> memref<64x128xf32, #tpu.memory_space<hbm>>
        tpu.enqueue_dma source(%arg13 : memref<64x128xf32, #tpu.memory_space<vmem>>) target(%dma_start3A_172 : memref<64x128xf32, #tpu.memory_space<hbm>>) target_semaphore(%run_scoped3A : memref<!tpu.dma_semaphore, #tpu.memory_space<semaphore_mem>>)
        %dma_wait3A_173 = arith.constant 0 : i32
        %dma_wait3A_174 = tpu.memref_slice %arg6[%arg0, %add3A_158, %dma_wait3A_173] : memref<2x10000x128xf32, #tpu.memory_space<hbm>> -> memref<1x64x128xf32, #tpu.memory_space<hbm>>
        %dma_wait3A_175 = tpu.memref_squeeze %dma_wait3A_174 : memref<1x64x128xf32, #tpu.memory_space<hbm>> -> memref<64x128xf32, #tpu.memory_space<hbm>>
        %dma_wait3A_176 = arith.constant 0 : i32
        %dma_wait3A_177 = tpu.memref_slice %arg6[%arg0, %add3A_158, %dma_wait3A_176] : memref<2x10000x128xf32, #tpu.memory_space<hbm>> -> memref<1x64x128xf32, #tpu.memory_space<hbm>>
        %dma_wait3A_178 = tpu.memref_squeeze %dma_wait3A_177 : memref<1x64x128xf32, #tpu.memory_space<hbm>> -> memref<64x128xf32, #tpu.memory_space<hbm>>
        tpu.wait_dma2 semaphore(%run_scoped3A : memref<!tpu.dma_semaphore, #tpu.memory_space<semaphore_mem>>) src(%arg13 : memref<64x128xf32, #tpu.memory_space<vmem>>) dst(%dma_wait3A_178 : memref<64x128xf32, #tpu.memory_space<hbm>>)
        tpu.yield
      }) : () -> ()
      %mul3A_159 = arith.constant 640 : i32
      %mul3A_160 = arith.muli %arg1, %mul3A_159 : i32
      %add3A_161 = arith.constant 576 : i32
      %add3A_162 = arith.addi %mul3A_160, %add3A_161 : i32
      "tpu.region"() ({
        %run_scoped3A = tpu.sem_alloc : memref<!tpu.dma_semaphore, #tpu.memory_space<semaphore_mem>>
        %dma_start3A_167 = arith.constant 0 : i32
        %dma_start3A_168 = tpu.memref_slice %arg14[%add3A_162, %dma_start3A_167] : memref<10000x128xf32, #tpu.memory_space<vmem_shared>> -> memref<64x128xf32, #tpu.memory_space<vmem_shared>>
        %dma_start3A_169 = arith.constant 0 : i32
        %dma_start3A_170 = tpu.memref_slice %arg14[%add3A_162, %dma_start3A_169] : memref<10000x128xf32, #tpu.memory_space<vmem_shared>> -> memref<64x128xf32, #tpu.memory_space<vmem_shared>>
        tpu.enqueue_dma source(%dma_start3A_170 : memref<64x128xf32, #tpu.memory_space<vmem_shared>>) target(%arg13 : memref<64x128xf32, #tpu.memory_space<vmem>>) target_semaphore(%run_scoped3A : memref<!tpu.dma_semaphore, #tpu.memory_space<semaphore_mem>>)
        %dma_wait3A_171 = arith.constant 0 : i32
        %dma_wait3A_172 = tpu.memref_slice %arg14[%add3A_162, %dma_wait3A_171] : memref<10000x128xf32, #tpu.memory_space<vmem_shared>> -> memref<64x128xf32, #tpu.memory_space<vmem_shared>>
        %dma_wait3A_173 = arith.constant 0 : i32
        %dma_wait3A_174 = tpu.memref_slice %arg14[%add3A_162, %dma_wait3A_173] : memref<10000x128xf32, #tpu.memory_space<vmem_shared>> -> memref<64x128xf32, #tpu.memory_space<vmem_shared>>
        tpu.wait_dma2 semaphore(%run_scoped3A : memref<!tpu.dma_semaphore, #tpu.memory_space<semaphore_mem>>) src(%dma_wait3A_174 : memref<64x128xf32, #tpu.memory_space<vmem_shared>>) dst(%arg13 : memref<64x128xf32, #tpu.memory_space<vmem>>)
        tpu.yield
      }) : () -> ()
      %mul3A_163 = arith.constant 640 : i32
      %mul3A_164 = arith.muli %arg1, %mul3A_163 : i32
      %add3A_165 = arith.constant 576 : i32
      %add3A_166 = arith.addi %mul3A_164, %add3A_165 : i32
      "tpu.region"() ({
        %run_scoped3A = tpu.sem_alloc : memref<!tpu.dma_semaphore, #tpu.memory_space<semaphore_mem>>
        %dma_start3A_167 = arith.constant 0 : i32
        %dma_start3A_168 = tpu.memref_slice %arg6[%arg0, %add3A_166, %dma_start3A_167] : memref<2x10000x128xf32, #tpu.memory_space<hbm>> -> memref<1x64x128xf32, #tpu.memory_space<hbm>>
        %dma_start3A_169 = tpu.memref_squeeze %dma_start3A_168 : memref<1x64x128xf32, #tpu.memory_space<hbm>> -> memref<64x128xf32, #tpu.memory_space<hbm>>
        %dma_start3A_170 = arith.constant 0 : i32
        %dma_start3A_171 = tpu.memref_slice %arg6[%arg0, %add3A_166, %dma_start3A_170] : memref<2x10000x128xf32, #tpu.memory_space<hbm>> -> memref<1x64x128xf32, #tpu.memory_space<hbm>>
        %dma_start3A_172 = tpu.memref_squeeze %dma_start3A_171 : memref<1x64x128xf32, #tpu.memory_space<hbm>> -> memref<64x128xf32, #tpu.memory_space<hbm>>
        tpu.enqueue_dma source(%arg13 : memref<64x128xf32, #tpu.memory_space<vmem>>) target(%dma_start3A_172 : memref<64x128xf32, #tpu.memory_space<hbm>>) target_semaphore(%run_scoped3A : memref<!tpu.dma_semaphore, #tpu.memory_space<semaphore_mem>>)
        %dma_wait3A_173 = arith.constant 0 : i32
        %dma_wait3A_174 = tpu.memref_slice %arg6[%arg0, %add3A_166, %dma_wait3A_173] : memref<2x10000x128xf32, #tpu.memory_space<hbm>> -> memref<1x64x128xf32, #tpu.memory_space<hbm>>
        %dma_wait3A_175 = tpu.memref_squeeze %dma_wait3A_174 : memref<1x64x128xf32, #tpu.memory_space<hbm>> -> memref<64x128xf32, #tpu.memory_space<hbm>>
        %dma_wait3A_176 = arith.constant 0 : i32
        %dma_wait3A_177 = tpu.memref_slice %arg6[%arg0, %add3A_166, %dma_wait3A_176] : memref<2x10000x128xf32, #tpu.memory_space<hbm>> -> memref<1x64x128xf32, #tpu.memory_space<hbm>>
        %dma_wait3A_178 = tpu.memref_squeeze %dma_wait3A_177 : memref<1x64x128xf32, #tpu.memory_space<hbm>> -> memref<64x128xf32, #tpu.memory_space<hbm>>
        tpu.wait_dma2 semaphore(%run_scoped3A : memref<!tpu.dma_semaphore, #tpu.memory_space<semaphore_mem>>) src(%arg13 : memref<64x128xf32, #tpu.memory_space<vmem>>) dst(%dma_wait3A_178 : memref<64x128xf32, #tpu.memory_space<hbm>>)
        tpu.yield
      }) : () -> ()
    } else {
    }
    %eq3A_82 = arith.constant 15 : i32
    %eq3A_83 = arith.cmpi eq, %arg1, %eq3A_82 : i32
    %convert_element_type3A_84 = arith.extui %eq3A_83 : i1 to i32
    %cond3A_85 = arith.constant 0 : i32
    %cond3A_86 = arith.cmpi ne, %convert_element_type3A_84, %cond3A_85 : i32
    scf.if %cond3A_86 {
      "tpu.region"() ({
        %run_scoped3A = tpu.sem_alloc : memref<!tpu.dma_semaphore, #tpu.memory_space<semaphore_mem>>
        %dma_start3A_87 = arith.constant 0 : i32
        %dma_start3A_88 = arith.constant 0 : i32
        %dma_start3A_89 = tpu.memref_slice %arg13[%dma_start3A_87, %dma_start3A_88] : memref<64x128xf32, #tpu.memory_space<vmem>> -> memref<40x128xf32, #tpu.memory_space<vmem>>
        %dma_start3A_90 = arith.constant 9600 : i32
        %dma_start3A_91 = arith.constant 0 : i32
        %dma_start3A_92 = tpu.memref_slice %arg14[%dma_start3A_90, %dma_start3A_91] : memref<10000x128xf32, #tpu.memory_space<vmem_shared>> -> memref<40x128xf32, #tpu.memory_space<vmem_shared>>
        %dma_start3A_93 = arith.constant 0 : i32
        %dma_start3A_94 = arith.constant 0 : i32
        %dma_start3A_95 = tpu.memref_slice %arg13[%dma_start3A_93, %dma_start3A_94] : memref<64x128xf32, #tpu.memory_space<vmem>> -> memref<40x128xf32, #tpu.memory_space<vmem>>
        %dma_start3A_96 = arith.constant 9600 : i32
        %dma_start3A_97 = arith.constant 0 : i32
        %dma_start3A_98 = tpu.memref_slice %arg14[%dma_start3A_96, %dma_start3A_97] : memref<10000x128xf32, #tpu.memory_space<vmem_shared>> -> memref<40x128xf32, #tpu.memory_space<vmem_shared>>
        tpu.enqueue_dma source(%dma_start3A_98 : memref<40x128xf32, #tpu.memory_space<vmem_shared>>) target(%dma_start3A_95 : memref<40x128xf32, #tpu.memory_space<vmem>>) target_semaphore(%run_scoped3A : memref<!tpu.dma_semaphore, #tpu.memory_space<semaphore_mem>>)
        %dma_wait3A_99 = arith.constant 0 : i32
        %dma_wait3A_100 = arith.constant 0 : i32
        %dma_wait3A_101 = tpu.memref_slice %arg13[%dma_wait3A_99, %dma_wait3A_100] : memref<64x128xf32, #tpu.memory_space<vmem>> -> memref<40x128xf32, #tpu.memory_space<vmem>>
        %dma_wait3A_102 = arith.constant 9600 : i32
        %dma_wait3A_103 = arith.constant 0 : i32
        %dma_wait3A_104 = tpu.memref_slice %arg14[%dma_wait3A_102, %dma_wait3A_103] : memref<10000x128xf32, #tpu.memory_space<vmem_shared>> -> memref<40x128xf32, #tpu.memory_space<vmem_shared>>
        %dma_wait3A_105 = arith.constant 0 : i32
        %dma_wait3A_106 = arith.constant 0 : i32
        %dma_wait3A_107 = tpu.memref_slice %arg13[%dma_wait3A_105, %dma_wait3A_106] : memref<64x128xf32, #tpu.memory_space<vmem>> -> memref<40x128xf32, #tpu.memory_space<vmem>>
        %dma_wait3A_108 = arith.constant 9600 : i32
        %dma_wait3A_109 = arith.constant 0 : i32
        %dma_wait3A_110 = tpu.memref_slice %arg14[%dma_wait3A_108, %dma_wait3A_109] : memref<10000x128xf32, #tpu.memory_space<vmem_shared>> -> memref<40x128xf32, #tpu.memory_space<vmem_shared>>
        tpu.wait_dma2 semaphore(%run_scoped3A : memref<!tpu.dma_semaphore, #tpu.memory_space<semaphore_mem>>) src(%dma_wait3A_110 : memref<40x128xf32, #tpu.memory_space<vmem_shared>>) dst(%dma_wait3A_107 : memref<40x128xf32, #tpu.memory_space<vmem>>)
        tpu.yield
      }) : () -> ()
      "tpu.region"() ({
        %run_scoped3A = tpu.sem_alloc : memref<!tpu.dma_semaphore, #tpu.memory_space<semaphore_mem>>
        %dma_start3A_87 = arith.constant 0 : i32
        %dma_start3A_88 = arith.constant 0 : i32
        %dma_start3A_89 = tpu.memref_slice %arg13[%dma_start3A_87, %dma_start3A_88] : memref<64x128xf32, #tpu.memory_space<vmem>> -> memref<40x128xf32, #tpu.memory_space<vmem>>
        %dma_start3A_90 = arith.constant 9600 : i32
        %dma_start3A_91 = arith.constant 0 : i32
        %dma_start3A_92 = tpu.memref_slice %arg6[%arg0, %dma_start3A_90, %dma_start3A_91] : memref<2x10000x128xf32, #tpu.memory_space<hbm>> -> memref<1x40x128xf32, #tpu.memory_space<hbm>>
        %dma_start3A_93 = tpu.memref_squeeze %dma_start3A_92 : memref<1x40x128xf32, #tpu.memory_space<hbm>> -> memref<40x128xf32, #tpu.memory_space<hbm>>
        %dma_start3A_94 = arith.constant 9600 : i32
        %dma_start3A_95 = arith.constant 0 : i32
        %dma_start3A_96 = tpu.memref_slice %arg6[%arg0, %dma_start3A_94, %dma_start3A_95] : memref<2x10000x128xf32, #tpu.memory_space<hbm>> -> memref<1x40x128xf32, #tpu.memory_space<hbm>>
        %dma_start3A_97 = tpu.memref_squeeze %dma_start3A_96 : memref<1x40x128xf32, #tpu.memory_space<hbm>> -> memref<40x128xf32, #tpu.memory_space<hbm>>
        %dma_start3A_98 = arith.constant 0 : i32
        %dma_start3A_99 = arith.constant 0 : i32
        %dma_start3A_100 = tpu.memref_slice %arg13[%dma_start3A_98, %dma_start3A_99] : memref<64x128xf32, #tpu.memory_space<vmem>> -> memref<40x128xf32, #tpu.memory_space<vmem>>
        tpu.enqueue_dma source(%dma_start3A_100 : memref<40x128xf32, #tpu.memory_space<vmem>>) target(%dma_start3A_97 : memref<40x128xf32, #tpu.memory_space<hbm>>) target_semaphore(%run_scoped3A : memref<!tpu.dma_semaphore, #tpu.memory_space<semaphore_mem>>)
        %dma_wait3A_101 = arith.constant 0 : i32
        %dma_wait3A_102 = arith.constant 0 : i32
        %dma_wait3A_103 = tpu.memref_slice %arg13[%dma_wait3A_101, %dma_wait3A_102] : memref<64x128xf32, #tpu.memory_space<vmem>> -> memref<40x128xf32, #tpu.memory_space<vmem>>
        %dma_wait3A_104 = arith.constant 9600 : i32
        %dma_wait3A_105 = arith.constant 0 : i32
        %dma_wait3A_106 = tpu.memref_slice %arg6[%arg0, %dma_wait3A_104, %dma_wait3A_105] : memref<2x10000x128xf32, #tpu.memory_space<hbm>> -> memref<1x40x128xf32, #tpu.memory_space<hbm>>
        %dma_wait3A_107 = tpu.memref_squeeze %dma_wait3A_106 : memref<1x40x128xf32, #tpu.memory_space<hbm>> -> memref<40x128xf32, #tpu.memory_space<hbm>>
        %dma_wait3A_108 = arith.constant 9600 : i32
        %dma_wait3A_109 = arith.constant 0 : i32
        %dma_wait3A_110 = tpu.memref_slice %arg6[%arg0, %dma_wait3A_108, %dma_wait3A_109] : memref<2x10000x128xf32, #tpu.memory_space<hbm>> -> memref<1x40x128xf32, #tpu.memory_space<hbm>>
        %dma_wait3A_111 = tpu.memref_squeeze %dma_wait3A_110 : memref<1x40x128xf32, #tpu.memory_space<hbm>> -> memref<40x128xf32, #tpu.memory_space<hbm>>
        %dma_wait3A_112 = arith.constant 0 : i32
        %dma_wait3A_113 = arith.constant 0 : i32
        %dma_wait3A_114 = tpu.memref_slice %arg13[%dma_wait3A_112, %dma_wait3A_113] : memref<64x128xf32, #tpu.memory_space<vmem>> -> memref<40x128xf32, #tpu.memory_space<vmem>>
        tpu.wait_dma2 semaphore(%run_scoped3A : memref<!tpu.dma_semaphore, #tpu.memory_space<semaphore_mem>>) src(%dma_wait3A_114 : memref<40x128xf32, #tpu.memory_space<vmem>>) dst(%dma_wait3A_111 : memref<40x128xf32, #tpu.memory_space<hbm>>)
        tpu.yield
      }) : () -> ()
      "tpu.region"() ({
        %run_scoped3A = tpu.sem_alloc : memref<!tpu.dma_semaphore, #tpu.memory_space<semaphore_mem>>
        %dma_start3A_87 = arith.constant 0 : i32
        %dma_start3A_88 = arith.constant 0 : i32
        %dma_start3A_89 = tpu.memref_slice %arg13[%dma_start3A_87, %dma_start3A_88] : memref<64x128xf32, #tpu.memory_space<vmem>> -> memref<40x128xf32, #tpu.memory_space<vmem>>
        %dma_start3A_90 = arith.constant 9640 : i32
        %dma_start3A_91 = arith.constant 0 : i32
        %dma_start3A_92 = tpu.memref_slice %arg14[%dma_start3A_90, %dma_start3A_91] : memref<10000x128xf32, #tpu.memory_space<vmem_shared>> -> memref<40x128xf32, #tpu.memory_space<vmem_shared>>
        %dma_start3A_93 = arith.constant 0 : i32
        %dma_start3A_94 = arith.constant 0 : i32
        %dma_start3A_95 = tpu.memref_slice %arg13[%dma_start3A_93, %dma_start3A_94] : memref<64x128xf32, #tpu.memory_space<vmem>> -> memref<40x128xf32, #tpu.memory_space<vmem>>
        %dma_start3A_96 = arith.constant 9640 : i32
        %dma_start3A_97 = arith.constant 0 : i32
        %dma_start3A_98 = tpu.memref_slice %arg14[%dma_start3A_96, %dma_start3A_97] : memref<10000x128xf32, #tpu.memory_space<vmem_shared>> -> memref<40x128xf32, #tpu.memory_space<vmem_shared>>
        tpu.enqueue_dma source(%dma_start3A_98 : memref<40x128xf32, #tpu.memory_space<vmem_shared>>) target(%dma_start3A_95 : memref<40x128xf32, #tpu.memory_space<vmem>>) target_semaphore(%run_scoped3A : memref<!tpu.dma_semaphore, #tpu.memory_space<semaphore_mem>>)
        %dma_wait3A_99 = arith.constant 0 : i32
        %dma_wait3A_100 = arith.constant 0 : i32
        %dma_wait3A_101 = tpu.memref_slice %arg13[%dma_wait3A_99, %dma_wait3A_100] : memref<64x128xf32, #tpu.memory_space<vmem>> -> memref<40x128xf32, #tpu.memory_space<vmem>>
        %dma_wait3A_102 = arith.constant 9640 : i32
        %dma_wait3A_103 = arith.constant 0 : i32
        %dma_wait3A_104 = tpu.memref_slice %arg14[%dma_wait3A_102, %dma_wait3A_103] : memref<10000x128xf32, #tpu.memory_space<vmem_shared>> -> memref<40x128xf32, #tpu.memory_space<vmem_shared>>
        %dma_wait3A_105 = arith.constant 0 : i32
        %dma_wait3A_106 = arith.constant 0 : i32
        %dma_wait3A_107 = tpu.memref_slice %arg13[%dma_wait3A_105, %dma_wait3A_106] : memref<64x128xf32, #tpu.memory_space<vmem>> -> memref<40x128xf32, #tpu.memory_space<vmem>>
        %dma_wait3A_108 = arith.constant 9640 : i32
        %dma_wait3A_109 = arith.constant 0 : i32
        %dma_wait3A_110 = tpu.memref_slice %arg14[%dma_wait3A_108, %dma_wait3A_109] : memref<10000x128xf32, #tpu.memory_space<vmem_shared>> -> memref<40x128xf32, #tpu.memory_space<vmem_shared>>
        tpu.wait_dma2 semaphore(%run_scoped3A : memref<!tpu.dma_semaphore, #tpu.memory_space<semaphore_mem>>) src(%dma_wait3A_110 : memref<40x128xf32, #tpu.memory_space<vmem_shared>>) dst(%dma_wait3A_107 : memref<40x128xf32, #tpu.memory_space<vmem>>)
        tpu.yield
      }) : () -> ()
      "tpu.region"() ({
        %run_scoped3A = tpu.sem_alloc : memref<!tpu.dma_semaphore, #tpu.memory_space<semaphore_mem>>
        %dma_start3A_87 = arith.constant 0 : i32
        %dma_start3A_88 = arith.constant 0 : i32
        %dma_start3A_89 = tpu.memref_slice %arg13[%dma_start3A_87, %dma_start3A_88] : memref<64x128xf32, #tpu.memory_space<vmem>> -> memref<40x128xf32, #tpu.memory_space<vmem>>
        %dma_start3A_90 = arith.constant 9640 : i32
        %dma_start3A_91 = arith.constant 0 : i32
        %dma_start3A_92 = tpu.memref_slice %arg6[%arg0, %dma_start3A_90, %dma_start3A_91] : memref<2x10000x128xf32, #tpu.memory_space<hbm>> -> memref<1x40x128xf32, #tpu.memory_space<hbm>>
        %dma_start3A_93 = tpu.memref_squeeze %dma_start3A_92 : memref<1x40x128xf32, #tpu.memory_space<hbm>> -> memref<40x128xf32, #tpu.memory_space<hbm>>
        %dma_start3A_94 = arith.constant 9640 : i32
        %dma_start3A_95 = arith.constant 0 : i32
        %dma_start3A_96 = tpu.memref_slice %arg6[%arg0, %dma_start3A_94, %dma_start3A_95] : memref<2x10000x128xf32, #tpu.memory_space<hbm>> -> memref<1x40x128xf32, #tpu.memory_space<hbm>>
        %dma_start3A_97 = tpu.memref_squeeze %dma_start3A_96 : memref<1x40x128xf32, #tpu.memory_space<hbm>> -> memref<40x128xf32, #tpu.memory_space<hbm>>
        %dma_start3A_98 = arith.constant 0 : i32
        %dma_start3A_99 = arith.constant 0 : i32
        %dma_start3A_100 = tpu.memref_slice %arg13[%dma_start3A_98, %dma_start3A_99] : memref<64x128xf32, #tpu.memory_space<vmem>> -> memref<40x128xf32, #tpu.memory_space<vmem>>
        tpu.enqueue_dma source(%dma_start3A_100 : memref<40x128xf32, #tpu.memory_space<vmem>>) target(%dma_start3A_97 : memref<40x128xf32, #tpu.memory_space<hbm>>) target_semaphore(%run_scoped3A : memref<!tpu.dma_semaphore, #tpu.memory_space<semaphore_mem>>)
        %dma_wait3A_101 = arith.constant 0 : i32
        %dma_wait3A_102 = arith.constant 0 : i32
        %dma_wait3A_103 = tpu.memref_slice %arg13[%dma_wait3A_101, %dma_wait3A_102] : memref<64x128xf32, #tpu.memory_space<vmem>> -> memref<40x128xf32, #tpu.memory_space<vmem>>
        %dma_wait3A_104 = arith.constant 9640 : i32
        %dma_wait3A_105 = arith.constant 0 : i32
        %dma_wait3A_106 = tpu.memref_slice %arg6[%arg0, %dma_wait3A_104, %dma_wait3A_105] : memref<2x10000x128xf32, #tpu.memory_space<hbm>> -> memref<1x40x128xf32, #tpu.memory_space<hbm>>
        %dma_wait3A_107 = tpu.memref_squeeze %dma_wait3A_106 : memref<1x40x128xf32, #tpu.memory_space<hbm>> -> memref<40x128xf32, #tpu.memory_space<hbm>>
        %dma_wait3A_108 = arith.constant 9640 : i32
        %dma_wait3A_109 = arith.constant 0 : i32
        %dma_wait3A_110 = tpu.memref_slice %arg6[%arg0, %dma_wait3A_108, %dma_wait3A_109] : memref<2x10000x128xf32, #tpu.memory_space<hbm>> -> memref<1x40x128xf32, #tpu.memory_space<hbm>>
        %dma_wait3A_111 = tpu.memref_squeeze %dma_wait3A_110 : memref<1x40x128xf32, #tpu.memory_space<hbm>> -> memref<40x128xf32, #tpu.memory_space<hbm>>
        %dma_wait3A_112 = arith.constant 0 : i32
        %dma_wait3A_113 = arith.constant 0 : i32
        %dma_wait3A_114 = tpu.memref_slice %arg13[%dma_wait3A_112, %dma_wait3A_113] : memref<64x128xf32, #tpu.memory_space<vmem>> -> memref<40x128xf32, #tpu.memory_space<vmem>>
        tpu.wait_dma2 semaphore(%run_scoped3A : memref<!tpu.dma_semaphore, #tpu.memory_space<semaphore_mem>>) src(%dma_wait3A_114 : memref<40x128xf32, #tpu.memory_space<vmem>>) dst(%dma_wait3A_111 : memref<40x128xf32, #tpu.memory_space<hbm>>)
        tpu.yield
      }) : () -> ()
      "tpu.region"() ({
        %run_scoped3A = tpu.sem_alloc : memref<!tpu.dma_semaphore, #tpu.memory_space<semaphore_mem>>
        %dma_start3A_87 = arith.constant 0 : i32
        %dma_start3A_88 = arith.constant 0 : i32
        %dma_start3A_89 = tpu.memref_slice %arg13[%dma_start3A_87, %dma_start3A_88] : memref<64x128xf32, #tpu.memory_space<vmem>> -> memref<40x128xf32, #tpu.memory_space<vmem>>
        %dma_start3A_90 = arith.constant 9680 : i32
        %dma_start3A_91 = arith.constant 0 : i32
        %dma_start3A_92 = tpu.memref_slice %arg14[%dma_start3A_90, %dma_start3A_91] : memref<10000x128xf32, #tpu.memory_space<vmem_shared>> -> memref<40x128xf32, #tpu.memory_space<vmem_shared>>
        %dma_start3A_93 = arith.constant 0 : i32
        %dma_start3A_94 = arith.constant 0 : i32
        %dma_start3A_95 = tpu.memref_slice %arg13[%dma_start3A_93, %dma_start3A_94] : memref<64x128xf32, #tpu.memory_space<vmem>> -> memref<40x128xf32, #tpu.memory_space<vmem>>
        %dma_start3A_96 = arith.constant 9680 : i32
        %dma_start3A_97 = arith.constant 0 : i32
        %dma_start3A_98 = tpu.memref_slice %arg14[%dma_start3A_96, %dma_start3A_97] : memref<10000x128xf32, #tpu.memory_space<vmem_shared>> -> memref<40x128xf32, #tpu.memory_space<vmem_shared>>
        tpu.enqueue_dma source(%dma_start3A_98 : memref<40x128xf32, #tpu.memory_space<vmem_shared>>) target(%dma_start3A_95 : memref<40x128xf32, #tpu.memory_space<vmem>>) target_semaphore(%run_scoped3A : memref<!tpu.dma_semaphore, #tpu.memory_space<semaphore_mem>>)
        %dma_wait3A_99 = arith.constant 0 : i32
        %dma_wait3A_100 = arith.constant 0 : i32
        %dma_wait3A_101 = tpu.memref_slice %arg13[%dma_wait3A_99, %dma_wait3A_100] : memref<64x128xf32, #tpu.memory_space<vmem>> -> memref<40x128xf32, #tpu.memory_space<vmem>>
        %dma_wait3A_102 = arith.constant 9680 : i32
        %dma_wait3A_103 = arith.constant 0 : i32
        %dma_wait3A_104 = tpu.memref_slice %arg14[%dma_wait3A_102, %dma_wait3A_103] : memref<10000x128xf32, #tpu.memory_space<vmem_shared>> -> memref<40x128xf32, #tpu.memory_space<vmem_shared>>
        %dma_wait3A_105 = arith.constant 0 : i32
        %dma_wait3A_106 = arith.constant 0 : i32
        %dma_wait3A_107 = tpu.memref_slice %arg13[%dma_wait3A_105, %dma_wait3A_106] : memref<64x128xf32, #tpu.memory_space<vmem>> -> memref<40x128xf32, #tpu.memory_space<vmem>>
        %dma_wait3A_108 = arith.constant 9680 : i32
        %dma_wait3A_109 = arith.constant 0 : i32
        %dma_wait3A_110 = tpu.memref_slice %arg14[%dma_wait3A_108, %dma_wait3A_109] : memref<10000x128xf32, #tpu.memory_space<vmem_shared>> -> memref<40x128xf32, #tpu.memory_space<vmem_shared>>
        tpu.wait_dma2 semaphore(%run_scoped3A : memref<!tpu.dma_semaphore, #tpu.memory_space<semaphore_mem>>) src(%dma_wait3A_110 : memref<40x128xf32, #tpu.memory_space<vmem_shared>>) dst(%dma_wait3A_107 : memref<40x128xf32, #tpu.memory_space<vmem>>)
        tpu.yield
      }) : () -> ()
      "tpu.region"() ({
        %run_scoped3A = tpu.sem_alloc : memref<!tpu.dma_semaphore, #tpu.memory_space<semaphore_mem>>
        %dma_start3A_87 = arith.constant 0 : i32
        %dma_start3A_88 = arith.constant 0 : i32
        %dma_start3A_89 = tpu.memref_slice %arg13[%dma_start3A_87, %dma_start3A_88] : memref<64x128xf32, #tpu.memory_space<vmem>> -> memref<40x128xf32, #tpu.memory_space<vmem>>
        %dma_start3A_90 = arith.constant 9680 : i32
        %dma_start3A_91 = arith.constant 0 : i32
        %dma_start3A_92 = tpu.memref_slice %arg6[%arg0, %dma_start3A_90, %dma_start3A_91] : memref<2x10000x128xf32, #tpu.memory_space<hbm>> -> memref<1x40x128xf32, #tpu.memory_space<hbm>>
        %dma_start3A_93 = tpu.memref_squeeze %dma_start3A_92 : memref<1x40x128xf32, #tpu.memory_space<hbm>> -> memref<40x128xf32, #tpu.memory_space<hbm>>
        %dma_start3A_94 = arith.constant 9680 : i32
        %dma_start3A_95 = arith.constant 0 : i32
        %dma_start3A_96 = tpu.memref_slice %arg6[%arg0, %dma_start3A_94, %dma_start3A_95] : memref<2x10000x128xf32, #tpu.memory_space<hbm>> -> memref<1x40x128xf32, #tpu.memory_space<hbm>>
        %dma_start3A_97 = tpu.memref_squeeze %dma_start3A_96 : memref<1x40x128xf32, #tpu.memory_space<hbm>> -> memref<40x128xf32, #tpu.memory_space<hbm>>
        %dma_start3A_98 = arith.constant 0 : i32
        %dma_start3A_99 = arith.constant 0 : i32
        %dma_start3A_100 = tpu.memref_slice %arg13[%dma_start3A_98, %dma_start3A_99] : memref<64x128xf32, #tpu.memory_space<vmem>> -> memref<40x128xf32, #tpu.memory_space<vmem>>
        tpu.enqueue_dma source(%dma_start3A_100 : memref<40x128xf32, #tpu.memory_space<vmem>>) target(%dma_start3A_97 : memref<40x128xf32, #tpu.memory_space<hbm>>) target_semaphore(%run_scoped3A : memref<!tpu.dma_semaphore, #tpu.memory_space<semaphore_mem>>)
        %dma_wait3A_101 = arith.constant 0 : i32
        %dma_wait3A_102 = arith.constant 0 : i32
        %dma_wait3A_103 = tpu.memref_slice %arg13[%dma_wait3A_101, %dma_wait3A_102] : memref<64x128xf32, #tpu.memory_space<vmem>> -> memref<40x128xf32, #tpu.memory_space<vmem>>
        %dma_wait3A_104 = arith.constant 9680 : i32
        %dma_wait3A_105 = arith.constant 0 : i32
        %dma_wait3A_106 = tpu.memref_slice %arg6[%arg0, %dma_wait3A_104, %dma_wait3A_105] : memref<2x10000x128xf32, #tpu.memory_space<hbm>> -> memref<1x40x128xf32, #tpu.memory_space<hbm>>
        %dma_wait3A_107 = tpu.memref_squeeze %dma_wait3A_106 : memref<1x40x128xf32, #tpu.memory_space<hbm>> -> memref<40x128xf32, #tpu.memory_space<hbm>>
        %dma_wait3A_108 = arith.constant 9680 : i32
        %dma_wait3A_109 = arith.constant 0 : i32
        %dma_wait3A_110 = tpu.memref_slice %arg6[%arg0, %dma_wait3A_108, %dma_wait3A_109] : memref<2x10000x128xf32, #tpu.memory_space<hbm>> -> memref<1x40x128xf32, #tpu.memory_space<hbm>>
        %dma_wait3A_111 = tpu.memref_squeeze %dma_wait3A_110 : memref<1x40x128xf32, #tpu.memory_space<hbm>> -> memref<40x128xf32, #tpu.memory_space<hbm>>
        %dma_wait3A_112 = arith.constant 0 : i32
        %dma_wait3A_113 = arith.constant 0 : i32
        %dma_wait3A_114 = tpu.memref_slice %arg13[%dma_wait3A_112, %dma_wait3A_113] : memref<64x128xf32, #tpu.memory_space<vmem>> -> memref<40x128xf32, #tpu.memory_space<vmem>>
        tpu.wait_dma2 semaphore(%run_scoped3A : memref<!tpu.dma_semaphore, #tpu.memory_space<semaphore_mem>>) src(%dma_wait3A_114 : memref<40x128xf32, #tpu.memory_space<vmem>>) dst(%dma_wait3A_111 : memref<40x128xf32, #tpu.memory_space<hbm>>)
        tpu.yield
      }) : () -> ()
      "tpu.region"() ({
        %run_scoped3A = tpu.sem_alloc : memref<!tpu.dma_semaphore, #tpu.memory_space<semaphore_mem>>
        %dma_start3A_87 = arith.constant 0 : i32
        %dma_start3A_88 = arith.constant 0 : i32
        %dma_start3A_89 = tpu.memref_slice %arg13[%dma_start3A_87, %dma_start3A_88] : memref<64x128xf32, #tpu.memory_space<vmem>> -> memref<40x128xf32, #tpu.memory_space<vmem>>
        %dma_start3A_90 = arith.constant 9720 : i32
        %dma_start3A_91 = arith.constant 0 : i32
        %dma_start3A_92 = tpu.memref_slice %arg14[%dma_start3A_90, %dma_start3A_91] : memref<10000x128xf32, #tpu.memory_space<vmem_shared>> -> memref<40x128xf32, #tpu.memory_space<vmem_shared>>
        %dma_start3A_93 = arith.constant 0 : i32
        %dma_start3A_94 = arith.constant 0 : i32
        %dma_start3A_95 = tpu.memref_slice %arg13[%dma_start3A_93, %dma_start3A_94] : memref<64x128xf32, #tpu.memory_space<vmem>> -> memref<40x128xf32, #tpu.memory_space<vmem>>
        %dma_start3A_96 = arith.constant 9720 : i32
        %dma_start3A_97 = arith.constant 0 : i32
        %dma_start3A_98 = tpu.memref_slice %arg14[%dma_start3A_96, %dma_start3A_97] : memref<10000x128xf32, #tpu.memory_space<vmem_shared>> -> memref<40x128xf32, #tpu.memory_space<vmem_shared>>
        tpu.enqueue_dma source(%dma_start3A_98 : memref<40x128xf32, #tpu.memory_space<vmem_shared>>) target(%dma_start3A_95 : memref<40x128xf32, #tpu.memory_space<vmem>>) target_semaphore(%run_scoped3A : memref<!tpu.dma_semaphore, #tpu.memory_space<semaphore_mem>>)
        %dma_wait3A_99 = arith.constant 0 : i32
        %dma_wait3A_100 = arith.constant 0 : i32
        %dma_wait3A_101 = tpu.memref_slice %arg13[%dma_wait3A_99, %dma_wait3A_100] : memref<64x128xf32, #tpu.memory_space<vmem>> -> memref<40x128xf32, #tpu.memory_space<vmem>>
        %dma_wait3A_102 = arith.constant 9720 : i32
        %dma_wait3A_103 = arith.constant 0 : i32
        %dma_wait3A_104 = tpu.memref_slice %arg14[%dma_wait3A_102, %dma_wait3A_103] : memref<10000x128xf32, #tpu.memory_space<vmem_shared>> -> memref<40x128xf32, #tpu.memory_space<vmem_shared>>
        %dma_wait3A_105 = arith.constant 0 : i32
        %dma_wait3A_106 = arith.constant 0 : i32
        %dma_wait3A_107 = tpu.memref_slice %arg13[%dma_wait3A_105, %dma_wait3A_106] : memref<64x128xf32, #tpu.memory_space<vmem>> -> memref<40x128xf32, #tpu.memory_space<vmem>>
        %dma_wait3A_108 = arith.constant 9720 : i32
        %dma_wait3A_109 = arith.constant 0 : i32
        %dma_wait3A_110 = tpu.memref_slice %arg14[%dma_wait3A_108, %dma_wait3A_109] : memref<10000x128xf32, #tpu.memory_space<vmem_shared>> -> memref<40x128xf32, #tpu.memory_space<vmem_shared>>
        tpu.wait_dma2 semaphore(%run_scoped3A : memref<!tpu.dma_semaphore, #tpu.memory_space<semaphore_mem>>) src(%dma_wait3A_110 : memref<40x128xf32, #tpu.memory_space<vmem_shared>>) dst(%dma_wait3A_107 : memref<40x128xf32, #tpu.memory_space<vmem>>)
        tpu.yield
      }) : () -> ()
      "tpu.region"() ({
        %run_scoped3A = tpu.sem_alloc : memref<!tpu.dma_semaphore, #tpu.memory_space<semaphore_mem>>
        %dma_start3A_87 = arith.constant 0 : i32
        %dma_start3A_88 = arith.constant 0 : i32
        %dma_start3A_89 = tpu.memref_slice %arg13[%dma_start3A_87, %dma_start3A_88] : memref<64x128xf32, #tpu.memory_space<vmem>> -> memref<40x128xf32, #tpu.memory_space<vmem>>
        %dma_start3A_90 = arith.constant 9720 : i32
        %dma_start3A_91 = arith.constant 0 : i32
        %dma_start3A_92 = tpu.memref_slice %arg6[%arg0, %dma_start3A_90, %dma_start3A_91] : memref<2x10000x128xf32, #tpu.memory_space<hbm>> -> memref<1x40x128xf32, #tpu.memory_space<hbm>>
        %dma_start3A_93 = tpu.memref_squeeze %dma_start3A_92 : memref<1x40x128xf32, #tpu.memory_space<hbm>> -> memref<40x128xf32, #tpu.memory_space<hbm>>
        %dma_start3A_94 = arith.constant 9720 : i32
        %dma_start3A_95 = arith.constant 0 : i32
        %dma_start3A_96 = tpu.memref_slice %arg6[%arg0, %dma_start3A_94, %dma_start3A_95] : memref<2x10000x128xf32, #tpu.memory_space<hbm>> -> memref<1x40x128xf32, #tpu.memory_space<hbm>>
        %dma_start3A_97 = tpu.memref_squeeze %dma_start3A_96 : memref<1x40x128xf32, #tpu.memory_space<hbm>> -> memref<40x128xf32, #tpu.memory_space<hbm>>
        %dma_start3A_98 = arith.constant 0 : i32
        %dma_start3A_99 = arith.constant 0 : i32
        %dma_start3A_100 = tpu.memref_slice %arg13[%dma_start3A_98, %dma_start3A_99] : memref<64x128xf32, #tpu.memory_space<vmem>> -> memref<40x128xf32, #tpu.memory_space<vmem>>
        tpu.enqueue_dma source(%dma_start3A_100 : memref<40x128xf32, #tpu.memory_space<vmem>>) target(%dma_start3A_97 : memref<40x128xf32, #tpu.memory_space<hbm>>) target_semaphore(%run_scoped3A : memref<!tpu.dma_semaphore, #tpu.memory_space<semaphore_mem>>)
        %dma_wait3A_101 = arith.constant 0 : i32
        %dma_wait3A_102 = arith.constant 0 : i32
        %dma_wait3A_103 = tpu.memref_slice %arg13[%dma_wait3A_101, %dma_wait3A_102] : memref<64x128xf32, #tpu.memory_space<vmem>> -> memref<40x128xf32, #tpu.memory_space<vmem>>
        %dma_wait3A_104 = arith.constant 9720 : i32
        %dma_wait3A_105 = arith.constant 0 : i32
        %dma_wait3A_106 = tpu.memref_slice %arg6[%arg0, %dma_wait3A_104, %dma_wait3A_105] : memref<2x10000x128xf32, #tpu.memory_space<hbm>> -> memref<1x40x128xf32, #tpu.memory_space<hbm>>
        %dma_wait3A_107 = tpu.memref_squeeze %dma_wait3A_106 : memref<1x40x128xf32, #tpu.memory_space<hbm>> -> memref<40x128xf32, #tpu.memory_space<hbm>>
        %dma_wait3A_108 = arith.constant 9720 : i32
        %dma_wait3A_109 = arith.constant 0 : i32
        %dma_wait3A_110 = tpu.memref_slice %arg6[%arg0, %dma_wait3A_108, %dma_wait3A_109] : memref<2x10000x128xf32, #tpu.memory_space<hbm>> -> memref<1x40x128xf32, #tpu.memory_space<hbm>>
        %dma_wait3A_111 = tpu.memref_squeeze %dma_wait3A_110 : memref<1x40x128xf32, #tpu.memory_space<hbm>> -> memref<40x128xf32, #tpu.memory_space<hbm>>
        %dma_wait3A_112 = arith.constant 0 : i32
        %dma_wait3A_113 = arith.constant 0 : i32
        %dma_wait3A_114 = tpu.memref_slice %arg13[%dma_wait3A_112, %dma_wait3A_113] : memref<64x128xf32, #tpu.memory_space<vmem>> -> memref<40x128xf32, #tpu.memory_space<vmem>>
        tpu.wait_dma2 semaphore(%run_scoped3A : memref<!tpu.dma_semaphore, #tpu.memory_space<semaphore_mem>>) src(%dma_wait3A_114 : memref<40x128xf32, #tpu.memory_space<vmem>>) dst(%dma_wait3A_111 : memref<40x128xf32, #tpu.memory_space<hbm>>)
        tpu.yield
      }) : () -> ()
      "tpu.region"() ({
        %run_scoped3A = tpu.sem_alloc : memref<!tpu.dma_semaphore, #tpu.memory_space<semaphore_mem>>
        %dma_start3A_87 = arith.constant 0 : i32
        %dma_start3A_88 = arith.constant 0 : i32
        %dma_start3A_89 = tpu.memref_slice %arg13[%dma_start3A_87, %dma_start3A_88] : memref<64x128xf32, #tpu.memory_space<vmem>> -> memref<40x128xf32, #tpu.memory_space<vmem>>
        %dma_start3A_90 = arith.constant 9760 : i32
        %dma_start3A_91 = arith.constant 0 : i32
        %dma_start3A_92 = tpu.memref_slice %arg14[%dma_start3A_90, %dma_start3A_91] : memref<10000x128xf32, #tpu.memory_space<vmem_shared>> -> memref<40x128xf32, #tpu.memory_space<vmem_shared>>
        %dma_start3A_93 = arith.constant 0 : i32
        %dma_start3A_94 = arith.constant 0 : i32
        %dma_start3A_95 = tpu.memref_slice %arg13[%dma_start3A_93, %dma_start3A_94] : memref<64x128xf32, #tpu.memory_space<vmem>> -> memref<40x128xf32, #tpu.memory_space<vmem>>
        %dma_start3A_96 = arith.constant 9760 : i32
        %dma_start3A_97 = arith.constant 0 : i32
        %dma_start3A_98 = tpu.memref_slice %arg14[%dma_start3A_96, %dma_start3A_97] : memref<10000x128xf32, #tpu.memory_space<vmem_shared>> -> memref<40x128xf32, #tpu.memory_space<vmem_shared>>
        tpu.enqueue_dma source(%dma_start3A_98 : memref<40x128xf32, #tpu.memory_space<vmem_shared>>) target(%dma_start3A_95 : memref<40x128xf32, #tpu.memory_space<vmem>>) target_semaphore(%run_scoped3A : memref<!tpu.dma_semaphore, #tpu.memory_space<semaphore_mem>>)
        %dma_wait3A_99 = arith.constant 0 : i32
        %dma_wait3A_100 = arith.constant 0 : i32
        %dma_wait3A_101 = tpu.memref_slice %arg13[%dma_wait3A_99, %dma_wait3A_100] : memref<64x128xf32, #tpu.memory_space<vmem>> -> memref<40x128xf32, #tpu.memory_space<vmem>>
        %dma_wait3A_102 = arith.constant 9760 : i32
        %dma_wait3A_103 = arith.constant 0 : i32
        %dma_wait3A_104 = tpu.memref_slice %arg14[%dma_wait3A_102, %dma_wait3A_103] : memref<10000x128xf32, #tpu.memory_space<vmem_shared>> -> memref<40x128xf32, #tpu.memory_space<vmem_shared>>
        %dma_wait3A_105 = arith.constant 0 : i32
        %dma_wait3A_106 = arith.constant 0 : i32
        %dma_wait3A_107 = tpu.memref_slice %arg13[%dma_wait3A_105, %dma_wait3A_106] : memref<64x128xf32, #tpu.memory_space<vmem>> -> memref<40x128xf32, #tpu.memory_space<vmem>>
        %dma_wait3A_108 = arith.constant 9760 : i32
        %dma_wait3A_109 = arith.constant 0 : i32
        %dma_wait3A_110 = tpu.memref_slice %arg14[%dma_wait3A_108, %dma_wait3A_109] : memref<10000x128xf32, #tpu.memory_space<vmem_shared>> -> memref<40x128xf32, #tpu.memory_space<vmem_shared>>
        tpu.wait_dma2 semaphore(%run_scoped3A : memref<!tpu.dma_semaphore, #tpu.memory_space<semaphore_mem>>) src(%dma_wait3A_110 : memref<40x128xf32, #tpu.memory_space<vmem_shared>>) dst(%dma_wait3A_107 : memref<40x128xf32, #tpu.memory_space<vmem>>)
        tpu.yield
      }) : () -> ()
      "tpu.region"() ({
        %run_scoped3A = tpu.sem_alloc : memref<!tpu.dma_semaphore, #tpu.memory_space<semaphore_mem>>
        %dma_start3A_87 = arith.constant 0 : i32
        %dma_start3A_88 = arith.constant 0 : i32
        %dma_start3A_89 = tpu.memref_slice %arg13[%dma_start3A_87, %dma_start3A_88] : memref<64x128xf32, #tpu.memory_space<vmem>> -> memref<40x128xf32, #tpu.memory_space<vmem>>
        %dma_start3A_90 = arith.constant 9760 : i32
        %dma_start3A_91 = arith.constant 0 : i32
        %dma_start3A_92 = tpu.memref_slice %arg6[%arg0, %dma_start3A_90, %dma_start3A_91] : memref<2x10000x128xf32, #tpu.memory_space<hbm>> -> memref<1x40x128xf32, #tpu.memory_space<hbm>>
        %dma_start3A_93 = tpu.memref_squeeze %dma_start3A_92 : memref<1x40x128xf32, #tpu.memory_space<hbm>> -> memref<40x128xf32, #tpu.memory_space<hbm>>
        %dma_start3A_94 = arith.constant 9760 : i32
        %dma_start3A_95 = arith.constant 0 : i32
        %dma_start3A_96 = tpu.memref_slice %arg6[%arg0, %dma_start3A_94, %dma_start3A_95] : memref<2x10000x128xf32, #tpu.memory_space<hbm>> -> memref<1x40x128xf32, #tpu.memory_space<hbm>>
        %dma_start3A_97 = tpu.memref_squeeze %dma_start3A_96 : memref<1x40x128xf32, #tpu.memory_space<hbm>> -> memref<40x128xf32, #tpu.memory_space<hbm>>
        %dma_start3A_98 = arith.constant 0 : i32
        %dma_start3A_99 = arith.constant 0 : i32
        %dma_start3A_100 = tpu.memref_slice %arg13[%dma_start3A_98, %dma_start3A_99] : memref<64x128xf32, #tpu.memory_space<vmem>> -> memref<40x128xf32, #tpu.memory_space<vmem>>
        tpu.enqueue_dma source(%dma_start3A_100 : memref<40x128xf32, #tpu.memory_space<vmem>>) target(%dma_start3A_97 : memref<40x128xf32, #tpu.memory_space<hbm>>) target_semaphore(%run_scoped3A : memref<!tpu.dma_semaphore, #tpu.memory_space<semaphore_mem>>)
        %dma_wait3A_101 = arith.constant 0 : i32
        %dma_wait3A_102 = arith.constant 0 : i32
        %dma_wait3A_103 = tpu.memref_slice %arg13[%dma_wait3A_101, %dma_wait3A_102] : memref<64x128xf32, #tpu.memory_space<vmem>> -> memref<40x128xf32, #tpu.memory_space<vmem>>
        %dma_wait3A_104 = arith.constant 9760 : i32
        %dma_wait3A_105 = arith.constant 0 : i32
        %dma_wait3A_106 = tpu.memref_slice %arg6[%arg0, %dma_wait3A_104, %dma_wait3A_105] : memref<2x10000x128xf32, #tpu.memory_space<hbm>> -> memref<1x40x128xf32, #tpu.memory_space<hbm>>
        %dma_wait3A_107 = tpu.memref_squeeze %dma_wait3A_106 : memref<1x40x128xf32, #tpu.memory_space<hbm>> -> memref<40x128xf32, #tpu.memory_space<hbm>>
        %dma_wait3A_108 = arith.constant 9760 : i32
        %dma_wait3A_109 = arith.constant 0 : i32
        %dma_wait3A_110 = tpu.memref_slice %arg6[%arg0, %dma_wait3A_108, %dma_wait3A_109] : memref<2x10000x128xf32, #tpu.memory_space<hbm>> -> memref<1x40x128xf32, #tpu.memory_space<hbm>>
        %dma_wait3A_111 = tpu.memref_squeeze %dma_wait3A_110 : memref<1x40x128xf32, #tpu.memory_space<hbm>> -> memref<40x128xf32, #tpu.memory_space<hbm>>
        %dma_wait3A_112 = arith.constant 0 : i32
        %dma_wait3A_113 = arith.constant 0 : i32
        %dma_wait3A_114 = tpu.memref_slice %arg13[%dma_wait3A_112, %dma_wait3A_113] : memref<64x128xf32, #tpu.memory_space<vmem>> -> memref<40x128xf32, #tpu.memory_space<vmem>>
        tpu.wait_dma2 semaphore(%run_scoped3A : memref<!tpu.dma_semaphore, #tpu.memory_space<semaphore_mem>>) src(%dma_wait3A_114 : memref<40x128xf32, #tpu.memory_space<vmem>>) dst(%dma_wait3A_111 : memref<40x128xf32, #tpu.memory_space<hbm>>)
        tpu.yield
      }) : () -> ()
      "tpu.region"() ({
        %run_scoped3A = tpu.sem_alloc : memref<!tpu.dma_semaphore, #tpu.memory_space<semaphore_mem>>
        %dma_start3A_87 = arith.constant 0 : i32
        %dma_start3A_88 = arith.constant 0 : i32
        %dma_start3A_89 = tpu.memref_slice %arg13[%dma_start3A_87, %dma_start3A_88] : memref<64x128xf32, #tpu.memory_space<vmem>> -> memref<40x128xf32, #tpu.memory_space<vmem>>
        %dma_start3A_90 = arith.constant 9800 : i32
        %dma_start3A_91 = arith.constant 0 : i32
        %dma_start3A_92 = tpu.memref_slice %arg14[%dma_start3A_90, %dma_start3A_91] : memref<10000x128xf32, #tpu.memory_space<vmem_shared>> -> memref<40x128xf32, #tpu.memory_space<vmem_shared>>
        %dma_start3A_93 = arith.constant 0 : i32
        %dma_start3A_94 = arith.constant 0 : i32
        %dma_start3A_95 = tpu.memref_slice %arg13[%dma_start3A_93, %dma_start3A_94] : memref<64x128xf32, #tpu.memory_space<vmem>> -> memref<40x128xf32, #tpu.memory_space<vmem>>
        %dma_start3A_96 = arith.constant 9800 : i32
        %dma_start3A_97 = arith.constant 0 : i32
        %dma_start3A_98 = tpu.memref_slice %arg14[%dma_start3A_96, %dma_start3A_97] : memref<10000x128xf32, #tpu.memory_space<vmem_shared>> -> memref<40x128xf32, #tpu.memory_space<vmem_shared>>
        tpu.enqueue_dma source(%dma_start3A_98 : memref<40x128xf32, #tpu.memory_space<vmem_shared>>) target(%dma_start3A_95 : memref<40x128xf32, #tpu.memory_space<vmem>>) target_semaphore(%run_scoped3A : memref<!tpu.dma_semaphore, #tpu.memory_space<semaphore_mem>>)
        %dma_wait3A_99 = arith.constant 0 : i32
        %dma_wait3A_100 = arith.constant 0 : i32
        %dma_wait3A_101 = tpu.memref_slice %arg13[%dma_wait3A_99, %dma_wait3A_100] : memref<64x128xf32, #tpu.memory_space<vmem>> -> memref<40x128xf32, #tpu.memory_space<vmem>>
        %dma_wait3A_102 = arith.constant 9800 : i32
        %dma_wait3A_103 = arith.constant 0 : i32
        %dma_wait3A_104 = tpu.memref_slice %arg14[%dma_wait3A_102, %dma_wait3A_103] : memref<10000x128xf32, #tpu.memory_space<vmem_shared>> -> memref<40x128xf32, #tpu.memory_space<vmem_shared>>
        %dma_wait3A_105 = arith.constant 0 : i32
        %dma_wait3A_106 = arith.constant 0 : i32
        %dma_wait3A_107 = tpu.memref_slice %arg13[%dma_wait3A_105, %dma_wait3A_106] : memref<64x128xf32, #tpu.memory_space<vmem>> -> memref<40x128xf32, #tpu.memory_space<vmem>>
        %dma_wait3A_108 = arith.constant 9800 : i32
        %dma_wait3A_109 = arith.constant 0 : i32
        %dma_wait3A_110 = tpu.memref_slice %arg14[%dma_wait3A_108, %dma_wait3A_109] : memref<10000x128xf32, #tpu.memory_space<vmem_shared>> -> memref<40x128xf32, #tpu.memory_space<vmem_shared>>
        tpu.wait_dma2 semaphore(%run_scoped3A : memref<!tpu.dma_semaphore, #tpu.memory_space<semaphore_mem>>) src(%dma_wait3A_110 : memref<40x128xf32, #tpu.memory_space<vmem_shared>>) dst(%dma_wait3A_107 : memref<40x128xf32, #tpu.memory_space<vmem>>)
        tpu.yield
      }) : () -> ()
      "tpu.region"() ({
        %run_scoped3A = tpu.sem_alloc : memref<!tpu.dma_semaphore, #tpu.memory_space<semaphore_mem>>
        %dma_start3A_87 = arith.constant 0 : i32
        %dma_start3A_88 = arith.constant 0 : i32
        %dma_start3A_89 = tpu.memref_slice %arg13[%dma_start3A_87, %dma_start3A_88] : memref<64x128xf32, #tpu.memory_space<vmem>> -> memref<40x128xf32, #tpu.memory_space<vmem>>
        %dma_start3A_90 = arith.constant 9800 : i32
        %dma_start3A_91 = arith.constant 0 : i32
        %dma_start3A_92 = tpu.memref_slice %arg6[%arg0, %dma_start3A_90, %dma_start3A_91] : memref<2x10000x128xf32, #tpu.memory_space<hbm>> -> memref<1x40x128xf32, #tpu.memory_space<hbm>>
        %dma_start3A_93 = tpu.memref_squeeze %dma_start3A_92 : memref<1x40x128xf32, #tpu.memory_space<hbm>> -> memref<40x128xf32, #tpu.memory_space<hbm>>
        %dma_start3A_94 = arith.constant 9800 : i32
        %dma_start3A_95 = arith.constant 0 : i32
        %dma_start3A_96 = tpu.memref_slice %arg6[%arg0, %dma_start3A_94, %dma_start3A_95] : memref<2x10000x128xf32, #tpu.memory_space<hbm>> -> memref<1x40x128xf32, #tpu.memory_space<hbm>>
        %dma_start3A_97 = tpu.memref_squeeze %dma_start3A_96 : memref<1x40x128xf32, #tpu.memory_space<hbm>> -> memref<40x128xf32, #tpu.memory_space<hbm>>
        %dma_start3A_98 = arith.constant 0 : i32
        %dma_start3A_99 = arith.constant 0 : i32
        %dma_start3A_100 = tpu.memref_slice %arg13[%dma_start3A_98, %dma_start3A_99] : memref<64x128xf32, #tpu.memory_space<vmem>> -> memref<40x128xf32, #tpu.memory_space<vmem>>
        tpu.enqueue_dma source(%dma_start3A_100 : memref<40x128xf32, #tpu.memory_space<vmem>>) target(%dma_start3A_97 : memref<40x128xf32, #tpu.memory_space<hbm>>) target_semaphore(%run_scoped3A : memref<!tpu.dma_semaphore, #tpu.memory_space<semaphore_mem>>)
        %dma_wait3A_101 = arith.constant 0 : i32
        %dma_wait3A_102 = arith.constant 0 : i32
        %dma_wait3A_103 = tpu.memref_slice %arg13[%dma_wait3A_101, %dma_wait3A_102] : memref<64x128xf32, #tpu.memory_space<vmem>> -> memref<40x128xf32, #tpu.memory_space<vmem>>
        %dma_wait3A_104 = arith.constant 9800 : i32
        %dma_wait3A_105 = arith.constant 0 : i32
        %dma_wait3A_106 = tpu.memref_slice %arg6[%arg0, %dma_wait3A_104, %dma_wait3A_105] : memref<2x10000x128xf32, #tpu.memory_space<hbm>> -> memref<1x40x128xf32, #tpu.memory_space<hbm>>
        %dma_wait3A_107 = tpu.memref_squeeze %dma_wait3A_106 : memref<1x40x128xf32, #tpu.memory_space<hbm>> -> memref<40x128xf32, #tpu.memory_space<hbm>>
        %dma_wait3A_108 = arith.constant 9800 : i32
        %dma_wait3A_109 = arith.constant 0 : i32
        %dma_wait3A_110 = tpu.memref_slice %arg6[%arg0, %dma_wait3A_108, %dma_wait3A_109] : memref<2x10000x128xf32, #tpu.memory_space<hbm>> -> memref<1x40x128xf32, #tpu.memory_space<hbm>>
        %dma_wait3A_111 = tpu.memref_squeeze %dma_wait3A_110 : memref<1x40x128xf32, #tpu.memory_space<hbm>> -> memref<40x128xf32, #tpu.memory_space<hbm>>
        %dma_wait3A_112 = arith.constant 0 : i32
        %dma_wait3A_113 = arith.constant 0 : i32
        %dma_wait3A_114 = tpu.memref_slice %arg13[%dma_wait3A_112, %dma_wait3A_113] : memref<64x128xf32, #tpu.memory_space<vmem>> -> memref<40x128xf32, #tpu.memory_space<vmem>>
        tpu.wait_dma2 semaphore(%run_scoped3A : memref<!tpu.dma_semaphore, #tpu.memory_space<semaphore_mem>>) src(%dma_wait3A_114 : memref<40x128xf32, #tpu.memory_space<vmem>>) dst(%dma_wait3A_111 : memref<40x128xf32, #tpu.memory_space<hbm>>)
        tpu.yield
      }) : () -> ()
      "tpu.region"() ({
        %run_scoped3A = tpu.sem_alloc : memref<!tpu.dma_semaphore, #tpu.memory_space<semaphore_mem>>
        %dma_start3A_87 = arith.constant 0 : i32
        %dma_start3A_88 = arith.constant 0 : i32
        %dma_start3A_89 = tpu.memref_slice %arg13[%dma_start3A_87, %dma_start3A_88] : memref<64x128xf32, #tpu.memory_space<vmem>> -> memref<40x128xf32, #tpu.memory_space<vmem>>
        %dma_start3A_90 = arith.constant 9840 : i32
        %dma_start3A_91 = arith.constant 0 : i32
        %dma_start3A_92 = tpu.memref_slice %arg14[%dma_start3A_90, %dma_start3A_91] : memref<10000x128xf32, #tpu.memory_space<vmem_shared>> -> memref<40x128xf32, #tpu.memory_space<vmem_shared>>
        %dma_start3A_93 = arith.constant 0 : i32
        %dma_start3A_94 = arith.constant 0 : i32
        %dma_start3A_95 = tpu.memref_slice %arg13[%dma_start3A_93, %dma_start3A_94] : memref<64x128xf32, #tpu.memory_space<vmem>> -> memref<40x128xf32, #tpu.memory_space<vmem>>
        %dma_start3A_96 = arith.constant 9840 : i32
        %dma_start3A_97 = arith.constant 0 : i32
        %dma_start3A_98 = tpu.memref_slice %arg14[%dma_start3A_96, %dma_start3A_97] : memref<10000x128xf32, #tpu.memory_space<vmem_shared>> -> memref<40x128xf32, #tpu.memory_space<vmem_shared>>
        tpu.enqueue_dma source(%dma_start3A_98 : memref<40x128xf32, #tpu.memory_space<vmem_shared>>) target(%dma_start3A_95 : memref<40x128xf32, #tpu.memory_space<vmem>>) target_semaphore(%run_scoped3A : memref<!tpu.dma_semaphore, #tpu.memory_space<semaphore_mem>>)
        %dma_wait3A_99 = arith.constant 0 : i32
        %dma_wait3A_100 = arith.constant 0 : i32
        %dma_wait3A_101 = tpu.memref_slice %arg13[%dma_wait3A_99, %dma_wait3A_100] : memref<64x128xf32, #tpu.memory_space<vmem>> -> memref<40x128xf32, #tpu.memory_space<vmem>>
        %dma_wait3A_102 = arith.constant 9840 : i32
        %dma_wait3A_103 = arith.constant 0 : i32
        %dma_wait3A_104 = tpu.memref_slice %arg14[%dma_wait3A_102, %dma_wait3A_103] : memref<10000x128xf32, #tpu.memory_space<vmem_shared>> -> memref<40x128xf32, #tpu.memory_space<vmem_shared>>
        %dma_wait3A_105 = arith.constant 0 : i32
        %dma_wait3A_106 = arith.constant 0 : i32
        %dma_wait3A_107 = tpu.memref_slice %arg13[%dma_wait3A_105, %dma_wait3A_106] : memref<64x128xf32, #tpu.memory_space<vmem>> -> memref<40x128xf32, #tpu.memory_space<vmem>>
        %dma_wait3A_108 = arith.constant 9840 : i32
        %dma_wait3A_109 = arith.constant 0 : i32
        %dma_wait3A_110 = tpu.memref_slice %arg14[%dma_wait3A_108, %dma_wait3A_109] : memref<10000x128xf32, #tpu.memory_space<vmem_shared>> -> memref<40x128xf32, #tpu.memory_space<vmem_shared>>
        tpu.wait_dma2 semaphore(%run_scoped3A : memref<!tpu.dma_semaphore, #tpu.memory_space<semaphore_mem>>) src(%dma_wait3A_110 : memref<40x128xf32, #tpu.memory_space<vmem_shared>>) dst(%dma_wait3A_107 : memref<40x128xf32, #tpu.memory_space<vmem>>)
        tpu.yield
      }) : () -> ()
      "tpu.region"() ({
        %run_scoped3A = tpu.sem_alloc : memref<!tpu.dma_semaphore, #tpu.memory_space<semaphore_mem>>
        %dma_start3A_87 = arith.constant 0 : i32
        %dma_start3A_88 = arith.constant 0 : i32
        %dma_start3A_89 = tpu.memref_slice %arg13[%dma_start3A_87, %dma_start3A_88] : memref<64x128xf32, #tpu.memory_space<vmem>> -> memref<40x128xf32, #tpu.memory_space<vmem>>
        %dma_start3A_90 = arith.constant 9840 : i32
        %dma_start3A_91 = arith.constant 0 : i32
        %dma_start3A_92 = tpu.memref_slice %arg6[%arg0, %dma_start3A_90, %dma_start3A_91] : memref<2x10000x128xf32, #tpu.memory_space<hbm>> -> memref<1x40x128xf32, #tpu.memory_space<hbm>>
        %dma_start3A_93 = tpu.memref_squeeze %dma_start3A_92 : memref<1x40x128xf32, #tpu.memory_space<hbm>> -> memref<40x128xf32, #tpu.memory_space<hbm>>
        %dma_start3A_94 = arith.constant 9840 : i32
        %dma_start3A_95 = arith.constant 0 : i32
        %dma_start3A_96 = tpu.memref_slice %arg6[%arg0, %dma_start3A_94, %dma_start3A_95] : memref<2x10000x128xf32, #tpu.memory_space<hbm>> -> memref<1x40x128xf32, #tpu.memory_space<hbm>>
        %dma_start3A_97 = tpu.memref_squeeze %dma_start3A_96 : memref<1x40x128xf32, #tpu.memory_space<hbm>> -> memref<40x128xf32, #tpu.memory_space<hbm>>
        %dma_start3A_98 = arith.constant 0 : i32
        %dma_start3A_99 = arith.constant 0 : i32
        %dma_start3A_100 = tpu.memref_slice %arg13[%dma_start3A_98, %dma_start3A_99] : memref<64x128xf32, #tpu.memory_space<vmem>> -> memref<40x128xf32, #tpu.memory_space<vmem>>
        tpu.enqueue_dma source(%dma_start3A_100 : memref<40x128xf32, #tpu.memory_space<vmem>>) target(%dma_start3A_97 : memref<40x128xf32, #tpu.memory_space<hbm>>) target_semaphore(%run_scoped3A : memref<!tpu.dma_semaphore, #tpu.memory_space<semaphore_mem>>)
        %dma_wait3A_101 = arith.constant 0 : i32
        %dma_wait3A_102 = arith.constant 0 : i32
        %dma_wait3A_103 = tpu.memref_slice %arg13[%dma_wait3A_101, %dma_wait3A_102] : memref<64x128xf32, #tpu.memory_space<vmem>> -> memref<40x128xf32, #tpu.memory_space<vmem>>
        %dma_wait3A_104 = arith.constant 9840 : i32
        %dma_wait3A_105 = arith.constant 0 : i32
        %dma_wait3A_106 = tpu.memref_slice %arg6[%arg0, %dma_wait3A_104, %dma_wait3A_105] : memref<2x10000x128xf32, #tpu.memory_space<hbm>> -> memref<1x40x128xf32, #tpu.memory_space<hbm>>
        %dma_wait3A_107 = tpu.memref_squeeze %dma_wait3A_106 : memref<1x40x128xf32, #tpu.memory_space<hbm>> -> memref<40x128xf32, #tpu.memory_space<hbm>>
        %dma_wait3A_108 = arith.constant 9840 : i32
        %dma_wait3A_109 = arith.constant 0 : i32
        %dma_wait3A_110 = tpu.memref_slice %arg6[%arg0, %dma_wait3A_108, %dma_wait3A_109] : memref<2x10000x128xf32, #tpu.memory_space<hbm>> -> memref<1x40x128xf32, #tpu.memory_space<hbm>>
        %dma_wait3A_111 = tpu.memref_squeeze %dma_wait3A_110 : memref<1x40x128xf32, #tpu.memory_space<hbm>> -> memref<40x128xf32, #tpu.memory_space<hbm>>
        %dma_wait3A_112 = arith.constant 0 : i32
        %dma_wait3A_113 = arith.constant 0 : i32
        %dma_wait3A_114 = tpu.memref_slice %arg13[%dma_wait3A_112, %dma_wait3A_113] : memref<64x128xf32, #tpu.memory_space<vmem>> -> memref<40x128xf32, #tpu.memory_space<vmem>>
        tpu.wait_dma2 semaphore(%run_scoped3A : memref<!tpu.dma_semaphore, #tpu.memory_space<semaphore_mem>>) src(%dma_wait3A_114 : memref<40x128xf32, #tpu.memory_space<vmem>>) dst(%dma_wait3A_111 : memref<40x128xf32, #tpu.memory_space<hbm>>)
        tpu.yield
      }) : () -> ()
      "tpu.region"() ({
        %run_scoped3A = tpu.sem_alloc : memref<!tpu.dma_semaphore, #tpu.memory_space<semaphore_mem>>
        %dma_start3A_87 = arith.constant 0 : i32
        %dma_start3A_88 = arith.constant 0 : i32
        %dma_start3A_89 = tpu.memref_slice %arg13[%dma_start3A_87, %dma_start3A_88] : memref<64x128xf32, #tpu.memory_space<vmem>> -> memref<40x128xf32, #tpu.memory_space<vmem>>
        %dma_start3A_90 = arith.constant 9880 : i32
        %dma_start3A_91 = arith.constant 0 : i32
        %dma_start3A_92 = tpu.memref_slice %arg14[%dma_start3A_90, %dma_start3A_91] : memref<10000x128xf32, #tpu.memory_space<vmem_shared>> -> memref<40x128xf32, #tpu.memory_space<vmem_shared>>
        %dma_start3A_93 = arith.constant 0 : i32
        %dma_start3A_94 = arith.constant 0 : i32
        %dma_start3A_95 = tpu.memref_slice %arg13[%dma_start3A_93, %dma_start3A_94] : memref<64x128xf32, #tpu.memory_space<vmem>> -> memref<40x128xf32, #tpu.memory_space<vmem>>
        %dma_start3A_96 = arith.constant 9880 : i32
        %dma_start3A_97 = arith.constant 0 : i32
        %dma_start3A_98 = tpu.memref_slice %arg14[%dma_start3A_96, %dma_start3A_97] : memref<10000x128xf32, #tpu.memory_space<vmem_shared>> -> memref<40x128xf32, #tpu.memory_space<vmem_shared>>
        tpu.enqueue_dma source(%dma_start3A_98 : memref<40x128xf32, #tpu.memory_space<vmem_shared>>) target(%dma_start3A_95 : memref<40x128xf32, #tpu.memory_space<vmem>>) target_semaphore(%run_scoped3A : memref<!tpu.dma_semaphore, #tpu.memory_space<semaphore_mem>>)
        %dma_wait3A_99 = arith.constant 0 : i32
        %dma_wait3A_100 = arith.constant 0 : i32
        %dma_wait3A_101 = tpu.memref_slice %arg13[%dma_wait3A_99, %dma_wait3A_100] : memref<64x128xf32, #tpu.memory_space<vmem>> -> memref<40x128xf32, #tpu.memory_space<vmem>>
        %dma_wait3A_102 = arith.constant 9880 : i32
        %dma_wait3A_103 = arith.constant 0 : i32
        %dma_wait3A_104 = tpu.memref_slice %arg14[%dma_wait3A_102, %dma_wait3A_103] : memref<10000x128xf32, #tpu.memory_space<vmem_shared>> -> memref<40x128xf32, #tpu.memory_space<vmem_shared>>
        %dma_wait3A_105 = arith.constant 0 : i32
        %dma_wait3A_106 = arith.constant 0 : i32
        %dma_wait3A_107 = tpu.memref_slice %arg13[%dma_wait3A_105, %dma_wait3A_106] : memref<64x128xf32, #tpu.memory_space<vmem>> -> memref<40x128xf32, #tpu.memory_space<vmem>>
        %dma_wait3A_108 = arith.constant 9880 : i32
        %dma_wait3A_109 = arith.constant 0 : i32
        %dma_wait3A_110 = tpu.memref_slice %arg14[%dma_wait3A_108, %dma_wait3A_109] : memref<10000x128xf32, #tpu.memory_space<vmem_shared>> -> memref<40x128xf32, #tpu.memory_space<vmem_shared>>
        tpu.wait_dma2 semaphore(%run_scoped3A : memref<!tpu.dma_semaphore, #tpu.memory_space<semaphore_mem>>) src(%dma_wait3A_110 : memref<40x128xf32, #tpu.memory_space<vmem_shared>>) dst(%dma_wait3A_107 : memref<40x128xf32, #tpu.memory_space<vmem>>)
        tpu.yield
      }) : () -> ()
      "tpu.region"() ({
        %run_scoped3A = tpu.sem_alloc : memref<!tpu.dma_semaphore, #tpu.memory_space<semaphore_mem>>
        %dma_start3A_87 = arith.constant 0 : i32
        %dma_start3A_88 = arith.constant 0 : i32
        %dma_start3A_89 = tpu.memref_slice %arg13[%dma_start3A_87, %dma_start3A_88] : memref<64x128xf32, #tpu.memory_space<vmem>> -> memref<40x128xf32, #tpu.memory_space<vmem>>
        %dma_start3A_90 = arith.constant 9880 : i32
        %dma_start3A_91 = arith.constant 0 : i32
        %dma_start3A_92 = tpu.memref_slice %arg6[%arg0, %dma_start3A_90, %dma_start3A_91] : memref<2x10000x128xf32, #tpu.memory_space<hbm>> -> memref<1x40x128xf32, #tpu.memory_space<hbm>>
        %dma_start3A_93 = tpu.memref_squeeze %dma_start3A_92 : memref<1x40x128xf32, #tpu.memory_space<hbm>> -> memref<40x128xf32, #tpu.memory_space<hbm>>
        %dma_start3A_94 = arith.constant 9880 : i32
        %dma_start3A_95 = arith.constant 0 : i32
        %dma_start3A_96 = tpu.memref_slice %arg6[%arg0, %dma_start3A_94, %dma_start3A_95] : memref<2x10000x128xf32, #tpu.memory_space<hbm>> -> memref<1x40x128xf32, #tpu.memory_space<hbm>>
        %dma_start3A_97 = tpu.memref_squeeze %dma_start3A_96 : memref<1x40x128xf32, #tpu.memory_space<hbm>> -> memref<40x128xf32, #tpu.memory_space<hbm>>
        %dma_start3A_98 = arith.constant 0 : i32
        %dma_start3A_99 = arith.constant 0 : i32
        %dma_start3A_100 = tpu.memref_slice %arg13[%dma_start3A_98, %dma_start3A_99] : memref<64x128xf32, #tpu.memory_space<vmem>> -> memref<40x128xf32, #tpu.memory_space<vmem>>
        tpu.enqueue_dma source(%dma_start3A_100 : memref<40x128xf32, #tpu.memory_space<vmem>>) target(%dma_start3A_97 : memref<40x128xf32, #tpu.memory_space<hbm>>) target_semaphore(%run_scoped3A : memref<!tpu.dma_semaphore, #tpu.memory_space<semaphore_mem>>)
        %dma_wait3A_101 = arith.constant 0 : i32
        %dma_wait3A_102 = arith.constant 0 : i32
        %dma_wait3A_103 = tpu.memref_slice %arg13[%dma_wait3A_101, %dma_wait3A_102] : memref<64x128xf32, #tpu.memory_space<vmem>> -> memref<40x128xf32, #tpu.memory_space<vmem>>
        %dma_wait3A_104 = arith.constant 9880 : i32
        %dma_wait3A_105 = arith.constant 0 : i32
        %dma_wait3A_106 = tpu.memref_slice %arg6[%arg0, %dma_wait3A_104, %dma_wait3A_105] : memref<2x10000x128xf32, #tpu.memory_space<hbm>> -> memref<1x40x128xf32, #tpu.memory_space<hbm>>
        %dma_wait3A_107 = tpu.memref_squeeze %dma_wait3A_106 : memref<1x40x128xf32, #tpu.memory_space<hbm>> -> memref<40x128xf32, #tpu.memory_space<hbm>>
        %dma_wait3A_108 = arith.constant 9880 : i32
        %dma_wait3A_109 = arith.constant 0 : i32
        %dma_wait3A_110 = tpu.memref_slice %arg6[%arg0, %dma_wait3A_108, %dma_wait3A_109] : memref<2x10000x128xf32, #tpu.memory_space<hbm>> -> memref<1x40x128xf32, #tpu.memory_space<hbm>>
        %dma_wait3A_111 = tpu.memref_squeeze %dma_wait3A_110 : memref<1x40x128xf32, #tpu.memory_space<hbm>> -> memref<40x128xf32, #tpu.memory_space<hbm>>
        %dma_wait3A_112 = arith.constant 0 : i32
        %dma_wait3A_113 = arith.constant 0 : i32
        %dma_wait3A_114 = tpu.memref_slice %arg13[%dma_wait3A_112, %dma_wait3A_113] : memref<64x128xf32, #tpu.memory_space<vmem>> -> memref<40x128xf32, #tpu.memory_space<vmem>>
        tpu.wait_dma2 semaphore(%run_scoped3A : memref<!tpu.dma_semaphore, #tpu.memory_space<semaphore_mem>>) src(%dma_wait3A_114 : memref<40x128xf32, #tpu.memory_space<vmem>>) dst(%dma_wait3A_111 : memref<40x128xf32, #tpu.memory_space<hbm>>)
        tpu.yield
      }) : () -> ()
      "tpu.region"() ({
        %run_scoped3A = tpu.sem_alloc : memref<!tpu.dma_semaphore, #tpu.memory_space<semaphore_mem>>
        %dma_start3A_87 = arith.constant 0 : i32
        %dma_start3A_88 = arith.constant 0 : i32
        %dma_start3A_89 = tpu.memref_slice %arg13[%dma_start3A_87, %dma_start3A_88] : memref<64x128xf32, #tpu.memory_space<vmem>> -> memref<40x128xf32, #tpu.memory_space<vmem>>
        %dma_start3A_90 = arith.constant 9920 : i32
        %dma_start3A_91 = arith.constant 0 : i32
        %dma_start3A_92 = tpu.memref_slice %arg14[%dma_start3A_90, %dma_start3A_91] : memref<10000x128xf32, #tpu.memory_space<vmem_shared>> -> memref<40x128xf32, #tpu.memory_space<vmem_shared>>
        %dma_start3A_93 = arith.constant 0 : i32
        %dma_start3A_94 = arith.constant 0 : i32
        %dma_start3A_95 = tpu.memref_slice %arg13[%dma_start3A_93, %dma_start3A_94] : memref<64x128xf32, #tpu.memory_space<vmem>> -> memref<40x128xf32, #tpu.memory_space<vmem>>
        %dma_start3A_96 = arith.constant 9920 : i32
        %dma_start3A_97 = arith.constant 0 : i32
        %dma_start3A_98 = tpu.memref_slice %arg14[%dma_start3A_96, %dma_start3A_97] : memref<10000x128xf32, #tpu.memory_space<vmem_shared>> -> memref<40x128xf32, #tpu.memory_space<vmem_shared>>
        tpu.enqueue_dma source(%dma_start3A_98 : memref<40x128xf32, #tpu.memory_space<vmem_shared>>) target(%dma_start3A_95 : memref<40x128xf32, #tpu.memory_space<vmem>>) target_semaphore(%run_scoped3A : memref<!tpu.dma_semaphore, #tpu.memory_space<semaphore_mem>>)
        %dma_wait3A_99 = arith.constant 0 : i32
        %dma_wait3A_100 = arith.constant 0 : i32
        %dma_wait3A_101 = tpu.memref_slice %arg13[%dma_wait3A_99, %dma_wait3A_100] : memref<64x128xf32, #tpu.memory_space<vmem>> -> memref<40x128xf32, #tpu.memory_space<vmem>>
        %dma_wait3A_102 = arith.constant 9920 : i32
        %dma_wait3A_103 = arith.constant 0 : i32
        %dma_wait3A_104 = tpu.memref_slice %arg14[%dma_wait3A_102, %dma_wait3A_103] : memref<10000x128xf32, #tpu.memory_space<vmem_shared>> -> memref<40x128xf32, #tpu.memory_space<vmem_shared>>
        %dma_wait3A_105 = arith.constant 0 : i32
        %dma_wait3A_106 = arith.constant 0 : i32
        %dma_wait3A_107 = tpu.memref_slice %arg13[%dma_wait3A_105, %dma_wait3A_106] : memref<64x128xf32, #tpu.memory_space<vmem>> -> memref<40x128xf32, #tpu.memory_space<vmem>>
        %dma_wait3A_108 = arith.constant 9920 : i32
        %dma_wait3A_109 = arith.constant 0 : i32
        %dma_wait3A_110 = tpu.memref_slice %arg14[%dma_wait3A_108, %dma_wait3A_109] : memref<10000x128xf32, #tpu.memory_space<vmem_shared>> -> memref<40x128xf32, #tpu.memory_space<vmem_shared>>
        tpu.wait_dma2 semaphore(%run_scoped3A : memref<!tpu.dma_semaphore, #tpu.memory_space<semaphore_mem>>) src(%dma_wait3A_110 : memref<40x128xf32, #tpu.memory_space<vmem_shared>>) dst(%dma_wait3A_107 : memref<40x128xf32, #tpu.memory_space<vmem>>)
        tpu.yield
      }) : () -> ()
      "tpu.region"() ({
        %run_scoped3A = tpu.sem_alloc : memref<!tpu.dma_semaphore, #tpu.memory_space<semaphore_mem>>
        %dma_start3A_87 = arith.constant 0 : i32
        %dma_start3A_88 = arith.constant 0 : i32
        %dma_start3A_89 = tpu.memref_slice %arg13[%dma_start3A_87, %dma_start3A_88] : memref<64x128xf32, #tpu.memory_space<vmem>> -> memref<40x128xf32, #tpu.memory_space<vmem>>
        %dma_start3A_90 = arith.constant 9920 : i32
        %dma_start3A_91 = arith.constant 0 : i32
        %dma_start3A_92 = tpu.memref_slice %arg6[%arg0, %dma_start3A_90, %dma_start3A_91] : memref<2x10000x128xf32, #tpu.memory_space<hbm>> -> memref<1x40x128xf32, #tpu.memory_space<hbm>>
        %dma_start3A_93 = tpu.memref_squeeze %dma_start3A_92 : memref<1x40x128xf32, #tpu.memory_space<hbm>> -> memref<40x128xf32, #tpu.memory_space<hbm>>
        %dma_start3A_94 = arith.constant 9920 : i32
        %dma_start3A_95 = arith.constant 0 : i32
        %dma_start3A_96 = tpu.memref_slice %arg6[%arg0, %dma_start3A_94, %dma_start3A_95] : memref<2x10000x128xf32, #tpu.memory_space<hbm>> -> memref<1x40x128xf32, #tpu.memory_space<hbm>>
        %dma_start3A_97 = tpu.memref_squeeze %dma_start3A_96 : memref<1x40x128xf32, #tpu.memory_space<hbm>> -> memref<40x128xf32, #tpu.memory_space<hbm>>
        %dma_start3A_98 = arith.constant 0 : i32
        %dma_start3A_99 = arith.constant 0 : i32
        %dma_start3A_100 = tpu.memref_slice %arg13[%dma_start3A_98, %dma_start3A_99] : memref<64x128xf32, #tpu.memory_space<vmem>> -> memref<40x128xf32, #tpu.memory_space<vmem>>
        tpu.enqueue_dma source(%dma_start3A_100 : memref<40x128xf32, #tpu.memory_space<vmem>>) target(%dma_start3A_97 : memref<40x128xf32, #tpu.memory_space<hbm>>) target_semaphore(%run_scoped3A : memref<!tpu.dma_semaphore, #tpu.memory_space<semaphore_mem>>)
        %dma_wait3A_101 = arith.constant 0 : i32
        %dma_wait3A_102 = arith.constant 0 : i32
        %dma_wait3A_103 = tpu.memref_slice %arg13[%dma_wait3A_101, %dma_wait3A_102] : memref<64x128xf32, #tpu.memory_space<vmem>> -> memref<40x128xf32, #tpu.memory_space<vmem>>
        %dma_wait3A_104 = arith.constant 9920 : i32
        %dma_wait3A_105 = arith.constant 0 : i32
        %dma_wait3A_106 = tpu.memref_slice %arg6[%arg0, %dma_wait3A_104, %dma_wait3A_105] : memref<2x10000x128xf32, #tpu.memory_space<hbm>> -> memref<1x40x128xf32, #tpu.memory_space<hbm>>
        %dma_wait3A_107 = tpu.memref_squeeze %dma_wait3A_106 : memref<1x40x128xf32, #tpu.memory_space<hbm>> -> memref<40x128xf32, #tpu.memory_space<hbm>>
        %dma_wait3A_108 = arith.constant 9920 : i32
        %dma_wait3A_109 = arith.constant 0 : i32
        %dma_wait3A_110 = tpu.memref_slice %arg6[%arg0, %dma_wait3A_108, %dma_wait3A_109] : memref<2x10000x128xf32, #tpu.memory_space<hbm>> -> memref<1x40x128xf32, #tpu.memory_space<hbm>>
        %dma_wait3A_111 = tpu.memref_squeeze %dma_wait3A_110 : memref<1x40x128xf32, #tpu.memory_space<hbm>> -> memref<40x128xf32, #tpu.memory_space<hbm>>
        %dma_wait3A_112 = arith.constant 0 : i32
        %dma_wait3A_113 = arith.constant 0 : i32
        %dma_wait3A_114 = tpu.memref_slice %arg13[%dma_wait3A_112, %dma_wait3A_113] : memref<64x128xf32, #tpu.memory_space<vmem>> -> memref<40x128xf32, #tpu.memory_space<vmem>>
        tpu.wait_dma2 semaphore(%run_scoped3A : memref<!tpu.dma_semaphore, #tpu.memory_space<semaphore_mem>>) src(%dma_wait3A_114 : memref<40x128xf32, #tpu.memory_space<vmem>>) dst(%dma_wait3A_111 : memref<40x128xf32, #tpu.memory_space<hbm>>)
        tpu.yield
      }) : () -> ()
      "tpu.region"() ({
        %run_scoped3A = tpu.sem_alloc : memref<!tpu.dma_semaphore, #tpu.memory_space<semaphore_mem>>
        %dma_start3A_87 = arith.constant 0 : i32
        %dma_start3A_88 = arith.constant 0 : i32
        %dma_start3A_89 = tpu.memref_slice %arg13[%dma_start3A_87, %dma_start3A_88] : memref<64x128xf32, #tpu.memory_space<vmem>> -> memref<40x128xf32, #tpu.memory_space<vmem>>
        %dma_start3A_90 = arith.constant 9960 : i32
        %dma_start3A_91 = arith.constant 0 : i32
        %dma_start3A_92 = tpu.memref_slice %arg14[%dma_start3A_90, %dma_start3A_91] : memref<10000x128xf32, #tpu.memory_space<vmem_shared>> -> memref<40x128xf32, #tpu.memory_space<vmem_shared>>
        %dma_start3A_93 = arith.constant 0 : i32
        %dma_start3A_94 = arith.constant 0 : i32
        %dma_start3A_95 = tpu.memref_slice %arg13[%dma_start3A_93, %dma_start3A_94] : memref<64x128xf32, #tpu.memory_space<vmem>> -> memref<40x128xf32, #tpu.memory_space<vmem>>
        %dma_start3A_96 = arith.constant 9960 : i32
        %dma_start3A_97 = arith.constant 0 : i32
        %dma_start3A_98 = tpu.memref_slice %arg14[%dma_start3A_96, %dma_start3A_97] : memref<10000x128xf32, #tpu.memory_space<vmem_shared>> -> memref<40x128xf32, #tpu.memory_space<vmem_shared>>
        tpu.enqueue_dma source(%dma_start3A_98 : memref<40x128xf32, #tpu.memory_space<vmem_shared>>) target(%dma_start3A_95 : memref<40x128xf32, #tpu.memory_space<vmem>>) target_semaphore(%run_scoped3A : memref<!tpu.dma_semaphore, #tpu.memory_space<semaphore_mem>>)
        %dma_wait3A_99 = arith.constant 0 : i32
        %dma_wait3A_100 = arith.constant 0 : i32
        %dma_wait3A_101 = tpu.memref_slice %arg13[%dma_wait3A_99, %dma_wait3A_100] : memref<64x128xf32, #tpu.memory_space<vmem>> -> memref<40x128xf32, #tpu.memory_space<vmem>>
        %dma_wait3A_102 = arith.constant 9960 : i32
        %dma_wait3A_103 = arith.constant 0 : i32
        %dma_wait3A_104 = tpu.memref_slice %arg14[%dma_wait3A_102, %dma_wait3A_103] : memref<10000x128xf32, #tpu.memory_space<vmem_shared>> -> memref<40x128xf32, #tpu.memory_space<vmem_shared>>
        %dma_wait3A_105 = arith.constant 0 : i32
        %dma_wait3A_106 = arith.constant 0 : i32
        %dma_wait3A_107 = tpu.memref_slice %arg13[%dma_wait3A_105, %dma_wait3A_106] : memref<64x128xf32, #tpu.memory_space<vmem>> -> memref<40x128xf32, #tpu.memory_space<vmem>>
        %dma_wait3A_108 = arith.constant 9960 : i32
        %dma_wait3A_109 = arith.constant 0 : i32
        %dma_wait3A_110 = tpu.memref_slice %arg14[%dma_wait3A_108, %dma_wait3A_109] : memref<10000x128xf32, #tpu.memory_space<vmem_shared>> -> memref<40x128xf32, #tpu.memory_space<vmem_shared>>
        tpu.wait_dma2 semaphore(%run_scoped3A : memref<!tpu.dma_semaphore, #tpu.memory_space<semaphore_mem>>) src(%dma_wait3A_110 : memref<40x128xf32, #tpu.memory_space<vmem_shared>>) dst(%dma_wait3A_107 : memref<40x128xf32, #tpu.memory_space<vmem>>)
        tpu.yield
      }) : () -> ()
      "tpu.region"() ({
        %run_scoped3A = tpu.sem_alloc : memref<!tpu.dma_semaphore, #tpu.memory_space<semaphore_mem>>
        %dma_start3A_87 = arith.constant 0 : i32
        %dma_start3A_88 = arith.constant 0 : i32
        %dma_start3A_89 = tpu.memref_slice %arg13[%dma_start3A_87, %dma_start3A_88] : memref<64x128xf32, #tpu.memory_space<vmem>> -> memref<40x128xf32, #tpu.memory_space<vmem>>
        %dma_start3A_90 = arith.constant 9960 : i32
        %dma_start3A_91 = arith.constant 0 : i32
        %dma_start3A_92 = tpu.memref_slice %arg6[%arg0, %dma_start3A_90, %dma_start3A_91] : memref<2x10000x128xf32, #tpu.memory_space<hbm>> -> memref<1x40x128xf32, #tpu.memory_space<hbm>>
        %dma_start3A_93 = tpu.memref_squeeze %dma_start3A_92 : memref<1x40x128xf32, #tpu.memory_space<hbm>> -> memref<40x128xf32, #tpu.memory_space<hbm>>
        %dma_start3A_94 = arith.constant 9960 : i32
        %dma_start3A_95 = arith.constant 0 : i32
        %dma_start3A_96 = tpu.memref_slice %arg6[%arg0, %dma_start3A_94, %dma_start3A_95] : memref<2x10000x128xf32, #tpu.memory_space<hbm>> -> memref<1x40x128xf32, #tpu.memory_space<hbm>>
        %dma_start3A_97 = tpu.memref_squeeze %dma_start3A_96 : memref<1x40x128xf32, #tpu.memory_space<hbm>> -> memref<40x128xf32, #tpu.memory_space<hbm>>
        %dma_start3A_98 = arith.constant 0 : i32
        %dma_start3A_99 = arith.constant 0 : i32
        %dma_start3A_100 = tpu.memref_slice %arg13[%dma_start3A_98, %dma_start3A_99] : memref<64x128xf32, #tpu.memory_space<vmem>> -> memref<40x128xf32, #tpu.memory_space<vmem>>
        tpu.enqueue_dma source(%dma_start3A_100 : memref<40x128xf32, #tpu.memory_space<vmem>>) target(%dma_start3A_97 : memref<40x128xf32, #tpu.memory_space<hbm>>) target_semaphore(%run_scoped3A : memref<!tpu.dma_semaphore, #tpu.memory_space<semaphore_mem>>)
        %dma_wait3A_101 = arith.constant 0 : i32
        %dma_wait3A_102 = arith.constant 0 : i32
        %dma_wait3A_103 = tpu.memref_slice %arg13[%dma_wait3A_101, %dma_wait3A_102] : memref<64x128xf32, #tpu.memory_space<vmem>> -> memref<40x128xf32, #tpu.memory_space<vmem>>
        %dma_wait3A_104 = arith.constant 9960 : i32
        %dma_wait3A_105 = arith.constant 0 : i32
        %dma_wait3A_106 = tpu.memref_slice %arg6[%arg0, %dma_wait3A_104, %dma_wait3A_105] : memref<2x10000x128xf32, #tpu.memory_space<hbm>> -> memref<1x40x128xf32, #tpu.memory_space<hbm>>
        %dma_wait3A_107 = tpu.memref_squeeze %dma_wait3A_106 : memref<1x40x128xf32, #tpu.memory_space<hbm>> -> memref<40x128xf32, #tpu.memory_space<hbm>>
        %dma_wait3A_108 = arith.constant 9960 : i32
        %dma_wait3A_109 = arith.constant 0 : i32
        %dma_wait3A_110 = tpu.memref_slice %arg6[%arg0, %dma_wait3A_108, %dma_wait3A_109] : memref<2x10000x128xf32, #tpu.memory_space<hbm>> -> memref<1x40x128xf32, #tpu.memory_space<hbm>>
        %dma_wait3A_111 = tpu.memref_squeeze %dma_wait3A_110 : memref<1x40x128xf32, #tpu.memory_space<hbm>> -> memref<40x128xf32, #tpu.memory_space<hbm>>
        %dma_wait3A_112 = arith.constant 0 : i32
        %dma_wait3A_113 = arith.constant 0 : i32
        %dma_wait3A_114 = tpu.memref_slice %arg13[%dma_wait3A_112, %dma_wait3A_113] : memref<64x128xf32, #tpu.memory_space<vmem>> -> memref<40x128xf32, #tpu.memory_space<vmem>>
        tpu.wait_dma2 semaphore(%run_scoped3A : memref<!tpu.dma_semaphore, #tpu.memory_space<semaphore_mem>>) src(%dma_wait3A_114 : memref<40x128xf32, #tpu.memory_space<vmem>>) dst(%dma_wait3A_111 : memref<40x128xf32, #tpu.memory_space<hbm>>)
        tpu.yield
      }) : () -> ()
    } else {
    }
    return
  }
}

#map = affine_map<(d0, d1) -> (0)>
module attributes {stable_mosaic.version = 14 : i64} {
  func.func @k(%arg0: i32, %arg1: i32, %arg2: memref<320000xi32, #tpu.memory_space<hbm>>, %arg3: memref<20000xf32, #tpu.memory_space<hbm>>, %arg4: memref<2x128xi32, #tpu.memory_space<vmem>>, %arg5: memref<16xi32, #tpu.memory_space<vmem>>, %arg6: memref<128xf32, #tpu.memory_space<vmem>>, %arg7: memref<640xf32, #tpu.memory_space<vmem>>, %arg8: memref<10000xf32, #tpu.memory_space<vmem_shared>>, %arg9: memref<!tpu.dma_semaphore, #tpu.memory_space<semaphore_mem>>, %arg10: memref<!tpu.dma_semaphore, #tpu.memory_space<semaphore_mem>>) attributes {dimension_semantics = [#tpu.dimension_semantics<core_parallel>, #tpu.dimension_semantics<subcore_parallel>], iteration_bounds = array<i64: 2, 16>, scalar_prefetch = 0 : i64, scratch_operands = 7 : i64, tpu.core_type = #tpu.core_type<sc_vector_subcore>, window_params = [{transform_indices = #map}, {transform_indices = #map}]} {
    %scan3A = arith.constant 0 : i32
    %scan3A_0 = arith.constant 0 : i32
    %scan3A_1 = arith.constant 8 : i32
    %scan3A_2 = arith.addi %scan3A_0, %scan3A_1 : i32
    %scan3A_3 = arith.constant 1 : i32
    %scan3A_4 = scf.for %scan3A_55 = %scan3A_0 to %scan3A_2 step %scan3A_3 iter_args(%scan3A_56 = %scan3A) -> (i32)  : i32 {
      %broadcast_in_dim3A = arith.constant 1.000000e+00 : f32
      %broadcast_in_dim3A_57 = vector.broadcast %broadcast_in_dim3A : f32 to vector<16xf32>
      %mul3A_58 = arith.constant 16 : i32
      %mul3A_59 = arith.muli %scan3A_55, %mul3A_58 : i32
      %swap3A = arith.index_cast %mul3A_59 : i32 to index
      %swap3A_60 = tpu.vector_load %arg6[%swap3A] {strides = array<i32>} : memref<128xf32, #tpu.memory_space<vmem>>, vector<16xf32>,
      %swap3A_61 = vector.shape_cast %swap3A_60 : vector<16xf32> to vector<16xf32>
      %swap3A_62 = vector.shape_cast %broadcast_in_dim3A_57 : vector<16xf32> to vector<16xf32>
      tpu.vector_store %arg6[%swap3A], %swap3A_62 {strides = array<i32>} : memref<128xf32, #tpu.memory_space<vmem>>, vector<16xf32>,
      %scan3A_63 = arith.constant 0 : i32
      scf.yield %scan3A_63 : i32
    }
    %scan3A_5 = arith.constant 8 : i32
    %scan3A_6 = arith.constant 0 : i32
    %scan3A_7 = arith.constant 0 : i32
    %scan3A_8 = arith.constant 40 : i32
    %scan3A_9 = arith.addi %scan3A_7, %scan3A_8 : i32
    %scan3A_10 = arith.constant 1 : i32
    %scan3A_11 = scf.for %scan3A_55 = %scan3A_7 to %scan3A_9 step %scan3A_10 iter_args(%scan3A_56 = %scan3A_6) -> (i32)  : i32 {
      %broadcast_in_dim3A = arith.constant 0.000000e+00 : f32
      %broadcast_in_dim3A_57 = vector.broadcast %broadcast_in_dim3A : f32 to vector<16xf32>
      %mul3A_58 = arith.constant 16 : i32
      %mul3A_59 = arith.muli %scan3A_55, %mul3A_58 : i32
      %swap3A = arith.index_cast %mul3A_59 : i32 to index
      %swap3A_60 = tpu.vector_load %arg7[%swap3A] {strides = array<i32>} : memref<640xf32, #tpu.memory_space<vmem>>, vector<16xf32>,
      %swap3A_61 = vector.shape_cast %swap3A_60 : vector<16xf32> to vector<16xf32>
      %swap3A_62 = vector.shape_cast %broadcast_in_dim3A_57 : vector<16xf32> to vector<16xf32>
      tpu.vector_store %arg7[%swap3A], %swap3A_62 {strides = array<i32>} : memref<640xf32, #tpu.memory_space<vmem>>, vector<16xf32>,
      %scan3A_63 = arith.constant 0 : i32
      scf.yield %scan3A_63 : i32
    }
    %scan3A_12 = arith.constant 40 : i32
    %lt3A = arith.constant 15 : i32
    %lt3A_13 = arith.cmpi slt, %arg1, %lt3A : i32
    %convert_element_type3A = arith.extui %lt3A_13 : i1 to i32
    %cond3A = arith.constant 0 : i32
    %cond3A_14 = arith.cmpi ne, %convert_element_type3A, %cond3A : i32
    scf.if %cond3A_14 {
      %mul3A_55 = arith.constant 640 : i32
      %mul3A_56 = arith.muli %arg1, %mul3A_55 : i32
      "tpu.region"() ({
        %run_scoped3A = tpu.sem_alloc : memref<!tpu.dma_semaphore, #tpu.memory_space<semaphore_mem>>
        %dma_start3A_57 = tpu.memref_slice %arg8[%mul3A_56] : memref<10000xf32, #tpu.memory_space<vmem_shared>> -> memref<640xf32, #tpu.memory_space<vmem_shared>>
        %dma_start3A_58 = tpu.memref_slice %arg8[%mul3A_56] : memref<10000xf32, #tpu.memory_space<vmem_shared>> -> memref<640xf32, #tpu.memory_space<vmem_shared>>
        tpu.enqueue_dma source(%arg7 : memref<640xf32, #tpu.memory_space<vmem>>) target(%dma_start3A_58 : memref<640xf32, #tpu.memory_space<vmem_shared>>) target_semaphore(%run_scoped3A : memref<!tpu.dma_semaphore, #tpu.memory_space<semaphore_mem>>)
        %dma_wait3A = tpu.memref_slice %arg8[%mul3A_56] : memref<10000xf32, #tpu.memory_space<vmem_shared>> -> memref<640xf32, #tpu.memory_space<vmem_shared>>
        %dma_wait3A_59 = tpu.memref_slice %arg8[%mul3A_56] : memref<10000xf32, #tpu.memory_space<vmem_shared>> -> memref<640xf32, #tpu.memory_space<vmem_shared>>
        tpu.wait_dma2 semaphore(%run_scoped3A : memref<!tpu.dma_semaphore, #tpu.memory_space<semaphore_mem>>) src(%arg7 : memref<640xf32, #tpu.memory_space<vmem>>) dst(%dma_wait3A_59 : memref<640xf32, #tpu.memory_space<vmem_shared>>)
        tpu.yield
      }) : () -> ()
    } else {
    }
    %eq3A = arith.constant 15 : i32
    %eq3A_15 = arith.cmpi eq, %arg1, %eq3A : i32
    %convert_element_type3A_16 = arith.extui %eq3A_15 : i1 to i32
    %cond3A_17 = arith.constant 0 : i32
    %cond3A_18 = arith.cmpi ne, %convert_element_type3A_16, %cond3A_17 : i32
    scf.if %cond3A_18 {
      "tpu.region"() ({
        %run_scoped3A = tpu.sem_alloc : memref<!tpu.dma_semaphore, #tpu.memory_space<semaphore_mem>>
        %dma_start3A_55 = arith.constant 0 : i32
        %dma_start3A_56 = tpu.memref_slice %arg7[%dma_start3A_55] : memref<640xf32, #tpu.memory_space<vmem>> -> memref<400xf32, #tpu.memory_space<vmem>>
        %dma_start3A_57 = arith.constant 9600 : i32
        %dma_start3A_58 = tpu.memref_slice %arg8[%dma_start3A_57] : memref<10000xf32, #tpu.memory_space<vmem_shared>> -> memref<400xf32, #tpu.memory_space<vmem_shared>>
        %dma_start3A_59 = arith.constant 9600 : i32
        %dma_start3A_60 = tpu.memref_slice %arg8[%dma_start3A_59] : memref<10000xf32, #tpu.memory_space<vmem_shared>> -> memref<400xf32, #tpu.memory_space<vmem_shared>>
        %dma_start3A_61 = arith.constant 0 : i32
        %dma_start3A_62 = tpu.memref_slice %arg7[%dma_start3A_61] : memref<640xf32, #tpu.memory_space<vmem>> -> memref<400xf32, #tpu.memory_space<vmem>>
        tpu.enqueue_dma source(%dma_start3A_62 : memref<400xf32, #tpu.memory_space<vmem>>) target(%dma_start3A_60 : memref<400xf32, #tpu.memory_space<vmem_shared>>) target_semaphore(%run_scoped3A : memref<!tpu.dma_semaphore, #tpu.memory_space<semaphore_mem>>)
        %dma_wait3A = arith.constant 0 : i32
        %dma_wait3A_63 = tpu.memref_slice %arg7[%dma_wait3A] : memref<640xf32, #tpu.memory_space<vmem>> -> memref<400xf32, #tpu.memory_space<vmem>>
        %dma_wait3A_64 = arith.constant 9600 : i32
        %dma_wait3A_65 = tpu.memref_slice %arg8[%dma_wait3A_64] : memref<10000xf32, #tpu.memory_space<vmem_shared>> -> memref<400xf32, #tpu.memory_space<vmem_shared>>
        %dma_wait3A_66 = arith.constant 9600 : i32
        %dma_wait3A_67 = tpu.memref_slice %arg8[%dma_wait3A_66] : memref<10000xf32, #tpu.memory_space<vmem_shared>> -> memref<400xf32, #tpu.memory_space<vmem_shared>>
        %dma_wait3A_68 = arith.constant 0 : i32
        %dma_wait3A_69 = tpu.memref_slice %arg7[%dma_wait3A_68] : memref<640xf32, #tpu.memory_space<vmem>> -> memref<400xf32, #tpu.memory_space<vmem>>
        tpu.wait_dma2 semaphore(%run_scoped3A : memref<!tpu.dma_semaphore, #tpu.memory_space<semaphore_mem>>) src(%dma_wait3A_69 : memref<400xf32, #tpu.memory_space<vmem>>) dst(%dma_wait3A_67 : memref<400xf32, #tpu.memory_space<vmem_shared>>)
        tpu.yield
      }) : () -> ()
    } else {
    }
    %barrier3A = arith.constant 0 : index
    tpu.barrier barrier_id(%barrier3A)
    %mul3A = arith.constant 16 : i32
    %mul3A_19 = arith.muli %arg0, %mul3A : i32
    %add3A = arith.addi %mul3A_19, %arg1 : i32
    %mul3A_20 = arith.constant 10000 : i32
    %mul3A_21 = arith.muli %add3A, %mul3A_20 : i32
    %add3A_22 = arith.constant 9984 : i32
    %add3A_23 = arith.addi %mul3A_21, %add3A_22 : i32
    %multiple_of3A = tpu.assume_multiple %add3A_23, 8 : i32
    "tpu.region"() ({
      %run_scoped3A = tpu.sem_alloc : memref<!tpu.dma_semaphore, #tpu.memory_space<semaphore_mem>>
      %dma_start3A_55 = tpu.memref_slice %arg2[%multiple_of3A] : memref<320000xi32, #tpu.memory_space<hbm>> -> memref<16xi32, #tpu.memory_space<hbm>>
      %dma_start3A_56 = tpu.memref_slice %arg2[%multiple_of3A] : memref<320000xi32, #tpu.memory_space<hbm>> -> memref<16xi32, #tpu.memory_space<hbm>>
      tpu.enqueue_dma source(%dma_start3A_56 : memref<16xi32, #tpu.memory_space<hbm>>) target(%arg5 : memref<16xi32, #tpu.memory_space<vmem>>) target_semaphore(%run_scoped3A : memref<!tpu.dma_semaphore, #tpu.memory_space<semaphore_mem>>)
      %dma_wait3A = tpu.memref_slice %arg2[%multiple_of3A] : memref<320000xi32, #tpu.memory_space<hbm>> -> memref<16xi32, #tpu.memory_space<hbm>>
      %dma_wait3A_57 = tpu.memref_slice %arg2[%multiple_of3A] : memref<320000xi32, #tpu.memory_space<hbm>> -> memref<16xi32, #tpu.memory_space<hbm>>
      tpu.wait_dma2 semaphore(%run_scoped3A : memref<!tpu.dma_semaphore, #tpu.memory_space<semaphore_mem>>) src(%dma_wait3A_57 : memref<16xi32, #tpu.memory_space<hbm>>) dst(%arg5 : memref<16xi32, #tpu.memory_space<vmem>>)
      tpu.yield
    }) : () -> ()
    "tpu.region"() ({
      %run_scoped3A = tpu.sem_alloc : memref<!tpu.dma_semaphore, #tpu.memory_space<semaphore_mem>>
      %dma_start3A_55 = arith.constant 0 : i32
      %dma_start3A_56 = tpu.memref_slice %arg6[%dma_start3A_55] : memref<128xf32, #tpu.memory_space<vmem>> -> memref<16xf32, #tpu.memory_space<vmem>>
      %dma_start3A_57 = arith.constant 0 : i32
      %dma_start3A_58 = tpu.memref_slice %arg8[%dma_start3A_57] : memref<10000xf32, #tpu.memory_space<vmem_shared>> -> memref<10000xf32, #tpu.memory_space<vmem_shared>>
      tpu.enqueue_indirect_dma source(%dma_start3A_56 : memref<16xf32, #tpu.memory_space<vmem>>) target(%dma_start3A_58 : memref<10000xf32, #tpu.memory_space<vmem_shared>>) offsets(%arg5 : memref<16xi32, #tpu.memory_space<vmem>>) semaphore(%run_scoped3A : memref<!tpu.dma_semaphore, #tpu.memory_space<semaphore_mem>>) {add = true}
      %dma_wait3A = arith.constant 0 : i32
      %dma_wait3A_59 = tpu.memref_slice %arg6[%dma_wait3A] : memref<128xf32, #tpu.memory_space<vmem>> -> memref<16xf32, #tpu.memory_space<vmem>>
      %dma_wait3A_60 = arith.constant 0 : i32
      %dma_wait3A_61 = tpu.memref_slice %arg8[%dma_wait3A_60] : memref<10000xf32, #tpu.memory_space<vmem_shared>> -> memref<10000xf32, #tpu.memory_space<vmem_shared>>
      tpu.wait_indirect_dma semaphore(%run_scoped3A : memref<!tpu.dma_semaphore, #tpu.memory_space<semaphore_mem>>) src(%dma_wait3A_59 : memref<16xf32, #tpu.memory_space<vmem>>) dst(%dma_wait3A_61 : memref<10000xf32, #tpu.memory_space<vmem_shared>>)
      tpu.yield
    }) : () -> ()
    %add3A_24 = arith.constant 0 : i32
    %add3A_25 = arith.addi %mul3A_21, %add3A_24 : i32
    %multiple_of3A_26 = tpu.assume_multiple %add3A_25, 8 : i32
    %dma_start3A = arith.constant 0 : i32
    %dma_start3A_27 = arith.constant 0 : i32
    %dma_start3A_28 = tpu.memref_slice %arg4[%dma_start3A, %dma_start3A_27] : memref<2x128xi32, #tpu.memory_space<vmem>> -> memref<1x128xi32, #tpu.memory_space<vmem>>
    %dma_start3A_29 = tpu.memref_squeeze %dma_start3A_28 : memref<1x128xi32, #tpu.memory_space<vmem>> -> memref<128xi32, #tpu.memory_space<vmem>>
    %dma_start3A_30 = tpu.memref_slice %arg2[%multiple_of3A_26] : memref<320000xi32, #tpu.memory_space<hbm>> -> memref<128xi32, #tpu.memory_space<hbm>>
    %dma_start3A_31 = arith.constant 0 : i32
    %dma_start3A_32 = tpu.memref_slice %arg4[%dma_start3A, %dma_start3A_31] : memref<2x128xi32, #tpu.memory_space<vmem>> -> memref<1x128xi32, #tpu.memory_space<vmem>>
    %dma_start3A_33 = tpu.memref_squeeze %dma_start3A_32 : memref<1x128xi32, #tpu.memory_space<vmem>> -> memref<128xi32, #tpu.memory_space<vmem>>
    %dma_start3A_34 = tpu.memref_slice %arg2[%multiple_of3A_26] : memref<320000xi32, #tpu.memory_space<hbm>> -> memref<128xi32, #tpu.memory_space<hbm>>
    tpu.enqueue_dma source(%dma_start3A_34 : memref<128xi32, #tpu.memory_space<hbm>>) target(%dma_start3A_33 : memref<128xi32, #tpu.memory_space<vmem>>) target_semaphore(%arg9 : memref<!tpu.dma_semaphore, #tpu.memory_space<semaphore_mem>>)
    %scan3A_35 = arith.constant 0 : i32
    %scan3A_36 = arith.constant 0 : i32
    %scan3A_37 = arith.constant 39 : i32
    %scan3A_38 = arith.addi %scan3A_36, %scan3A_37 : i32
    %scan3A_39 = arith.constant 1 : i32
    %scan3A_40 = scf.for %scan3A_55 = %scan3A_36 to %scan3A_38 step %scan3A_39 iter_args(%scan3A_56 = %scan3A_35) -> (i32)  : i32 {
      %dma_wait3A = arith.constant 0 : i32
      %dma_wait3A_57 = arith.constant 0 : i32
      %dma_wait3A_58 = tpu.memref_slice %arg4[%dma_wait3A, %dma_wait3A_57] : memref<2x128xi32, #tpu.memory_space<vmem>> -> memref<1x128xi32, #tpu.memory_space<vmem>>
      %dma_wait3A_59 = tpu.memref_squeeze %dma_wait3A_58 : memref<1x128xi32, #tpu.memory_space<vmem>> -> memref<128xi32, #tpu.memory_space<vmem>>
      %dma_wait3A_60 = arith.constant 0 : i32
      %dma_wait3A_61 = tpu.memref_slice %arg2[%dma_wait3A_60] : memref<320000xi32, #tpu.memory_space<hbm>> -> memref<128xi32, #tpu.memory_space<hbm>>
      %dma_wait3A_62 = arith.constant 0 : i32
      %dma_wait3A_63 = tpu.memref_slice %arg4[%dma_wait3A, %dma_wait3A_62] : memref<2x128xi32, #tpu.memory_space<vmem>> -> memref<1x128xi32, #tpu.memory_space<vmem>>
      %dma_wait3A_64 = tpu.memref_squeeze %dma_wait3A_63 : memref<1x128xi32, #tpu.memory_space<vmem>> -> memref<128xi32, #tpu.memory_space<vmem>>
      %dma_wait3A_65 = arith.constant 0 : i32
      %dma_wait3A_66 = tpu.memref_slice %arg2[%dma_wait3A_65] : memref<320000xi32, #tpu.memory_space<hbm>> -> memref<128xi32, #tpu.memory_space<hbm>>
      tpu.wait_dma2 semaphore(%arg9 : memref<!tpu.dma_semaphore, #tpu.memory_space<semaphore_mem>>) src(%dma_wait3A_66 : memref<128xi32, #tpu.memory_space<hbm>>) dst(%dma_wait3A_64 : memref<128xi32, #tpu.memory_space<vmem>>)
      %mul3A_67 = arith.constant 2 : i32
      %mul3A_68 = arith.muli %mul3A_67, %scan3A_55 : i32
      %add3A_69 = arith.constant 1 : i32
      %add3A_70 = arith.addi %mul3A_68, %add3A_69 : i32
      %mul3A_71 = arith.constant 128 : i32
      %mul3A_72 = arith.muli %add3A_70, %mul3A_71 : i32
      %add3A_73 = arith.addi %mul3A_21, %mul3A_72 : i32
      %multiple_of3A_74 = tpu.assume_multiple %add3A_73, 8 : i32
      %dma_start3A_75 = arith.constant 1 : i32
      %dma_start3A_76 = arith.constant 0 : i32
      %dma_start3A_77 = tpu.memref_slice %arg4[%dma_start3A_75, %dma_start3A_76] : memref<2x128xi32, #tpu.memory_space<vmem>> -> memref<1x128xi32, #tpu.memory_space<vmem>>
      %dma_start3A_78 = tpu.memref_squeeze %dma_start3A_77 : memref<1x128xi32, #tpu.memory_space<vmem>> -> memref<128xi32, #tpu.memory_space<vmem>>
      %dma_start3A_79 = tpu.memref_slice %arg2[%multiple_of3A_74] : memref<320000xi32, #tpu.memory_space<hbm>> -> memref<128xi32, #tpu.memory_space<hbm>>
      %dma_start3A_80 = arith.constant 0 : i32
      %dma_start3A_81 = tpu.memref_slice %arg4[%dma_start3A_75, %dma_start3A_80] : memref<2x128xi32, #tpu.memory_space<vmem>> -> memref<1x128xi32, #tpu.memory_space<vmem>>
      %dma_start3A_82 = tpu.memref_squeeze %dma_start3A_81 : memref<1x128xi32, #tpu.memory_space<vmem>> -> memref<128xi32, #tpu.memory_space<vmem>>
      %dma_start3A_83 = tpu.memref_slice %arg2[%multiple_of3A_74] : memref<320000xi32, #tpu.memory_space<hbm>> -> memref<128xi32, #tpu.memory_space<hbm>>
      tpu.enqueue_dma source(%dma_start3A_83 : memref<128xi32, #tpu.memory_space<hbm>>) target(%dma_start3A_82 : memref<128xi32, #tpu.memory_space<vmem>>) target_semaphore(%arg10 : memref<!tpu.dma_semaphore, #tpu.memory_space<semaphore_mem>>)
      %run_scoped3A = arith.constant 0 : i32
      "tpu.region"() ({
        %run_scoped3A_101 = tpu.sem_alloc : memref<!tpu.dma_semaphore, #tpu.memory_space<semaphore_mem>>
        %dma_start3A_102 = arith.constant 0 : i32
        %dma_start3A_103 = tpu.memref_slice %arg4[%run_scoped3A, %dma_start3A_102] : memref<2x128xi32, #tpu.memory_space<vmem>> -> memref<1x128xi32, #tpu.memory_space<vmem>>
        %dma_start3A_104 = tpu.memref_squeeze %dma_start3A_103 : memref<1x128xi32, #tpu.memory_space<vmem>> -> memref<128xi32, #tpu.memory_space<vmem>>
        %dma_start3A_105 = arith.constant 0 : i32
        %dma_start3A_106 = tpu.memref_slice %arg8[%dma_start3A_105] : memref<10000xf32, #tpu.memory_space<vmem_shared>> -> memref<10000xf32, #tpu.memory_space<vmem_shared>>
        tpu.enqueue_indirect_dma source(%arg6 : memref<128xf32, #tpu.memory_space<vmem>>) target(%dma_start3A_106 : memref<10000xf32, #tpu.memory_space<vmem_shared>>) offsets(%dma_start3A_104 : memref<128xi32, #tpu.memory_space<vmem>>) semaphore(%run_scoped3A_101 : memref<!tpu.dma_semaphore, #tpu.memory_space<semaphore_mem>>) {add = true}
        %dma_wait3A_107 = arith.constant 0 : i32
        %dma_wait3A_108 = tpu.memref_slice %arg4[%run_scoped3A, %dma_wait3A_107] : memref<2x128xi32, #tpu.memory_space<vmem>> -> memref<1x128xi32, #tpu.memory_space<vmem>>
        %dma_wait3A_109 = tpu.memref_squeeze %dma_wait3A_108 : memref<1x128xi32, #tpu.memory_space<vmem>> -> memref<128xi32, #tpu.memory_space<vmem>>
        %dma_wait3A_110 = arith.constant 0 : i32
        %dma_wait3A_111 = tpu.memref_slice %arg8[%dma_wait3A_110] : memref<10000xf32, #tpu.memory_space<vmem_shared>> -> memref<10000xf32, #tpu.memory_space<vmem_shared>>
        tpu.wait_indirect_dma semaphore(%run_scoped3A_101 : memref<!tpu.dma_semaphore, #tpu.memory_space<semaphore_mem>>) src(%arg6 : memref<128xf32, #tpu.memory_space<vmem>>) dst(%dma_wait3A_111 : memref<10000xf32, #tpu.memory_space<vmem_shared>>)
        tpu.yield
      }) : () -> ()
      %dma_wait3A_84 = arith.constant 1 : i32
      %dma_wait3A_85 = arith.constant 0 : i32
      %dma_wait3A_86 = tpu.memref_slice %arg4[%dma_wait3A_84, %dma_wait3A_85] : memref<2x128xi32, #tpu.memory_space<vmem>> -> memref<1x128xi32, #tpu.memory_space<vmem>>
      %dma_wait3A_87 = tpu.memref_squeeze %dma_wait3A_86 : memref<1x128xi32, #tpu.memory_space<vmem>> -> memref<128xi32, #tpu.memory_space<vmem>>
      %dma_wait3A_88 = arith.constant 0 : i32
      %dma_wait3A_89 = tpu.memref_slice %arg2[%dma_wait3A_88] : memref<320000xi32, #tpu.memory_space<hbm>> -> memref<128xi32, #tpu.memory_space<hbm>>
      %dma_wait3A_90 = arith.constant 0 : i32
      %dma_wait3A_91 = tpu.memref_slice %arg4[%dma_wait3A_84, %dma_wait3A_90] : memref<2x128xi32, #tpu.memory_space<vmem>> -> memref<1x128xi32, #tpu.memory_space<vmem>>
      %dma_wait3A_92 = tpu.memref_squeeze %dma_wait3A_91 : memref<1x128xi32, #tpu.memory_space<vmem>> -> memref<128xi32, #tpu.memory_space<vmem>>
      %dma_wait3A_93 = arith.constant 0 : i32
      %dma_wait3A_94 = tpu.memref_slice %arg2[%dma_wait3A_93] : memref<320000xi32, #tpu.memory_space<hbm>> -> memref<128xi32, #tpu.memory_space<hbm>>
      tpu.wait_dma2 semaphore(%arg10 : memref<!tpu.dma_semaphore, #tpu.memory_space<semaphore_mem>>) src(%dma_wait3A_94 : memref<128xi32, #tpu.memory_space<hbm>>) dst(%dma_wait3A_92 : memref<128xi32, #tpu.memory_space<vmem>>)
      %ne3A = arith.constant 38 : i32
      %ne3A_95 = arith.cmpi ne, %scan3A_55, %ne3A : i32
      %convert_element_type3A_96 = arith.extui %ne3A_95 : i1 to i32
      %cond3A_97 = arith.constant 0 : i32
      %cond3A_98 = arith.cmpi ne, %convert_element_type3A_96, %cond3A_97 : i32
      scf.if %cond3A_98 {
        %mul3A_101 = arith.constant 2 : i32
        %mul3A_102 = arith.muli %mul3A_101, %scan3A_55 : i32
        %add3A_103 = arith.constant 2 : i32
        %add3A_104 = arith.addi %mul3A_102, %add3A_103 : i32
        %mul3A_105 = arith.constant 128 : i32
        %mul3A_106 = arith.muli %add3A_104, %mul3A_105 : i32
        %add3A_107 = arith.addi %mul3A_21, %mul3A_106 : i32
        %multiple_of3A_108 = tpu.assume_multiple %add3A_107, 8 : i32
        %dma_start3A_109 = arith.constant 0 : i32
        %dma_start3A_110 = arith.constant 0 : i32
        %dma_start3A_111 = tpu.memref_slice %arg4[%dma_start3A_109, %dma_start3A_110] : memref<2x128xi32, #tpu.memory_space<vmem>> -> memref<1x128xi32, #tpu.memory_space<vmem>>
        %dma_start3A_112 = tpu.memref_squeeze %dma_start3A_111 : memref<1x128xi32, #tpu.memory_space<vmem>> -> memref<128xi32, #tpu.memory_space<vmem>>
        %dma_start3A_113 = tpu.memref_slice %arg2[%multiple_of3A_108] : memref<320000xi32, #tpu.memory_space<hbm>> -> memref<128xi32, #tpu.memory_space<hbm>>
        %dma_start3A_114 = arith.constant 0 : i32
        %dma_start3A_115 = tpu.memref_slice %arg4[%dma_start3A_109, %dma_start3A_114] : memref<2x128xi32, #tpu.memory_space<vmem>> -> memref<1x128xi32, #tpu.memory_space<vmem>>
        %dma_start3A_116 = tpu.memref_squeeze %dma_start3A_115 : memref<1x128xi32, #tpu.memory_space<vmem>> -> memref<128xi32, #tpu.memory_space<vmem>>
        %dma_start3A_117 = tpu.memref_slice %arg2[%multiple_of3A_108] : memref<320000xi32, #tpu.memory_space<hbm>> -> memref<128xi32, #tpu.memory_space<hbm>>
        tpu.enqueue_dma source(%dma_start3A_117 : memref<128xi32, #tpu.memory_space<hbm>>) target(%dma_start3A_116 : memref<128xi32, #tpu.memory_space<vmem>>) target_semaphore(%arg9 : memref<!tpu.dma_semaphore, #tpu.memory_space<semaphore_mem>>)
      } else {
      }
      %run_scoped3A_99 = arith.constant 1 : i32
      "tpu.region"() ({
        %run_scoped3A_101 = tpu.sem_alloc : memref<!tpu.dma_semaphore, #tpu.memory_space<semaphore_mem>>
        %dma_start3A_102 = arith.constant 0 : i32
        %dma_start3A_103 = tpu.memref_slice %arg4[%run_scoped3A_99, %dma_start3A_102] : memref<2x128xi32, #tpu.memory_space<vmem>> -> memref<1x128xi32, #tpu.memory_space<vmem>>
        %dma_start3A_104 = tpu.memref_squeeze %dma_start3A_103 : memref<1x128xi32, #tpu.memory_space<vmem>> -> memref<128xi32, #tpu.memory_space<vmem>>
        %dma_start3A_105 = arith.constant 0 : i32
        %dma_start3A_106 = tpu.memref_slice %arg8[%dma_start3A_105] : memref<10000xf32, #tpu.memory_space<vmem_shared>> -> memref<10000xf32, #tpu.memory_space<vmem_shared>>
        tpu.enqueue_indirect_dma source(%arg6 : memref<128xf32, #tpu.memory_space<vmem>>) target(%dma_start3A_106 : memref<10000xf32, #tpu.memory_space<vmem_shared>>) offsets(%dma_start3A_104 : memref<128xi32, #tpu.memory_space<vmem>>) semaphore(%run_scoped3A_101 : memref<!tpu.dma_semaphore, #tpu.memory_space<semaphore_mem>>) {add = true}
        %dma_wait3A_107 = arith.constant 0 : i32
        %dma_wait3A_108 = tpu.memref_slice %arg4[%run_scoped3A_99, %dma_wait3A_107] : memref<2x128xi32, #tpu.memory_space<vmem>> -> memref<1x128xi32, #tpu.memory_space<vmem>>
        %dma_wait3A_109 = tpu.memref_squeeze %dma_wait3A_108 : memref<1x128xi32, #tpu.memory_space<vmem>> -> memref<128xi32, #tpu.memory_space<vmem>>
        %dma_wait3A_110 = arith.constant 0 : i32
        %dma_wait3A_111 = tpu.memref_slice %arg8[%dma_wait3A_110] : memref<10000xf32, #tpu.memory_space<vmem_shared>> -> memref<10000xf32, #tpu.memory_space<vmem_shared>>
        tpu.wait_indirect_dma semaphore(%run_scoped3A_101 : memref<!tpu.dma_semaphore, #tpu.memory_space<semaphore_mem>>) src(%arg6 : memref<128xf32, #tpu.memory_space<vmem>>) dst(%dma_wait3A_111 : memref<10000xf32, #tpu.memory_space<vmem_shared>>)
        tpu.yield
      }) : () -> ()
      %scan3A_100 = arith.constant 0 : i32
      scf.yield %scan3A_100 : i32
    }
    %scan3A_41 = arith.constant 39 : i32
    %barrier3A_42 = arith.constant 0 : index
    tpu.barrier barrier_id(%barrier3A_42)
    %mul3A_43 = arith.constant 10000 : i32
    %mul3A_44 = arith.muli %arg0, %mul3A_43 : i32
    %lt3A_45 = arith.constant 15 : i32
    %lt3A_46 = arith.cmpi slt, %arg1, %lt3A_45 : i32
    %convert_element_type3A_47 = arith.extui %lt3A_46 : i1 to i32
    %cond3A_48 = arith.constant 0 : i32
    %cond3A_49 = arith.cmpi ne, %convert_element_type3A_47, %cond3A_48 : i32
    scf.if %cond3A_49 {
      %mul3A_55 = arith.constant 640 : i32
      %mul3A_56 = arith.muli %arg1, %mul3A_55 : i32
      "tpu.region"() ({
        %run_scoped3A = tpu.sem_alloc : memref<!tpu.dma_semaphore, #tpu.memory_space<semaphore_mem>>
        %dma_start3A_60 = tpu.memref_slice %arg8[%mul3A_56] : memref<10000xf32, #tpu.memory_space<vmem_shared>> -> memref<640xf32, #tpu.memory_space<vmem_shared>>
        %dma_start3A_61 = tpu.memref_slice %arg8[%mul3A_56] : memref<10000xf32, #tpu.memory_space<vmem_shared>> -> memref<640xf32, #tpu.memory_space<vmem_shared>>
        tpu.enqueue_dma source(%dma_start3A_61 : memref<640xf32, #tpu.memory_space<vmem_shared>>) target(%arg7 : memref<640xf32, #tpu.memory_space<vmem>>) target_semaphore(%run_scoped3A : memref<!tpu.dma_semaphore, #tpu.memory_space<semaphore_mem>>)
        %dma_wait3A = tpu.memref_slice %arg8[%mul3A_56] : memref<10000xf32, #tpu.memory_space<vmem_shared>> -> memref<640xf32, #tpu.memory_space<vmem_shared>>
        %dma_wait3A_62 = tpu.memref_slice %arg8[%mul3A_56] : memref<10000xf32, #tpu.memory_space<vmem_shared>> -> memref<640xf32, #tpu.memory_space<vmem_shared>>
        tpu.wait_dma2 semaphore(%run_scoped3A : memref<!tpu.dma_semaphore, #tpu.memory_space<semaphore_mem>>) src(%dma_wait3A_62 : memref<640xf32, #tpu.memory_space<vmem_shared>>) dst(%arg7 : memref<640xf32, #tpu.memory_space<vmem>>)
        tpu.yield
      }) : () -> ()
      %mul3A_57 = arith.constant 640 : i32
      %mul3A_58 = arith.muli %arg1, %mul3A_57 : i32
      %add3A_59 = arith.addi %mul3A_44, %mul3A_58 : i32
      "tpu.region"() ({
        %run_scoped3A = tpu.sem_alloc : memref<!tpu.dma_semaphore, #tpu.memory_space<semaphore_mem>>
        %dma_start3A_60 = tpu.memref_slice %arg3[%add3A_59] : memref<20000xf32, #tpu.memory_space<hbm>> -> memref<640xf32, #tpu.memory_space<hbm>>
        %dma_start3A_61 = tpu.memref_slice %arg3[%add3A_59] : memref<20000xf32, #tpu.memory_space<hbm>> -> memref<640xf32, #tpu.memory_space<hbm>>
        tpu.enqueue_dma source(%arg7 : memref<640xf32, #tpu.memory_space<vmem>>) target(%dma_start3A_61 : memref<640xf32, #tpu.memory_space<hbm>>) target_semaphore(%run_scoped3A : memref<!tpu.dma_semaphore, #tpu.memory_space<semaphore_mem>>)
        %dma_wait3A = tpu.memref_slice %arg3[%add3A_59] : memref<20000xf32, #tpu.memory_space<hbm>> -> memref<640xf32, #tpu.memory_space<hbm>>
        %dma_wait3A_62 = tpu.memref_slice %arg3[%add3A_59] : memref<20000xf32, #tpu.memory_space<hbm>> -> memref<640xf32, #tpu.memory_space<hbm>>
        tpu.wait_dma2 semaphore(%run_scoped3A : memref<!tpu.dma_semaphore, #tpu.memory_space<semaphore_mem>>) src(%arg7 : memref<640xf32, #tpu.memory_space<vmem>>) dst(%dma_wait3A_62 : memref<640xf32, #tpu.memory_space<hbm>>)
        tpu.yield
      }) : () -> ()
    } else {
    }
    %eq3A_50 = arith.constant 15 : i32
    %eq3A_51 = arith.cmpi eq, %arg1, %eq3A_50 : i32
    %convert_element_type3A_52 = arith.extui %eq3A_51 : i1 to i32
    %cond3A_53 = arith.constant 0 : i32
    %cond3A_54 = arith.cmpi ne, %convert_element_type3A_52, %cond3A_53 : i32
    scf.if %cond3A_54 {
      "tpu.region"() ({
        %run_scoped3A = tpu.sem_alloc : memref<!tpu.dma_semaphore, #tpu.memory_space<semaphore_mem>>
        %dma_start3A_57 = arith.constant 0 : i32
        %dma_start3A_58 = tpu.memref_slice %arg7[%dma_start3A_57] : memref<640xf32, #tpu.memory_space<vmem>> -> memref<400xf32, #tpu.memory_space<vmem>>
        %dma_start3A_59 = arith.constant 9600 : i32
        %dma_start3A_60 = tpu.memref_slice %arg8[%dma_start3A_59] : memref<10000xf32, #tpu.memory_space<vmem_shared>> -> memref<400xf32, #tpu.memory_space<vmem_shared>>
        %dma_start3A_61 = arith.constant 0 : i32
        %dma_start3A_62 = tpu.memref_slice %arg7[%dma_start3A_61] : memref<640xf32, #tpu.memory_space<vmem>> -> memref<400xf32, #tpu.memory_space<vmem>>
        %dma_start3A_63 = arith.constant 9600 : i32
        %dma_start3A_64 = tpu.memref_slice %arg8[%dma_start3A_63] : memref<10000xf32, #tpu.memory_space<vmem_shared>> -> memref<400xf32, #tpu.memory_space<vmem_shared>>
        tpu.enqueue_dma source(%dma_start3A_64 : memref<400xf32, #tpu.memory_space<vmem_shared>>) target(%dma_start3A_62 : memref<400xf32, #tpu.memory_space<vmem>>) target_semaphore(%run_scoped3A : memref<!tpu.dma_semaphore, #tpu.memory_space<semaphore_mem>>)
        %dma_wait3A = arith.constant 0 : i32
        %dma_wait3A_65 = tpu.memref_slice %arg7[%dma_wait3A] : memref<640xf32, #tpu.memory_space<vmem>> -> memref<400xf32, #tpu.memory_space<vmem>>
        %dma_wait3A_66 = arith.constant 9600 : i32
        %dma_wait3A_67 = tpu.memref_slice %arg8[%dma_wait3A_66] : memref<10000xf32, #tpu.memory_space<vmem_shared>> -> memref<400xf32, #tpu.memory_space<vmem_shared>>
        %dma_wait3A_68 = arith.constant 0 : i32
        %dma_wait3A_69 = tpu.memref_slice %arg7[%dma_wait3A_68] : memref<640xf32, #tpu.memory_space<vmem>> -> memref<400xf32, #tpu.memory_space<vmem>>
        %dma_wait3A_70 = arith.constant 9600 : i32
        %dma_wait3A_71 = tpu.memref_slice %arg8[%dma_wait3A_70] : memref<10000xf32, #tpu.memory_space<vmem_shared>> -> memref<400xf32, #tpu.memory_space<vmem_shared>>
        tpu.wait_dma2 semaphore(%run_scoped3A : memref<!tpu.dma_semaphore, #tpu.memory_space<semaphore_mem>>) src(%dma_wait3A_71 : memref<400xf32, #tpu.memory_space<vmem_shared>>) dst(%dma_wait3A_69 : memref<400xf32, #tpu.memory_space<vmem>>)
        tpu.yield
      }) : () -> ()
      %add3A_55 = arith.constant 9600 : i32
      %add3A_56 = arith.addi %mul3A_44, %add3A_55 : i32
      "tpu.region"() ({
        %run_scoped3A = tpu.sem_alloc : memref<!tpu.dma_semaphore, #tpu.memory_space<semaphore_mem>>
        %dma_start3A_57 = arith.constant 0 : i32
        %dma_start3A_58 = tpu.memref_slice %arg7[%dma_start3A_57] : memref<640xf32, #tpu.memory_space<vmem>> -> memref<400xf32, #tpu.memory_space<vmem>>
        %dma_start3A_59 = tpu.memref_slice %arg3[%add3A_56] : memref<20000xf32, #tpu.memory_space<hbm>> -> memref<400xf32, #tpu.memory_space<hbm>>
        %dma_start3A_60 = tpu.memref_slice %arg3[%add3A_56] : memref<20000xf32, #tpu.memory_space<hbm>> -> memref<400xf32, #tpu.memory_space<hbm>>
        %dma_start3A_61 = arith.constant 0 : i32
        %dma_start3A_62 = tpu.memref_slice %arg7[%dma_start3A_61] : memref<640xf32, #tpu.memory_space<vmem>> -> memref<400xf32, #tpu.memory_space<vmem>>
        tpu.enqueue_dma source(%dma_start3A_62 : memref<400xf32, #tpu.memory_space<vmem>>) target(%dma_start3A_60 : memref<400xf32, #tpu.memory_space<hbm>>) target_semaphore(%run_scoped3A : memref<!tpu.dma_semaphore, #tpu.memory_space<semaphore_mem>>)
        %dma_wait3A = arith.constant 0 : i32
        %dma_wait3A_63 = tpu.memref_slice %arg7[%dma_wait3A] : memref<640xf32, #tpu.memory_space<vmem>> -> memref<400xf32, #tpu.memory_space<vmem>>
        %dma_wait3A_64 = tpu.memref_slice %arg3[%add3A_56] : memref<20000xf32, #tpu.memory_space<hbm>> -> memref<400xf32, #tpu.memory_space<hbm>>
        %dma_wait3A_65 = tpu.memref_slice %arg3[%add3A_56] : memref<20000xf32, #tpu.memory_space<hbm>> -> memref<400xf32, #tpu.memory_space<hbm>>
        %dma_wait3A_66 = arith.constant 0 : i32
        %dma_wait3A_67 = tpu.memref_slice %arg7[%dma_wait3A_66] : memref<640xf32, #tpu.memory_space<vmem>> -> memref<400xf32, #tpu.memory_space<vmem>>
        tpu.wait_dma2 semaphore(%run_scoped3A : memref<!tpu.dma_semaphore, #tpu.memory_space<semaphore_mem>>) src(%dma_wait3A_67 : memref<400xf32, #tpu.memory_space<vmem>>) dst(%dma_wait3A_65 : memref<400xf32, #tpu.memory_space<hbm>>)
        tpu.yield
      }) : () -> ()
    } else {
    }
    return
  }
}

module attributes {stable_mosaic.version = 14 : i64} {
  func.func @_a_body(%arg0: i32, %arg1: memref<2000x128xf32, #tpu.memory_space<vmem>>, %arg2: memref<128x128xf32, #tpu.memory_space<vmem>>, %arg3: memref<1x128xf32, #tpu.memory_space<vmem>>, %arg4: memref<1x128xf32, #tpu.memory_space<vmem>>, %arg5: memref<1x128xf32, #tpu.memory_space<vmem>>, %arg6: memref<128x128xf32, #tpu.memory_space<vmem>>, %arg7: memref<1x128xf32, #tpu.memory_space<vmem>>, %arg8: memref<128x128xf32, #tpu.memory_space<vmem>>, %arg9: memref<1x128xf32, #tpu.memory_space<vmem>>, %arg10: memref<128x128xf32, #tpu.memory_space<vmem>>, %arg11: memref<1x128xf32, #tpu.memory_space<vmem>>, %arg12: memref<128x128xf32, #tpu.memory_space<vmem>>, %arg13: memref<1x128xf32, #tpu.memory_space<vmem>>, %arg14: memref<2000x128xf32, #tpu.memory_space<vmem>>, %arg15: memref<2000x128xf32, #tpu.memory_space<vmem>>, %arg16: memref<2000x128xf32, #tpu.memory_space<vmem>>, %arg17: memref<2000x128xf32, #tpu.memory_space<vmem>>, %arg18: memref<128x128xf32, #tpu.memory_space<vmem>>, %arg19: memref<1x128xf32, #tpu.memory_space<vmem>>, %arg20: memref<1x128xf32, #tpu.memory_space<vmem>>, %arg21: memref<1x128xf32, #tpu.memory_space<vmem>>) attributes {dimension_semantics = [#tpu.dimension_semantics<arbitrary>], iteration_bounds = array<i64: 5>, scalar_prefetch = 0 : i64, scratch_operands = 0 : i64, tpu.core_type = #tpu.core_type<tc>, window_params = [{transform_indices = @transform_0, window_bounds = array<i64: 2000, 128>}, {pipeline_mode = #tpu.pipeline_mode<synchronous>, transform_indices = @transform_1, window_bounds = array<i64: 128, 128>}, {pipeline_mode = #tpu.pipeline_mode<synchronous>, transform_indices = @transform_2, window_bounds = array<i64: 1, 128>}, {pipeline_mode = #tpu.pipeline_mode<synchronous>, transform_indices = @transform_3, window_bounds = array<i64: 1, 128>}, {pipeline_mode = #tpu.pipeline_mode<synchronous>, transform_indices = @transform_4, window_bounds = array<i64: 1, 128>}, {pipeline_mode = #tpu.pipeline_mode<synchronous>, transform_indices = @transform_5, window_bounds = array<i64: 128, 128>}, {pipeline_mode = #tpu.pipeline_mode<synchronous>, transform_indices = @transform_6, window_bounds = array<i64: 1, 128>}, {pipeline_mode = #tpu.pipeline_mode<synchronous>, transform_indices = @transform_7, window_bounds = array<i64: 128, 128>}, {pipeline_mode = #tpu.pipeline_mode<synchronous>, transform_indices = @transform_8, window_bounds = array<i64: 1, 128>}, {pipeline_mode = #tpu.pipeline_mode<synchronous>, transform_indices = @transform_9, window_bounds = array<i64: 128, 128>}, {pipeline_mode = #tpu.pipeline_mode<synchronous>, transform_indices = @transform_10, window_bounds = array<i64: 1, 128>}, {pipeline_mode = #tpu.pipeline_mode<synchronous>, transform_indices = @transform_11, window_bounds = array<i64: 128, 128>}, {pipeline_mode = #tpu.pipeline_mode<synchronous>, transform_indices = @transform_12, window_bounds = array<i64: 1, 128>}, {transform_indices = @transform_13, window_bounds = array<i64: 2000, 128>}, {transform_indices = @transform_14, window_bounds = array<i64: 2000, 128>}, {transform_indices = @transform_15, window_bounds = array<i64: 2000, 128>}, {transform_indices = @transform_16, window_bounds = array<i64: 2000, 128>}, {pipeline_mode = #tpu.pipeline_mode<synchronous>, transform_indices = @transform_17, window_bounds = array<i64: 128, 128>}, {pipeline_mode = #tpu.pipeline_mode<synchronous>, transform_indices = @transform_18, window_bounds = array<i64: 1, 128>}, {pipeline_mode = #tpu.pipeline_mode<synchronous>, transform_indices = @transform_19, window_bounds = array<i64: 1, 128>}, {pipeline_mode = #tpu.pipeline_mode<synchronous>, transform_indices = @transform_20, window_bounds = array<i64: 1, 128>}]} {
    %get3A = arith.constant 0 : index
    %get3A_0 = arith.constant 0 : index
    %get3A_1 = vector.load %arg1[%get3A, %get3A_0] : memref<2000x128xf32, #tpu.memory_space<vmem>>, vector<2000x128xf32>
    %get3A_2 = arith.constant 0 : index
    %get3A_3 = arith.constant 0 : index
    %get3A_4 = vector.load %arg2[%get3A_2, %get3A_3] : memref<128x128xf32, #tpu.memory_space<vmem>>, vector<128x128xf32>
    %dot_general3A = arith.constant dense<0.000000e+00> : vector<2000x128xf32>
    %dot_general3A_5 = tpu.matmul %get3A_1, %get3A_4, %dot_general3A {dimension_numbers = #tpu.dot_dimension_numbers<[1], [0], [0], [1], [0, 0, 1, 1], [], []>, transpose_lhs_hint = false} : vector<2000x128xf32>, vector<128x128xf32>, vector<2000x128xf32> -> vector<2000x128xf32>
    %get3A_6 = arith.constant 0 : index
    %get3A_7 = arith.constant 0 : index
    %get3A_8 = vector.load %arg3[%get3A_6, %get3A_7] : memref<1x128xf32, #tpu.memory_space<vmem>>, vector<1x128xf32>
    %add3A = vector.broadcast %get3A_8 : vector<1x128xf32> to vector<2000x128xf32>
    %add3A_9 = arith.addf %dot_general3A_5, %add3A : vector<2000x128xf32>
    %reduce_sum3A = arith.constant dense<0.000000e+00> : vector<2000xf32>
    %reduce_sum3A_10 = vector.multi_reduction <add>, %add3A_9, %reduce_sum3A [1] : vector<2000x128xf32> to vector<2000xf32>
    %broadcast_in_dim3A = vector.shape_cast %reduce_sum3A_10 : vector<2000xf32> to vector<2000x1xf32>
    %div3A = arith.constant 1.280000e+02 : f32
    %div3A_11 = vector.broadcast %div3A : f32 to vector<2000x1xf32>
    %div3A_12 = arith.divf %broadcast_in_dim3A, %div3A_11 : vector<2000x1xf32>
    %sub3A = vector.broadcast %div3A_12 : vector<2000x1xf32> to vector<2000x128xf32>
    %sub3A_13 = arith.subf %add3A_9, %sub3A : vector<2000x128xf32>
    %integer_pow3A = arith.mulf %sub3A_13, %sub3A_13 : vector<2000x128xf32>
    %reduce_sum3A_14 = arith.constant dense<0.000000e+00> : vector<2000xf32>
    %reduce_sum3A_15 = vector.multi_reduction <add>, %integer_pow3A, %reduce_sum3A_14 [1] : vector<2000x128xf32> to vector<2000xf32>
    %broadcast_in_dim3A_16 = vector.shape_cast %reduce_sum3A_15 : vector<2000xf32> to vector<2000x1xf32>
    %div3A_17 = arith.constant 1.280000e+02 : f32
    %div3A_18 = vector.broadcast %div3A_17 : f32 to vector<2000x1xf32>
    %div3A_19 = arith.divf %broadcast_in_dim3A_16, %div3A_18 : vector<2000x1xf32>
    %get3A_20 = arith.constant 0 : index
    %get3A_21 = arith.constant 0 : index
    %get3A_22 = vector.load %arg4[%get3A_20, %get3A_21] : memref<1x128xf32, #tpu.memory_space<vmem>>, vector<1x128xf32>
    %sub3A_23 = vector.broadcast %div3A_12 : vector<2000x1xf32> to vector<2000x128xf32>
    %sub3A_24 = arith.subf %add3A_9, %sub3A_23 : vector<2000x128xf32>
    %mul3A = vector.broadcast %get3A_22 : vector<1x128xf32> to vector<2000x128xf32>
    %mul3A_25 = arith.mulf %mul3A, %sub3A_24 : vector<2000x128xf32>
    %add3A_26 = arith.constant 9.99999974E-6 : f32
    %add3A_27 = vector.broadcast %add3A_26 : f32 to vector<2000x1xf32>
    %add3A_28 = arith.addf %div3A_19, %add3A_27 : vector<2000x1xf32>
    %rsqrt3A = math.rsqrt %add3A_28 : vector<2000x1xf32>
    %mul3A_29 = vector.broadcast %rsqrt3A : vector<2000x1xf32> to vector<2000x128xf32>
    %mul3A_30 = arith.mulf %mul3A_25, %mul3A_29 : vector<2000x128xf32>
    %get3A_31 = arith.constant 0 : index
    %get3A_32 = arith.constant 0 : index
    %get3A_33 = vector.load %arg5[%get3A_31, %get3A_32] : memref<1x128xf32, #tpu.memory_space<vmem>>, vector<1x128xf32>
    %add3A_34 = vector.broadcast %get3A_33 : vector<1x128xf32> to vector<2000x128xf32>
    %add3A_35 = arith.addf %mul3A_30, %add3A_34 : vector<2000x128xf32>
    %max3A = arith.constant 0.000000e+00 : f32
    %max3A_36 = vector.broadcast %max3A : f32 to vector<2000x128xf32>
    %max3A_37 = arith.maximumf %add3A_35, %max3A_36 : vector<2000x128xf32>
    %swap3A = arith.constant 0 : index
    %swap3A_38 = arith.constant 0 : index
    %swap3A_39 = vector.load %arg14[%swap3A, %swap3A_38] : memref<2000x128xf32, #tpu.memory_space<vmem>>, vector<2000x128xf32>
    tpu.vector_store %arg14[%swap3A, %swap3A_38], %max3A_37 {strides = array<i32>} : memref<2000x128xf32, #tpu.memory_space<vmem>>, vector<2000x128xf32>,
    %get3A_40 = arith.constant 0 : index
    %get3A_41 = arith.constant 0 : index
    %get3A_42 = vector.load %arg6[%get3A_40, %get3A_41] : memref<128x128xf32, #tpu.memory_space<vmem>>, vector<128x128xf32>
    %dot_general3A_43 = arith.constant dense<0.000000e+00> : vector<2000x128xf32>
    %dot_general3A_44 = tpu.matmul %max3A_37, %get3A_42, %dot_general3A_43 {dimension_numbers = #tpu.dot_dimension_numbers<[1], [0], [0], [1], [0, 0, 1, 1], [], []>, transpose_lhs_hint = false} : vector<2000x128xf32>, vector<128x128xf32>, vector<2000x128xf32> -> vector<2000x128xf32>
    %get3A_45 = arith.constant 0 : index
    %get3A_46 = arith.constant 0 : index
    %get3A_47 = vector.load %arg7[%get3A_45, %get3A_46] : memref<1x128xf32, #tpu.memory_space<vmem>>, vector<1x128xf32>
    %add3A_48 = vector.broadcast %get3A_47 : vector<1x128xf32> to vector<2000x128xf32>
    %add3A_49 = arith.addf %dot_general3A_44, %add3A_48 : vector<2000x128xf32>
    %get3A_50 = arith.constant 0 : index
    %get3A_51 = arith.constant 0 : index
    %get3A_52 = vector.load %arg8[%get3A_50, %get3A_51] : memref<128x128xf32, #tpu.memory_space<vmem>>, vector<128x128xf32>
    %dot_general3A_53 = arith.constant dense<0.000000e+00> : vector<2000x128xf32>
    %dot_general3A_54 = tpu.matmul %max3A_37, %get3A_52, %dot_general3A_53 {dimension_numbers = #tpu.dot_dimension_numbers<[1], [0], [0], [1], [0, 0, 1, 1], [], []>, transpose_lhs_hint = false} : vector<2000x128xf32>, vector<128x128xf32>, vector<2000x128xf32> -> vector<2000x128xf32>
    %get3A_55 = arith.constant 0 : index
    %get3A_56 = arith.constant 0 : index
    %get3A_57 = vector.load %arg9[%get3A_55, %get3A_56] : memref<1x128xf32, #tpu.memory_space<vmem>>, vector<1x128xf32>
    %add3A_58 = vector.broadcast %get3A_57 : vector<1x128xf32> to vector<2000x128xf32>
    %add3A_59 = arith.addf %dot_general3A_54, %add3A_58 : vector<2000x128xf32>
    %get3A_60 = arith.constant 0 : index
    %get3A_61 = arith.constant 0 : index
    %get3A_62 = vector.load %arg10[%get3A_60, %get3A_61] : memref<128x128xf32, #tpu.memory_space<vmem>>, vector<128x128xf32>
    %dot_general3A_63 = arith.constant dense<0.000000e+00> : vector<2000x128xf32>
    %dot_general3A_64 = tpu.matmul %max3A_37, %get3A_62, %dot_general3A_63 {dimension_numbers = #tpu.dot_dimension_numbers<[1], [0], [0], [1], [0, 0, 1, 1], [], []>, transpose_lhs_hint = false} : vector<2000x128xf32>, vector<128x128xf32>, vector<2000x128xf32> -> vector<2000x128xf32>
    %get3A_65 = arith.constant 0 : index
    %get3A_66 = arith.constant 0 : index
    %get3A_67 = vector.load %arg11[%get3A_65, %get3A_66] : memref<1x128xf32, #tpu.memory_space<vmem>>, vector<1x128xf32>
    %add3A_68 = vector.broadcast %get3A_67 : vector<1x128xf32> to vector<2000x128xf32>
    %add3A_69 = arith.addf %dot_general3A_64, %add3A_68 : vector<2000x128xf32>
    %swap3A_70 = arith.constant 0 : index
    %swap3A_71 = arith.constant 0 : index
    %swap3A_72 = vector.load %arg15[%swap3A_70, %swap3A_71] : memref<2000x128xf32, #tpu.memory_space<vmem>>, vector<2000x128xf32>
    tpu.vector_store %arg15[%swap3A_70, %swap3A_71], %add3A_49 {strides = array<i32>} : memref<2000x128xf32, #tpu.memory_space<vmem>>, vector<2000x128xf32>,
    %swap3A_73 = arith.constant 0 : index
    %swap3A_74 = arith.constant 0 : index
    %swap3A_75 = vector.load %arg16[%swap3A_73, %swap3A_74] : memref<2000x128xf32, #tpu.memory_space<vmem>>, vector<2000x128xf32>
    tpu.vector_store %arg16[%swap3A_73, %swap3A_74], %add3A_69 {strides = array<i32>} : memref<2000x128xf32, #tpu.memory_space<vmem>>, vector<2000x128xf32>,
    %get3A_76 = arith.constant 0 : index
    %get3A_77 = arith.constant 0 : index
    %get3A_78 = vector.load %arg12[%get3A_76, %get3A_77] : memref<128x128xf32, #tpu.memory_space<vmem>>, vector<128x128xf32>
    %dot_general3A_79 = arith.constant dense<0.000000e+00> : vector<2000x128xf32>
    %dot_general3A_80 = tpu.matmul %get3A_1, %get3A_78, %dot_general3A_79 {dimension_numbers = #tpu.dot_dimension_numbers<[1], [0], [0], [1], [0, 0, 1, 1], [], []>, transpose_lhs_hint = false} : vector<2000x128xf32>, vector<128x128xf32>, vector<2000x128xf32> -> vector<2000x128xf32>
    %get3A_81 = arith.constant 0 : index
    %get3A_82 = arith.constant 0 : index
    %get3A_83 = vector.load %arg13[%get3A_81, %get3A_82] : memref<1x128xf32, #tpu.memory_space<vmem>>, vector<1x128xf32>
    %add3A_84 = vector.broadcast %get3A_83 : vector<1x128xf32> to vector<2000x128xf32>
    %add3A_85 = arith.addf %dot_general3A_80, %add3A_84 : vector<2000x128xf32>
    %mul3A_86 = arith.constant 0.999994993 : f32
    %mul3A_87 = vector.broadcast %mul3A_86 : f32 to vector<2000x128xf32>
    %mul3A_88 = arith.mulf %add3A_85, %mul3A_87 : vector<2000x128xf32>
    %max3A_89 = arith.constant 0.000000e+00 : f32
    %max3A_90 = vector.broadcast %max3A_89 : f32 to vector<2000x128xf32>
    %max3A_91 = arith.maximumf %mul3A_88, %max3A_90 : vector<2000x128xf32>
    %swap3A_92 = arith.constant 0 : index
    %swap3A_93 = arith.constant 0 : index
    %swap3A_94 = vector.load %arg17[%swap3A_92, %swap3A_93] : memref<2000x128xf32, #tpu.memory_space<vmem>>, vector<2000x128xf32>
    tpu.vector_store %arg17[%swap3A_92, %swap3A_93], %max3A_91 {strides = array<i32>} : memref<2000x128xf32, #tpu.memory_space<vmem>>, vector<2000x128xf32>,
    %dot_general3A_95 = arith.constant dense<0.000000e+00> : vector<128x128xf32>
    %dot_general3A_96 = tpu.matmul %add3A_59, %add3A_69, %dot_general3A_95 {dimension_numbers = #tpu.dot_dimension_numbers<[0], [0], [1], [1], [0, 1, 1, 1], [], []>, transpose_lhs_hint = false} : vector<2000x128xf32>, vector<2000x128xf32>, vector<128x128xf32> -> vector<128x128xf32>
    %reduce_sum3A_97 = arith.constant dense<0.000000e+00> : vector<128xf32>
    %reduce_sum3A_98 = vector.multi_reduction <add>, %add3A_59, %reduce_sum3A_97 [0] : vector<2000x128xf32> to vector<128xf32>
    %broadcast_in_dim3A_99 = vector.shape_cast %reduce_sum3A_98 : vector<128xf32> to vector<1x128xf32>
    %mul3A_100 = arith.mulf %add3A_49, %add3A_49 : vector<2000x128xf32>
    %reduce_sum3A_101 = vector.shape_cast %mul3A_100 : vector<2000x128xf32> to vector<1x2000x128xf32>
    %reduce_sum3A_102 = arith.constant dense<0.000000e+00> : vector<1xf32>
    %reduce_sum3A_103 = vector.multi_reduction <add>, %reduce_sum3A_101, %reduce_sum3A_102 [1, 2] : vector<1x2000x128xf32> to vector<1xf32>
    %reduce_sum3A_104 = vector.shape_cast %reduce_sum3A_103 : vector<1xf32> to vector<1x1x1xf32>
    %reduce_sum3A_105 = vector.extract %reduce_sum3A_104[0, 0, 0] : f32 from vector<1x1x1xf32>
    %mul3A_106 = arith.mulf %add3A_59, %add3A_59 : vector<2000x128xf32>
    %reduce_sum3A_107 = vector.shape_cast %mul3A_106 : vector<2000x128xf32> to vector<1x2000x128xf32>
    %reduce_sum3A_108 = arith.constant dense<0.000000e+00> : vector<1xf32>
    %reduce_sum3A_109 = vector.multi_reduction <add>, %reduce_sum3A_107, %reduce_sum3A_108 [1, 2] : vector<1x2000x128xf32> to vector<1xf32>
    %reduce_sum3A_110 = vector.shape_cast %reduce_sum3A_109 : vector<1xf32> to vector<1x1x1xf32>
    %reduce_sum3A_111 = vector.extract %reduce_sum3A_110[0, 0, 0] : f32 from vector<1x1x1xf32>
    %eq3A = arith.constant 0 : i32
    %eq3A_112 = arith.cmpi eq, %arg0, %eq3A : i32
    %convert_element_type3A = arith.extui %eq3A_112 : i1 to i32
    %cond3A = arith.constant 0 : i32
    %cond3A_113 = arith.cmpi ne, %convert_element_type3A, %cond3A : i32
    scf.if %cond3A_113 {
      %swap3A_118 = arith.constant 0 : index
      %swap3A_119 = arith.constant 0 : index
      %swap3A_120 = vector.load %arg18[%swap3A_118, %swap3A_119] : memref<128x128xf32, #tpu.memory_space<vmem>>, vector<128x128xf32>
      tpu.vector_store %arg18[%swap3A_118, %swap3A_119], %dot_general3A_96 {strides = array<i32>} : memref<128x128xf32, #tpu.memory_space<vmem>>, vector<128x128xf32>,
      %swap3A_121 = arith.constant 0 : index
      %swap3A_122 = arith.constant 0 : index
      %swap3A_123 = vector.load %arg19[%swap3A_121, %swap3A_122] : memref<1x128xf32, #tpu.memory_space<vmem>>, vector<1x128xf32>
      tpu.vector_store %arg19[%swap3A_121, %swap3A_122], %broadcast_in_dim3A_99 {strides = array<i32>} : memref<1x128xf32, #tpu.memory_space<vmem>>, vector<1x128xf32>,
      %broadcast_in_dim3A_124 = vector.broadcast %reduce_sum3A_105 : f32 to vector<1x128xf32>
      %swap3A_125 = arith.constant 0 : index
      %swap3A_126 = arith.constant 0 : index
      %swap3A_127 = vector.load %arg20[%swap3A_125, %swap3A_126] : memref<1x128xf32, #tpu.memory_space<vmem>>, vector<1x128xf32>
      tpu.vector_store %arg20[%swap3A_125, %swap3A_126], %broadcast_in_dim3A_124 {strides = array<i32>} : memref<1x128xf32, #tpu.memory_space<vmem>>, vector<1x128xf32>,
      %broadcast_in_dim3A_128 = vector.broadcast %reduce_sum3A_111 : f32 to vector<1x128xf32>
      %swap3A_129 = arith.constant 0 : index
      %swap3A_130 = arith.constant 0 : index
      %swap3A_131 = vector.load %arg21[%swap3A_129, %swap3A_130] : memref<1x128xf32, #tpu.memory_space<vmem>>, vector<1x128xf32>
      tpu.vector_store %arg21[%swap3A_129, %swap3A_130], %broadcast_in_dim3A_128 {strides = array<i32>} : memref<1x128xf32, #tpu.memory_space<vmem>>, vector<1x128xf32>,
    } else {
    }
    %ne3A = arith.constant 0 : i32
    %ne3A_114 = arith.cmpi ne, %arg0, %ne3A : i32
    %convert_element_type3A_115 = arith.extui %ne3A_114 : i1 to i32
    %cond3A_116 = arith.constant 0 : i32
    %cond3A_117 = arith.cmpi ne, %convert_element_type3A_115, %cond3A_116 : i32
    scf.if %cond3A_117 {
      %get3A_118 = arith.constant 0 : index
      %get3A_119 = arith.constant 0 : index
      %get3A_120 = vector.load %arg18[%get3A_118, %get3A_119] : memref<128x128xf32, #tpu.memory_space<vmem>>, vector<128x128xf32>
      %add3A_121 = arith.addf %get3A_120, %dot_general3A_96 : vector<128x128xf32>
      %swap3A_122 = arith.constant 0 : index
      %swap3A_123 = arith.constant 0 : index
      %swap3A_124 = vector.load %arg18[%swap3A_122, %swap3A_123] : memref<128x128xf32, #tpu.memory_space<vmem>>, vector<128x128xf32>
      tpu.vector_store %arg18[%swap3A_122, %swap3A_123], %add3A_121 {strides = array<i32>} : memref<128x128xf32, #tpu.memory_space<vmem>>, vector<128x128xf32>,
      %get3A_125 = arith.constant 0 : index
      %get3A_126 = arith.constant 0 : index
      %get3A_127 = vector.load %arg19[%get3A_125, %get3A_126] : memref<1x128xf32, #tpu.memory_space<vmem>>, vector<1x128xf32>
      %add3A_128 = arith.addf %get3A_127, %broadcast_in_dim3A_99 : vector<1x128xf32>
      %swap3A_129 = arith.constant 0 : index
      %swap3A_130 = arith.constant 0 : index
      %swap3A_131 = vector.load %arg19[%swap3A_129, %swap3A_130] : memref<1x128xf32, #tpu.memory_space<vmem>>, vector<1x128xf32>
      tpu.vector_store %arg19[%swap3A_129, %swap3A_130], %add3A_128 {strides = array<i32>} : memref<1x128xf32, #tpu.memory_space<vmem>>, vector<1x128xf32>,
      %get3A_132 = arith.constant 0 : index
      %get3A_133 = arith.constant 0 : index
      %get3A_134 = vector.load %arg20[%get3A_132, %get3A_133] : memref<1x128xf32, #tpu.memory_space<vmem>>, vector<1x128xf32>
      %add3A_135 = vector.broadcast %reduce_sum3A_105 : f32 to vector<1x128xf32>
      %add3A_136 = arith.addf %get3A_134, %add3A_135 : vector<1x128xf32>
      %swap3A_137 = arith.constant 0 : index
      %swap3A_138 = arith.constant 0 : index
      %swap3A_139 = vector.load %arg20[%swap3A_137, %swap3A_138] : memref<1x128xf32, #tpu.memory_space<vmem>>, vector<1x128xf32>
      tpu.vector_store %arg20[%swap3A_137, %swap3A_138], %add3A_136 {strides = array<i32>} : memref<1x128xf32, #tpu.memory_space<vmem>>, vector<1x128xf32>,
      %get3A_140 = arith.constant 0 : index
      %get3A_141 = arith.constant 0 : index
      %get3A_142 = vector.load %arg21[%get3A_140, %get3A_141] : memref<1x128xf32, #tpu.memory_space<vmem>>, vector<1x128xf32>
      %add3A_143 = vector.broadcast %reduce_sum3A_111 : f32 to vector<1x128xf32>
      %add3A_144 = arith.addf %get3A_142, %add3A_143 : vector<1x128xf32>
      %swap3A_145 = arith.constant 0 : index
      %swap3A_146 = arith.constant 0 : index
      %swap3A_147 = vector.load %arg21[%swap3A_145, %swap3A_146] : memref<1x128xf32, #tpu.memory_space<vmem>>, vector<1x128xf32>
      tpu.vector_store %arg21[%swap3A_145, %swap3A_146], %add3A_144 {strides = array<i32>} : memref<1x128xf32, #tpu.memory_space<vmem>>, vector<1x128xf32>,
    } else {
    }
    return
  }
  func.func @transform_0(%arg0: i32) -> (i32, i32) {
    %c0_i32 = arith.constant 0 : i32
    %c0_i32_0 = arith.constant 0 : i32
    return %arg0, %c0_i32 : i32, i32
  }
  func.func @transform_1(%arg0: i32) -> (i32, i32) {
    %c0_i32 = arith.constant 0 : i32
    %c0_i32_0 = arith.constant 0 : i32
    %c0_i32_1 = arith.constant 0 : i32
    return %c0_i32, %c0_i32_0 : i32, i32
  }
  func.func @transform_2(%arg0: i32) -> (i32, i32) {
    %c0_i32 = arith.constant 0 : i32
    %c0_i32_0 = arith.constant 0 : i32
    %c0_i32_1 = arith.constant 0 : i32
    return %c0_i32, %c0_i32_0 : i32, i32
  }
  func.func @transform_3(%arg0: i32) -> (i32, i32) {
    %c0_i32 = arith.constant 0 : i32
    %c0_i32_0 = arith.constant 0 : i32
    %c0_i32_1 = arith.constant 0 : i32
    return %c0_i32, %c0_i32_0 : i32, i32
  }
  func.func @transform_4(%arg0: i32) -> (i32, i32) {
    %c0_i32 = arith.constant 0 : i32
    %c0_i32_0 = arith.constant 0 : i32
    %c0_i32_1 = arith.constant 0 : i32
    return %c0_i32, %c0_i32_0 : i32, i32
  }
  func.func @transform_5(%arg0: i32) -> (i32, i32) {
    %c0_i32 = arith.constant 0 : i32
    %c0_i32_0 = arith.constant 0 : i32
    %c0_i32_1 = arith.constant 0 : i32
    return %c0_i32, %c0_i32_0 : i32, i32
  }
  func.func @transform_6(%arg0: i32) -> (i32, i32) {
    %c0_i32 = arith.constant 0 : i32
    %c0_i32_0 = arith.constant 0 : i32
    %c0_i32_1 = arith.constant 0 : i32
    return %c0_i32, %c0_i32_0 : i32, i32
  }
  func.func @transform_7(%arg0: i32) -> (i32, i32) {
    %c0_i32 = arith.constant 0 : i32
    %c0_i32_0 = arith.constant 0 : i32
    %c0_i32_1 = arith.constant 0 : i32
    return %c0_i32, %c0_i32_0 : i32, i32
  }
  func.func @transform_8(%arg0: i32) -> (i32, i32) {
    %c0_i32 = arith.constant 0 : i32
    %c0_i32_0 = arith.constant 0 : i32
    %c0_i32_1 = arith.constant 0 : i32
    return %c0_i32, %c0_i32_0 : i32, i32
  }
  func.func @transform_9(%arg0: i32) -> (i32, i32) {
    %c0_i32 = arith.constant 0 : i32
    %c0_i32_0 = arith.constant 0 : i32
    %c0_i32_1 = arith.constant 0 : i32
    return %c0_i32, %c0_i32_0 : i32, i32
  }
  func.func @transform_10(%arg0: i32) -> (i32, i32) {
    %c0_i32 = arith.constant 0 : i32
    %c0_i32_0 = arith.constant 0 : i32
    %c0_i32_1 = arith.constant 0 : i32
    return %c0_i32, %c0_i32_0 : i32, i32
  }
  func.func @transform_11(%arg0: i32) -> (i32, i32) {
    %c0_i32 = arith.constant 0 : i32
    %c0_i32_0 = arith.constant 0 : i32
    %c0_i32_1 = arith.constant 0 : i32
    return %c0_i32, %c0_i32_0 : i32, i32
  }
  func.func @transform_12(%arg0: i32) -> (i32, i32) {
    %c0_i32 = arith.constant 0 : i32
    %c0_i32_0 = arith.constant 0 : i32
    %c0_i32_1 = arith.constant 0 : i32
    return %c0_i32, %c0_i32_0 : i32, i32
  }
  func.func @transform_13(%arg0: i32) -> (i32, i32) {
    %c0_i32 = arith.constant 0 : i32
    %c0_i32_0 = arith.constant 0 : i32
    return %arg0, %c0_i32 : i32, i32
  }
  func.func @transform_14(%arg0: i32) -> (i32, i32) {
    %c0_i32 = arith.constant 0 : i32
    %c0_i32_0 = arith.constant 0 : i32
    return %arg0, %c0_i32 : i32, i32
  }
  func.func @transform_15(%arg0: i32) -> (i32, i32) {
    %c0_i32 = arith.constant 0 : i32
    %c0_i32_0 = arith.constant 0 : i32
    return %arg0, %c0_i32 : i32, i32
  }
  func.func @transform_16(%arg0: i32) -> (i32, i32) {
    %c0_i32 = arith.constant 0 : i32
    %c0_i32_0 = arith.constant 0 : i32
    return %arg0, %c0_i32 : i32, i32
  }
  func.func @transform_17(%arg0: i32) -> (i32, i32) {
    %c0_i32 = arith.constant 0 : i32
    %c0_i32_0 = arith.constant 0 : i32
    %c0_i32_1 = arith.constant 0 : i32
    return %c0_i32, %c0_i32_0 : i32, i32
  }
  func.func @transform_18(%arg0: i32) -> (i32, i32) {
    %c0_i32 = arith.constant 0 : i32
    %c0_i32_0 = arith.constant 0 : i32
    %c0_i32_1 = arith.constant 0 : i32
    return %c0_i32, %c0_i32_0 : i32, i32
  }
  func.func @transform_19(%arg0: i32) -> (i32, i32) {
    %c0_i32 = arith.constant 0 : i32
    %c0_i32_0 = arith.constant 0 : i32
    %c0_i32_1 = arith.constant 0 : i32
    return %c0_i32, %c0_i32_0 : i32, i32
  }
  func.func @transform_20(%arg0: i32) -> (i32, i32) {
    %c0_i32 = arith.constant 0 : i32
    %c0_i32_0 = arith.constant 0 : i32
    %c0_i32_1 = arith.constant 0 : i32
    return %c0_i32, %c0_i32_0 : i32, i32
  }
}

module attributes {stable_mosaic.version = 14 : i64} {
  func.func @_b_body(%arg0: i32, %arg1: memref<2000x2xf32, #tpu.memory_space<vmem>>, %arg2: memref<2000x128xf32, #tpu.memory_space<vmem>>, %arg3: memref<2000x1xf32, #tpu.memory_space<vmem>>, %arg4: memref<2000x128xf32, #tpu.memory_space<vmem>>) attributes {dimension_semantics = [#tpu.dimension_semantics<arbitrary>], iteration_bounds = array<i64: 5>, scalar_prefetch = 0 : i64, scratch_operands = 0 : i64, tpu.core_type = #tpu.core_type<tc>, window_params = [{transform_indices = @transform_0, window_bounds = array<i64: 2000, 2>}, {transform_indices = @transform_1, window_bounds = array<i64: 2000, 128>}, {transform_indices = @transform_2, window_bounds = array<i64: 2000, 1>}, {transform_indices = @transform_3, window_bounds = array<i64: 2000, 128>}]} {
    %get3A = arith.constant 0 : index
    %get3A_0 = arith.constant 0 : index
    %get3A_1 = vector.load %arg1[%get3A, %get3A_0] : memref<2000x2xf32, #tpu.memory_space<vmem>>, vector<2000x2xf32>
    %reduce_sum3A = arith.constant dense<0.000000e+00> : vector<2000xf32>
    %reduce_sum3A_2 = vector.multi_reduction <add>, %get3A_1, %reduce_sum3A [1] : vector<2000x2xf32> to vector<2000xf32>
    %broadcast_in_dim3A = vector.shape_cast %reduce_sum3A_2 : vector<2000xf32> to vector<2000x1xf32>
    %gt3A = arith.constant 0.000000e+00 : f32
    %gt3A_3 = vector.broadcast %gt3A : f32 to vector<2000x1xf32>
    %gt3A_4 = arith.cmpf ogt, %broadcast_in_dim3A, %gt3A_3 : vector<2000x1xf32>
    %max3A = arith.constant 1.000000e-30 : f32
    %max3A_5 = vector.broadcast %max3A : f32 to vector<2000x1xf32>
    %max3A_6 = arith.maximumf %broadcast_in_dim3A, %max3A_5 : vector<2000x1xf32>
    %rsqrt3A = math.rsqrt %max3A_6 : vector<2000x1xf32>
    %jit3A = arith.constant 0.000000e+00 : f32
    %broadcast_in_dim3A_7 = vector.broadcast %jit3A : f32 to vector<2000x1xf32>
    %select_n3A = arith.select %gt3A_4, %rsqrt3A, %broadcast_in_dim3A_7 : vector<2000x1xi1>, vector<2000x1xf32>
    %swap3A = arith.constant 0 : index
    %swap3A_8 = arith.constant 0 : index
    %swap3A_9 = vector.load %arg3[%swap3A, %swap3A_8] : memref<2000x1xf32, #tpu.memory_space<vmem>>, vector<2000x1xf32>
    tpu.vector_store %arg3[%swap3A, %swap3A_8], %select_n3A {strides = array<i32>} : memref<2000x1xf32, #tpu.memory_space<vmem>>, vector<2000x1xf32>,
    %get3A_10 = arith.constant 0 : index
    %get3A_11 = arith.constant 0 : index
    %get3A_12 = vector.load %arg2[%get3A_10, %get3A_11] : memref<2000x128xf32, #tpu.memory_space<vmem>>, vector<2000x128xf32>
    %mul3A = vector.broadcast %select_n3A : vector<2000x1xf32> to vector<2000x128xf32>
    %mul3A_13 = arith.mulf %mul3A, %get3A_12 : vector<2000x128xf32>
    %swap3A_14 = arith.constant 0 : index
    %swap3A_15 = arith.constant 0 : index
    %swap3A_16 = vector.load %arg4[%swap3A_14, %swap3A_15] : memref<2000x128xf32, #tpu.memory_space<vmem>>, vector<2000x128xf32>
    tpu.vector_store %arg4[%swap3A_14, %swap3A_15], %mul3A_13 {strides = array<i32>} : memref<2000x128xf32, #tpu.memory_space<vmem>>, vector<2000x128xf32>,
    return
  }
  func.func @transform_0(%arg0: i32) -> (i32, i32) {
    %c0_i32 = arith.constant 0 : i32
    %c0_i32_0 = arith.constant 0 : i32
    return %arg0, %c0_i32 : i32, i32
  }
  func.func @transform_1(%arg0: i32) -> (i32, i32) {
    %c0_i32 = arith.constant 0 : i32
    %c0_i32_0 = arith.constant 0 : i32
    return %arg0, %c0_i32 : i32, i32
  }
  func.func @transform_2(%arg0: i32) -> (i32, i32) {
    %c0_i32 = arith.constant 0 : i32
    %c0_i32_0 = arith.constant 0 : i32
    return %arg0, %c0_i32 : i32, i32
  }
  func.func @transform_3(%arg0: i32) -> (i32, i32) {
    %c0_i32 = arith.constant 0 : i32
    %c0_i32_0 = arith.constant 0 : i32
    return %arg0, %c0_i32 : i32, i32
  }
}

module attributes {stable_mosaic.version = 14 : i64} {
  func.func @_c_body(%arg0: i32, %arg1: memref<1x2000x128xf32, #tpu.memory_space<vmem>>, %arg2: memref<1x2000x128xf32, #tpu.memory_space<vmem>>, %arg3: memref<2000x1xf32, #tpu.memory_space<vmem>>, %arg4: memref<2000x128xf32, #tpu.memory_space<vmem>>, %arg5: memref<2000x128xf32, #tpu.memory_space<vmem>>, %arg6: memref<2000x128xf32, #tpu.memory_space<vmem>>, %arg7: memref<2000x128xf32, #tpu.memory_space<vmem>>, %arg8: memref<128x128xf32, #tpu.memory_space<vmem>>, %arg9: memref<1x128xf32, #tpu.memory_space<vmem>>, %arg10: memref<1x128xf32, #tpu.memory_space<vmem>>, %arg11: memref<1x128xf32, #tpu.memory_space<vmem>>, %arg12: memref<1x128xf32, #tpu.memory_space<vmem>>, %arg13: memref<1x128xf32, #tpu.memory_space<vmem>>, %arg14: memref<128x128xf32, #tpu.memory_space<vmem>>, %arg15: memref<1x128xf32, #tpu.memory_space<vmem>>, %arg16: memref<128x40xf32, #tpu.memory_space<vmem>>, %arg17: memref<1x40xf32, #tpu.memory_space<vmem>>, %arg18: memref<2000x40xf32, #tpu.memory_space<vmem>>) attributes {dimension_semantics = [#tpu.dimension_semantics<arbitrary>], iteration_bounds = array<i64: 5>, scalar_prefetch = 0 : i64, scratch_operands = 0 : i64, tpu.core_type = #tpu.core_type<tc>, window_params = [{transform_indices = @transform_0, window_bounds = array<i64: 1, 2000, 128>}, {transform_indices = @transform_1, window_bounds = array<i64: 1, 2000, 128>}, {transform_indices = @transform_2, window_bounds = array<i64: 2000, 1>}, {transform_indices = @transform_3, window_bounds = array<i64: 2000, 128>}, {transform_indices = @transform_4, window_bounds = array<i64: 2000, 128>}, {transform_indices = @transform_5, window_bounds = array<i64: 2000, 128>}, {transform_indices = @transform_6, window_bounds = array<i64: 2000, 128>}, {pipeline_mode = #tpu.pipeline_mode<synchronous>, transform_indices = @transform_7, window_bounds = array<i64: 128, 128>}, {pipeline_mode = #tpu.pipeline_mode<synchronous>, transform_indices = @transform_8, window_bounds = array<i64: 1, 128>}, {pipeline_mode = #tpu.pipeline_mode<synchronous>, transform_indices = @transform_9, window_bounds = array<i64: 1, 128>}, {pipeline_mode = #tpu.pipeline_mode<synchronous>, transform_indices = @transform_10, window_bounds = array<i64: 1, 128>}, {pipeline_mode = #tpu.pipeline_mode<synchronous>, transform_indices = @transform_11, window_bounds = array<i64: 1, 128>}, {pipeline_mode = #tpu.pipeline_mode<synchronous>, transform_indices = @transform_12, window_bounds = array<i64: 1, 128>}, {pipeline_mode = #tpu.pipeline_mode<synchronous>, transform_indices = @transform_13, window_bounds = array<i64: 128, 128>}, {pipeline_mode = #tpu.pipeline_mode<synchronous>, transform_indices = @transform_14, window_bounds = array<i64: 1, 128>}, {pipeline_mode = #tpu.pipeline_mode<synchronous>, transform_indices = @transform_15, window_bounds = array<i64: 128, 40>}, {pipeline_mode = #tpu.pipeline_mode<synchronous>, transform_indices = @transform_16, window_bounds = array<i64: 1, 40>}, {transform_indices = @transform_17, window_bounds = array<i64: 2000, 40>}]} {
    %get3A = arith.constant 0 : index
    %get3A_0 = arith.constant 0 : index
    %get3A_1 = vector.load %arg10[%get3A, %get3A_0] : memref<1x128xf32, #tpu.memory_space<vmem>>, vector<1x1xf32>
    %get3A_2 = vector.extract %get3A_1[0, 0] : f32 from vector<1x1xf32>
    %sqrt3A = math.sqrt %get3A_2 : f32
    %get3A_3 = arith.constant 0 : index
    %get3A_4 = arith.constant 0 : index
    %get3A_5 = vector.load %arg11[%get3A_3, %get3A_4] : memref<1x128xf32, #tpu.memory_space<vmem>>, vector<1x1xf32>
    %get3A_6 = vector.extract %get3A_5[0, 0] : f32 from vector<1x1xf32>
    %sqrt3A_7 = math.sqrt %get3A_6 : f32
    %mul3A = arith.mulf %sqrt3A, %sqrt3A_7 : f32
    %get3A_8 = arith.constant 0 : index
    %get3A_9 = arith.constant 0 : index
    %get3A_10 = vector.load %arg5[%get3A_8, %get3A_9] : memref<2000x128xf32, #tpu.memory_space<vmem>>, vector<2000x128xf32>
    %get3A_11 = arith.constant 0 : index
    %get3A_12 = arith.constant 0 : index
    %get3A_13 = vector.load %arg6[%get3A_11, %get3A_12] : memref<2000x128xf32, #tpu.memory_space<vmem>>, vector<2000x128xf32>
    %get3A_14 = arith.constant 0 : index
    %get3A_15 = arith.constant 0 : index
    %get3A_16 = vector.load %arg8[%get3A_14, %get3A_15] : memref<128x128xf32, #tpu.memory_space<vmem>>, vector<128x128xf32>
    %dot_general3A = arith.constant dense<0.000000e+00> : vector<2000x128xf32>
    %dot_general3A_17 = tpu.matmul %get3A_10, %get3A_16, %dot_general3A {dimension_numbers = #tpu.dot_dimension_numbers<[1], [0], [0], [1], [0, 0, 1, 1], [], []>, transpose_lhs_hint = false} : vector<2000x128xf32>, vector<128x128xf32>, vector<2000x128xf32> -> vector<2000x128xf32>
    %div3A = vector.broadcast %mul3A : f32 to vector<2000x128xf32>
    %div3A_18 = arith.divf %dot_general3A_17, %div3A : vector<2000x128xf32>
    %mul3A_19 = arith.constant 1.000000e+04 : f32
    %mul3A_20 = vector.broadcast %mul3A_19 : f32 to vector<2000x128xf32>
    %mul3A_21 = arith.mulf %mul3A_20, %get3A_13 : vector<2000x128xf32>
    %add3A = arith.addf %div3A_18, %mul3A_21 : vector<2000x128xf32>
    %get3A_22 = arith.constant 0 : index
    %get3A_23 = arith.constant 0 : index
    %get3A_24 = vector.load %arg9[%get3A_22, %get3A_23] : memref<1x128xf32, #tpu.memory_space<vmem>>, vector<1x128xf32>
    %dot_general3A_25 = arith.constant dense<0.000000e+00> : vector<2000x1xf32>
    %dot_general3A_26 = tpu.matmul %get3A_10, %get3A_24, %dot_general3A_25 {dimension_numbers = #tpu.dot_dimension_numbers<[1], [1], [0], [0], [0, 0, 1, 0], [], []>, transpose_lhs_hint = false} : vector<2000x128xf32>, vector<1x128xf32>, vector<2000x1xf32> -> vector<2000x1xf32>
    %div3A_27 = vector.broadcast %mul3A : f32 to vector<2000x1xf32>
    %div3A_28 = arith.divf %dot_general3A_26, %div3A_27 : vector<2000x1xf32>
    %add3A_29 = arith.constant 1.000000e+04 : f32
    %add3A_30 = vector.broadcast %add3A_29 : f32 to vector<2000x1xf32>
    %add3A_31 = arith.addf %div3A_28, %add3A_30 : vector<2000x1xf32>
    %div3A_32 = vector.broadcast %add3A_31 : vector<2000x1xf32> to vector<2000x128xf32>
    %div3A_33 = arith.divf %add3A, %div3A_32 : vector<2000x128xf32>
    %mul3A_34 = arith.constant 5.000000e-01 : f32
    %mul3A_35 = vector.broadcast %mul3A_34 : f32 to vector<2000x128xf32>
    %mul3A_36 = arith.mulf %mul3A_35, %div3A_33 : vector<2000x128xf32>
    %get3A_37 = arith.constant 0 : index
    %get3A_38 = arith.constant 0 : index
    %get3A_39 = vector.load %arg7[%get3A_37, %get3A_38] : memref<2000x128xf32, #tpu.memory_space<vmem>>, vector<2000x128xf32>
    %mul3A_40 = arith.constant 5.000000e-01 : f32
    %mul3A_41 = vector.broadcast %mul3A_40 : f32 to vector<2000x128xf32>
    %mul3A_42 = arith.mulf %mul3A_41, %get3A_39 : vector<2000x128xf32>
    %add3A_43 = arith.addf %mul3A_36, %mul3A_42 : vector<2000x128xf32>
    %reduce_sum3A = arith.constant dense<0.000000e+00> : vector<2000xf32>
    %reduce_sum3A_44 = vector.multi_reduction <add>, %add3A_43, %reduce_sum3A [1] : vector<2000x128xf32> to vector<2000xf32>
    %broadcast_in_dim3A = vector.shape_cast %reduce_sum3A_44 : vector<2000xf32> to vector<2000x1xf32>
    %div3A_45 = arith.constant 1.280000e+02 : f32
    %div3A_46 = vector.broadcast %div3A_45 : f32 to vector<2000x1xf32>
    %div3A_47 = arith.divf %broadcast_in_dim3A, %div3A_46 : vector<2000x1xf32>
    %sub3A = vector.broadcast %div3A_47 : vector<2000x1xf32> to vector<2000x128xf32>
    %sub3A_48 = arith.subf %add3A_43, %sub3A : vector<2000x128xf32>
    %integer_pow3A = arith.mulf %sub3A_48, %sub3A_48 : vector<2000x128xf32>
    %reduce_sum3A_49 = arith.constant dense<0.000000e+00> : vector<2000xf32>
    %reduce_sum3A_50 = vector.multi_reduction <add>, %integer_pow3A, %reduce_sum3A_49 [1] : vector<2000x128xf32> to vector<2000xf32>
    %broadcast_in_dim3A_51 = vector.shape_cast %reduce_sum3A_50 : vector<2000xf32> to vector<2000x1xf32>
    %div3A_52 = arith.constant 1.280000e+02 : f32
    %div3A_53 = vector.broadcast %div3A_52 : f32 to vector<2000x1xf32>
    %div3A_54 = arith.divf %broadcast_in_dim3A_51, %div3A_53 : vector<2000x1xf32>
    %get3A_55 = arith.constant 0 : index
    %get3A_56 = arith.constant 0 : index
    %get3A_57 = vector.load %arg12[%get3A_55, %get3A_56] : memref<1x128xf32, #tpu.memory_space<vmem>>, vector<1x128xf32>
    %sub3A_58 = vector.broadcast %div3A_47 : vector<2000x1xf32> to vector<2000x128xf32>
    %sub3A_59 = arith.subf %add3A_43, %sub3A_58 : vector<2000x128xf32>
    %mul3A_60 = vector.broadcast %get3A_57 : vector<1x128xf32> to vector<2000x128xf32>
    %mul3A_61 = arith.mulf %mul3A_60, %sub3A_59 : vector<2000x128xf32>
    %add3A_62 = arith.constant 9.99999974E-6 : f32
    %add3A_63 = vector.broadcast %add3A_62 : f32 to vector<2000x1xf32>
    %add3A_64 = arith.addf %div3A_54, %add3A_63 : vector<2000x1xf32>
    %rsqrt3A = math.rsqrt %add3A_64 : vector<2000x1xf32>
    %mul3A_65 = vector.broadcast %rsqrt3A : vector<2000x1xf32> to vector<2000x128xf32>
    %mul3A_66 = arith.mulf %mul3A_61, %mul3A_65 : vector<2000x128xf32>
    %get3A_67 = arith.constant 0 : index
    %get3A_68 = arith.constant 0 : index
    %get3A_69 = vector.load %arg13[%get3A_67, %get3A_68] : memref<1x128xf32, #tpu.memory_space<vmem>>, vector<1x128xf32>
    %add3A_70 = vector.broadcast %get3A_69 : vector<1x128xf32> to vector<2000x128xf32>
    %add3A_71 = arith.addf %mul3A_66, %add3A_70 : vector<2000x128xf32>
    %max3A = arith.constant 0.000000e+00 : f32
    %max3A_72 = vector.broadcast %max3A : f32 to vector<2000x128xf32>
    %max3A_73 = arith.maximumf %add3A_71, %max3A_72 : vector<2000x128xf32>
    %get3A_74 = arith.constant 0 : index
    %get3A_75 = arith.constant 0 : index
    %get3A_76 = vector.load %arg3[%get3A_74, %get3A_75] : memref<2000x1xf32, #tpu.memory_space<vmem>>, vector<2000x1xf32>
    %get3A_77 = arith.constant 0 : index
    %get3A_78 = arith.constant 0 : index
    %get3A_79 = arith.constant 0 : index
    %get3A_80 = vector.load %arg1[%get3A_77, %get3A_78, %get3A_79] : memref<1x2000x128xf32, #tpu.memory_space<vmem>>, vector<1x2000x128xf32>
    %get3A_81 = vector.shape_cast %get3A_80 : vector<1x2000x128xf32> to vector<2000x128xf32>
    %get3A_82 = arith.constant 0 : index
    %get3A_83 = arith.constant 0 : index
    %get3A_84 = arith.constant 0 : index
    %get3A_85 = vector.load %arg2[%get3A_82, %get3A_83, %get3A_84] : memref<1x2000x128xf32, #tpu.memory_space<vmem>>, vector<1x2000x128xf32>
    %get3A_86 = vector.shape_cast %get3A_85 : vector<1x2000x128xf32> to vector<2000x128xf32>
    %add3A_87 = arith.addf %get3A_81, %get3A_86 : vector<2000x128xf32>
    %mul3A_88 = vector.broadcast %get3A_76 : vector<2000x1xf32> to vector<2000x128xf32>
    %mul3A_89 = arith.mulf %mul3A_88, %add3A_87 : vector<2000x128xf32>
    %get3A_90 = arith.constant 0 : index
    %get3A_91 = arith.constant 0 : index
    %get3A_92 = vector.load %arg14[%get3A_90, %get3A_91] : memref<128x128xf32, #tpu.memory_space<vmem>>, vector<128x128xf32>
    %dot_general3A_93 = arith.constant dense<0.000000e+00> : vector<2000x128xf32>
    %dot_general3A_94 = tpu.matmul %mul3A_89, %get3A_92, %dot_general3A_93 {dimension_numbers = #tpu.dot_dimension_numbers<[1], [0], [0], [1], [0, 0, 1, 1], [], []>, transpose_lhs_hint = false} : vector<2000x128xf32>, vector<128x128xf32>, vector<2000x128xf32> -> vector<2000x128xf32>
    %get3A_95 = arith.constant 0 : index
    %get3A_96 = arith.constant 0 : index
    %get3A_97 = vector.load %arg15[%get3A_95, %get3A_96] : memref<1x128xf32, #tpu.memory_space<vmem>>, vector<1x128xf32>
    %add3A_98 = vector.broadcast %get3A_97 : vector<1x128xf32> to vector<2000x128xf32>
    %add3A_99 = arith.addf %dot_general3A_94, %add3A_98 : vector<2000x128xf32>
    %mul3A_100 = arith.constant 0.999994993 : f32
    %mul3A_101 = vector.broadcast %mul3A_100 : f32 to vector<2000x128xf32>
    %mul3A_102 = arith.mulf %add3A_99, %mul3A_101 : vector<2000x128xf32>
    %max3A_103 = arith.constant 0.000000e+00 : f32
    %max3A_104 = vector.broadcast %max3A_103 : f32 to vector<2000x128xf32>
    %max3A_105 = arith.maximumf %mul3A_102, %max3A_104 : vector<2000x128xf32>
    %get3A_106 = arith.constant 0 : index
    %get3A_107 = arith.constant 0 : index
    %get3A_108 = vector.load %arg4[%get3A_106, %get3A_107] : memref<2000x128xf32, #tpu.memory_space<vmem>>, vector<2000x128xf32>
    %add3A_109 = arith.addf %max3A_105, %get3A_108 : vector<2000x128xf32>
    %mul3A_110 = arith.constant 8.000000e-01 : f32
    %mul3A_111 = vector.broadcast %mul3A_110 : f32 to vector<2000x128xf32>
    %mul3A_112 = arith.mulf %mul3A_111, %add3A_109 : vector<2000x128xf32>
    %mul3A_113 = arith.constant 2.000000e-01 : f32
    %mul3A_114 = vector.broadcast %mul3A_113 : f32 to vector<2000x128xf32>
    %mul3A_115 = arith.mulf %mul3A_114, %max3A_73 : vector<2000x128xf32>
    %add3A_116 = arith.addf %mul3A_112, %mul3A_115 : vector<2000x128xf32>
    %get3A_117 = arith.constant 0 : index
    %get3A_118 = arith.constant 0 : index
    %get3A_119 = vector.load %arg16[%get3A_117, %get3A_118] : memref<128x40xf32, #tpu.memory_space<vmem>>, vector<128x40xf32>
    %dot_general3A_120 = arith.constant dense<0.000000e+00> : vector<2000x40xf32>
    %dot_general3A_121 = tpu.matmul %add3A_116, %get3A_119, %dot_general3A_120 {dimension_numbers = #tpu.dot_dimension_numbers<[1], [0], [0], [1], [0, 0, 1, 1], [], []>, transpose_lhs_hint = false} : vector<2000x128xf32>, vector<128x40xf32>, vector<2000x40xf32> -> vector<2000x40xf32>
    %get3A_122 = arith.constant 0 : index
    %get3A_123 = arith.constant 0 : index
    %get3A_124 = vector.load %arg17[%get3A_122, %get3A_123] : memref<1x40xf32, #tpu.memory_space<vmem>>, vector<1x40xf32>
    %add3A_125 = vector.broadcast %get3A_124 : vector<1x40xf32> to vector<2000x40xf32>
    %add3A_126 = arith.addf %dot_general3A_121, %add3A_125 : vector<2000x40xf32>
    %swap3A = arith.constant 0 : index
    %swap3A_127 = arith.constant 0 : index
    %swap3A_128 = vector.load %arg18[%swap3A, %swap3A_127] : memref<2000x40xf32, #tpu.memory_space<vmem>>, vector<2000x40xf32>
    tpu.vector_store %arg18[%swap3A, %swap3A_127], %add3A_126 {strides = array<i32>} : memref<2000x40xf32, #tpu.memory_space<vmem>>, vector<2000x40xf32>,
    return
  }
  func.func @transform_0(%arg0: i32) -> (i32, i32, i32) {
    %c0_i32 = arith.constant 0 : i32
    %c0_i32_0 = arith.constant 0 : i32
    %c0_i32_1 = arith.constant 0 : i32
    return %c0_i32, %arg0, %c0_i32_0 : i32, i32, i32
  }
  func.func @transform_1(%arg0: i32) -> (i32, i32, i32) {
    %c1_i32 = arith.constant 1 : i32
    %c0_i32 = arith.constant 0 : i32
    %c0_i32_0 = arith.constant 0 : i32
    return %c1_i32, %arg0, %c0_i32 : i32, i32, i32
  }
  func.func @transform_2(%arg0: i32) -> (i32, i32) {
    %c0_i32 = arith.constant 0 : i32
    %c0_i32_0 = arith.constant 0 : i32
    return %arg0, %c0_i32 : i32, i32
  }
  func.func @transform_3(%arg0: i32) -> (i32, i32) {
    %c0_i32 = arith.constant 0 : i32
    %c0_i32_0 = arith.constant 0 : i32
    return %arg0, %c0_i32 : i32, i32
  }
  func.func @transform_4(%arg0: i32) -> (i32, i32) {
    %c0_i32 = arith.constant 0 : i32
    %c0_i32_0 = arith.constant 0 : i32
    return %arg0, %c0_i32 : i32, i32
  }
  func.func @transform_5(%arg0: i32) -> (i32, i32) {
    %c0_i32 = arith.constant 0 : i32
    %c0_i32_0 = arith.constant 0 : i32
    return %arg0, %c0_i32 : i32, i32
  }
  func.func @transform_6(%arg0: i32) -> (i32, i32) {
    %c0_i32 = arith.constant 0 : i32
    %c0_i32_0 = arith.constant 0 : i32
    return %arg0, %c0_i32 : i32, i32
  }
  func.func @transform_7(%arg0: i32) -> (i32, i32) {
    %c0_i32 = arith.constant 0 : i32
    %c0_i32_0 = arith.constant 0 : i32
    %c0_i32_1 = arith.constant 0 : i32
    return %c0_i32, %c0_i32_0 : i32, i32
  }
  func.func @transform_8(%arg0: i32) -> (i32, i32) {
    %c0_i32 = arith.constant 0 : i32
    %c0_i32_0 = arith.constant 0 : i32
    %c0_i32_1 = arith.constant 0 : i32
    return %c0_i32, %c0_i32_0 : i32, i32
  }
  func.func @transform_9(%arg0: i32) -> (i32, i32) {
    %c0_i32 = arith.constant 0 : i32
    %c0_i32_0 = arith.constant 0 : i32
    %c0_i32_1 = arith.constant 0 : i32
    return %c0_i32, %c0_i32_0 : i32, i32
  }
  func.func @transform_10(%arg0: i32) -> (i32, i32) {
    %c0_i32 = arith.constant 0 : i32
    %c0_i32_0 = arith.constant 0 : i32
    %c0_i32_1 = arith.constant 0 : i32
    return %c0_i32, %c0_i32_0 : i32, i32
  }
  func.func @transform_11(%arg0: i32) -> (i32, i32) {
    %c0_i32 = arith.constant 0 : i32
    %c0_i32_0 = arith.constant 0 : i32
    %c0_i32_1 = arith.constant 0 : i32
    return %c0_i32, %c0_i32_0 : i32, i32
  }
  func.func @transform_12(%arg0: i32) -> (i32, i32) {
    %c0_i32 = arith.constant 0 : i32
    %c0_i32_0 = arith.constant 0 : i32
    %c0_i32_1 = arith.constant 0 : i32
    return %c0_i32, %c0_i32_0 : i32, i32
  }
  func.func @transform_13(%arg0: i32) -> (i32, i32) {
    %c0_i32 = arith.constant 0 : i32
    %c0_i32_0 = arith.constant 0 : i32
    %c0_i32_1 = arith.constant 0 : i32
    return %c0_i32, %c0_i32_0 : i32, i32
  }
  func.func @transform_14(%arg0: i32) -> (i32, i32) {
    %c0_i32 = arith.constant 0 : i32
    %c0_i32_0 = arith.constant 0 : i32
    %c0_i32_1 = arith.constant 0 : i32
    return %c0_i32, %c0_i32_0 : i32, i32
  }
  func.func @transform_15(%arg0: i32) -> (i32, i32) {
    %c0_i32 = arith.constant 0 : i32
    %c0_i32_0 = arith.constant 0 : i32
    %c0_i32_1 = arith.constant 0 : i32
    return %c0_i32, %c0_i32_0 : i32, i32
  }
  func.func @transform_16(%arg0: i32) -> (i32, i32) {
    %c0_i32 = arith.constant 0 : i32
    %c0_i32_0 = arith.constant 0 : i32
    %c0_i32_1 = arith.constant 0 : i32
    return %c0_i32, %c0_i32_0 : i32, i32
  }
  func.func @transform_17(%arg0: i32) -> (i32, i32) {
    %c0_i32 = arith.constant 0 : i32
    %c0_i32_0 = arith.constant 0 : i32
    return %arg0, %c0_i32 : i32, i32
  }
}

</mosaic_0001>

<sc_bundles>
// kernel: kernel.10.cloned.1.call-start
scs
__scs_entry_jumppad:
0x0: {  	(pc) =	sbr.rel $0x88, $3  }
0x1: {  	(tag) =	ssettag $0x0;
	lr =	simm.s32 $0x1  }
0x2: {  	[smem:$0x3F8D] =	sst lr;
	_ =	strace $0xD0000000  }
0x3: {  	_ = 	snop  }
0x4: {  	_ = 	snop  }
0x5: {  	_ = 	snop  }
0x6: {  	_ = 	snop  }
0x7: {  	_ = 	snop  }
__scs_overlays_trampoline_lowered:
0x8: {  	[smem:$0x3F9C] =	sst s0  }
0x9: {  	[smem:$0x3F9D] =	sst s1  }
0xa: {  	[smem:$0x3F9E] =	sst s2  }
0xb: {  	[smem:$0x3F9F] =	sst s3  }
0xc: {  	[smem:$0x3FA0] =	sst s4  }
0xd: {  	[smem:$0x3FA1] =	sst s5  }
0xe: {  	[smem:$0x3FA2] =	sst s6  }
0xf: {  	[smem:$0x3FA3] =	sst s7  }
0x10: {  	[smem:$0x3FA4] =	sst s8  }
0x11: {  	[smem:$0x3FA5] =	sst s9;
	s0 =	simm.s32 @!p0 $0x0  }
0x12: {  	s1 =	sld [smem:$0x3F8B];
	s0 =	simm.s32 @p0 $0x1  }
0x13: {  	[smem:$0x3FA6] =	sst s0;
	s0 =	simm.s32 @!p1 $0x0  }
0x14: {  	s2 =	sld [smem:$0x3F8A];
	s0 =	simm.s32 @p1 $0x1  }
0x15: {  	[smem:$0x3FA7] =	sst s0;
	s0 =	simm.s32 @!p2 $0x0  }
0x16: {  	s3 =	sld [smem:$0x3FDB];
	s0 =	simm.s32 @p2 $0x1  }
0x17: {  	s4 =	simm.s32 $0x1BF5;
	[smem:$0x3FA9] =	sst s0  }
0x18: {  	s0 =	sld [smem:$0x3F8C];
	_ =	swait.ge [sflag:s4], $0x0  }
0x19: {  	s7 =	sld [smem:$0x3F8D]  }
0x1a: {  	s8 =	sadd.s32 $0xFFFFE003, lr  }
0x1b: {  	s9 =	sadd.s32 $0xFFFFFEF7, lr;
	s5 =	simm.s32 $0xFFFFFFFF;
	p2 =	slt.u32 s8, $0xFFFFF086  }
0x1c: {  	p1 =	slt.u32 s9, $0xF7A;
	s5 =	simm.s32 @!p2 $0x0  }
0x1d: {  	s5 =	simm.s32 @p1 $0x1;
	p0 =	seq.s32 s7, s2  }
0x1e: {  	s7 =	smul.u32 @!p0 $0xF7A, s2;
	p2 =	seq.s32 @!p0 s5, $0x0  }
0x1f: {  	s9 =	smul.u32 $0xF7A, s1;
	s8 =	simm.s32 @!p0 $0x1BF5;
	p2 =	por !p2, p0  }
0x20: {  	[sflag:s8] =	ssyncset.s32 @!p0 $0xFFFFF086;
	s6 =	sadd.s32 @!p0 s3, s7;
	s7 =	simm.s32 @!p0 $0x108  }
0x21: {  	s3 =	sadd.s32 s3, s9;
	s6 =	sadd.s32 @!p0 $0x88, s6;
	s7 =	simm.s32 @p2 $0x1082  }
0x22: {  	[simem:s7], [sflag:s8] =	dma.local @!p0 [hbm:s6], $0xF7A  }
0x23: {  	s9 =	sor.u32 $0xD0000000, s2;
	s6 =	simm.s32 $0x108;
	_ =	swait.ge @!p0 [sflag:s8], $0x0  }
0x24: {  	s3 =	sadd.s32 $0x88, s3;
	s6 =	simm.s32 @!p1 $0x1082;
	[sflag:s4] =	ssyncset.s32 $0xFFFFF086  }
0x25: {  	[simem:s6], [sflag:s4] =	dma.local [hbm:s3], $0xF7A  }
0x26: {  	[smem:$0x3F8D] =	sst s1;
	(tag) =	ssettag s2;
	_ =	strace s9  }
0x27: {  	s1 =	sld [smem:$0x3F9D]  }
0x28: {  	s2 =	sld [smem:$0x3F9E]  }
0x29: {  	s4 =	sld [smem:$0x3FA0]  }
0x2a: {  	p0 =	seq.s32 s5, $0x0;
	s5 =	sld [smem:$0x3FA1]  }
0x2b: {  	s6 =	sld [smem:$0x3FA2]  }
0x2c: {  	s7 =	sld [smem:$0x3FA3]  }
0x2d: {  	s3 =	simm.s32 $0x108;
	s8 =	sld [smem:$0x3FA4]  }
0x2e: {  	s3 =	simm.s32 @!p0 $0x1082;
	s9 =	sld [smem:$0x3FA5]  }
0x2f: {  	lr =	sadd.s32 s0, s3;
	s0 =	sld [smem:$0x3F9C]  }
0x30: {  	s3 =	sld [smem:$0x3F9F]  }
0x31: {  	[smem:$0x3FA8] =	sst s10  }
0x32: {  	s10 =	sld [smem:$0x3FA6];
	_ =	sdelay $0x3  }
0x33: {  	p0 =	seq.s32 s10, $0x1;
	s10 =	sld [smem:$0x3FA8];
	_ =	sdelay $0x3  }
0x34: {  	[smem:$0x3FA8] =	sst s10  }
0x35: {  	s10 =	sld [smem:$0x3FA7];
	_ =	sdelay $0x3  }
0x36: {  	p1 =	seq.s32 s10, $0x1;
	s10 =	sld [smem:$0x3FA8];
	_ =	sdelay $0x3  }
0x37: {  	[smem:$0x3FA8] =	sst s10  }
0x38: {  	s10 =	sld [smem:$0x3FA9]  }
0x39: {  	_ = 	snop;
	(pc) =	sbr.ind lr, $3  }
0x3a: {  	_ = 	snop  }
0x3b: {  	_ = 	snop  }
0x3c: {  	p2 =	seq.s32 s10, $0x1;
	s10 =	sld [smem:$0x3FA8]  }
0x3d: {  	_ =	shalt  }
0x3e: {  	_ =	shalt  }
0x3f: {  	_ =	shalt  }
0x40: {  	_ =	shalt  }
0x41: {  	_ =	shalt  }
0x42: {  	_ =	shalt  }
0x43: {  	_ =	shalt  }
0x44: {  	_ =	shalt  }
0x45: {  	_ =	shalt  }
0x46: {  	_ =	shalt  }
0x47: {  	_ =	shalt  }
0x48: {  	_ =	shalt  }
0x49: {  	_ =	shalt  }
0x4a: {  	_ =	shalt  }
0x4b: {  	_ =	shalt  }
0x4c: {  	_ =	shalt  }
0x4d: {  	_ =	shalt  }
0x4e: {  	_ =	shalt  }
0x4f: {  	_ =	shalt  }
0x50: {  	_ =	shalt  }
0x51: {  	_ =	shalt  }
0x52: {  	_ =	shalt  }
0x53: {  	_ =	shalt  }
0x54: {  	_ =	shalt  }
0x55: {  	_ =	shalt  }
0x56: {  	_ =	shalt  }
0x57: {  	_ =	shalt  }
0x58: {  	_ =	shalt  }
0x59: {  	_ =	shalt  }
0x5a: {  	_ =	shalt  }
0x5b: {  	_ =	shalt  }
0x5c: {  	_ =	shalt  }
0x5d: {  	_ =	shalt  }
0x5e: {  	_ =	shalt  }
0x5f: {  	_ =	shalt  }
0x60: {  	_ =	shalt  }
0x61: {  	_ =	shalt  }
0x62: {  	_ =	shalt  }
0x63: {  	_ =	shalt  }
0x64: {  	_ =	shalt  }
0x65: {  	_ =	shalt  }
0x66: {  	_ =	shalt  }
0x67: {  	_ =	shalt  }
0x68: {  	_ =	shalt  }
0x69: {  	_ =	shalt  }
0x6a: {  	_ =	shalt  }
0x6b: {  	_ =	shalt  }
0x6c: {  	_ =	shalt  }
0x6d: {  	_ =	shalt  }
0x6e: {  	_ =	shalt  }
0x6f: {  	_ =	shalt  }
0x70: {  	_ =	shalt  }
0x71: {  	_ =	shalt  }
0x72: {  	_ =	shalt  }
0x73: {  	_ =	shalt  }
0x74: {  	_ =	shalt  }
0x75: {  	_ =	shalt  }
0x76: {  	_ =	shalt  }
0x77: {  	_ =	shalt  }
0x78: {  	_ =	shalt  }
0x79: {  	_ =	shalt  }
0x7a: {  	_ =	shalt  }
0x7b: {  	_ =	shalt  }
0x7c: {  	_ =	shalt  }
0x7d: {  	_ =	shalt  }
0x7e: {  	_ =	shalt  }
0x7f: {  	_ =	shalt  }
0x80: {  	_ =	shalt  }
0x81: {  	_ =	shalt  }
0x82: {  	_ =	shalt  }
0x83: {  	_ =	shalt  }
0x84: {  	_ =	shalt  }
0x85: {  	_ =	shalt  }
0x86: {  	_ =	shalt  }
0x87: {  	_ =	shalt  }
.Lfunc_end0:
.L_simem_size_0:
called_computation.1_lowered:
.L_overlay_start_0:
0x88: {  	s2 =	sld [smem:$0x3FD9]  }
0x89: {  	s3 =	sld [smem:$0x3FFE];
	_ =	sdelay $0x1  }
0x8a: {  	s1 =	srdreg.scid  }
0x8b: {  	s0 =	sand.u32 $0x1, s1  }
0x8c: {  	s17 =	sshll.u32 s0, $0xA;
	s2 =	sadd.s32 s3, s2  }
0x8d: {  	s2 =	sadd.s32 s2, s17  }
0x8e: {  	[smem:$0x3FB4] =	sst s2  }
0x8f: {  	_ = 	snop  }
0x90: {  	s2 =	sld [smem:$0x3FD0];
	(tm) =	ssettm $0x1  }
0x91: {  	s18 =	sld [smem:$0x3FFB];
	_ =	sdelay $0x3  }
0x92: {  	_ =	strace s18  }
0x93: {  	s3 =	sld [smem:$0x3FFC];
	_ =	sdelay $0x3  }
0x94: {  	_ =	strace s3  }
0x95: {  	s3 =	sld [smem:$0x3FFD];
	_ =	sdelay $0x3  }
0x96: {  	_ =	strace s3  }
0x97: {  	_ =	strace $0x8FFFFFFF  }
0x98: {  	s19 =	sld [smem:$0x3FDB];
	_ =	sdelay $0x1  }
0x99: {  	s4 =	simm.s32 $_scs_section_size  }
0x9a: {  	s5 =	simm.s32 $_size__tile_overlayer_lowered;
	s6 =	simm.s32 $_tile_overlayer_lowered  }
0x9b: {  	s22 =	simm.s32 $0x1BFF;
	s21 =	sshll.u32 s6, $0x1;
	s3 =	sadd.s32 s4, s19  }
0x9c: {  	s7 =	simm.s32 $0x0;
	s20 =	sshll.u32 s5, $0x1;
	s5 =	sadd.s32 s21, s3  }
0x9d: {  	[timem:s7], [sflag:s22] =	dma.local [hbm:s5], s20  }
0x9e: {  	_ =	swait.ge [sflag:s22], s20  }
0x9f: {  	s4 =	ssub.s32 $0x0, s20;
	[sflag:s22] =	ssyncset.done $0x0  }
0xa0: {  	[sflag:s22] =	ssyncadd.s32 s4;
	_ =	sdelay $0x1  }
0xa1: {  	s23 =	simm.s32 $0x1B8B  }
0xa2: {  	_ =	swait.ge [sflag:s23], $0x1  }
0xa3: {  	[sflag:s23] =	ssyncset.done $0x0  }
0xa4: {  	s25 =	simm.s32 $0x1B8E;
	s24 =	sld [smem:$0x3FFE];
	[sflag:s23] =	ssyncadd.s32 $0xFFFFFFFF  }
0xa5: {  	s26 =	simm.s32 $execute0_lowered;
	[smem:$0x3FD2] =	sst s25  }
0xa6: {  	s5 =	sshll.u32 s26, $0x1;
	_ =	strace $0x80000049;
	[dreg:$0x1] =	wrdreg $0xFFFFFFFF  }
0xa7: {  	s28 =	simm.s32 $_size_execute0_lowered;
	s3 =	sadd.s32 s3, s5;
	[dreg:$0x0] =	wrdreg $0x0  }
0xa8: {  	s5 =	sshll.u32 s28, $0x1;
	[dreg:$0x2] =	wrdreg s3  }
0xa9: {  	[dreg:$0x3] =	wrdreg s5  }
0xaa: {  	[dreg:$0x4] =	wrdreg $0xC0  }
0xab: {  	_ =	task [dreg:s7], $0x5FFFF  }
0xac: {  	[dreg:$0x1] =	wrdreg $0xFFFFFFFF  }
0xad: {  	[dreg:$0x0] =	wrdreg $0x60  }
0xae: {  	[dreg:$0x2] =	wrdreg s24  }
0xaf: {  	[dreg:$0x3] =	wrdreg s2  }
0xb0: {  	[dreg:$0x4] =	wrdreg $0xAB000  }
0xb1: {  	[dreg:$0x5] =	wrdreg $0x9  }
0xb2: {  	_ =	task.clear_ibuf [dreg:s7], $0x6FFFF;
	_ =	strace $0x90000049  }
0xb3: {  	s29 =	simm.s32 $0x9;
	_ =	strace $0x8000004B  }
0xb4: {  	_ =	swait.ge [sflag:s29], $0x1  }
0xb5: {  	[sflag:s29] =	ssyncadd.s32 $0xFFFFFFFF  }
0xb6: {  	_ =	strace $0x9000004B  }
0xb7: {  	_ =	sfence  }
0xb8: {  	s30 =	sld [smem:$0x0];
	_ =	sdelay $0x2  }
0xb9: {  	s31 =	sshll.u32 s1, $0xD;
	s1 =	sshrl.u32 s1, $0x2  }
0xba: {  	s3 =	sand.u32 $0x4000, s31;
	s1 =	sadd.s32 s1, s30  }
0xbb: {  	s0 =	sor.u32 s3, s0;
	s1 =	sshll.u32 s1, $0x11  }
0xbc: {  	s0 =	sor.u32 s1, s0  }
0xbd: {  	s0 =	sadd.s32 $0x8F2B, s0  }
0xbe: {  	[sflag:s0] =	ssyncadd.remote.s32 $0x1  }
0xbf: {  	_ =	sfence.sel $0xFFFF  }
0xc0: {  	[dreg:$0x0] =	wrdreg $0xFFFFFFFF;
	(pc) =	sbr.abs _section_cstart, $3  }
0xc1: {  	[dreg:$0x1] =	wrdreg $0xFFFFFFFF  }
0xc2: {  	_ =	task.clear_ibuf [dreg:s7], $0x2FFFF;
	_ =	strace $0x9FFFFFFF  }
0xc3: {  	(tm) =	ssettm $0x7FFFFFFF  }
tec
execute0_lowered:
.L_overlay_start_1:
0x0: {  	(tag) =	ssettag $0x1  }
0x1: {  	s0 =	srdreg.scid;
	s21 =	stileid.u32  }
0x2: {  	s2 =	rddreg [dreg:$0x0];
	s1 =	simm.s32 $0x0;
	s3 =	sand.u32 $0x1, s0  }
0x3: {  	s5 =	smul.u32 $0x14000, s21;
	[smem:$0x7FF] =	sst s1;
	s6 =	sadd.s32 $0x82C00, s2  }
0x4: {  	s4 =	smul.u32 $0x138800, s3;
	s0 =	ssub.s32 $0x2, s3;
	s8 =	sshll.u32 s3, $0x4  }
0x5: {  	s3 =	smul.u32 $0x27100, s3;
	s7 =	sshrl.u32 s0, $0x1;
	s12 =	sadd.s32 $0x6000, s5  }
0x6: {  	s9 =	sadd.s32 s5, s4;
	s0 =	ssub.s32 s0, s7;
	s7 =	sor.u32 s21, s8  }
0x7: {  	s13 =	sadd.s32 s4, s12;
	s17 =	sshrl.u32 s9, $0x3;
	s9 =	sadd.s32 $0x4000, s5  }
0x8: {  	s19 =	sshrl.u32 s13, $0x3;
	s8 =	sadd.s32 s6, s17;
	s11 =	sadd.s32 s4, s9  }
0x9: {  	s17 =	sadd.s32 $0xC000, s5;
	[dreg:$0x4] =	wrdreg s8;
	s8 =	sor.u32 $0x2000, s5  }
0xa: {  	s11 =	sshrl.u32 s11, $0x3;
	s15 =	sadd.s32 s4, s17;
	s10 =	sadd.s32 s4, s8  }
0xb: {  	s18 =	sadd.s32 s6, s11;
	s11 =	sadd.s32 $0xA000, s5;
	s23 =	sshrl.u32 s15, $0x3  }
0xc: {  	s15 =	sadd.s32 $0x2E00, s2;
	s10 =	sshrl.u32 s10, $0x3;
	[dreg:$0x6] =	wrdreg s18  }
0xd: {  	s14 =	sadd.s32 s4, s11;
	s18 =	smul.u32 $0x2710, s21;
	s10 =	sadd.s32 s6, s10  }
0xe: {  	s14 =	sshrl.u32 s14, $0x3;
	[dreg:$0x5] =	wrdreg s10;
	s10 =	sadd.s32 s6, s19  }
0xf: {  	s22 =	sadd.s32 s6, s14;
	[dreg:$0x7] =	wrdreg s10;
	s10 =	sadd.s32 $0x8000, s5  }
0x10: {  	s19 =	sadd.s32 $0xE000, s5;
	s3 =	sadd.s32 s18, s3;
	s20 =	sadd.s32 s4, s10  }
0x11: {  	[dreg:$0x9] =	wrdreg s22;
	s13 =	sshrl.u32 s20, $0x3;
	s20 =	sadd.s32 $0x10000, s5  }
0x12: {  	s24 =	sadd.s32 s4, s19;
	s13 =	sadd.s32 s6, s13;
	s25 =	sadd.s32 s4, s20  }
0x13: {  	[dreg:$0x8] =	wrdreg s13;
	s13 =	sadd.s32 s6, s23;
	s14 =	sshrl.u32 s25, $0x3  }
0x14: {  	s5 =	sadd.s32 $0x12000, s5;
	[dreg:$0xa] =	wrdreg s13;
	s14 =	sadd.s32 s6, s14  }
0x15: {  	s26 =	sadd.s32 s4, s5;
	s13 =	sshrl.u32 s24, $0x3;
	[dreg:$0xc] =	wrdreg s14  }
0x16: {  	s16 =	sshrl.u32 s26, $0x3;
	s13 =	sadd.s32 s6, s13;
	s14 =	rddreg [dreg:$0x2]  }
0x17: {  	s4 =	sshrl.u32 s4, $0x3;
	[dreg:$0xb] =	wrdreg s13;
	s13 =	sadd.s32 s6, s16  }
0x18: {  	s22 =	smul.u32 $0x2710, s7;
	s4 =	sadd.s32 s6, s4;
	[dreg:$0xd] =	wrdreg s13  }
0x19: {  	s16 =	sadd.s32 $0x5BA00, s2;
	s2 =	sadd.s32 $0xCC00, s2;
	s13 =	rddreg [dreg:$0x1]  }
0x1a: {  	s8 =	sadd.s32 s8, s14;
	_ =	strace $0x8000004A;
	[dreg:$0xe] =	wrdreg s2  }
0x1b: {  	s23 =	smul.u32 $0x50000, s21;
	s9 =	sadd.s32 s9, s14;
	[dreg:$0x11] =	wrdreg s8  }
0x1c: {  	s6 =	sshrl.u32 s22, $0x3;
	s22 =	sadd.s32 s12, s14;
	[dreg:$0x12] =	wrdreg s9  }
0x1d: {  	s24 =	sshrl.u32 s23, $0x2;
	s23 =	sadd.s32 s10, s14;
	[dreg:$0x13] =	wrdreg s22  }
0x1e: {  	s18 =	sadd.s32 s24, s14;
	s24 =	sadd.s32 s11, s14;
	[dreg:$0x14] =	wrdreg s23  }
0x1f: {  	s12 =	sadd.s32 $0x25800, s4;
	[dreg:$0x15] =	wrdreg s24  }
0x20: {  	p0 =	seq.s32 s21, $0xF;
	s0 =	smax.u32 s0, $0x1;
	[dreg:$0x1c] =	wrdreg s12  }
0x21: {  	s25 =	sadd.s32 $0x4E0, s6;
	s21 =	sadd.s32 $0x10000, s18;
	[smem:$0x7EE] =	sst s0  }
0x22: {  	s26 =	sadd.s32 s15, s25;
	[smem:$0x7F8] =	sst s21  }
0x23: {  	s7 =	sadd.s32 s13, s25;
	[dreg:$0xf] =	wrdreg s26  }
0x24: {  	s25 =	sadd.s32 s17, s14;
	[dreg:$0x10] =	wrdreg s7  }
0x25: {  	s8 =	sadd.s32 s5, s14;
	[dreg:$0x16] =	wrdreg s25  }
0x26: {  	s9 =	sadd.s32 s15, s6;
	[dreg:$0x19] =	wrdreg s8  }
0x27: {  	s10 =	sadd.s32 s13, s6;
	[dreg:$0x1a] =	wrdreg s9  }
0x28: {  	s17 =	sadd.s32 $0x25A80, s4;
	[dreg:$0x1b] =	wrdreg s10  }
0x29: {  	s22 =	sadd.s32 $0x26200, s4;
	[dreg:$0x1d] =	wrdreg s17  }
0x2a: {  	s23 =	sadd.s32 $0x26480, s4;
	[smem:$0x7E8] =	sst s22  }
0x2b: {  	s11 =	sadd.s32 $0x4D0, s6;
	s24 =	sadd.s32 $0x26700, s4;
	[smem:$0x7E9] =	sst s23  }
0x2c: {  	s6 =	sadd.s32 s15, s11;
	[smem:$0x7EA] =	sst s24  }
0x2d: {  	s12 =	sadd.s32 $0x8000, s18;
	[smem:$0x7EF] =	sst s6  }
0x2e: {  	s26 =	sadd.s32 s19, s14;
	[smem:$0x7F4] =	sst s12  }
0x2f: {  	s7 =	sadd.s32 s20, s14;
	[dreg:$0x17] =	wrdreg s26  }
0x30: {  	s19 =	sadd.s32 $0x25D00, s4;
	[dreg:$0x18] =	wrdreg s7  }
0x31: {  	s28 =	simm.s32 $0x1;
	s20 =	sadd.s32 $0x25F80, s4;
	[dreg:$0x1e] =	wrdreg s19  }
0x32: {  	s29 =	simm.s32 $0x100;
	s25 =	sadd.s32 $0x26980, s4;
	[dreg:$0x1f] =	wrdreg s20  }
0x33: {  	s30 =	simm.s32 $0x3;
	s9 =	sadd.s32 $0x2000, s18;
	[smem:$0x7EB] =	sst s25  }
0x34: {  	s31 =	sadd.s32 $0x136000, s14;
	s10 =	sadd.s32 $0x4000, s18;
	[smem:$0x7F1] =	sst s9  }
0x35: {  	s5 =	sadd.s32 $0x100, s3;
	s17 =	sadd.s32 $0xA000, s18;
	[smem:$0x7F2] =	sst s10  }
0x36: {  	s21 =	simm.s32 $0x5;
	s22 =	sadd.s32 $0x12000, s18;
	[smem:$0x7F5] =	sst s17  }
0x37: {  	s2 =	simm.s32 $0x200;
	s23 =	sadd.s32 $0x12C000, s14;
	[smem:$0x7F9] =	sst s22  }
0x38: {  	s8 =	sadd.s32 $0x80, s3;
	s24 =	sadd.s32 $0x12D400, s14;
	[smem:$0x7FA] =	sst s23  }
0x39: {  	s12 =	sadd.s32 $0x137400, s14;
	s26 =	sadd.s32 $0x26C00, s4;
	[smem:$0x7FB] =	sst s24  }
0x3a: {  	s3 =	simm.s32 $0x180;
	s4 =	sadd.s32 $0x26E80, s4;
	[smem:$0x7EC] =	sst s26  }
0x3b: {  	s7 =	sadd.s32 s13, s11;
	s11 =	sadd.s32 $0x6000, s18;
	[smem:$0x7ED] =	sst s4  }
0x3c: {  	s19 =	sadd.s32 $0xC000, s18;
	s20 =	sadd.s32 $0xE000, s18;
	[smem:$0x7F0] =	sst s7  }
0x3d: {  	s0 =	sshrl.u32 s8, $0x3;
	s25 =	sadd.s32 $0x12E800, s14;
	[smem:$0x7F3] =	sst s11  }
0x3e: {  	s8 =	sadd.s32 $0x131000, s14;
	s9 =	sadd.s32 $0x132400, s14;
	[smem:$0x7F6] =	sst s19  }
.Ltmp0:
0x3f: {  	s22 =	simm.s32 $0x4;
	[smem:$0x7F7] =	sst s20;
	(pc) =	sbr.rel .LBB2_1-.Ltmp0, $4  }
0x40: {  	s24 =	simm.s32 $0x4200;
	[smem:$0x7FC] =	sst s25;
	s26 =	sadd.s32 $0x12FC00, s14  }
0x41: {  	s10 =	sadd.s32 s0, s13;
	s17 =	sadd.s32 s0, s15;
	s19 =	sadd.s32 $0x133800, s14  }
0x42: {  	s20 =	sadd.s32 $0x134C00, s14;
	s11 =	simm.s32 $0x8B00;
	s0 =	simm.s32 $0x80  }
0x43: {  	s25 =	simm.s32 $0x2;
	[smem:$0x7FD] =	sst s26;
	s26 =	simm.s32 $0x0  }
.LBB2_5:
0x44: {  	s4 =	sld [smem:$0x7FA];
	_ =	sdelay $0x2  }
0x45: {  	[tilespmem:s11], [sflag:$0x5] =	stream.linear.gather [spmem:s4], $0x1400, $0x38;
	[tilespmem:$0x1E380] =	vst v63  }
0x46: {  	_ =	swait.ge [sflag:s21], $0x1400  }
0x47: {  	[sflag:s21] =	ssyncset.done $0x0  }
0x48: {  	s23 =	rddreg [dreg:$0x1c];
	[sflag:s21] =	ssyncadd.s32 $0xFFFFEC00  }
0x49: {  	[hbm4b:s23+s1] =	stream.linear.scatter [tilespmem:s11], [sflag:$0x5], $0x1400, $0x38;
	[tilespmem:$0x1E380] =	vst v63  }
0x4a: {  	_ =	swait.ge [sflag:s21], $0x1400  }
0x4b: {  	s6 =	sld [smem:$0x7FB]  }
0x4c: {  	[sflag:s21] =	ssyncset.done $0x0  }
0x4d: {  	[sflag:s21] =	ssyncadd.s32 $0xFFFFEC00  }
0x4e: {  	[tilespmem:s11], [sflag:$0x5] =	stream.linear.gather [spmem:s6], $0x1400, $0x38;
	[tilespmem:$0x1E380] =	vst v63  }
0x4f: {  	_ =	swait.ge [sflag:s21], $0x1400  }
0x50: {  	[sflag:s21] =	ssyncset.done $0x0  }
0x51: {  	s7 =	rddreg [dreg:$0x1d];
	[sflag:s21] =	ssyncadd.s32 $0xFFFFEC00  }
0x52: {  	[hbm4b:s7+s1] =	stream.linear.scatter [tilespmem:s11], [sflag:$0x5], $0x1400, $0x38;
	[tilespmem:$0x1E380] =	vst v63  }
0x53: {  	_ =	swait.ge [sflag:s21], $0x1400  }
0x54: {  	s23 =	sld [smem:$0x7FC]  }
0x55: {  	[sflag:s21] =	ssyncset.done $0x0  }
0x56: {  	[sflag:s21] =	ssyncadd.s32 $0xFFFFEC00  }
0x57: {  	[tilespmem:s11], [sflag:$0x5] =	stream.linear.gather [spmem:s23], $0x1400, $0x38;
	[tilespmem:$0x1E380] =	vst v63  }
0x58: {  	_ =	swait.ge [sflag:s21], $0x1400  }
0x59: {  	[sflag:s21] =	ssyncset.done $0x0  }
0x5a: {  	s6 =	rddreg [dreg:$0x1e];
	[sflag:s21] =	ssyncadd.s32 $0xFFFFEC00  }
0x5b: {  	[hbm4b:s6+s1] =	stream.linear.scatter [tilespmem:s11], [sflag:$0x5], $0x1400, $0x38;
	[tilespmem:$0x1E380] =	vst v63  }
0x5c: {  	_ =	swait.ge [sflag:s21], $0x1400  }
0x5d: {  	s7 =	sld [smem:$0x7FD]  }
0x5e: {  	[sflag:s21] =	ssyncset.done $0x0  }
0x5f: {  	[sflag:s21] =	ssyncadd.s32 $0xFFFFEC00  }
0x60: {  	[tilespmem:s11], [sflag:$0x5] =	stream.linear.gather [spmem:s7], $0x1400, $0x38;
	[tilespmem:$0x1E380] =	vst v63  }
0x61: {  	_ =	swait.ge [sflag:s21], $0x1400  }
0x62: {  	[sflag:s21] =	ssyncset.done $0x0  }
0x63: {  	s23 =	rddreg [dreg:$0x1f];
	[sflag:s21] =	ssyncadd.s32 $0xFFFFEC00  }
0x64: {  	[hbm4b:s23+s1] =	stream.linear.scatter [tilespmem:s11], [sflag:$0x5], $0x1400, $0x38;
	[tilespmem:$0x1E380] =	vst v63  }
0x65: {  	_ =	swait.ge [sflag:s21], $0x1400  }
0x66: {  	[sflag:s21] =	ssyncset.done $0x0  }
0x67: {  	[sflag:s21] =	ssyncadd.s32 $0xFFFFEC00  }
0x68: {  	[tilespmem:s11], [sflag:$0x5] =	stream.linear.gather [spmem:s8], $0x1400, $0x38;
	[tilespmem:$0x1E380] =	vst v63  }
0x69: {  	_ =	swait.ge [sflag:s21], $0x1400  }
0x6a: {  	s6 =	sld [smem:$0x7E8]  }
0x6b: {  	[sflag:s21] =	ssyncset.done $0x0  }
0x6c: {  	[sflag:s21] =	ssyncadd.s32 $0xFFFFEC00  }
0x6d: {  	[hbm4b:s6+s1] =	stream.linear.scatter [tilespmem:s11], [sflag:$0x5], $0x1400, $0x38;
	[tilespmem:$0x1E380] =	vst v63  }
0x6e: {  	_ =	swait.ge [sflag:s21], $0x1400  }
0x6f: {  	[sflag:s21] =	ssyncset.done $0x0  }
0x70: {  	[sflag:s21] =	ssyncadd.s32 $0xFFFFEC00  }
0x71: {  	[tilespmem:s11], [sflag:$0x5] =	stream.linear.gather [spmem:s9], $0x1400, $0x38;
	[tilespmem:$0x1E380] =	vst v63  }
0x72: {  	_ =	swait.ge [sflag:s21], $0x1400  }
0x73: {  	s7 =	sld [smem:$0x7E9]  }
0x74: {  	[sflag:s21] =	ssyncset.done $0x0  }
0x75: {  	[sflag:s21] =	ssyncadd.s32 $0xFFFFEC00  }
0x76: {  	[hbm4b:s7+s1] =	stream.linear.scatter [tilespmem:s11], [sflag:$0x5], $0x1400, $0x38;
	[tilespmem:$0x1E380] =	vst v63  }
0x77: {  	_ =	swait.ge [sflag:s21], $0x1400  }
0x78: {  	[sflag:s21] =	ssyncset.done $0x0  }
0x79: {  	[sflag:s21] =	ssyncadd.s32 $0xFFFFEC00  }
0x7a: {  	[tilespmem:s11], [sflag:$0x5] =	stream.linear.gather [spmem:s19], $0x1400, $0x38;
	[tilespmem:$0x1E380] =	vst v63  }
0x7b: {  	_ =	swait.ge [sflag:s21], $0x1400  }
0x7c: {  	s23 =	sld [smem:$0x7EA]  }
0x7d: {  	[sflag:s21] =	ssyncset.done $0x0  }
0x7e: {  	[sflag:s21] =	ssyncadd.s32 $0xFFFFEC00  }
0x7f: {  	[hbm4b:s23+s1] =	stream.linear.scatter [tilespmem:s11], [sflag:$0x5], $0x1400, $0x38;
	[tilespmem:$0x1E380] =	vst v63  }
0x80: {  	_ =	swait.ge [sflag:s21], $0x1400  }
0x81: {  	[sflag:s21] =	ssyncset.done $0x0  }
0x82: {  	[sflag:s21] =	ssyncadd.s32 $0xFFFFEC00  }
0x83: {  	[tilespmem:s11], [sflag:$0x5] =	stream.linear.gather [spmem:s20], $0x1400, $0x38;
	[tilespmem:$0x1E380] =	vst v63  }
0x84: {  	_ =	swait.ge [sflag:s21], $0x1400  }
0x85: {  	s6 =	sld [smem:$0x7EB]  }
0x86: {  	[sflag:s21] =	ssyncset.done $0x0  }
0x87: {  	[sflag:s21] =	ssyncadd.s32 $0xFFFFEC00  }
0x88: {  	[hbm4b:s6+s1] =	stream.linear.scatter [tilespmem:s11], [sflag:$0x5], $0x1400, $0x38;
	[tilespmem:$0x1E380] =	vst v63  }
0x89: {  	_ =	swait.ge [sflag:s21], $0x1400  }
0x8a: {  	[sflag:s21] =	ssyncset.done $0x0  }
0x8b: {  	[sflag:s21] =	ssyncadd.s32 $0xFFFFEC00  }
0x8c: {  	[tilespmem:s11], [sflag:$0x5] =	stream.linear.gather [spmem:s31], $0x1400, $0x38;
	[tilespmem:$0x1E380] =	vst v63  }
0x8d: {  	_ =	swait.ge [sflag:s21], $0x1400  }
0x8e: {  	s7 =	sld [smem:$0x7EC]  }
0x8f: {  	[sflag:s21] =	ssyncset.done $0x0  }
0x90: {  	[sflag:s21] =	ssyncadd.s32 $0xFFFFEC00  }
0x91: {  	[hbm4b:s7+s1] =	stream.linear.scatter [tilespmem:s11], [sflag:$0x5], $0x1400, $0x38;
	[tilespmem:$0x1E380] =	vst v63  }
0x92: {  	_ =	swait.ge [sflag:s21], $0x1400  }
0x93: {  	[sflag:s21] =	ssyncset.done $0x0  }
0x94: {  	[sflag:s21] =	ssyncadd.s32 $0xFFFFEC00  }
0x95: {  	[tilespmem:s11], [sflag:$0x5] =	stream.linear.gather [spmem:s12], $0x1400, $0x38;
	[tilespmem:$0x1E380] =	vst v63  }
0x96: {  	_ =	swait.ge [sflag:s21], $0x1400  }
0x97: {  	s23 =	sld [smem:$0x7ED]  }
0x98: {  	[sflag:s21] =	ssyncset.done $0x0  }
0x99: {  	[sflag:s21] =	ssyncadd.s32 $0xFFFFEC00  }
0x9a: {  	[hbm4b:s23+s1] =	stream.linear.scatter [tilespmem:s11], [sflag:$0x5], $0x1400, $0x38;
	[tilespmem:$0x1E380] =	vst v63  }
0x9b: {  	_ =	swait.ge [sflag:s21], $0x1400  }
0x9c: {  	[sflag:s21] =	ssyncset.done $0x0  }
0x9d: {  	[sflag:s21] =	ssyncadd.s32 $0xFFFFEC00  }
.LBB2_6:
0x9e: {  	s4 =	sld [smem:$0x7EE];
	_ =	sdelay $0x1  }
0x9f: {  	s26 =	sadd.s32 $0x1, s26  }
0xa0: {  	p1 =	sne.s32 s26, s4  }
.Ltmp1:
0xa1: {  	_ = 	snop;
	(pc) =	sbr.rel @!p1 .LBB2_7-.Ltmp1, $1  }
0xa2: {  	_ =	sdelay $0x3  }
.LBB2_1:
0xa3: {  	s4 =	rddreg [dreg:$0xe]  }
0xa4: {  	[tilespmem:s11], [sflag:$0x5] =	stream.linear.gather [hbm4b:s4+s1], $0x2000, $0x38;
	[tilespmem:$0x1E380] =	vst v63  }
0xa5: {  	_ =	swait.ge [sflag:s21], $0x2000  }
0xa6: {  	s6 =	sld [smem:$0x7FA]  }
0xa7: {  	[sflag:s21] =	ssyncset.done $0x0  }
0xa8: {  	s23 =	simm.s32 @p0 $0x5;
	s4 =	simm.s32 @p0 $0x8B00;
	[sflag:s21] =	ssyncadd.s32 $0xFFFFE000  }
0xa9: {  	[spmem:s6] =	stream.linear.scatter @p0 [tilespmem:s4], [sflag:$0x5], $0x1400, $0x38;
	[tilespmem:$0x1E380] =	vst v63  }
0xaa: {  	_ =	swait.ge @p0 [sflag:s23], $0x1400  }
0xab: {  	s6 =	sld [smem:$0x7FB]  }
0xac: {  	[sflag:s23] =	ssyncset.done @p0 $0x0  }
0xad: {  	[sflag:s23] =	ssyncadd.s32 @p0 $0xFFFFEC00  }
0xae: {  	[spmem:s6] =	stream.linear.scatter @p0 [tilespmem:s4], [sflag:$0x5], $0x1400, $0x38;
	[tilespmem:$0x1E380] =	vst v63  }
0xaf: {  	_ =	swait.ge @p0 [sflag:s23], $0x1400  }
0xb0: {  	s6 =	sld [smem:$0x7FC]  }
0xb1: {  	[sflag:s23] =	ssyncset.done @p0 $0x0  }
0xb2: {  	[sflag:s23] =	ssyncadd.s32 @p0 $0xFFFFEC00  }
0xb3: {  	[spmem:s6] =	stream.linear.scatter @p0 [tilespmem:s4], [sflag:$0x5], $0x1400, $0x38;
	[tilespmem:$0x1E380] =	vst v63  }
0xb4: {  	_ =	swait.ge @p0 [sflag:s23], $0x1400  }
0xb5: {  	s6 =	sld [smem:$0x7FD]  }
0xb6: {  	[sflag:s23] =	ssyncset.done @p0 $0x0  }
0xb7: {  	[sflag:s23] =	ssyncadd.s32 @p0 $0xFFFFEC00  }
0xb8: {  	[spmem:s6] =	stream.linear.scatter @p0 [tilespmem:s4], [sflag:$0x5], $0x1400, $0x38;
	[tilespmem:$0x1E380] =	vst v63  }
0xb9: {  	_ =	swait.ge @p0 [sflag:s23], $0x1400  }
0xba: {  	[sflag:s23] =	ssyncset.done @p0 $0x0  }
0xbb: {  	[sflag:s23] =	ssyncadd.s32 @p0 $0xFFFFEC00  }
0xbc: {  	[spmem:s8] =	stream.linear.scatter @p0 [tilespmem:s4], [sflag:$0x5], $0x1400, $0x38;
	[tilespmem:$0x1E380] =	vst v63  }
0xbd: {  	_ =	swait.ge @p0 [sflag:s23], $0x1400  }
0xbe: {  	[sflag:s23] =	ssyncset.done @p0 $0x0  }
0xbf: {  	[sflag:s23] =	ssyncadd.s32 @p0 $0xFFFFEC00  }
0xc0: {  	[spmem:s9] =	stream.linear.scatter @p0 [tilespmem:s4], [sflag:$0x5], $0x1400, $0x38;
	[tilespmem:$0x1E380] =	vst v63  }
0xc1: {  	_ =	swait.ge @p0 [sflag:s23], $0x1400  }
0xc2: {  	[sflag:s23] =	ssyncset.done @p0 $0x0  }
0xc3: {  	[sflag:s23] =	ssyncadd.s32 @p0 $0xFFFFEC00  }
0xc4: {  	[spmem:s19] =	stream.linear.scatter @p0 [tilespmem:s4], [sflag:$0x5], $0x1400, $0x38;
	[tilespmem:$0x1E380] =	vst v63  }
0xc5: {  	_ =	swait.ge @p0 [sflag:s23], $0x1400  }
0xc6: {  	[sflag:s23] =	ssyncset.done @p0 $0x0  }
0xc7: {  	[sflag:s23] =	ssyncadd.s32 @p0 $0xFFFFEC00  }
0xc8: {  	[spmem:s20] =	stream.linear.scatter @p0 [tilespmem:s4], [sflag:$0x5], $0x1400, $0x38;
	[tilespmem:$0x1E380] =	vst v63  }
0xc9: {  	_ =	swait.ge @p0 [sflag:s23], $0x1400  }
0xca: {  	[sflag:s23] =	ssyncset.done @p0 $0x0  }
0xcb: {  	[sflag:s23] =	ssyncadd.s32 @p0 $0xFFFFEC00  }
0xcc: {  	[spmem:s31] =	stream.linear.scatter @p0 [tilespmem:s4], [sflag:$0x5], $0x1400, $0x38;
	[tilespmem:$0x1E380] =	vst v63  }
0xcd: {  	_ =	swait.ge @p0 [sflag:s23], $0x1400  }
0xce: {  	[sflag:s23] =	ssyncset.done @p0 $0x0  }
0xcf: {  	[sflag:s23] =	ssyncadd.s32 @p0 $0xFFFFEC00  }
0xd0: {  	[spmem:s12] =	stream.linear.scatter @p0 [tilespmem:s4], [sflag:$0x5], $0x1400, $0x38;
	[tilespmem:$0x1E380] =	vst v63  }
0xd1: {  	_ =	swait.ge @p0 [sflag:s23], $0x1400  }
0xd2: {  	[sflag:s23] =	ssyncset.done @p0 $0x0  }
0xd3: {  	s4 =	simm.s32 @!p0 $0x8B00;
	[sflag:s23] =	ssyncadd.s32 @p0 $0xFFFFEC00;
	s23 =	simm.s32 @!p0 $0x5  }
0xd4: {  	[spmem:s18] =	stream.linear.scatter @!p0 [tilespmem:s4], [sflag:$0x5], $0x2000, $0x38;
	[tilespmem:$0x1E380] =	vst v63  }
0xd5: {  	_ =	swait.ge @!p0 [sflag:s23], $0x2000  }
0xd6: {  	s6 =	sld [smem:$0x7F1]  }
0xd7: {  	[sflag:s23] =	ssyncset.done @!p0 $0x0  }
0xd8: {  	[sflag:s23] =	ssyncadd.s32 @!p0 $0xFFFFE000  }
0xd9: {  	[spmem:s6] =	stream.linear.scatter @!p0 [tilespmem:s4], [sflag:$0x5], $0x2000, $0x38;
	[tilespmem:$0x1E380] =	vst v63  }
0xda: {  	_ =	swait.ge @!p0 [sflag:s23], $0x2000  }
0xdb: {  	s6 =	sld [smem:$0x7F2]  }
0xdc: {  	[sflag:s23] =	ssyncset.done @!p0 $0x0  }
0xdd: {  	[sflag:s23] =	ssyncadd.s32 @!p0 $0xFFFFE000  }
0xde: {  	[spmem:s6] =	stream.linear.scatter @!p0 [tilespmem:s4], [sflag:$0x5], $0x2000, $0x38;
	[tilespmem:$0x1E380] =	vst v63  }
0xdf: {  	_ =	swait.ge @!p0 [sflag:s23], $0x2000  }
0xe0: {  	s6 =	sld [smem:$0x7F3]  }
0xe1: {  	[sflag:s23] =	ssyncset.done @!p0 $0x0  }
0xe2: {  	[sflag:s23] =	ssyncadd.s32 @!p0 $0xFFFFE000  }
0xe3: {  	[spmem:s6] =	stream.linear.scatter @!p0 [tilespmem:s4], [sflag:$0x5], $0x2000, $0x38;
	[tilespmem:$0x1E380] =	vst v63  }
0xe4: {  	_ =	swait.ge @!p0 [sflag:s23], $0x2000  }
0xe5: {  	s6 =	sld [smem:$0x7F4]  }
0xe6: {  	[sflag:s23] =	ssyncset.done @!p0 $0x0  }
0xe7: {  	[sflag:s23] =	ssyncadd.s32 @!p0 $0xFFFFE000  }
0xe8: {  	[spmem:s6] =	stream.linear.scatter @!p0 [tilespmem:s4], [sflag:$0x5], $0x2000, $0x38;
	[tilespmem:$0x1E380] =	vst v63  }
0xe9: {  	_ =	swait.ge @!p0 [sflag:s23], $0x2000  }
0xea: {  	s6 =	sld [smem:$0x7F5]  }
0xeb: {  	[sflag:s23] =	ssyncset.done @!p0 $0x0  }
0xec: {  	[sflag:s23] =	ssyncadd.s32 @!p0 $0xFFFFE000  }
0xed: {  	[spmem:s6] =	stream.linear.scatter @!p0 [tilespmem:s4], [sflag:$0x5], $0x2000, $0x38;
	[tilespmem:$0x1E380] =	vst v63  }
0xee: {  	_ =	swait.ge @!p0 [sflag:s23], $0x2000  }
0xef: {  	s6 =	sld [smem:$0x7F6]  }
0xf0: {  	[sflag:s23] =	ssyncset.done @!p0 $0x0  }
0xf1: {  	[sflag:s23] =	ssyncadd.s32 @!p0 $0xFFFFE000  }
0xf2: {  	[spmem:s6] =	stream.linear.scatter @!p0 [tilespmem:s4], [sflag:$0x5], $0x2000, $0x38;
	[tilespmem:$0x1E380] =	vst v63  }
0xf3: {  	_ =	swait.ge @!p0 [sflag:s23], $0x2000  }
0xf4: {  	s6 =	sld [smem:$0x7F7]  }
0xf5: {  	[sflag:s23] =	ssyncset.done @!p0 $0x0  }
0xf6: {  	[sflag:s23] =	ssyncadd.s32 @!p0 $0xFFFFE000  }
0xf7: {  	[spmem:s6] =	stream.linear.scatter @!p0 [tilespmem:s4], [sflag:$0x5], $0x2000, $0x38;
	[tilespmem:$0x1E380] =	vst v63  }
0xf8: {  	_ =	swait.ge @!p0 [sflag:s23], $0x2000  }
0xf9: {  	s6 =	sld [smem:$0x7F8]  }
0xfa: {  	[sflag:s23] =	ssyncset.done @!p0 $0x0  }
0xfb: {  	[sflag:s23] =	ssyncadd.s32 @!p0 $0xFFFFE000  }
0xfc: {  	[spmem:s6] =	stream.linear.scatter @!p0 [tilespmem:s4], [sflag:$0x5], $0x2000, $0x38;
	[tilespmem:$0x1E380] =	vst v63  }
0xfd: {  	_ =	swait.ge @!p0 [sflag:s23], $0x2000  }
0xfe: {  	s6 =	sld [smem:$0x7F9]  }
0xff: {  	[sflag:s23] =	ssyncset.done @!p0 $0x0  }
0x100: {  	[sflag:s23] =	ssyncadd.s32 @!p0 $0xFFFFE000  }
0x101: {  	[spmem:s6] =	stream.linear.scatter @!p0 [tilespmem:s4], [sflag:$0x5], $0x2000, $0x38;
	[tilespmem:$0x1E380] =	vst v63  }
0x102: {  	_ =	swait.ge @!p0 [sflag:s23], $0x2000  }
0x103: {  	[sflag:s23] =	ssyncset.done @!p0 $0x0  }
0x104: {  	[sflag:s23] =	ssyncadd.s32 @!p0 $0xFFFFE000  }
0x105: {  	[bflag:$0x0] =	sbarrier.arrive $0xFFFF  }
0x106: {  	s6 =	simm.s32 $0x8200;
	s7 =	rddreg [dreg:$0xf]  }
0x107: {  	[tilespmem:s6], [sflag:$0x5] =	stream.linear.gather [hbm4b:s7+s1], $0x10, $0x38;
	[tilespmem:$0x1E380] =	vst v63  }
0x108: {  	_ =	swait.ge [sflag:s21], $0x10  }
0x109: {  	[sflag:s21] =	ssyncset.done $0x0  }
0x10a: {  	s7 =	simm.s32 $0x8280;
	s23 =	rddreg [dreg:$0x10];
	[sflag:s21] =	ssyncadd.s32 $0xFFFFFFF0  }
0x10b: {  	[tilespmem:s7], [sflag:$0x5] =	stream.linear.gather [hbm4b:s23+s1], $0x10, $0x38;
	[tilespmem:$0x1E380] =	vst v63  }
0x10c: {  	_ =	swait.ge [sflag:s21], $0x10  }
0x10d: {  	[sflag:s21] =	ssyncset.done $0x0  }
0x10e: {  	s4 =	simm.s32 $0x10;
	s23 =	simm.s32 $0x8300;
	[sflag:s21] =	ssyncadd.s32 $0xFFFFFFF0  }
0x10f: {  	[tilespmem:s23], [sflag:$0x1] =	stream.indirect.gather [hbm4b:s16+s4], $0x80, s6, s4, $0xb8;
	[tilespmem:$0x1E380] =	vst v63  }
0x110: {  	_ =	swait.ge [sflag:s28], $0x800  }
0x111: {  	[sflag:s28] =	ssyncset.done $0x0  }
0x112: {  	[sflag:s28] =	ssyncadd.s32 $0xFFFFF800  }
0x113: {  	[spmem:s14] =	stream.indirect.scatter.add.f32 [tilespmem:s23], [sflag:$0x5], $0x80, s7, s4, $0xb8;
	[tilespmem:$0x1E380] =	vst v63  }
0x114: {  	_ =	swait.ge [sflag:s21], $0x800  }
0x115: {  	[sflag:s21] =	ssyncset.done $0x0  }
0x116: {  	s23 =	rddreg [dreg:$0x1a];
	[sflag:s21] =	ssyncadd.s32 $0xFFFFF800  }
0x117: {  	[tilespmem:s1], [sflag:$0x3] =	stream.linear.gather [hbm4b:s23+s1], $0x80, $0x38;
	[tilespmem:$0x1E380] =	vst v63  }
0x118: {  	s6 =	rddreg [dreg:$0x1b]  }
0x119: {  	[tilespmem:s29], [sflag:$0x3] =	stream.linear.gather [hbm4b:s6+s1], $0x80, $0x38;
	[tilespmem:$0x1E380] =	vst v63  }
0x11a: {  	_ =	swait.ge [sflag:s30], $0x80  }
0x11b: {  	[sflag:s30] =	ssyncset.done $0x0  }
0x11c: {  	[sflag:s30] =	ssyncadd.s32 $0xFFFFFF80  }
0x11d: {  	_ =	swait.ge [sflag:s30], $0x80  }
0x11e: {  	[sflag:s30] =	ssyncset.done $0x0  }
0x11f: {  	[sflag:s30] =	ssyncadd.s32 $0xFFFFFF80  }
0x120: {  	[tilespmem:s2], [sflag:$0x1] =	stream.indirect.gather [hbm4b:s16+s0], $0x80, s1, s0, $0xb8;
	[tilespmem:$0x1E380] =	vst v63  }
0x121: {  	s7 =	sadd.s32 $0x0, s17  }
0x122: {  	[tilespmem:s0], [sflag:$0x4] =	stream.linear.gather [hbm4b:s7+s1], $0x80, $0x38;
	[tilespmem:$0x1E380] =	vst v63  }
0x123: {  	s23 =	sadd.s32 $0x0, s10  }
0x124: {  	[tilespmem:s3], [sflag:$0x4] =	stream.linear.gather [hbm4b:s23+s1], $0x80, $0x38;
	[tilespmem:$0x1E380] =	vst v63  }
0x125: {  	_ =	swait.ge [sflag:s28], $0x4000  }
0x126: {  	[sflag:s28] =	ssyncset.done $0x0  }
0x127: {  	[sflag:s28] =	ssyncadd.s32 $0xFFFFC000  }
0x128: {  	_ =	swait.ge [sflag:s22], $0x80  }
0x129: {  	[sflag:s22] =	ssyncset.done $0x0  }
0x12a: {  	[sflag:s22] =	ssyncadd.s32 $0xFFFFFF80  }
0x12b: {  	_ =	swait.ge [sflag:s22], $0x80  }
0x12c: {  	[sflag:s22] =	ssyncset.done $0x0  }
0x12d: {  	[sflag:s22] =	ssyncadd.s32 $0xFFFFFF80  }
0x12e: {  	[tilespmem:s24], [sflag:$0x2] =	stream.indirect.gather [hbm4b:s16+s0], $0x80, s0, s0, $0xb8;
	[tilespmem:$0x1E380] =	vst v63  }
0x12f: {  	_ = 	snop  }
0x130: {  	[spmem:s14] =	stream.indirect.scatter.add.f32 [tilespmem:s2], [sflag:$0x5], $0x80, s29, s0, $0xb8;
	[tilespmem:$0x1E380] =	vst v63  }
0x131: {  	_ =	swait.ge [sflag:s21], $0x4000  }
0x132: {  	s6 =	sshrl.u32 s5, $0x3;
	[sflag:s21] =	ssyncset.done $0x0  }
0x133: {  	s7 =	sadd.s32 s15, s6;
	[sflag:s21] =	ssyncadd.s32 $0xFFFFC000  }
0x134: {  	[tilespmem:s1], [sflag:$0x3] =	stream.linear.gather [hbm4b:s7+s1], $0x80, $0x38;
	[tilespmem:$0x1E380] =	vst v63  }
0x135: {  	s4 =	sadd.s32 s13, s6  }
0x136: {  	[tilespmem:s29], [sflag:$0x3] =	stream.linear.gather [hbm4b:s4+s1], $0x80, $0x38;
	[tilespmem:$0x1E380] =	vst v63  }
0x137: {  	_ =	swait.ge [sflag:s25], $0x4000  }
0x138: {  	[sflag:s25] =	ssyncset.done $0x0  }
0x139: {  	[sflag:s25] =	ssyncadd.s32 $0xFFFFC000  }
0x13a: {  	_ =	swait.ge [sflag:s30], $0x80  }
0x13b: {  	[sflag:s30] =	ssyncset.done $0x0  }
0x13c: {  	[sflag:s30] =	ssyncadd.s32 $0xFFFFFF80  }
0x13d: {  	_ =	swait.ge [sflag:s30], $0x80  }
0x13e: {  	[sflag:s30] =	ssyncset.done $0x0  }
0x13f: {  	[sflag:s30] =	ssyncadd.s32 $0xFFFFFF80  }
0x140: {  	[tilespmem:s2], [sflag:$0x1] =	stream.indirect.gather [hbm4b:s16+s0], $0x80, s1, s0, $0xb8;
	[tilespmem:$0x1E380] =	vst v63  }
0x141: {  	_ = 	snop  }
0x142: {  	[spmem:s14] =	stream.indirect.scatter.add.f32 [tilespmem:s24], [sflag:$0x5], $0x80, s3, s0, $0xb8;
	[tilespmem:$0x1E380] =	vst v63  }
0x143: {  	_ =	swait.ge [sflag:s21], $0x4000  }
0x144: {  	s23 =	smov.u32 s5;
	s4 =	simm.s32 $0x20;
	[sflag:s21] =	ssyncset.done $0x0  }
.LBB2_2:
0x145: {  	p1 =	sne.s32 s4, $0x4A0;
	[sflag:s21] =	ssyncadd.s32 $0xFFFFC000;
	s23 =	sadd.s32 $0x100, s23  }
0x146: {  	s6 =	sadd.s32 s4, s17;
	s7 =	smov.u32 s4;
	s4 =	sadd.s32 $0x20, s4  }
0x147: {  	[tilespmem:s0], [sflag:$0x4] =	stream.linear.gather [hbm4b:s6+s1], $0x80, $0x38;
	[tilespmem:$0x1E380] =	vst v63  }
0x148: {  	s6 =	sadd.s32 s7, s10  }
0x149: {  	[tilespmem:s3], [sflag:$0x4] =	stream.linear.gather [hbm4b:s6+s1], $0x80, $0x38;
	[tilespmem:$0x1E380] =	vst v63  }
0x14a: {  	_ =	swait.ge [sflag:s28], $0x4000  }
0x14b: {  	[sflag:s28] =	ssyncset.done $0x0  }
0x14c: {  	[sflag:s28] =	ssyncadd.s32 $0xFFFFC000  }
0x14d: {  	_ =	swait.ge [sflag:s22], $0x80  }
0x14e: {  	[sflag:s22] =	ssyncset.done $0x0  }
0x14f: {  	[sflag:s22] =	ssyncadd.s32 $0xFFFFFF80  }
0x150: {  	_ =	swait.ge [sflag:s22], $0x80  }
0x151: {  	[sflag:s22] =	ssyncset.done $0x0  }
0x152: {  	[sflag:s22] =	ssyncadd.s32 $0xFFFFFF80  }
0x153: {  	[tilespmem:s24], [sflag:$0x2] =	stream.indirect.gather [hbm4b:s16+s0], $0x80, s0, s0, $0xb8;
	[tilespmem:$0x1E380] =	vst v63  }
0x154: {  	_ = 	snop  }
0x155: {  	[spmem:s14] =	stream.indirect.scatter.add.f32 [tilespmem:s2], [sflag:$0x5], $0x80, s29, s0, $0xb8;
	[tilespmem:$0x1E380] =	vst v63  }
0x156: {  	_ =	swait.ge [sflag:s21], $0x4000  }
0x157: {  	s6 =	sshrl.u32 s23, $0x3;
	[sflag:s21] =	ssyncset.done $0x0  }
0x158: {  	s7 =	sadd.s32 s15, s6;
	[sflag:s21] =	ssyncadd.s32 $0xFFFFC000  }
0x159: {  	[tilespmem:s1], [sflag:$0x3] =	stream.linear.gather [hbm4b:s7+s1], $0x80, $0x38;
	[tilespmem:$0x1E380] =	vst v63  }
0x15a: {  	s6 =	sadd.s32 s13, s6  }
0x15b: {  	[tilespmem:s29], [sflag:$0x3] =	stream.linear.gather [hbm4b:s6+s1], $0x80, $0x38;
	[tilespmem:$0x1E380] =	vst v63  }
0x15c: {  	_ =	swait.ge [sflag:s25], $0x4000  }
0x15d: {  	[sflag:s25] =	ssyncset.done $0x0  }
0x15e: {  	[sflag:s25] =	ssyncadd.s32 $0xFFFFC000  }
0x15f: {  	_ =	swait.ge [sflag:s30], $0x80  }
0x160: {  	[sflag:s30] =	ssyncset.done $0x0  }
0x161: {  	[sflag:s30] =	ssyncadd.s32 $0xFFFFFF80  }
0x162: {  	_ =	swait.ge [sflag:s30], $0x80  }
0x163: {  	[sflag:s30] =	ssyncset.done $0x0  }
0x164: {  	[sflag:s30] =	ssyncadd.s32 $0xFFFFFF80  }
0x165: {  	[tilespmem:s2], [sflag:$0x1] =	stream.indirect.gather [hbm4b:s16+s0], $0x80, s1, s0, $0xb8;
	[tilespmem:$0x1E380] =	vst v63  }
.Ltmp2:
0x166: {  	_ = 	snop;
	(pc) =	sbr.rel @p1 .LBB2_2-.Ltmp2, $4  }
0x167: {  	_ = 	snop  }
0x168: {  	[spmem:s14] =	stream.indirect.scatter.add.f32 [tilespmem:s24], [sflag:$0x5], $0x80, s3, s0, $0xb8;
	[tilespmem:$0x1E380] =	vst v63  }
0x169: {  	_ =	swait.ge [sflag:s21], $0x4000  }
0x16a: {  	[sflag:s21] =	ssyncset.done $0x0  }
0x16b: {  	s4 =	sld [smem:$0x7EF];
	_ =	sdelay $0x1  }
0x16c: {  	[sflag:s21] =	ssyncadd.s32 $0xFFFFC000;
	s23 =	sld [smem:$0x7F0]  }
0x16d: {  	[tilespmem:s0], [sflag:$0x4] =	stream.linear.gather [hbm4b:s4+s1], $0x80, $0x38;
	[tilespmem:$0x1E380] =	vst v63  }
0x16e: {  	_ = 	snop  }
0x16f: {  	[tilespmem:s3], [sflag:$0x4] =	stream.linear.gather [hbm4b:s23+s1], $0x80, $0x38;
	[tilespmem:$0x1E380] =	vst v63  }
0x170: {  	_ =	swait.ge [sflag:s28], $0x4000  }
0x171: {  	[sflag:s28] =	ssyncset.done $0x0  }
0x172: {  	[sflag:s28] =	ssyncadd.s32 $0xFFFFC000  }
0x173: {  	_ =	swait.ge [sflag:s22], $0x80  }
0x174: {  	[sflag:s22] =	ssyncset.done $0x0  }
0x175: {  	[sflag:s22] =	ssyncadd.s32 $0xFFFFFF80  }
0x176: {  	_ =	swait.ge [sflag:s22], $0x80  }
0x177: {  	[sflag:s22] =	ssyncset.done $0x0  }
0x178: {  	[sflag:s22] =	ssyncadd.s32 $0xFFFFFF80  }
0x179: {  	[tilespmem:s24], [sflag:$0x2] =	stream.indirect.gather [hbm4b:s16+s0], $0x80, s0, s0, $0xb8;
	[tilespmem:$0x1E380] =	vst v63  }
0x17a: {  	_ = 	snop  }
0x17b: {  	[spmem:s14] =	stream.indirect.scatter.add.f32 [tilespmem:s2], [sflag:$0x5], $0x80, s29, s0, $0xb8;
	[tilespmem:$0x1E380] =	vst v63  }
0x17c: {  	_ =	swait.ge [sflag:s21], $0x4000  }
0x17d: {  	[sflag:s21] =	ssyncset.done $0x0  }
0x17e: {  	[sflag:s21] =	ssyncadd.s32 $0xFFFFC000  }
0x17f: {  	_ =	swait.ge [sflag:s25], $0x4000  }
0x180: {  	[sflag:s25] =	ssyncset.done $0x0  }
0x181: {  	[sflag:s25] =	ssyncadd.s32 $0xFFFFC000  }
0x182: {  	[spmem:s14] =	stream.indirect.scatter.add.f32 [tilespmem:s24], [sflag:$0x5], $0x80, s3, s0, $0xb8;
	[tilespmem:$0x1E380] =	vst v63  }
.Ltmp3:
0x183: {  	_ =	swait.ge [sflag:s21], $0x4000;
	(pc) =	sbr.rel @p0 .LBB2_5-.Ltmp3, $3  }
0x184: {  	[sflag:s21] =	ssyncset.done $0x0  }
0x185: {  	[sflag:s21] =	ssyncadd.s32 $0xFFFFC000  }
0x186: {  	[bflag:$0x0] =	sbarrier.arrive $0xFFFF;
	_ =	sdelay $0x1  }
0x187: {  	[tilespmem:s11], [sflag:$0x5] =	stream.linear.gather [spmem:s18], $0x2000, $0x38;
	[tilespmem:$0x1E380] =	vst v63  }
0x188: {  	_ =	swait.ge [sflag:s21], $0x2000  }
0x189: {  	[sflag:s21] =	ssyncset.done $0x0  }
0x18a: {  	s4 =	rddreg [dreg:$0x4];
	[sflag:s21] =	ssyncadd.s32 $0xFFFFE000  }
0x18b: {  	[hbm4b:s4+s1] =	stream.linear.scatter [tilespmem:s11], [sflag:$0x5], $0x2000, $0x38;
	[tilespmem:$0x1E380] =	vst v63  }
0x18c: {  	_ =	swait.ge [sflag:s21], $0x2000  }
0x18d: {  	[sflag:s21] =	ssyncset.done $0x0  }
0x18e: {  	s6 =	rddreg [dreg:$0x11];
	[sflag:s21] =	ssyncadd.s32 $0xFFFFE000  }
0x18f: {  	[tilespmem:s11], [sflag:$0x5] =	stream.linear.gather [spmem:s6], $0x2000, $0x38;
	[tilespmem:$0x1E380] =	vst v63  }
0x190: {  	_ =	swait.ge [sflag:s21], $0x2000  }
0x191: {  	[sflag:s21] =	ssyncset.done $0x0  }
0x192: {  	s7 =	rddreg [dreg:$0x5];
	[sflag:s21] =	ssyncadd.s32 $0xFFFFE000  }
0x193: {  	[hbm4b:s7+s1] =	stream.linear.scatter [tilespmem:s11], [sflag:$0x5], $0x2000, $0x38;
	[tilespmem:$0x1E380] =	vst v63  }
0x194: {  	_ =	swait.ge [sflag:s21], $0x2000  }
0x195: {  	[sflag:s21] =	ssyncset.done $0x0  }
0x196: {  	s23 =	rddreg [dreg:$0x12];
	[sflag:s21] =	ssyncadd.s32 $0xFFFFE000  }
0x197: {  	[tilespmem:s11], [sflag:$0x5] =	stream.linear.gather [spmem:s23], $0x2000, $0x38;
	[tilespmem:$0x1E380] =	vst v63  }
0x198: {  	_ =	swait.ge [sflag:s21], $0x2000  }
0x199: {  	[sflag:s21] =	ssyncset.done $0x0  }
0x19a: {  	s6 =	rddreg [dreg:$0x6];
	[sflag:s21] =	ssyncadd.s32 $0xFFFFE000  }
0x19b: {  	[hbm4b:s6+s1] =	stream.linear.scatter [tilespmem:s11], [sflag:$0x5], $0x2000, $0x38;
	[tilespmem:$0x1E380] =	vst v63  }
0x19c: {  	_ =	swait.ge [sflag:s21], $0x2000  }
0x19d: {  	[sflag:s21] =	ssyncset.done $0x0  }
0x19e: {  	s7 =	rddreg [dreg:$0x13];
	[sflag:s21] =	ssyncadd.s32 $0xFFFFE000  }
0x19f: {  	[tilespmem:s11], [sflag:$0x5] =	stream.linear.gather [spmem:s7], $0x2000, $0x38;
	[tilespmem:$0x1E380] =	vst v63  }
0x1a0: {  	_ =	swait.ge [sflag:s21], $0x2000  }
0x1a1: {  	[sflag:s21] =	ssyncset.done $0x0  }
0x1a2: {  	s23 =	rddreg [dreg:$0x7];
	[sflag:s21] =	ssyncadd.s32 $0xFFFFE000  }
0x1a3: {  	[hbm4b:s23+s1] =	stream.linear.scatter [tilespmem:s11], [sflag:$0x5], $0x2000, $0x38;
	[tilespmem:$0x1E380] =	vst v63  }
0x1a4: {  	_ =	swait.ge [sflag:s21], $0x2000  }
0x1a5: {  	[sflag:s21] =	ssyncset.done $0x0  }
0x1a6: {  	s6 =	rddreg [dreg:$0x14];
	[sflag:s21] =	ssyncadd.s32 $0xFFFFE000  }
0x1a7: {  	[tilespmem:s11], [sflag:$0x5] =	stream.linear.gather [spmem:s6], $0x2000, $0x38;
	[tilespmem:$0x1E380] =	vst v63  }
0x1a8: {  	_ =	swait.ge [sflag:s21], $0x2000  }
0x1a9: {  	[sflag:s21] =	ssyncset.done $0x0  }
0x1aa: {  	s7 =	rddreg [dreg:$0x8];
	[sflag:s21] =	ssyncadd.s32 $0xFFFFE000  }
0x1ab: {  	[hbm4b:s7+s1] =	stream.linear.scatter [tilespmem:s11], [sflag:$0x5], $0x2000, $0x38;
	[tilespmem:$0x1E380] =	vst v63  }
0x1ac: {  	_ =	swait.ge [sflag:s21], $0x2000  }
0x1ad: {  	[sflag:s21] =	ssyncset.done $0x0  }
0x1ae: {  	s23 =	rddreg [dreg:$0x15];
	[sflag:s21] =	ssyncadd.s32 $0xFFFFE000  }
0x1af: {  	[tilespmem:s11], [sflag:$0x5] =	stream.linear.gather [spmem:s23], $0x2000, $0x38;
	[tilespmem:$0x1E380] =	vst v63  }
0x1b0: {  	_ =	swait.ge [sflag:s21], $0x2000  }
0x1b1: {  	[sflag:s21] =	ssyncset.done $0x0  }
0x1b2: {  	s6 =	rddreg [dreg:$0x9];
	[sflag:s21] =	ssyncadd.s32 $0xFFFFE000  }
0x1b3: {  	[hbm4b:s6+s1] =	stream.linear.scatter [tilespmem:s11], [sflag:$0x5], $0x2000, $0x38;
	[tilespmem:$0x1E380] =	vst v63  }
0x1b4: {  	_ =	swait.ge [sflag:s21], $0x2000  }
0x1b5: {  	[sflag:s21] =	ssyncset.done $0x0  }
0x1b6: {  	s7 =	rddreg [dreg:$0x16];
	[sflag:s21] =	ssyncadd.s32 $0xFFFFE000  }
0x1b7: {  	[tilespmem:s11], [sflag:$0x5] =	stream.linear.gather [spmem:s7], $0x2000, $0x38;
	[tilespmem:$0x1E380] =	vst v63  }
0x1b8: {  	_ =	swait.ge [sflag:s21], $0x2000  }
0x1b9: {  	[sflag:s21] =	ssyncset.done $0x0  }
0x1ba: {  	s23 =	rddreg [dreg:$0xa];
	[sflag:s21] =	ssyncadd.s32 $0xFFFFE000  }
0x1bb: {  	[hbm4b:s23+s1] =	stream.linear.scatter [tilespmem:s11], [sflag:$0x5], $0x2000, $0x38;
	[tilespmem:$0x1E380] =	vst v63  }
0x1bc: {  	_ =	swait.ge [sflag:s21], $0x2000  }
0x1bd: {  	[sflag:s21] =	ssyncset.done $0x0  }
0x1be: {  	s6 =	rddreg [dreg:$0x17];
	[sflag:s21] =	ssyncadd.s32 $0xFFFFE000  }
0x1bf: {  	[tilespmem:s11], [sflag:$0x5] =	stream.linear.gather [spmem:s6], $0x2000, $0x38;
	[tilespmem:$0x1E380] =	vst v63  }
0x1c0: {  	_ =	swait.ge [sflag:s21], $0x2000  }
0x1c1: {  	[sflag:s21] =	ssyncset.done $0x0  }
0x1c2: {  	s7 =	rddreg [dreg:$0xb];
	[sflag:s21] =	ssyncadd.s32 $0xFFFFE000  }
0x1c3: {  	[hbm4b:s7+s1] =	stream.linear.scatter [tilespmem:s11], [sflag:$0x5], $0x2000, $0x38;
	[tilespmem:$0x1E380] =	vst v63  }
0x1c4: {  	_ =	swait.ge [sflag:s21], $0x2000  }
0x1c5: {  	[sflag:s21] =	ssyncset.done $0x0  }
0x1c6: {  	s23 =	rddreg [dreg:$0x18];
	[sflag:s21] =	ssyncadd.s32 $0xFFFFE000  }
0x1c7: {  	[tilespmem:s11], [sflag:$0x5] =	stream.linear.gather [spmem:s23], $0x2000, $0x38;
	[tilespmem:$0x1E380] =	vst v63  }
0x1c8: {  	_ =	swait.ge [sflag:s21], $0x2000  }
0x1c9: {  	[sflag:s21] =	ssyncset.done $0x0  }
0x1ca: {  	s6 =	rddreg [dreg:$0xc];
	[sflag:s21] =	ssyncadd.s32 $0xFFFFE000  }
0x1cb: {  	[hbm4b:s6+s1] =	stream.linear.scatter [tilespmem:s11], [sflag:$0x5], $0x2000, $0x38;
	[tilespmem:$0x1E380] =	vst v63  }
0x1cc: {  	_ =	swait.ge [sflag:s21], $0x2000  }
0x1cd: {  	[sflag:s21] =	ssyncset.done $0x0  }
0x1ce: {  	s7 =	rddreg [dreg:$0x19];
	[sflag:s21] =	ssyncadd.s32 $0xFFFFE000  }
0x1cf: {  	[tilespmem:s11], [sflag:$0x5] =	stream.linear.gather [spmem:s7], $0x2000, $0x38;
	[tilespmem:$0x1E380] =	vst v63  }
0x1d0: {  	_ =	swait.ge [sflag:s21], $0x2000  }
0x1d1: {  	[sflag:s21] =	ssyncset.done $0x0  }
.Ltmp4:
0x1d2: {  	s23 =	rddreg [dreg:$0xd];
	[sflag:s21] =	ssyncadd.s32 $0xFFFFE000;
	(pc) =	sbr.rel .LBB2_6-.Ltmp4, $4  }
0x1d3: {  	[hbm4b:s23+s1] =	stream.linear.scatter [tilespmem:s11], [sflag:$0x5], $0x2000, $0x38;
	[tilespmem:$0x1E380] =	vst v63  }
0x1d4: {  	_ =	swait.ge [sflag:s21], $0x2000  }
0x1d5: {  	[sflag:s21] =	ssyncset.done $0x0  }
0x1d6: {  	[sflag:s21] =	ssyncadd.s32 $0xFFFFE000  }
.LBB2_7:
0x1d7: {  	_ =	sfence.sel $0x180000  }
0x1d8: {  	[bflag:$0x0] =	sbarrier.arrive $0xFFFF  }
0x1d9: {  	_ =	strace $0x9000004A  }
0x1da: {  	s0 =	stileid.u32;
	[bflag:$0x2] =	sbarrier.arrive $0xFFFF  }
0x1db: {  	p0 =	sne.s32 s0, $0x0;
	s0 =	rddreg [dreg:$0x3]  }
0x1dc: {  	s0 =	sadd.s32 @!p0 $0x100000, s0  }
0x1dd: {  	[sflag:s0] =	ssyncadd.tile.s32 @!p0 $0x1;
	_ =	shalt  }
.Lfunc_end2:
_tile_overlayer_lowered:
.L_overlay_start_2:
0x1de: {  	(tag) =	ssettag $0x2  }
0x1df: {  	s0 =	rddreg [dreg:$0x0];
	s2 =	stileid.u32  }
0x1e0: {  	s1 =	rddreg [dreg:$0x1];
	p0 =	sne.s32 s2, $0x0  }
0x1e1: {  	s3 =	rddreg [dreg:$0x2];
	[bflag:$0x3] =	sbarrier.arrive $0xFFFF;
	s2 =	simm.s32 @!p0 $0x1C05  }
0x1e2: {  	[timem:s3], [sflag:s2] =	dma.local @!p0 [hbm:s0], s1  }
0x1e3: {  	s0 =	simm.s32 @!p0 $0x5  }
0x1e4: {  	_ =	swait.ge @!p0 [sflag:s0], s1  }
0x1e5: {  	s1 =	ssub.s32 @!p0 $0x0, s1;
	[sflag:s0] =	ssyncset.done @!p0 $0x0  }
0x1e6: {  	[sflag:s0] =	ssyncadd.s32 @!p0 s1  }
0x1e7: {  	[bflag:$0x3] =	sbarrier.arrive $0xFFFF  }
0x1e8: {  	_ =	shalt  }

// kernel: kernel.7.cloned.1.call-start
scs
__scs_entry_jumppad:
0x0: {  	(pc) =	sbr.rel $0x88, $3  }
0x1: {  	(tag) =	ssettag $0x0;
	lr =	simm.s32 $0x1  }
0x2: {  	[smem:$0x3F8D] =	sst lr;
	_ =	strace $0xD0000000  }
0x3: {  	_ = 	snop  }
0x4: {  	_ = 	snop  }
0x5: {  	_ = 	snop  }
0x6: {  	_ = 	snop  }
0x7: {  	_ = 	snop  }
__scs_overlays_trampoline_lowered:
0x8: {  	[smem:$0x3F9C] =	sst s0  }
0x9: {  	[smem:$0x3F9D] =	sst s1  }
0xa: {  	[smem:$0x3F9E] =	sst s2  }
0xb: {  	[smem:$0x3F9F] =	sst s3  }
0xc: {  	[smem:$0x3FA0] =	sst s4  }
0xd: {  	[smem:$0x3FA1] =	sst s5  }
0xe: {  	[smem:$0x3FA2] =	sst s6  }
0xf: {  	[smem:$0x3FA3] =	sst s7  }
0x10: {  	[smem:$0x3FA4] =	sst s8  }
0x11: {  	[smem:$0x3FA5] =	sst s9;
	s0 =	simm.s32 @!p0 $0x0  }
0x12: {  	s1 =	sld [smem:$0x3F8B];
	s0 =	simm.s32 @p0 $0x1  }
0x13: {  	[smem:$0x3FA6] =	sst s0;
	s0 =	simm.s32 @!p1 $0x0  }
0x14: {  	s2 =	sld [smem:$0x3F8A];
	s0 =	simm.s32 @p1 $0x1  }
0x15: {  	[smem:$0x3FA7] =	sst s0;
	s0 =	simm.s32 @!p2 $0x0  }
0x16: {  	s3 =	sld [smem:$0x3FDB];
	s0 =	simm.s32 @p2 $0x1  }
0x17: {  	s4 =	simm.s32 $0x1BF5;
	[smem:$0x3FA9] =	sst s0  }
0x18: {  	s0 =	sld [smem:$0x3F8C];
	_ =	swait.ge [sflag:s4], $0x0  }
0x19: {  	s7 =	sld [smem:$0x3F8D]  }
0x1a: {  	s8 =	sadd.s32 $0xFFFFE003, lr  }
0x1b: {  	s9 =	sadd.s32 $0xFFFFFEF7, lr;
	s5 =	simm.s32 $0xFFFFFFFF;
	p2 =	slt.u32 s8, $0xFFFFF086  }
0x1c: {  	p1 =	slt.u32 s9, $0xF7A;
	s5 =	simm.s32 @!p2 $0x0  }
0x1d: {  	s5 =	simm.s32 @p1 $0x1;
	p0 =	seq.s32 s7, s2  }
0x1e: {  	s7 =	smul.u32 @!p0 $0xF7A, s2;
	p2 =	seq.s32 @!p0 s5, $0x0  }
0x1f: {  	s9 =	smul.u32 $0xF7A, s1;
	s8 =	simm.s32 @!p0 $0x1BF5;
	p2 =	por !p2, p0  }
0x20: {  	[sflag:s8] =	ssyncset.s32 @!p0 $0xFFFFF086;
	s6 =	sadd.s32 @!p0 s3, s7;
	s7 =	simm.s32 @!p0 $0x108  }
0x21: {  	s3 =	sadd.s32 s3, s9;
	s6 =	sadd.s32 @!p0 $0x88, s6;
	s7 =	simm.s32 @p2 $0x1082  }
0x22: {  	[simem:s7], [sflag:s8] =	dma.local @!p0 [hbm:s6], $0xF7A  }
0x23: {  	s9 =	sor.u32 $0xD0000000, s2;
	s6 =	simm.s32 $0x108;
	_ =	swait.ge @!p0 [sflag:s8], $0x0  }
0x24: {  	s3 =	sadd.s32 $0x88, s3;
	s6 =	simm.s32 @!p1 $0x1082;
	[sflag:s4] =	ssyncset.s32 $0xFFFFF086  }
0x25: {  	[simem:s6], [sflag:s4] =	dma.local [hbm:s3], $0xF7A  }
0x26: {  	[smem:$0x3F8D] =	sst s1;
	(tag) =	ssettag s2;
	_ =	strace s9  }
0x27: {  	s1 =	sld [smem:$0x3F9D]  }
0x28: {  	s2 =	sld [smem:$0x3F9E]  }
0x29: {  	s4 =	sld [smem:$0x3FA0]  }
0x2a: {  	p0 =	seq.s32 s5, $0x0;
	s5 =	sld [smem:$0x3FA1]  }
0x2b: {  	s6 =	sld [smem:$0x3FA2]  }
0x2c: {  	s7 =	sld [smem:$0x3FA3]  }
0x2d: {  	s3 =	simm.s32 $0x108;
	s8 =	sld [smem:$0x3FA4]  }
0x2e: {  	s3 =	simm.s32 @!p0 $0x1082;
	s9 =	sld [smem:$0x3FA5]  }
0x2f: {  	lr =	sadd.s32 s0, s3;
	s0 =	sld [smem:$0x3F9C]  }
0x30: {  	s3 =	sld [smem:$0x3F9F]  }
0x31: {  	[smem:$0x3FA8] =	sst s10  }
0x32: {  	s10 =	sld [smem:$0x3FA6];
	_ =	sdelay $0x3  }
0x33: {  	p0 =	seq.s32 s10, $0x1;
	s10 =	sld [smem:$0x3FA8];
	_ =	sdelay $0x3  }
0x34: {  	[smem:$0x3FA8] =	sst s10  }
0x35: {  	s10 =	sld [smem:$0x3FA7];
	_ =	sdelay $0x3  }
0x36: {  	p1 =	seq.s32 s10, $0x1;
	s10 =	sld [smem:$0x3FA8];
	_ =	sdelay $0x3  }
0x37: {  	[smem:$0x3FA8] =	sst s10  }
0x38: {  	s10 =	sld [smem:$0x3FA9]  }
0x39: {  	_ = 	snop;
	(pc) =	sbr.ind lr, $3  }
0x3a: {  	_ = 	snop  }
0x3b: {  	_ = 	snop  }
0x3c: {  	p2 =	seq.s32 s10, $0x1;
	s10 =	sld [smem:$0x3FA8]  }
0x3d: {  	_ =	shalt  }
0x3e: {  	_ =	shalt  }
0x3f: {  	_ =	shalt  }
0x40: {  	_ =	shalt  }
0x41: {  	_ =	shalt  }
0x42: {  	_ =	shalt  }
0x43: {  	_ =	shalt  }
0x44: {  	_ =	shalt  }
0x45: {  	_ =	shalt  }
0x46: {  	_ =	shalt  }
0x47: {  	_ =	shalt  }
0x48: {  	_ =	shalt  }
0x49: {  	_ =	shalt  }
0x4a: {  	_ =	shalt  }
0x4b: {  	_ =	shalt  }
0x4c: {  	_ =	shalt  }
0x4d: {  	_ =	shalt  }
0x4e: {  	_ =	shalt  }
0x4f: {  	_ =	shalt  }
0x50: {  	_ =	shalt  }
0x51: {  	_ =	shalt  }
0x52: {  	_ =	shalt  }
0x53: {  	_ =	shalt  }
0x54: {  	_ =	shalt  }
0x55: {  	_ =	shalt  }
0x56: {  	_ =	shalt  }
0x57: {  	_ =	shalt  }
0x58: {  	_ =	shalt  }
0x59: {  	_ =	shalt  }
0x5a: {  	_ =	shalt  }
0x5b: {  	_ =	shalt  }
0x5c: {  	_ =	shalt  }
0x5d: {  	_ =	shalt  }
0x5e: {  	_ =	shalt  }
0x5f: {  	_ =	shalt  }
0x60: {  	_ =	shalt  }
0x61: {  	_ =	shalt  }
0x62: {  	_ =	shalt  }
0x63: {  	_ =	shalt  }
0x64: {  	_ =	shalt  }
0x65: {  	_ =	shalt  }
0x66: {  	_ =	shalt  }
0x67: {  	_ =	shalt  }
0x68: {  	_ =	shalt  }
0x69: {  	_ =	shalt  }
0x6a: {  	_ =	shalt  }
0x6b: {  	_ =	shalt  }
0x6c: {  	_ =	shalt  }
0x6d: {  	_ =	shalt  }
0x6e: {  	_ =	shalt  }
0x6f: {  	_ =	shalt  }
0x70: {  	_ =	shalt  }
0x71: {  	_ =	shalt  }
0x72: {  	_ =	shalt  }
0x73: {  	_ =	shalt  }
0x74: {  	_ =	shalt  }
0x75: {  	_ =	shalt  }
0x76: {  	_ =	shalt  }
0x77: {  	_ =	shalt  }
0x78: {  	_ =	shalt  }
0x79: {  	_ =	shalt  }
0x7a: {  	_ =	shalt  }
0x7b: {  	_ =	shalt  }
0x7c: {  	_ =	shalt  }
0x7d: {  	_ =	shalt  }
0x7e: {  	_ =	shalt  }
0x7f: {  	_ =	shalt  }
0x80: {  	_ =	shalt  }
0x81: {  	_ =	shalt  }
0x82: {  	_ =	shalt  }
0x83: {  	_ =	shalt  }
0x84: {  	_ =	shalt  }
0x85: {  	_ =	shalt  }
0x86: {  	_ =	shalt  }
0x87: {  	_ =	shalt  }
.Lfunc_end0:
.L_simem_size_0:
called_computation_lowered:
.L_overlay_start_0:
0x88: {  	s2 =	sld [smem:$0x3FD9]  }
0x89: {  	s3 =	sld [smem:$0x3FFE];
	_ =	sdelay $0x1  }
0x8a: {  	s1 =	srdreg.scid  }
0x8b: {  	s0 =	sand.u32 $0x1, s1  }
0x8c: {  	s17 =	sshll.u32 s0, $0xA;
	s2 =	sadd.s32 s3, s2  }
0x8d: {  	s2 =	sadd.s32 s2, s17  }
0x8e: {  	[smem:$0x3FB4] =	sst s2  }
0x8f: {  	_ = 	snop  }
0x90: {  	s2 =	sld [smem:$0x3FD0];
	(tm) =	ssettm $0x1  }
0x91: {  	s18 =	sld [smem:$0x3FFB];
	_ =	sdelay $0x3  }
0x92: {  	_ =	strace s18  }
0x93: {  	s3 =	sld [smem:$0x3FFC];
	_ =	sdelay $0x3  }
0x94: {  	_ =	strace s3  }
0x95: {  	s3 =	sld [smem:$0x3FFD];
	_ =	sdelay $0x3  }
0x96: {  	_ =	strace s3  }
0x97: {  	_ =	strace $0x8FFFFFFF  }
0x98: {  	s19 =	sld [smem:$0x3FDB];
	_ =	sdelay $0x1  }
0x99: {  	s4 =	simm.s32 $_scs_section_size  }
0x9a: {  	s5 =	simm.s32 $_size__tile_overlayer_lowered;
	s6 =	simm.s32 $_tile_overlayer_lowered  }
0x9b: {  	s22 =	simm.s32 $0x1BFF;
	s21 =	sshll.u32 s6, $0x1;
	s3 =	sadd.s32 s4, s19  }
0x9c: {  	s7 =	simm.s32 $0x0;
	s20 =	sshll.u32 s5, $0x1;
	s5 =	sadd.s32 s21, s3  }
0x9d: {  	[timem:s7], [sflag:s22] =	dma.local [hbm:s5], s20  }
0x9e: {  	_ =	swait.ge [sflag:s22], s20  }
0x9f: {  	s4 =	ssub.s32 $0x0, s20;
	[sflag:s22] =	ssyncset.done $0x0  }
0xa0: {  	[sflag:s22] =	ssyncadd.s32 s4;
	_ =	sdelay $0x1  }
0xa1: {  	s23 =	simm.s32 $0x1B8B  }
0xa2: {  	_ =	swait.ge [sflag:s23], $0x1  }
0xa3: {  	[sflag:s23] =	ssyncset.done $0x0  }
0xa4: {  	s25 =	simm.s32 $0x1B8E;
	s24 =	sld [smem:$0x3FFE];
	[sflag:s23] =	ssyncadd.s32 $0xFFFFFFFF  }
0xa5: {  	s26 =	simm.s32 $execute0_lowered;
	[smem:$0x3FD2] =	sst s25  }
0xa6: {  	s5 =	sshll.u32 s26, $0x1;
	_ =	strace $0x80000046;
	[dreg:$0x1] =	wrdreg $0xFFFFFFFF  }
0xa7: {  	s28 =	simm.s32 $_size_execute0_lowered;
	s3 =	sadd.s32 s3, s5;
	[dreg:$0x0] =	wrdreg $0x0  }
0xa8: {  	s5 =	sshll.u32 s28, $0x1;
	[dreg:$0x2] =	wrdreg s3  }
0xa9: {  	[dreg:$0x3] =	wrdreg s5  }
0xaa: {  	[dreg:$0x4] =	wrdreg $0xC0  }
0xab: {  	_ =	task [dreg:s7], $0x5FFFF  }
0xac: {  	[dreg:$0x1] =	wrdreg $0xFFFFFFFF  }
0xad: {  	[dreg:$0x0] =	wrdreg $0x60  }
0xae: {  	[dreg:$0x2] =	wrdreg s2  }
0xaf: {  	[dreg:$0x3] =	wrdreg s24  }
0xb0: {  	[dreg:$0x4] =	wrdreg $0x4800  }
0xb1: {  	[dreg:$0x5] =	wrdreg $0x9  }
0xb2: {  	_ =	task.clear_ibuf [dreg:s7], $0x6FFFF;
	_ =	strace $0x90000046  }
0xb3: {  	s29 =	simm.s32 $0x9;
	_ =	strace $0x80000048  }
0xb4: {  	_ =	swait.ge [sflag:s29], $0x1  }
0xb5: {  	[sflag:s29] =	ssyncadd.s32 $0xFFFFFFFF  }
0xb6: {  	_ =	strace $0x90000048  }
0xb7: {  	_ =	sfence  }
0xb8: {  	s30 =	sld [smem:$0x0];
	_ =	sdelay $0x2  }
0xb9: {  	s31 =	sshll.u32 s1, $0xD;
	s1 =	sshrl.u32 s1, $0x2  }
0xba: {  	s3 =	sand.u32 $0x4000, s31;
	s1 =	sadd.s32 s1, s30  }
0xbb: {  	s0 =	sor.u32 s3, s0;
	s1 =	sshll.u32 s1, $0x11  }
0xbc: {  	s0 =	sor.u32 s1, s0  }
0xbd: {  	s0 =	sadd.s32 $0x8F2B, s0  }
0xbe: {  	[sflag:s0] =	ssyncadd.remote.s32 $0x1  }
0xbf: {  	_ =	sfence.sel $0xFFFF  }
0xc0: {  	[dreg:$0x0] =	wrdreg $0xFFFFFFFF;
	(pc) =	sbr.abs _section_cstart, $3  }
0xc1: {  	[dreg:$0x1] =	wrdreg $0xFFFFFFFF  }
0xc2: {  	_ =	task.clear_ibuf [dreg:s7], $0x2FFFF;
	_ =	strace $0x9FFFFFFF  }
0xc3: {  	(tm) =	ssettm $0x7FFFFFFF  }
tec
execute0_lowered:
.L_overlay_start_1:
0x0: {  	(tag) =	ssettag $0x1  }
0x1: {  	s1 =	rddreg [dreg:$0x0]  }
0x2: {  	s5 =	rddreg [dreg:$0x1]  }
0x3: {  	s2 =	rddreg [dreg:$0x2]  }
0x4: {  	s3 =	srdreg.scid;
	s0 =	rddreg [dreg:$0x3];
	s4 =	simm.s32 $0x0  }
0x5: {  	s17 =	simm.s32 $0x3;
	s18 =	simm.s32 $0x10;
	s19 =	simm.s32 $0x180  }
0x6: {  	s20 =	simm.s32 $0x1;
	s6 =	sand.u32 $0x1, s3;
	s3 =	stileid.u32  }
0x7: {  	s21 =	simm.s32 $0x80;
	s22 =	simm.s32 $0x2;
	s8 =	smul.u32 $0xA00, s3  }
0x8: {  	s23 =	simm.s32 $0x0;
	[smem:$0x7FF] =	sst s4;
	s10 =	smul.u32 $0x2710, s6  }
0x9: {  	s11 =	sadd.s32 $0xCC00, s5;
	s7 =	sshll.u32 s6, $0x4;
	s13 =	smul.u32 $0x280, s3  }
0xa: {  	_ =	strace $0x80000047;
	s9 =	ssub.s32 $0x2, s6;
	s14 =	smul.u32 $0x27100, s6  }
0xb: {  	s6 =	sadd.s32 $0x2580, s2;
	s15 =	smul.u32 $0x2710, s3;
	s7 =	sor.u32 s3, s7  }
0xc: {  	p0 =	seq.s32 s3, $0xF;
	s28 =	sshrl.u32 s9, $0x1;
	s7 =	smul.u32 $0x2710, s7  }
0xd: {  	s12 =	ssub.s32 s9, s28;
	s29 =	sshrl.u32 s8, $0x2;
	s9 =	sadd.s32 s13, s2  }
0xe: {  	s13 =	sadd.s32 s13, s10;
	s16 =	sshrl.u32 s10, $0x3;
	s14 =	sadd.s32 s15, s14  }
0xf: {  	s5 =	sadd.s32 s29, s2;
	s13 =	sshrl.u32 s13, $0x3;
	s30 =	sadd.s32 $0x80, s14  }
0x10: {  	s12 =	smax.u32 s12, $0x1;
	s14 =	sadd.s32 $0x100, s14;
	s7 =	sshrl.u32 s7, $0x3  }
0x11: {  	s10 =	sadd.s32 s11, s13;
	s11 =	sadd.s32 s11, s16;
	s31 =	sshrl.u32 s30, $0x3  }
0x12: {  	s16 =	simm.s32 $0x100;
	s7 =	sadd.s32 s1, s7;
	s11 =	sadd.s32 $0x4B0, s11  }
0x13: {  	v0 =	vimm.f32 $1.000000000e+00;
	v1 =	vimm.f32 $0.0e+00;
	s15 =	sadd.s32 s31, s1;
	s8 =	sadd.s32 $0x4E0, s7;
	s13 =	sadd.s32 $0x4D0, s7  }
.LBB2_1:
0x14: {  	[tilespmem:$0x180] =	vst v0  }
0x15: {  	[tilespmem:$0x190] =	vst v0  }
0x16: {  	[tilespmem:$0x1A0] =	vst v0  }
0x17: {  	[tilespmem:$0x1B0] =	vst v0  }
0x18: {  	[tilespmem:$0x1C0] =	vst v0  }
0x19: {  	[tilespmem:$0x1D0] =	vst v0  }
0x1a: {  	[tilespmem:$0x1E0] =	vst v0  }
0x1b: {  	[tilespmem:$0x1F0] =	vst v0  }
0x1c: {  	[tilespmem:$0x200] =	vst v1  }
0x1d: {  	[tilespmem:$0x210] =	vst v1  }
0x1e: {  	[tilespmem:$0x220] =	vst v1  }
0x1f: {  	[tilespmem:$0x230] =	vst v1  }
0x20: {  	[tilespmem:$0x240] =	vst v1  }
0x21: {  	[tilespmem:$0x250] =	vst v1  }
0x22: {  	[tilespmem:$0x260] =	vst v1  }
0x23: {  	[tilespmem:$0x270] =	vst v1  }
0x24: {  	[tilespmem:$0x280] =	vst v1  }
0x25: {  	[tilespmem:$0x290] =	vst v1  }
0x26: {  	[tilespmem:$0x2A0] =	vst v1  }
0x27: {  	[tilespmem:$0x2B0] =	vst v1  }
0x28: {  	[tilespmem:$0x2C0] =	vst v1  }
0x29: {  	[tilespmem:$0x2D0] =	vst v1  }
0x2a: {  	[tilespmem:$0x2E0] =	vst v1  }
0x2b: {  	[tilespmem:$0x2F0] =	vst v1  }
0x2c: {  	[tilespmem:$0x300] =	vst v1  }
0x2d: {  	[tilespmem:$0x310] =	vst v1  }
0x2e: {  	[tilespmem:$0x320] =	vst v1  }
0x2f: {  	[tilespmem:$0x330] =	vst v1  }
0x30: {  	[tilespmem:$0x340] =	vst v1  }
0x31: {  	[tilespmem:$0x350] =	vst v1  }
0x32: {  	[tilespmem:$0x360] =	vst v1  }
0x33: {  	[tilespmem:$0x370] =	vst v1  }
0x34: {  	[tilespmem:$0x380] =	vst v1  }
0x35: {  	[tilespmem:$0x390] =	vst v1  }
0x36: {  	[tilespmem:$0x3A0] =	vst v1  }
0x37: {  	[tilespmem:$0x3B0] =	vst v1  }
0x38: {  	[tilespmem:$0x3C0] =	vst v1  }
0x39: {  	[tilespmem:$0x3D0] =	vst v1  }
0x3a: {  	[tilespmem:$0x3E0] =	vst v1  }
0x3b: {  	[tilespmem:$0x3F0] =	vst v1  }
0x3c: {  	[tilespmem:$0x400] =	vst v1  }
0x3d: {  	[tilespmem:$0x410] =	vst v1  }
0x3e: {  	[tilespmem:$0x420] =	vst v1  }
0x3f: {  	[tilespmem:$0x430] =	vst v1  }
0x40: {  	[tilespmem:$0x440] =	vst v1  }
0x41: {  	[tilespmem:$0x450] =	vst v1  }
0x42: {  	[tilespmem:$0x460] =	vst v1  }
0x43: {  	[tilespmem:$0x470] =	vst v1;
	s24 =	simm.s32 @p0 $0x200  }
0x44: {  	[spmem:s6] =	stream.linear.scatter @p0 [tilespmem:s24], [sflag:$0x3], $0x190, $0x38;
	[tilespmem:$0x6F8] =	vst v63  }
0x45: {  	s24 =	simm.s32 @p0 $0x3  }
0x46: {  	_ =	swait.ge @p0 [sflag:s24], $0x190  }
0x47: {  	[sflag:s24] =	ssyncset.done @p0 $0x0  }
0x48: {  	[sflag:s24] =	ssyncadd.s32 @p0 $0xFFFFFE70;
	s24 =	simm.s32 @!p0 $0x200  }
0x49: {  	[spmem:s5] =	stream.linear.scatter @!p0 [tilespmem:s24], [sflag:$0x3], $0x280, $0x38;
	[tilespmem:$0x6F8] =	vst v63  }
0x4a: {  	s24 =	simm.s32 @!p0 $0x3  }
0x4b: {  	_ =	swait.ge @!p0 [sflag:s24], $0x280  }
0x4c: {  	[sflag:s24] =	ssyncset.done @!p0 $0x0  }
0x4d: {  	[sflag:s24] =	ssyncadd.s32 @!p0 $0xFFFFFD80  }
0x4e: {  	[bflag:$0x0] =	sbarrier.arrive $0xFFFF  }
0x4f: {  	[tilespmem:s16], [sflag:$0x3] =	stream.linear.gather [hbm4b:s8+s4], $0x10, $0x38;
	[tilespmem:$0x6F8] =	vst v63  }
0x50: {  	_ =	swait.ge [sflag:s17], $0x10  }
0x51: {  	[sflag:s17] =	ssyncset.done $0x0  }
0x52: {  	[sflag:s17] =	ssyncadd.s32 $0xFFFFFFF0  }
0x53: {  	[spmem:s2] =	stream.indirect.scatter.add.f32 [tilespmem:s19], [sflag:$0x3], $0x1, s16, s18, $0xb8;
	[tilespmem:$0x6F8] =	vst v63  }
0x54: {  	_ =	swait.ge [sflag:s17], $0x10  }
0x55: {  	[sflag:s17] =	ssyncset.done $0x0  }
0x56: {  	[sflag:s17] =	ssyncadd.s32 $0xFFFFFFF0  }
0x57: {  	[tilespmem:s4], [sflag:$0x1] =	stream.linear.gather [hbm4b:s7+s4], $0x80, $0x38;
	[tilespmem:$0x6F8] =	vst v63  }
0x58: {  	_ =	swait.ge [sflag:s20], $0x80  }
0x59: {  	[sflag:s20] =	ssyncset.done $0x0  }
0x5a: {  	s30 =	sadd.s32 $0x0, s15;
	[sflag:s20] =	ssyncadd.s32 $0xFFFFFF80  }
0x5b: {  	[tilespmem:s21], [sflag:$0x2] =	stream.linear.gather [hbm4b:s30+s4], $0x80, $0x38;
	[tilespmem:$0x6F8] =	vst v63  }
0x5c: {  	_ = 	snop  }
0x5d: {  	[spmem:s2] =	stream.indirect.scatter.add.f32 [tilespmem:s19], [sflag:$0x3], $0x1, s4, s21, $0xb8;
	[tilespmem:$0x6F8] =	vst v63  }
0x5e: {  	_ =	swait.ge [sflag:s17], $0x80  }
0x5f: {  	[sflag:s17] =	ssyncset.done $0x0  }
0x60: {  	[sflag:s17] =	ssyncadd.s32 $0xFFFFFF80  }
0x61: {  	_ =	swait.ge [sflag:s22], $0x80  }
0x62: {  	s31 =	sshrl.u32 s14, $0x3;
	[sflag:s22] =	ssyncset.done $0x0  }
0x63: {  	s24 =	sadd.s32 s1, s31;
	[sflag:s22] =	ssyncadd.s32 $0xFFFFFF80  }
0x64: {  	[tilespmem:s4], [sflag:$0x1] =	stream.linear.gather [hbm4b:s24+s4], $0x80, $0x38;
	[tilespmem:$0x6F8] =	vst v63  }
0x65: {  	_ = 	snop  }
0x66: {  	[spmem:s2] =	stream.indirect.scatter.add.f32 [tilespmem:s19], [sflag:$0x3], $0x1, s21, s21, $0xb8;
	[tilespmem:$0x6F8] =	vst v63  }
0x67: {  	_ =	swait.ge [sflag:s17], $0x80  }
0x68: {  	s25 =	smov.u32 s14;
	s24 =	simm.s32 $0x20;
	[sflag:s17] =	ssyncset.done $0x0  }
.LBB2_2:
0x69: {  	p1 =	sne.s32 s24, $0x4A0;
	[sflag:s17] =	ssyncadd.s32 $0xFFFFFF80;
	s25 =	sadd.s32 $0x100, s25  }
0x6a: {  	s26 =	smov.u32 s24;
	s24 =	sadd.s32 $0x20, s24  }
0x6b: {  	_ =	swait.ge [sflag:s20], $0x80  }
0x6c: {  	[sflag:s20] =	ssyncset.done $0x0  }
0x6d: {  	s26 =	sadd.s32 s26, s15;
	[sflag:s20] =	ssyncadd.s32 $0xFFFFFF80  }
0x6e: {  	[tilespmem:s21], [sflag:$0x2] =	stream.linear.gather [hbm4b:s26+s4], $0x80, $0x38;
	[tilespmem:$0x6F8] =	vst v63  }
0x6f: {  	_ = 	snop  }
0x70: {  	[spmem:s2] =	stream.indirect.scatter.add.f32 [tilespmem:s19], [sflag:$0x3], $0x1, s4, s21, $0xb8;
	[tilespmem:$0x6F8] =	vst v63  }
0x71: {  	_ =	swait.ge [sflag:s17], $0x80  }
0x72: {  	[sflag:s17] =	ssyncset.done $0x0  }
0x73: {  	[sflag:s17] =	ssyncadd.s32 $0xFFFFFF80  }
0x74: {  	_ =	swait.ge [sflag:s22], $0x80  }
0x75: {  	s26 =	sshrl.u32 s25, $0x3;
	[sflag:s22] =	ssyncset.done $0x0  }
0x76: {  	s26 =	sadd.s32 s1, s26;
	[sflag:s22] =	ssyncadd.s32 $0xFFFFFF80  }
0x77: {  	[tilespmem:s4], [sflag:$0x1] =	stream.linear.gather [hbm4b:s26+s4], $0x80, $0x38;
	[tilespmem:$0x6F8] =	vst v63  }
.Ltmp0:
0x78: {  	_ = 	snop;
	(pc) =	sbr.rel @p1 .LBB2_2-.Ltmp0, $4  }
0x79: {  	_ = 	snop  }
0x7a: {  	[spmem:s2] =	stream.indirect.scatter.add.f32 [tilespmem:s19], [sflag:$0x3], $0x1, s21, s21, $0xb8;
	[tilespmem:$0x6F8] =	vst v63  }
0x7b: {  	_ =	swait.ge [sflag:s17], $0x80  }
0x7c: {  	[sflag:s17] =	ssyncset.done $0x0  }
0x7d: {  	[sflag:s17] =	ssyncadd.s32 $0xFFFFFF80  }
0x7e: {  	_ =	swait.ge [sflag:s20], $0x80  }
0x7f: {  	[sflag:s20] =	ssyncset.done $0x0  }
0x80: {  	[sflag:s20] =	ssyncadd.s32 $0xFFFFFF80  }
0x81: {  	[tilespmem:s21], [sflag:$0x2] =	stream.linear.gather [hbm4b:s13+s4], $0x80, $0x38;
	[tilespmem:$0x6F8] =	vst v63  }
0x82: {  	_ = 	snop  }
0x83: {  	[spmem:s2] =	stream.indirect.scatter.add.f32 [tilespmem:s19], [sflag:$0x3], $0x1, s4, s21, $0xb8;
	[tilespmem:$0x6F8] =	vst v63  }
0x84: {  	_ =	swait.ge [sflag:s17], $0x80  }
0x85: {  	[sflag:s17] =	ssyncset.done $0x0  }
0x86: {  	[sflag:s17] =	ssyncadd.s32 $0xFFFFFF80  }
0x87: {  	_ =	swait.ge [sflag:s22], $0x80  }
0x88: {  	[sflag:s22] =	ssyncset.done $0x0  }
0x89: {  	[sflag:s22] =	ssyncadd.s32 $0xFFFFFF80  }
0x8a: {  	[spmem:s2] =	stream.indirect.scatter.add.f32 [tilespmem:s19], [sflag:$0x3], $0x1, s21, s21, $0xb8;
	[tilespmem:$0x6F8] =	vst v63  }
0x8b: {  	_ =	swait.ge [sflag:s17], $0x80  }
0x8c: {  	[sflag:s17] =	ssyncset.done $0x0  }
0x8d: {  	[sflag:s17] =	ssyncadd.s32 $0xFFFFFF80  }
0x8e: {  	s24 =	simm.s32 @p0 $0x200;
	s25 =	simm.s32 @p0 $0x3;
	[bflag:$0x0] =	sbarrier.arrive $0xFFFF  }
0x8f: {  	[tilespmem:s24], [sflag:$0x3] =	stream.linear.gather @p0 [spmem:s6], $0x190, $0x38;
	[tilespmem:$0x6F8] =	vst v63  }
0x90: {  	_ =	swait.ge @p0 [sflag:s25], $0x190  }
0x91: {  	[sflag:s25] =	ssyncset.done @p0 $0x0  }
0x92: {  	s26 =	simm.s32 @p0 $0x0;
	[sflag:s25] =	ssyncadd.s32 @p0 $0xFFFFFE70  }
0x93: {  	[hbm4b:s11+s26] =	stream.linear.scatter @p0 [tilespmem:s24], [sflag:$0x3], $0x190, $0x38;
	[tilespmem:$0x6F8] =	vst v63  }
0x94: {  	_ =	swait.ge @p0 [sflag:s25], $0x190  }
0x95: {  	[sflag:s25] =	ssyncset.done @p0 $0x0  }
0x96: {  	s24 =	simm.s32 @!p0 $0x200;
	[sflag:s25] =	ssyncadd.s32 @p0 $0xFFFFFE70;
	s25 =	simm.s32 @!p0 $0x3  }
0x97: {  	[tilespmem:s24], [sflag:$0x3] =	stream.linear.gather @!p0 [spmem:s9], $0x280, $0x38;
	[tilespmem:$0x6F8] =	vst v63  }
0x98: {  	s23 =	sadd.s32 $0x1, s23;
	_ =	swait.ge @!p0 [sflag:s25], $0x280  }
0x99: {  	p1 =	sne.s32 s23, s12;
	[sflag:s25] =	ssyncset.done @!p0 $0x0  }
.Ltmp1:
0x9a: {  	s26 =	simm.s32 @!p0 $0x0;
	[sflag:s25] =	ssyncadd.s32 @!p0 $0xFFFFFD80;
	(pc) =	sbr.rel @p1 .LBB2_1-.Ltmp1, $4  }
0x9b: {  	[hbm4b:s10+s26] =	stream.linear.scatter @!p0 [tilespmem:s24], [sflag:$0x3], $0x280, $0x38;
	[tilespmem:$0x6F8] =	vst v63  }
0x9c: {  	_ =	swait.ge @!p0 [sflag:s25], $0x280  }
0x9d: {  	[sflag:s25] =	ssyncset.done @!p0 $0x0  }
0x9e: {  	[sflag:s25] =	ssyncadd.s32 @!p0 $0xFFFFFD80  }
0x9f: {  	_ =	sfence.sel $0x180000  }
0xa0: {  	[bflag:$0x0] =	sbarrier.arrive $0xFFFF  }
0xa1: {  	p0 =	sne.s32 s3, $0x0;
	_ =	strace $0x90000047  }
0xa2: {  	s0 =	sadd.s32 @!p0 $0x100000, s0;
	[bflag:$0x2] =	sbarrier.arrive $0xFFFF  }
0xa3: {  	[sflag:s0] =	ssyncadd.tile.s32 @!p0 $0x1;
	_ =	shalt  }
.Lfunc_end2:
_tile_overlayer_lowered:
.L_overlay_start_2:
0xa4: {  	(tag) =	ssettag $0x2  }
0xa5: {  	s0 =	rddreg [dreg:$0x0];
	s2 =	stileid.u32  }
0xa6: {  	s1 =	rddreg [dreg:$0x1];
	p0 =	sne.s32 s2, $0x0  }
0xa7: {  	s3 =	rddreg [dreg:$0x2];
	[bflag:$0x3] =	sbarrier.arrive $0xFFFF;
	s2 =	simm.s32 @!p0 $0x1C03  }
0xa8: {  	[timem:s3], [sflag:s2] =	dma.local @!p0 [hbm:s0], s1  }
0xa9: {  	s0 =	simm.s32 @!p0 $0x3  }
0xaa: {  	_ =	swait.ge @!p0 [sflag:s0], s1  }
0xab: {  	s1 =	ssub.s32 @!p0 $0x0, s1;
	[sflag:s0] =	ssyncset.done @!p0 $0x0  }
0xac: {  	[sflag:s0] =	ssyncadd.s32 @!p0 s1  }
0xad: {  	[bflag:$0x3] =	sbarrier.arrive $0xFFFF  }
0xae: {  	_ =	shalt  }

</sc_bundles>
